<compile_context>
chip_gen: v7x
topology: tpu7x:2x2x1
jax: 0.10.2.dev20260603
libtpu: 0.0.44.dev20260713+nightly
codegen_flags: <defaults>
</compile_context>

<pallas_src>
import functools

import jax
import jax.numpy as jnp
from jax import lax
from jax.experimental import pallas as pl
from jax.experimental.pallas import tpu as pltpu
from jax.experimental.pallas import tpu_sc as plsc

_K = 256
_B = 128
_N = 32768
_NC = 2
_NS = 16
_NW = _NC * _NS
_TC_ROWS = 64
_ROWS_PER_W = (_B - _TC_ROWS) // _NW
_TC_BLOCK = 16
_NCHUNK = _N // 16
_CCAP = 16384


def _lane():
    return lax.iota(jnp.int32, 16)


def _mono_i32(bits):
    return jnp.where(bits >= 0, bits, bits ^ jnp.int32(0x7FFFFFFF))


def _clear_hist(hist_v, nchunks):
    @plsc.parallel_loop(0, nchunks, 1, unroll=8)
    def _(c):
        hist_v[pl.ds(c * 16, 16)] = jnp.zeros((16,), jnp.int32)


def _lane_at(v, idx):
    return jnp.sum(jnp.where(_lane() == idx, v, 0))


def _suffix(v):
    return lax.rev(plsc.cumsum(lax.rev(v, (0,))), (0,))


def _pick(hist_v, gt, dv_of, target):
    ssg = _suffix(gt)
    g_s = jnp.max(plsc.all_reduce_population_count(ssg >= target)) - 1
    above_g = _lane_at(ssg, g_s + 1)
    dv = dv_of(g_s)
    ssd = _suffix(dv)
    sin = above_g + ssd
    t_s = jnp.max(plsc.all_reduce_population_count(sin >= target)) - 1
    b = g_s * 16 + t_s
    above = above_g + _lane_at(ssd, t_s + 1)
    return b, above


def _scan_hist_lanes(hist_v, target):
    lane = _lane()

    @plsc.parallel_loop(0, 16, 1)
    def _(g):
        def w_body(w, acc):
            return acc + hist_v[pl.ds(g * 256 + w * 16, 16)]

        acc = lax.fori_loop(0, 16, w_body, jnp.zeros((16,), jnp.int32),
                            unroll=4)
        tg = jnp.sum(acc)
        plsc.store_scatter(
            hist_v, [jnp.full((16,), 4096, jnp.int32) + g],
            jnp.full((16,), 1, jnp.int32) * tg, mask=lane == 0
        )

    gt = hist_v[pl.ds(4096, 16)]

    def dv_of(g_s):
        def d_body(t, _):
            tot = jnp.sum(hist_v[pl.ds((g_s * 16 + t) * 16, 16)])
            plsc.store_scatter(
                hist_v, [jnp.full((16,), 4096, jnp.int32) + t],
                jnp.full((16,), 1, jnp.int32) * tot, mask=lane == 0
            )
            return 0

        lax.fori_loop(0, 16, d_body, 0)
        return hist_v[pl.ds(4096, 16)]

    return _pick(hist_v, gt, dv_of, target)


def _scan_hist_t(hist_v, target):
    lane = _lane()

    def a_body(a, acc):
        return acc + hist_v[pl.ds(a * 16, 16)]

    gt = lax.fori_loop(0, 16, a_body, jnp.zeros((16,), jnp.int32), unroll=4)

    def dv_of(g_s):
        return plsc.load_gather(hist_v, [lane * 16 + g_s])

    return _pick(hist_v, gt, dv_of, target)


def _sc_body(scores_hbm, out_hbm, xv_a, mv, hist_v, cval, xv_b,
             sem_in, sem_out):
    wid = lax.axis_index("s") * _NC + lax.axis_index("c")
    lane = _lane()
    ones16 = jnp.ones((16,), jnp.int32)
    one16f = jnp.ones((16,), jnp.float32)
    zero16f = jnp.zeros((16,), jnp.float32)

    row0 = wid * _ROWS_PER_W
    bufs = (xv_a, xv_b)
    first = pltpu.make_async_copy(scores_hbm.at[row0], xv_a, sem_in)
    first.start()
    pending_in = first
    out_copies = []

    for j in range(_ROWS_PER_W):
        xv = bufs[j % 2]
        xn = bufs[(j + 1) % 2]
        row = row0 + j

        pending_in.wait()
        if j + 1 < _ROWS_PER_W:
            pending_in = pltpu.make_async_copy(
                scores_hbm.at[row + 1], xn, sem_in
            )
            pending_in.start()

        _clear_hist(hist_v, 256)

        @plsc.parallel_loop(0, _NCHUNK, 1, unroll=8)
        def _(i, xv=xv):
            skey = _mono_i32(xv[pl.ds(i * 16, 16)])
            digit = (skey >> 24) + 128
            plsc.addupdate_scatter(hist_v, [digit * 16 + lane], ones16)

        b0, above0 = _scan_hist_lanes(hist_v, jnp.int32(_K))
        kk = _K - above0
        thr0 = (b0 - 128) << 24
        thr1 = jnp.where(
            b0 >= 255, jnp.int32(0x7FFFFFFF), thr0 + ((1 << 24) - 1)
        )

        def comp_body(i, off, xv=xv, thr0=thr0, thr1=thr1):
            skey = _mono_i32(xv[pl.ds(i * 16, 16)])
            keep = jnp.logical_and(skey >= thr0, skey <= thr1)
            pos = off + plsc.cumsum(keep.astype(jnp.int32)) - 1
            keep = jnp.logical_and(keep, pos < _CCAP)
            plsc.store_scatter(cval, [pos], skey, mask=keep)
            return off + plsc.all_reduce_population_count(keep)

        moff = plsc.parallel_loop(
            0, _NCHUNK, 1, unroll=8, carry=jnp.zeros((16,), jnp.int32)
        )(comp_body)
        m = jnp.max(moff)
        nci = (m + 15) >> 4

        prefix = b0 - 128
        for lvl in (1, 2, 3):
            shift = 24 - 8 * lvl
            _clear_hist(hist_v, 16)

            def rf_body(i, _, shift=shift, prefix=prefix, m=m):
                skey = cval[pl.ds(i * 16, 16)]
                valid = (i * 16 + lane) < m
                keep = jnp.logical_and((skey >> (shift + 8)) == prefix, valid)
                digit = (skey >> shift) & 255
                tidx = ((digit & 15) << 4) | (digit >> 4)
                plsc.addupdate_scatter(hist_v, [tidx], ones16, mask=keep)
                return 0

            lax.fori_loop(0, nci, rf_body, 0)
            bl, abovel = _scan_hist_t(hist_v, kk)
            kk = kk - abovel
            prefix = (prefix << 8) | bl

        thr = prefix

        if out_copies:
            out_copies[-1].wait()

        @plsc.parallel_loop(0, _NCHUNK, 1, unroll=8)
        def _(i, xv=xv, thr=thr):
            skey = _mono_i32(xv[pl.ds(i * 16, 16)])
            mv[pl.ds(i * 16, 16)] = jnp.where(skey >= thr, one16f, zero16f)

        oc = pltpu.make_async_copy(mv, out_hbm.at[row], sem_out)
        oc.start()
        out_copies.append(oc)

    out_copies[-1].wait()


def _tc_mask_kernel(x_ref, o_ref):
    x = x_ref[...]
    bits = jax.lax.bitcast_convert_type(x, jnp.uint32)
    ukey = jnp.where(
        bits >= jnp.uint32(0x80000000), ~bits, bits | jnp.uint32(0x80000000)
    )
    rows = x.shape[0]
    p = jnp.zeros((rows, 1), jnp.uint32)
    for bit in range(31, -1, -1):
        t = p | jnp.uint32(1 << bit)
        cnt = jnp.sum((ukey >= t).astype(jnp.int32), axis=1, keepdims=True)
        p = jnp.where(cnt >= _K, t, p)
    o_ref[...] = (ukey >= p).astype(jnp.float32)


@functools.partial(jax.jit, donate_argnums=())
def kernel(scores):
    b, n = scores.shape
    sc_rows = b - _TC_ROWS
    sc_in = lax.bitcast_convert_type(scores[_TC_ROWS:], jnp.int32)
    mesh = plsc.VectorSubcoreMesh(core_axis_name="c", subcore_axis_name="s")
    run = pl.kernel(
        _sc_body,
        out_type=jax.ShapeDtypeStruct((sc_rows, n), jnp.float32),
        mesh=mesh,
        scratch_types=[
            pltpu.VMEM((_N,), jnp.int32),
            pltpu.VMEM((_N,), jnp.float32),
            pltpu.VMEM((4112,), jnp.int32),
            pltpu.VMEM((_CCAP,), jnp.int32),
            pltpu.VMEM((_N,), jnp.int32),
            pltpu.SemaphoreType.DMA,
            pltpu.SemaphoreType.DMA,
        ],
        compiler_params=pltpu.CompilerParams(needs_layout_passes=False),
    )
    sc_out = run(sc_in)

    tc_out = pl.pallas_call(
        _tc_mask_kernel,
        grid=(_TC_ROWS // _TC_BLOCK,),
        in_specs=[pl.BlockSpec((_TC_BLOCK, n), lambda i: (i, 0))],
        out_specs=pl.BlockSpec((_TC_BLOCK, n), lambda i: (i, 0)),
        out_shape=jax.ShapeDtypeStruct((_TC_ROWS, n), jnp.float32),
    )(scores)

    return jnp.concatenate([tc_out, sc_out], axis=0)

# --- scband reference (transcript-rebuilt; emitter-appended) ---
"""Pipeline reference for scband-straight-through-top-k-28003186770295 (READ-ONLY COPY).

The authoritative reference and input builder live on the scoring server;
editing this copy changes nothing except your own understanding.
"""

import jax, jax.numpy as jnp
import numpy as np

K = 256

def setup_inputs(seed: int = 0) -> dict:
    key = jax.random.key(seed)
    scores = jax.random.normal(key, (128, 32768), dtype=jnp.float32)
    return {"scores": scores}

def reference(scores) -> jnp.ndarray:
    B, N = scores.shape
    if K <= 0 or K >= N:
        return jnp.ones_like(scores)
    _, indices = jax.lax.top_k(scores, K)
    rows = jnp.arange(B)[:, None]
    hard = jnp.zeros_like(scores).at[rows, indices].set(1.0)
    soft = scores
    return hard - jax.lax.stop_gradient(soft) + soft

if __name__ == "__main__":
    import jax
    _d = setup_inputs()
    print(jax.jit(kernel)(*tuple(_d.values())))

</pallas_src>

<mosaic_0001>
#map = affine_map<(d0, d1) -> (0, 0)>
module attributes {stable_mosaic.version = 14 : i64} {
  func.func @_sc_body(%arg0: i32, %arg1: i32, %arg2: memref<64x32768xi32, #tpu.memory_space<hbm>>, %arg3: memref<64x32768xf32, #tpu.memory_space<hbm>>, %arg4: memref<32768xi32, #tpu.memory_space<vmem>>, %arg5: memref<32768xf32, #tpu.memory_space<vmem>>, %arg6: memref<4112xi32, #tpu.memory_space<vmem>>, %arg7: memref<16384xi32, #tpu.memory_space<vmem>>, %arg8: memref<32768xi32, #tpu.memory_space<vmem>>, %arg9: memref<!tpu.dma_semaphore, #tpu.memory_space<semaphore_mem>>, %arg10: memref<!tpu.dma_semaphore, #tpu.memory_space<semaphore_mem>>) attributes {dimension_semantics = [#tpu.dimension_semantics<core_parallel>, #tpu.dimension_semantics<subcore_parallel>], iteration_bounds = array<i64: 2, 16>, scalar_prefetch = 0 : i64, scratch_operands = 7 : i64, tpu.core_type = #tpu.core_type<sc_vector_subcore>, window_params = [{transform_indices = #map}, {transform_indices = #map}]} {
    %mul3A = arith.constant 2 : i32
    %mul3A_0 = arith.muli %arg1, %mul3A : i32
    %add3A = arith.addi %mul3A_0, %arg0 : i32
    %iota3A = tpu.iota {dimensions = array<i32: 0>} : vector<16xi32>
    %broadcast_in_dim3A = arith.constant 1 : i32
    %broadcast_in_dim3A_1 = vector.broadcast %broadcast_in_dim3A : i32 to vector<16xi32>
    %broadcast_in_dim3A_2 = arith.constant 1.000000e+00 : f32
    %broadcast_in_dim3A_3 = vector.broadcast %broadcast_in_dim3A_2 : f32 to vector<16xf32>
    %broadcast_in_dim3A_4 = arith.constant 0.000000e+00 : f32
    %broadcast_in_dim3A_5 = vector.broadcast %broadcast_in_dim3A_4 : f32 to vector<16xf32>
    %mul3A_6 = arith.constant 2 : i32
    %mul3A_7 = arith.muli %add3A, %mul3A_6 : i32
    %dma_start3A = arith.constant 0 : i32
    %dma_start3A_8 = tpu.memref_slice %arg2[%mul3A_7, %dma_start3A] : memref<64x32768xi32, #tpu.memory_space<hbm>> -> memref<1x32768xi32, #tpu.memory_space<hbm>>
    %dma_start3A_9 = tpu.memref_squeeze %dma_start3A_8 : memref<1x32768xi32, #tpu.memory_space<hbm>> -> memref<32768xi32, #tpu.memory_space<hbm>>
    %dma_start3A_10 = arith.constant 0 : i32
    %dma_start3A_11 = tpu.memref_slice %arg2[%mul3A_7, %dma_start3A_10] : memref<64x32768xi32, #tpu.memory_space<hbm>> -> memref<1x32768xi32, #tpu.memory_space<hbm>>
    %dma_start3A_12 = tpu.memref_squeeze %dma_start3A_11 : memref<1x32768xi32, #tpu.memory_space<hbm>> -> memref<32768xi32, #tpu.memory_space<hbm>>
    tpu.enqueue_dma source(%dma_start3A_12 : memref<32768xi32, #tpu.memory_space<hbm>>) target(%arg4 : memref<32768xi32, #tpu.memory_space<vmem>>) target_semaphore(%arg9 : memref<!tpu.dma_semaphore, #tpu.memory_space<semaphore_mem>>)
    %add3A_13 = arith.constant 0 : i32
    %add3A_14 = arith.addi %mul3A_7, %add3A_13 : i32
    %dma_wait3A = arith.constant 0 : i32
    %dma_wait3A_15 = tpu.memref_slice %arg2[%mul3A_7, %dma_wait3A] : memref<64x32768xi32, #tpu.memory_space<hbm>> -> memref<1x32768xi32, #tpu.memory_space<hbm>>
    %dma_wait3A_16 = tpu.memref_squeeze %dma_wait3A_15 : memref<1x32768xi32, #tpu.memory_space<hbm>> -> memref<32768xi32, #tpu.memory_space<hbm>>
    %dma_wait3A_17 = arith.constant 0 : i32
    %dma_wait3A_18 = tpu.memref_slice %arg2[%mul3A_7, %dma_wait3A_17] : memref<64x32768xi32, #tpu.memory_space<hbm>> -> memref<1x32768xi32, #tpu.memory_space<hbm>>
    %dma_wait3A_19 = tpu.memref_squeeze %dma_wait3A_18 : memref<1x32768xi32, #tpu.memory_space<hbm>> -> memref<32768xi32, #tpu.memory_space<hbm>>
    tpu.wait_dma2 semaphore(%arg9 : memref<!tpu.dma_semaphore, #tpu.memory_space<semaphore_mem>>) src(%dma_wait3A_19 : memref<32768xi32, #tpu.memory_space<hbm>>) dst(%arg4 : memref<32768xi32, #tpu.memory_space<vmem>>)
    %add3A_20 = arith.constant 1 : i32
    %add3A_21 = arith.addi %add3A_14, %add3A_20 : i32
    %dma_start3A_22 = arith.constant 0 : i32
    %dma_start3A_23 = tpu.memref_slice %arg2[%add3A_21, %dma_start3A_22] : memref<64x32768xi32, #tpu.memory_space<hbm>> -> memref<1x32768xi32, #tpu.memory_space<hbm>>
    %dma_start3A_24 = tpu.memref_squeeze %dma_start3A_23 : memref<1x32768xi32, #tpu.memory_space<hbm>> -> memref<32768xi32, #tpu.memory_space<hbm>>
    %dma_start3A_25 = arith.constant 0 : i32
    %dma_start3A_26 = tpu.memref_slice %arg2[%add3A_21, %dma_start3A_25] : memref<64x32768xi32, #tpu.memory_space<hbm>> -> memref<1x32768xi32, #tpu.memory_space<hbm>>
    %dma_start3A_27 = tpu.memref_squeeze %dma_start3A_26 : memref<1x32768xi32, #tpu.memory_space<hbm>> -> memref<32768xi32, #tpu.memory_space<hbm>>
    tpu.enqueue_dma source(%dma_start3A_27 : memref<32768xi32, #tpu.memory_space<hbm>>) target(%arg8 : memref<32768xi32, #tpu.memory_space<vmem>>) target_semaphore(%arg9 : memref<!tpu.dma_semaphore, #tpu.memory_space<semaphore_mem>>)
    %parallel_loop3A = arith.constant 0 : i32
    %parallel_loop3A_28 = arith.constant 256 : i32
    %parallel_loop3A_29 = arith.constant 1 : i32
    scf.for %parallel_loop3A_1018 = %parallel_loop3A to %parallel_loop3A_28 step %parallel_loop3A_29  : i32 {
      %parallel_loop3A_1019 = arith.constant 0 : i32
      %parallel_loop3A_1020 = vector.broadcast %parallel_loop3A_1019 : i32 to vector<16xi32>
      %parallel_loop3A_1021 = arith.constant 16 : i32
      %parallel_loop3A_1022 = arith.muli %parallel_loop3A_1018, %parallel_loop3A_1021 : i32
      %parallel_loop3A_1023 = arith.index_cast %parallel_loop3A_1022 : i32 to index
      %parallel_loop3A_1024 = tpu.vector_load %arg6[%parallel_loop3A_1023] {strides = array<i32>} : memref<4112xi32, #tpu.memory_space<vmem>>, vector<16xi32>,
      tpu.vector_store %arg6[%parallel_loop3A_1023], %parallel_loop3A_1020 {strides = array<i32>} : memref<4112xi32, #tpu.memory_space<vmem>>, vector<16xi32>,
    } {sc.loop_unroll_factor = 8 : i64, sc.parallel_access}
    %parallel_loop3A_30 = arith.constant 0 : i32
    %parallel_loop3A_31 = arith.constant 2048 : i32
    %parallel_loop3A_32 = arith.constant 1 : i32
    scf.for %parallel_loop3A_1018 = %parallel_loop3A_30 to %parallel_loop3A_31 step %parallel_loop3A_32  : i32 {
      %parallel_loop3A_1019 = arith.constant 16 : i32
      %parallel_loop3A_1020 = arith.muli %parallel_loop3A_1018, %parallel_loop3A_1019 : i32
      %parallel_loop3A_1021 = arith.index_cast %parallel_loop3A_1020 : i32 to index
      %parallel_loop3A_1022 = tpu.vector_load %arg4[%parallel_loop3A_1021] {strides = array<i32>} : memref<32768xi32, #tpu.memory_space<vmem>>, vector<16xi32>,
      %parallel_loop3A_1023 = arith.constant 0 : i32
      %parallel_loop3A_1024 = vector.broadcast %parallel_loop3A_1023 : i32 to vector<16xi32>
      %parallel_loop3A_1025 = arith.cmpi sge, %parallel_loop3A_1022, %parallel_loop3A_1024 : vector<16xi32>
      %parallel_loop3A_1026 = arith.constant 2147483647 : i32
      %parallel_loop3A_1027 = vector.broadcast %parallel_loop3A_1026 : i32 to vector<16xi32>
      %parallel_loop3A_1028 = arith.xori %parallel_loop3A_1022, %parallel_loop3A_1027 : vector<16xi32>
      %parallel_loop3A_1029 = arith.select %parallel_loop3A_1025, %parallel_loop3A_1022, %parallel_loop3A_1028 : vector<16xi1>, vector<16xi32>
      %parallel_loop3A_1030 = arith.constant 24 : i32
      %parallel_loop3A_1031 = vector.broadcast %parallel_loop3A_1030 : i32 to vector<16xi32>
      %parallel_loop3A_1032 = arith.shrsi %parallel_loop3A_1029, %parallel_loop3A_1031 : vector<16xi32>
      %parallel_loop3A_1033 = arith.constant 128 : i32
      %parallel_loop3A_1034 = vector.broadcast %parallel_loop3A_1033 : i32 to vector<16xi32>
      %parallel_loop3A_1035 = arith.addi %parallel_loop3A_1032, %parallel_loop3A_1034 : vector<16xi32>
      %parallel_loop3A_1036 = arith.constant 16 : i32
      %parallel_loop3A_1037 = vector.broadcast %parallel_loop3A_1036 : i32 to vector<16xi32>
      %parallel_loop3A_1038 = arith.muli %parallel_loop3A_1035, %parallel_loop3A_1037 : vector<16xi32>
      %parallel_loop3A_1039 = arith.addi %parallel_loop3A_1038, %iota3A : vector<16xi32>
      tpu.vector_store_idx %arg6[%parallel_loop3A_1039], %broadcast_in_dim3A_1 {add = true} : memref<4112xi32, #tpu.memory_space<vmem>>[vector<16xi32>], vector<16xi32>,
    } {sc.loop_unroll_factor = 8 : i64, sc.parallel_access}
    %iota3A_33 = tpu.iota {dimensions = array<i32: 0>} : vector<16xi32>
    %parallel_loop3A_34 = arith.constant 0 : i32
    %parallel_loop3A_35 = arith.constant 16 : i32
    %parallel_loop3A_36 = arith.constant 1 : i32
    scf.for %parallel_loop3A_1018 = %parallel_loop3A_34 to %parallel_loop3A_35 step %parallel_loop3A_36  : i32 {
      %parallel_loop3A_1019 = arith.constant 0 : i32
      %parallel_loop3A_1020 = vector.broadcast %parallel_loop3A_1019 : i32 to vector<16xi32>
      %parallel_loop3A_1021 = arith.constant 0 : i32
      %parallel_loop3A_1022 = arith.constant 16 : i32
      %parallel_loop3A_1023 = arith.addi %parallel_loop3A_1021, %parallel_loop3A_1022 : i32
      %parallel_loop3A_1024 = arith.constant 4 : i32
      %parallel_loop3A_1025 = scf.for %scan3A_1042 = %parallel_loop3A_1021 to %parallel_loop3A_1023 step %parallel_loop3A_1024 iter_args(%scan3A_1043 = %parallel_loop3A_1020) -> (vector<16xi32>)  : i32 {
        %parallel_loop3A_1044 = arith.constant 256 : i32
        %parallel_loop3A_1045 = arith.muli %parallel_loop3A_1018, %parallel_loop3A_1044 : i32
        %parallel_loop3A_1046 = arith.constant 16 : i32
        %parallel_loop3A_1047 = arith.muli %scan3A_1042, %parallel_loop3A_1046 : i32
        %parallel_loop3A_1048 = arith.addi %parallel_loop3A_1045, %parallel_loop3A_1047 : i32
        %parallel_loop3A_1049 = arith.index_cast %parallel_loop3A_1048 : i32 to index
        %parallel_loop3A_1050 = tpu.vector_load %arg6[%parallel_loop3A_1049] {strides = array<i32>} : memref<4112xi32, #tpu.memory_space<vmem>>, vector<16xi32>,
        %parallel_loop3A_1051 = arith.addi %scan3A_1043, %parallel_loop3A_1050 : vector<16xi32>
        %parallel_loop3A_1052 = arith.constant 1 : i32
        %parallel_loop3A_1053 = arith.addi %scan3A_1042, %parallel_loop3A_1052 : i32
        %parallel_loop3A_1054 = arith.constant 256 : i32
        %parallel_loop3A_1055 = arith.muli %parallel_loop3A_1018, %parallel_loop3A_1054 : i32
        %parallel_loop3A_1056 = arith.constant 16 : i32
        %parallel_loop3A_1057 = arith.muli %parallel_loop3A_1053, %parallel_loop3A_1056 : i32
        %parallel_loop3A_1058 = arith.addi %parallel_loop3A_1055, %parallel_loop3A_1057 : i32
        %parallel_loop3A_1059 = arith.index_cast %parallel_loop3A_1058 : i32 to index
        %parallel_loop3A_1060 = tpu.vector_load %arg6[%parallel_loop3A_1059] {strides = array<i32>} : memref<4112xi32, #tpu.memory_space<vmem>>, vector<16xi32>,
        %parallel_loop3A_1061 = arith.addi %parallel_loop3A_1051, %parallel_loop3A_1060 : vector<16xi32>
        %parallel_loop3A_1062 = arith.constant 2 : i32
        %parallel_loop3A_1063 = arith.addi %scan3A_1042, %parallel_loop3A_1062 : i32
        %parallel_loop3A_1064 = arith.constant 256 : i32
        %parallel_loop3A_1065 = arith.muli %parallel_loop3A_1018, %parallel_loop3A_1064 : i32
        %parallel_loop3A_1066 = arith.constant 16 : i32
        %parallel_loop3A_1067 = arith.muli %parallel_loop3A_1063, %parallel_loop3A_1066 : i32
        %parallel_loop3A_1068 = arith.addi %parallel_loop3A_1065, %parallel_loop3A_1067 : i32
        %parallel_loop3A_1069 = arith.index_cast %parallel_loop3A_1068 : i32 to index
        %parallel_loop3A_1070 = tpu.vector_load %arg6[%parallel_loop3A_1069] {strides = array<i32>} : memref<4112xi32, #tpu.memory_space<vmem>>, vector<16xi32>,
        %parallel_loop3A_1071 = arith.addi %parallel_loop3A_1061, %parallel_loop3A_1070 : vector<16xi32>
        %parallel_loop3A_1072 = arith.constant 3 : i32
        %parallel_loop3A_1073 = arith.addi %scan3A_1042, %parallel_loop3A_1072 : i32
        %parallel_loop3A_1074 = arith.constant 256 : i32
        %parallel_loop3A_1075 = arith.muli %parallel_loop3A_1018, %parallel_loop3A_1074 : i32
        %parallel_loop3A_1076 = arith.constant 16 : i32
        %parallel_loop3A_1077 = arith.muli %parallel_loop3A_1073, %parallel_loop3A_1076 : i32
        %parallel_loop3A_1078 = arith.addi %parallel_loop3A_1075, %parallel_loop3A_1077 : i32
        %parallel_loop3A_1079 = arith.index_cast %parallel_loop3A_1078 : i32 to index
        %parallel_loop3A_1080 = tpu.vector_load %arg6[%parallel_loop3A_1079] {strides = array<i32>} : memref<4112xi32, #tpu.memory_space<vmem>>, vector<16xi32>,
        %parallel_loop3A_1081 = arith.addi %parallel_loop3A_1071, %parallel_loop3A_1080 : vector<16xi32>
        scf.yield %parallel_loop3A_1081 : vector<16xi32>
      }
      %parallel_loop3A_1026 = arith.constant 16 : i32
      %parallel_loop3A_1027 = arith.constant true
      %parallel_loop3A_1028 = vector.broadcast %parallel_loop3A_1027 : i1 to vector<16xi1>
      %parallel_loop3A_1029 = tpu.scan <sum>, %parallel_loop3A_1025 masked %parallel_loop3A_1028 : vector<16xi32>, vector<16xi1> -> vector<16xi32>
      %parallel_loop3A_1030 = vector.extract %parallel_loop3A_1029[15] : i32 from vector<16xi32>
      %parallel_loop3A_1031 = arith.constant 4096 : i32
      %parallel_loop3A_1032 = vector.broadcast %parallel_loop3A_1031 : i32 to vector<16xi32>
      %parallel_loop3A_1033 = vector.broadcast %parallel_loop3A_1018 : i32 to vector<16xi32>
      %parallel_loop3A_1034 = arith.addi %parallel_loop3A_1032, %parallel_loop3A_1033 : vector<16xi32>
      %parallel_loop3A_1035 = arith.constant 1 : i32
      %parallel_loop3A_1036 = vector.broadcast %parallel_loop3A_1035 : i32 to vector<16xi32>
      %parallel_loop3A_1037 = vector.broadcast %parallel_loop3A_1030 : i32 to vector<16xi32>
      %parallel_loop3A_1038 = arith.muli %parallel_loop3A_1036, %parallel_loop3A_1037 : vector<16xi32>
      %parallel_loop3A_1039 = arith.constant 0 : i32
      %parallel_loop3A_1040 = vector.broadcast %parallel_loop3A_1039 : i32 to vector<16xi32>
      %parallel_loop3A_1041 = arith.cmpi eq, %iota3A_33, %parallel_loop3A_1040 : vector<16xi32>
      tpu.vector_store_idx %arg6[%parallel_loop3A_1034], %parallel_loop3A_1038 masked %parallel_loop3A_1041 : memref<4112xi32, #tpu.memory_space<vmem>>[vector<16xi32>], vector<16xi32>, vector<16xi1>
    } {sc.loop_unroll_factor = 1 : i64, sc.parallel_access}
    %get3A = arith.constant 4096 : index
    %get3A_37 = tpu.vector_load %arg6[%get3A] {strides = array<i32>} : memref<4112xi32, #tpu.memory_space<vmem>>, vector<16xi32>,
    %rev3A = arith.constant 15 : i32
    %rev3A_38 = vector.broadcast %rev3A : i32 to vector<16xi32>
    %rev3A_39 = tpu.iota {dimensions = array<i32: 0>} : vector<16xi32>
    %rev3A_40 = arith.subi %rev3A_38, %rev3A_39 : vector<16xi32>
    %rev3A_41 = tpu.dynamic_gather %get3A_37[%rev3A_40] in [0] : vector<16xi32>, vector<16xi32> -> vector<16xi32>
    %broadcast_in_dim3A_42 = arith.constant true
    %broadcast_in_dim3A_43 = vector.broadcast %broadcast_in_dim3A_42 : i1 to vector<16xi1>
    %masked_cumsum3A = tpu.scan <sum>, %rev3A_41 masked %broadcast_in_dim3A_43 : vector<16xi32>, vector<16xi1> -> vector<16xi32>
    %rev3A_44 = arith.constant 15 : i32
    %rev3A_45 = vector.broadcast %rev3A_44 : i32 to vector<16xi32>
    %rev3A_46 = tpu.iota {dimensions = array<i32: 0>} : vector<16xi32>
    %rev3A_47 = arith.subi %rev3A_45, %rev3A_46 : vector<16xi32>
    %rev3A_48 = tpu.dynamic_gather %masked_cumsum3A[%rev3A_47] in [0] : vector<16xi32>, vector<16xi32> -> vector<16xi32>
    %ge3A = arith.constant 256 : i32
    %ge3A_49 = vector.broadcast %ge3A : i32 to vector<16xi32>
    %ge3A_50 = arith.cmpi sge, %rev3A_48, %ge3A_49 : vector<16xi32>
    %all_reduce_population_count3A = tpu.all_reduce %ge3A_50 {dim = 0 : i64, kind = #tpu.reduction_kind<sum>} : vector<16xi1> -> vector<16xi32>
    %reduce_max3A = arith.constant true
    %reduce_max3A_51 = vector.broadcast %reduce_max3A : i1 to vector<16xi1>
    %reduce_max3A_52 = arith.constant -2147483648 : i32
    %reduce_max3A_53 = vector.broadcast %reduce_max3A_52 : i32 to vector<16xi32>
    %reduce_max3A_54 = arith.xori %all_reduce_population_count3A, %reduce_max3A_53 : vector<16xi32>
    %reduce_max3A_55 = tpu.scan <max>, %reduce_max3A_54 masked %reduce_max3A_51 : vector<16xi32>, vector<16xi1> -> vector<16xi32>
    %reduce_max3A_56 = arith.xori %reduce_max3A_55, %reduce_max3A_53 : vector<16xi32>
    %reduce_max3A_57 = vector.extract %reduce_max3A_56[15] : i32 from vector<16xi32>
    %sub3A = arith.constant 1 : i32
    %sub3A_58 = arith.subi %reduce_max3A_57, %sub3A : i32
    %add3A_59 = arith.constant 1 : i32
    %add3A_60 = arith.addi %sub3A_58, %add3A_59 : i32
    %iota3A_61 = tpu.iota {dimensions = array<i32: 0>} : vector<16xi32>
    %eq3A = vector.broadcast %add3A_60 : i32 to vector<16xi32>
    %eq3A_62 = arith.cmpi eq, %iota3A_61, %eq3A : vector<16xi32>
    %jit3A = arith.constant 0 : i32
    %broadcast_in_dim3A_63 = vector.broadcast %jit3A : i32 to vector<16xi32>
    %select_n3A = arith.select %eq3A_62, %rev3A_48, %broadcast_in_dim3A_63 : vector<16xi1>, vector<16xi32>
    %reduce_sum3A = arith.constant true
    %reduce_sum3A_64 = vector.broadcast %reduce_sum3A : i1 to vector<16xi1>
    %reduce_sum3A_65 = tpu.scan <sum>, %select_n3A masked %reduce_sum3A_64 : vector<16xi32>, vector<16xi1> -> vector<16xi32>
    %reduce_sum3A_66 = vector.extract %reduce_sum3A_65[15] : i32 from vector<16xi32>
    %scan3A = arith.constant 0 : i32
    %scan3A_67 = arith.constant 0 : i32
    %scan3A_68 = arith.constant 16 : i32
    %scan3A_69 = arith.addi %scan3A_67, %scan3A_68 : i32
    %scan3A_70 = arith.constant 1 : i32
    %scan3A_71 = scf.for %scan3A_1018 = %scan3A_67 to %scan3A_69 step %scan3A_70 iter_args(%scan3A_1019 = %scan3A) -> (i32)  : i32 {
      %mul3A_1020 = arith.constant 16 : i32
      %mul3A_1021 = arith.muli %sub3A_58, %mul3A_1020 : i32
      %add3A_1022 = arith.addi %mul3A_1021, %scan3A_1018 : i32
      %mul3A_1023 = arith.constant 16 : i32
      %mul3A_1024 = arith.muli %add3A_1022, %mul3A_1023 : i32
      %get3A_1025 = arith.index_cast %mul3A_1024 : i32 to index
      %get3A_1026 = tpu.vector_load %arg6[%get3A_1025] {strides = array<i32>} : memref<4112xi32, #tpu.memory_space<vmem>>, vector<16xi32>,
      %reduce_sum3A_1027 = arith.constant true
      %reduce_sum3A_1028 = vector.broadcast %reduce_sum3A_1027 : i1 to vector<16xi1>
      %reduce_sum3A_1029 = tpu.scan <sum>, %get3A_1026 masked %reduce_sum3A_1028 : vector<16xi32>, vector<16xi1> -> vector<16xi32>
      %reduce_sum3A_1030 = vector.extract %reduce_sum3A_1029[15] : i32 from vector<16xi32>
      %broadcast_in_dim3A_1031 = arith.constant 4096 : i32
      %broadcast_in_dim3A_1032 = vector.broadcast %broadcast_in_dim3A_1031 : i32 to vector<16xi32>
      %add3A_1033 = vector.broadcast %scan3A_1018 : i32 to vector<16xi32>
      %add3A_1034 = arith.addi %broadcast_in_dim3A_1032, %add3A_1033 : vector<16xi32>
      %broadcast_in_dim3A_1035 = arith.constant 1 : i32
      %broadcast_in_dim3A_1036 = vector.broadcast %broadcast_in_dim3A_1035 : i32 to vector<16xi32>
      %mul3A_1037 = vector.broadcast %reduce_sum3A_1030 : i32 to vector<16xi32>
      %mul3A_1038 = arith.muli %broadcast_in_dim3A_1036, %mul3A_1037 : vector<16xi32>
      %eq3A_1039 = arith.constant 0 : i32
      %eq3A_1040 = vector.broadcast %eq3A_1039 : i32 to vector<16xi32>
      %eq3A_1041 = arith.cmpi eq, %iota3A_33, %eq3A_1040 : vector<16xi32>
      tpu.vector_store_idx %arg6[%add3A_1034], %mul3A_1038 masked %eq3A_1041 : memref<4112xi32, #tpu.memory_space<vmem>>[vector<16xi32>], vector<16xi32>, vector<16xi1>
      %scan3A_1042 = arith.constant 0 : i32
      scf.yield %scan3A_1042 : i32
    }
    %scan3A_72 = arith.constant 16 : i32
    %get3A_73 = arith.constant 4096 : index
    %get3A_74 = tpu.vector_load %arg6[%get3A_73] {strides = array<i32>} : memref<4112xi32, #tpu.memory_space<vmem>>, vector<16xi32>,
    %rev3A_75 = arith.constant 15 : i32
    %rev3A_76 = vector.broadcast %rev3A_75 : i32 to vector<16xi32>
    %rev3A_77 = tpu.iota {dimensions = array<i32: 0>} : vector<16xi32>
    %rev3A_78 = arith.subi %rev3A_76, %rev3A_77 : vector<16xi32>
    %rev3A_79 = tpu.dynamic_gather %get3A_74[%rev3A_78] in [0] : vector<16xi32>, vector<16xi32> -> vector<16xi32>
    %broadcast_in_dim3A_80 = arith.constant true
    %broadcast_in_dim3A_81 = vector.broadcast %broadcast_in_dim3A_80 : i1 to vector<16xi1>
    %masked_cumsum3A_82 = tpu.scan <sum>, %rev3A_79 masked %broadcast_in_dim3A_81 : vector<16xi32>, vector<16xi1> -> vector<16xi32>
    %rev3A_83 = arith.constant 15 : i32
    %rev3A_84 = vector.broadcast %rev3A_83 : i32 to vector<16xi32>
    %rev3A_85 = tpu.iota {dimensions = array<i32: 0>} : vector<16xi32>
    %rev3A_86 = arith.subi %rev3A_84, %rev3A_85 : vector<16xi32>
    %rev3A_87 = tpu.dynamic_gather %masked_cumsum3A_82[%rev3A_86] in [0] : vector<16xi32>, vector<16xi32> -> vector<16xi32>
    %add3A_88 = vector.broadcast %reduce_sum3A_66 : i32 to vector<16xi32>
    %add3A_89 = arith.addi %add3A_88, %rev3A_87 : vector<16xi32>
    %ge3A_90 = arith.constant 256 : i32
    %ge3A_91 = vector.broadcast %ge3A_90 : i32 to vector<16xi32>
    %ge3A_92 = arith.cmpi sge, %add3A_89, %ge3A_91 : vector<16xi32>
    %all_reduce_population_count3A_93 = tpu.all_reduce %ge3A_92 {dim = 0 : i64, kind = #tpu.reduction_kind<sum>} : vector<16xi1> -> vector<16xi32>
    %reduce_max3A_94 = arith.constant true
    %reduce_max3A_95 = vector.broadcast %reduce_max3A_94 : i1 to vector<16xi1>
    %reduce_max3A_96 = arith.constant -2147483648 : i32
    %reduce_max3A_97 = vector.broadcast %reduce_max3A_96 : i32 to vector<16xi32>
    %reduce_max3A_98 = arith.xori %all_reduce_population_count3A_93, %reduce_max3A_97 : vector<16xi32>
    %reduce_max3A_99 = tpu.scan <max>, %reduce_max3A_98 masked %reduce_max3A_95 : vector<16xi32>, vector<16xi1> -> vector<16xi32>
    %reduce_max3A_100 = arith.xori %reduce_max3A_99, %reduce_max3A_97 : vector<16xi32>
    %reduce_max3A_101 = vector.extract %reduce_max3A_100[15] : i32 from vector<16xi32>
    %sub3A_102 = arith.constant 1 : i32
    %sub3A_103 = arith.subi %reduce_max3A_101, %sub3A_102 : i32
    %mul3A_104 = arith.constant 16 : i32
    %mul3A_105 = arith.muli %sub3A_58, %mul3A_104 : i32
    %add3A_106 = arith.addi %mul3A_105, %sub3A_103 : i32
    %add3A_107 = arith.constant 1 : i32
    %add3A_108 = arith.addi %sub3A_103, %add3A_107 : i32
    %iota3A_109 = tpu.iota {dimensions = array<i32: 0>} : vector<16xi32>
    %eq3A_110 = vector.broadcast %add3A_108 : i32 to vector<16xi32>
    %eq3A_111 = arith.cmpi eq, %iota3A_109, %eq3A_110 : vector<16xi32>
    %jit3A_112 = arith.constant 0 : i32
    %broadcast_in_dim3A_113 = vector.broadcast %jit3A_112 : i32 to vector<16xi32>
    %select_n3A_114 = arith.select %eq3A_111, %rev3A_87, %broadcast_in_dim3A_113 : vector<16xi1>, vector<16xi32>
    %reduce_sum3A_115 = arith.constant true
    %reduce_sum3A_116 = vector.broadcast %reduce_sum3A_115 : i1 to vector<16xi1>
    %reduce_sum3A_117 = tpu.scan <sum>, %select_n3A_114 masked %reduce_sum3A_116 : vector<16xi32>, vector<16xi1> -> vector<16xi32>
    %reduce_sum3A_118 = vector.extract %reduce_sum3A_117[15] : i32 from vector<16xi32>
    %add3A_119 = arith.addi %reduce_sum3A_66, %reduce_sum3A_118 : i32
    %sub3A_120 = arith.constant 256 : i32
    %sub3A_121 = arith.subi %sub3A_120, %add3A_119 : i32
    %sub3A_122 = arith.constant 128 : i32
    %sub3A_123 = arith.subi %add3A_106, %sub3A_122 : i32
    %shift_left3A = arith.constant 24 : i32
    %shift_left3A_124 = arith.shli %sub3A_123, %shift_left3A : i32
    %ge3A_125 = arith.constant 255 : i32
    %ge3A_126 = arith.cmpi sge, %add3A_106, %ge3A_125 : i32
    %add3A_127 = arith.constant 16777215 : i32
    %add3A_128 = arith.addi %shift_left3A_124, %add3A_127 : i32
    %jit3A_129 = arith.constant 2147483647 : i32
    %select_n3A_130 = arith.select %ge3A_126, %jit3A_129, %add3A_128 : i32
    %broadcast_in_dim3A_131 = arith.constant 0 : i32
    %broadcast_in_dim3A_132 = vector.broadcast %broadcast_in_dim3A_131 : i32 to vector<16xi32>
    %parallel_loop3A_133 = arith.constant 0 : i32
    %parallel_loop3A_134 = arith.constant 2048 : i32
    %parallel_loop3A_135 = arith.constant 1 : i32
    %parallel_loop3A_136 = scf.for %parallel_loop3A_1018 = %parallel_loop3A_133 to %parallel_loop3A_134 step %parallel_loop3A_135 iter_args(%parallel_loop3A_1019 = %broadcast_in_dim3A_132) -> (vector<16xi32>)  : i32 {
      %parallel_loop3A_1020 = arith.constant 16 : i32
      %parallel_loop3A_1021 = arith.muli %parallel_loop3A_1018, %parallel_loop3A_1020 : i32
      %parallel_loop3A_1022 = arith.index_cast %parallel_loop3A_1021 : i32 to index
      %parallel_loop3A_1023 = tpu.vector_load %arg4[%parallel_loop3A_1022] {strides = array<i32>} : memref<32768xi32, #tpu.memory_space<vmem>>, vector<16xi32>,
      %parallel_loop3A_1024 = arith.constant 0 : i32
      %parallel_loop3A_1025 = vector.broadcast %parallel_loop3A_1024 : i32 to vector<16xi32>
      %parallel_loop3A_1026 = arith.cmpi sge, %parallel_loop3A_1023, %parallel_loop3A_1025 : vector<16xi32>
      %parallel_loop3A_1027 = arith.constant 2147483647 : i32
      %parallel_loop3A_1028 = vector.broadcast %parallel_loop3A_1027 : i32 to vector<16xi32>
      %parallel_loop3A_1029 = arith.xori %parallel_loop3A_1023, %parallel_loop3A_1028 : vector<16xi32>
      %parallel_loop3A_1030 = arith.select %parallel_loop3A_1026, %parallel_loop3A_1023, %parallel_loop3A_1029 : vector<16xi1>, vector<16xi32>
      %parallel_loop3A_1031 = vector.broadcast %shift_left3A_124 : i32 to vector<16xi32>
      %parallel_loop3A_1032 = arith.cmpi sge, %parallel_loop3A_1030, %parallel_loop3A_1031 : vector<16xi32>
      %parallel_loop3A_1033 = vector.broadcast %select_n3A_130 : i32 to vector<16xi32>
      %parallel_loop3A_1034 = arith.cmpi sle, %parallel_loop3A_1030, %parallel_loop3A_1033 : vector<16xi32>
      %parallel_loop3A_1035 = arith.andi %parallel_loop3A_1032, %parallel_loop3A_1034 : vector<16xi1>
      %parallel_loop3A_1036 = arith.extui %parallel_loop3A_1035 : vector<16xi1> to vector<16xi32>
      %parallel_loop3A_1037 = arith.constant true
      %parallel_loop3A_1038 = vector.broadcast %parallel_loop3A_1037 : i1 to vector<16xi1>
      %parallel_loop3A_1039 = tpu.scan <sum>, %parallel_loop3A_1036 masked %parallel_loop3A_1038 : vector<16xi32>, vector<16xi1> -> vector<16xi32>
      %parallel_loop3A_1040 = arith.addi %parallel_loop3A_1019, %parallel_loop3A_1039 : vector<16xi32>
      %parallel_loop3A_1041 = arith.constant 1 : i32
      %parallel_loop3A_1042 = vector.broadcast %parallel_loop3A_1041 : i32 to vector<16xi32>
      %parallel_loop3A_1043 = arith.subi %parallel_loop3A_1040, %parallel_loop3A_1042 : vector<16xi32>
      %parallel_loop3A_1044 = arith.constant 16384 : i32
      %parallel_loop3A_1045 = vector.broadcast %parallel_loop3A_1044 : i32 to vector<16xi32>
      %parallel_loop3A_1046 = arith.cmpi slt, %parallel_loop3A_1043, %parallel_loop3A_1045 : vector<16xi32>
      %parallel_loop3A_1047 = arith.andi %parallel_loop3A_1035, %parallel_loop3A_1046 : vector<16xi1>
      tpu.vector_store_idx %arg7[%parallel_loop3A_1043], %parallel_loop3A_1030 masked %parallel_loop3A_1047 : memref<16384xi32, #tpu.memory_space<vmem>>[vector<16xi32>], vector<16xi32>, vector<16xi1>
      %parallel_loop3A_1048 = tpu.all_reduce %parallel_loop3A_1047 {dim = 0 : i64, kind = #tpu.reduction_kind<sum>} : vector<16xi1> -> vector<16xi32>
      %parallel_loop3A_1049 = arith.addi %parallel_loop3A_1019, %parallel_loop3A_1048 : vector<16xi32>
      scf.yield %parallel_loop3A_1049 : vector<16xi32>
    } {sc.loop_unroll_factor = 8 : i64, sc.parallel_access}
    %reduce_max3A_137 = arith.constant true
    %reduce_max3A_138 = vector.broadcast %reduce_max3A_137 : i1 to vector<16xi1>
    %reduce_max3A_139 = arith.constant -2147483648 : i32
    %reduce_max3A_140 = vector.broadcast %reduce_max3A_139 : i32 to vector<16xi32>
    %reduce_max3A_141 = arith.xori %parallel_loop3A_136, %reduce_max3A_140 : vector<16xi32>
    %reduce_max3A_142 = tpu.scan <max>, %reduce_max3A_141 masked %reduce_max3A_138 : vector<16xi32>, vector<16xi1> -> vector<16xi32>
    %reduce_max3A_143 = arith.xori %reduce_max3A_142, %reduce_max3A_140 : vector<16xi32>
    %reduce_max3A_144 = vector.extract %reduce_max3A_143[15] : i32 from vector<16xi32>
    %add3A_145 = arith.constant 15 : i32
    %add3A_146 = arith.addi %reduce_max3A_144, %add3A_145 : i32
    %shift_right_arithmetic3A = arith.constant 4 : i32
    %shift_right_arithmetic3A_147 = arith.shrsi %add3A_146, %shift_right_arithmetic3A : i32
    %sub3A_148 = arith.constant 128 : i32
    %sub3A_149 = arith.subi %add3A_106, %sub3A_148 : i32
    %parallel_loop3A_150 = arith.constant 0 : i32
    %parallel_loop3A_151 = arith.constant 16 : i32
    %parallel_loop3A_152 = arith.constant 1 : i32
    scf.for %parallel_loop3A_1018 = %parallel_loop3A_150 to %parallel_loop3A_151 step %parallel_loop3A_152  : i32 {
      %parallel_loop3A_1019 = arith.constant 0 : i32
      %parallel_loop3A_1020 = vector.broadcast %parallel_loop3A_1019 : i32 to vector<16xi32>
      %parallel_loop3A_1021 = arith.constant 16 : i32
      %parallel_loop3A_1022 = arith.muli %parallel_loop3A_1018, %parallel_loop3A_1021 : i32
      %parallel_loop3A_1023 = arith.index_cast %parallel_loop3A_1022 : i32 to index
      %parallel_loop3A_1024 = tpu.vector_load %arg6[%parallel_loop3A_1023] {strides = array<i32>} : memref<4112xi32, #tpu.memory_space<vmem>>, vector<16xi32>,
      tpu.vector_store %arg6[%parallel_loop3A_1023], %parallel_loop3A_1020 {strides = array<i32>} : memref<4112xi32, #tpu.memory_space<vmem>>, vector<16xi32>,
    } {sc.loop_unroll_factor = 8 : i64, sc.parallel_access}
    %while3A = arith.constant 0 : i32
    %while3A_153 = arith.constant 0 : i32
    %while3A_154 = arith.subi %shift_right_arithmetic3A_147, %while3A : i32
    %while3A_155 = arith.addi %while3A, %while3A_154 : i32
    %while3A_156 = arith.constant 1 : i32
    %while3A_157 = arith.divsi %while3A_154, %while3A_156 : i32
    %while3A_158 = arith.muli %while3A_157, %while3A_156 : i32
    %while3A_159 = arith.addi %while3A, %while3A_158 : i32
    %while3A_160 = arith.constant 1 : i32
    %while3A_161 = scf.for %while3A_1018 = %while3A to %while3A_159 step %while3A_160 iter_args(%while3A_1019 = %while3A_153) -> (i32)  : i32 {
      %mul3A_1020 = arith.constant 16 : i32
      %mul3A_1021 = arith.muli %while3A_1018, %mul3A_1020 : i32
      %get3A_1022 = arith.index_cast %mul3A_1021 : i32 to index
      %get3A_1023 = tpu.vector_load %arg7[%get3A_1022] {strides = array<i32>} : memref<16384xi32, #tpu.memory_space<vmem>>, vector<16xi32>,
      %mul3A_1024 = arith.constant 16 : i32
      %mul3A_1025 = arith.muli %while3A_1018, %mul3A_1024 : i32
      %add3A_1026 = vector.broadcast %mul3A_1025 : i32 to vector<16xi32>
      %add3A_1027 = arith.addi %add3A_1026, %iota3A : vector<16xi32>
      %lt3A = vector.broadcast %reduce_max3A_144 : i32 to vector<16xi32>
      %lt3A_1028 = arith.cmpi slt, %add3A_1027, %lt3A : vector<16xi32>
      %shift_right_arithmetic3A_1029 = arith.constant 24 : i32
      %shift_right_arithmetic3A_1030 = vector.broadcast %shift_right_arithmetic3A_1029 : i32 to vector<16xi32>
      %shift_right_arithmetic3A_1031 = arith.shrsi %get3A_1023, %shift_right_arithmetic3A_1030 : vector<16xi32>
      %eq3A_1032 = vector.broadcast %sub3A_149 : i32 to vector<16xi32>
      %eq3A_1033 = arith.cmpi eq, %shift_right_arithmetic3A_1031, %eq3A_1032 : vector<16xi32>
      %and3A = arith.andi %eq3A_1033, %lt3A_1028 : vector<16xi1>
      %shift_right_arithmetic3A_1034 = arith.constant 16 : i32
      %shift_right_arithmetic3A_1035 = vector.broadcast %shift_right_arithmetic3A_1034 : i32 to vector<16xi32>
      %shift_right_arithmetic3A_1036 = arith.shrsi %get3A_1023, %shift_right_arithmetic3A_1035 : vector<16xi32>
      %and3A_1037 = arith.constant 255 : i32
      %and3A_1038 = vector.broadcast %and3A_1037 : i32 to vector<16xi32>
      %and3A_1039 = arith.andi %shift_right_arithmetic3A_1036, %and3A_1038 : vector<16xi32>
      %and3A_1040 = arith.constant 15 : i32
      %and3A_1041 = vector.broadcast %and3A_1040 : i32 to vector<16xi32>
      %and3A_1042 = arith.andi %and3A_1039, %and3A_1041 : vector<16xi32>
      %shift_left3A_1043 = arith.constant 4 : i32
      %shift_left3A_1044 = vector.broadcast %shift_left3A_1043 : i32 to vector<16xi32>
      %shift_left3A_1045 = arith.shli %and3A_1042, %shift_left3A_1044 : vector<16xi32>
      %shift_right_arithmetic3A_1046 = arith.constant 4 : i32
      %shift_right_arithmetic3A_1047 = vector.broadcast %shift_right_arithmetic3A_1046 : i32 to vector<16xi32>
      %shift_right_arithmetic3A_1048 = arith.shrsi %and3A_1039, %shift_right_arithmetic3A_1047 : vector<16xi32>
      %or3A_1049 = arith.ori %shift_left3A_1045, %shift_right_arithmetic3A_1048 : vector<16xi32>
      tpu.vector_store_idx %arg6[%or3A_1049], %broadcast_in_dim3A_1 masked %and3A {add = true} : memref<4112xi32, #tpu.memory_space<vmem>>[vector<16xi32>], vector<16xi32>, vector<16xi1>
      %while3A_1050 = arith.constant 0 : i32
      scf.yield %while3A_1050 : i32
    }
    %while3A_162 = arith.constant 1 : i32
    %while3A_163 = scf.for %while3A_1018 = %while3A_159 to %while3A_155 step %while3A_162 iter_args(%while3A_1019 = %while3A_161) -> (i32)  : i32 {
      %mul3A_1020 = arith.constant 16 : i32
      %mul3A_1021 = arith.muli %while3A_1018, %mul3A_1020 : i32
      %get3A_1022 = arith.index_cast %mul3A_1021 : i32 to index
      %get3A_1023 = tpu.vector_load %arg7[%get3A_1022] {strides = array<i32>} : memref<16384xi32, #tpu.memory_space<vmem>>, vector<16xi32>,
      %mul3A_1024 = arith.constant 16 : i32
      %mul3A_1025 = arith.muli %while3A_1018, %mul3A_1024 : i32
      %add3A_1026 = vector.broadcast %mul3A_1025 : i32 to vector<16xi32>
      %add3A_1027 = arith.addi %add3A_1026, %iota3A : vector<16xi32>
      %lt3A = vector.broadcast %reduce_max3A_144 : i32 to vector<16xi32>
      %lt3A_1028 = arith.cmpi slt, %add3A_1027, %lt3A : vector<16xi32>
      %shift_right_arithmetic3A_1029 = arith.constant 24 : i32
      %shift_right_arithmetic3A_1030 = vector.broadcast %shift_right_arithmetic3A_1029 : i32 to vector<16xi32>
      %shift_right_arithmetic3A_1031 = arith.shrsi %get3A_1023, %shift_right_arithmetic3A_1030 : vector<16xi32>
      %eq3A_1032 = vector.broadcast %sub3A_149 : i32 to vector<16xi32>
      %eq3A_1033 = arith.cmpi eq, %shift_right_arithmetic3A_1031, %eq3A_1032 : vector<16xi32>
      %and3A = arith.andi %eq3A_1033, %lt3A_1028 : vector<16xi1>
      %shift_right_arithmetic3A_1034 = arith.constant 16 : i32
      %shift_right_arithmetic3A_1035 = vector.broadcast %shift_right_arithmetic3A_1034 : i32 to vector<16xi32>
      %shift_right_arithmetic3A_1036 = arith.shrsi %get3A_1023, %shift_right_arithmetic3A_1035 : vector<16xi32>
      %and3A_1037 = arith.constant 255 : i32
      %and3A_1038 = vector.broadcast %and3A_1037 : i32 to vector<16xi32>
      %and3A_1039 = arith.andi %shift_right_arithmetic3A_1036, %and3A_1038 : vector<16xi32>
      %and3A_1040 = arith.constant 15 : i32
      %and3A_1041 = vector.broadcast %and3A_1040 : i32 to vector<16xi32>
      %and3A_1042 = arith.andi %and3A_1039, %and3A_1041 : vector<16xi32>
      %shift_left3A_1043 = arith.constant 4 : i32
      %shift_left3A_1044 = vector.broadcast %shift_left3A_1043 : i32 to vector<16xi32>
      %shift_left3A_1045 = arith.shli %and3A_1042, %shift_left3A_1044 : vector<16xi32>
      %shift_right_arithmetic3A_1046 = arith.constant 4 : i32
      %shift_right_arithmetic3A_1047 = vector.broadcast %shift_right_arithmetic3A_1046 : i32 to vector<16xi32>
      %shift_right_arithmetic3A_1048 = arith.shrsi %and3A_1039, %shift_right_arithmetic3A_1047 : vector<16xi32>
      %or3A_1049 = arith.ori %shift_left3A_1045, %shift_right_arithmetic3A_1048 : vector<16xi32>
      tpu.vector_store_idx %arg6[%or3A_1049], %broadcast_in_dim3A_1 masked %and3A {add = true} : memref<4112xi32, #tpu.memory_space<vmem>>[vector<16xi32>], vector<16xi32>, vector<16xi1>
      %while3A_1050 = arith.constant 0 : i32
      scf.yield %while3A_1050 : i32
    }
    %iota3A_164 = tpu.iota {dimensions = array<i32: 0>} : vector<16xi32>
    %broadcast_in_dim3A_165 = arith.constant 0 : i32
    %broadcast_in_dim3A_166 = vector.broadcast %broadcast_in_dim3A_165 : i32 to vector<16xi32>
    %scan3A_167 = arith.constant 0 : i32
    %scan3A_168 = arith.constant 16 : i32
    %scan3A_169 = arith.addi %scan3A_167, %scan3A_168 : i32
    %scan3A_170 = arith.constant 4 : i32
    %scan3A_171 = scf.for %scan3A_1018 = %scan3A_167 to %scan3A_169 step %scan3A_170 iter_args(%scan3A_1019 = %broadcast_in_dim3A_166) -> (vector<16xi32>)  : i32 {
      %mul3A_1020 = arith.constant 16 : i32
      %mul3A_1021 = arith.muli %scan3A_1018, %mul3A_1020 : i32
      %get3A_1022 = arith.index_cast %mul3A_1021 : i32 to index
      %get3A_1023 = tpu.vector_load %arg6[%get3A_1022] {strides = array<i32>} : memref<4112xi32, #tpu.memory_space<vmem>>, vector<16xi32>,
      %add3A_1024 = arith.addi %scan3A_1019, %get3A_1023 : vector<16xi32>
      %scan3A_1025 = arith.constant 1 : i32
      %scan3A_1026 = arith.addi %scan3A_1018, %scan3A_1025 : i32
      %mul3A_1027 = arith.constant 16 : i32
      %mul3A_1028 = arith.muli %scan3A_1026, %mul3A_1027 : i32
      %get3A_1029 = arith.index_cast %mul3A_1028 : i32 to index
      %get3A_1030 = tpu.vector_load %arg6[%get3A_1029] {strides = array<i32>} : memref<4112xi32, #tpu.memory_space<vmem>>, vector<16xi32>,
      %add3A_1031 = arith.addi %add3A_1024, %get3A_1030 : vector<16xi32>
      %scan3A_1032 = arith.constant 2 : i32
      %scan3A_1033 = arith.addi %scan3A_1018, %scan3A_1032 : i32
      %mul3A_1034 = arith.constant 16 : i32
      %mul3A_1035 = arith.muli %scan3A_1033, %mul3A_1034 : i32
      %get3A_1036 = arith.index_cast %mul3A_1035 : i32 to index
      %get3A_1037 = tpu.vector_load %arg6[%get3A_1036] {strides = array<i32>} : memref<4112xi32, #tpu.memory_space<vmem>>, vector<16xi32>,
      %add3A_1038 = arith.addi %add3A_1031, %get3A_1037 : vector<16xi32>
      %scan3A_1039 = arith.constant 3 : i32
      %scan3A_1040 = arith.addi %scan3A_1018, %scan3A_1039 : i32
      %mul3A_1041 = arith.constant 16 : i32
      %mul3A_1042 = arith.muli %scan3A_1040, %mul3A_1041 : i32
      %get3A_1043 = arith.index_cast %mul3A_1042 : i32 to index
      %get3A_1044 = tpu.vector_load %arg6[%get3A_1043] {strides = array<i32>} : memref<4112xi32, #tpu.memory_space<vmem>>, vector<16xi32>,
      %add3A_1045 = arith.addi %add3A_1038, %get3A_1044 : vector<16xi32>
      scf.yield %add3A_1045 : vector<16xi32>
    }
    %scan3A_172 = arith.constant 16 : i32
    %rev3A_173 = arith.constant 15 : i32
    %rev3A_174 = vector.broadcast %rev3A_173 : i32 to vector<16xi32>
    %rev3A_175 = tpu.iota {dimensions = array<i32: 0>} : vector<16xi32>
    %rev3A_176 = arith.subi %rev3A_174, %rev3A_175 : vector<16xi32>
    %rev3A_177 = tpu.dynamic_gather %scan3A_171[%rev3A_176] in [0] : vector<16xi32>, vector<16xi32> -> vector<16xi32>
    %broadcast_in_dim3A_178 = arith.constant true
    %broadcast_in_dim3A_179 = vector.broadcast %broadcast_in_dim3A_178 : i1 to vector<16xi1>
    %masked_cumsum3A_180 = tpu.scan <sum>, %rev3A_177 masked %broadcast_in_dim3A_179 : vector<16xi32>, vector<16xi1> -> vector<16xi32>
    %rev3A_181 = arith.constant 15 : i32
    %rev3A_182 = vector.broadcast %rev3A_181 : i32 to vector<16xi32>
    %rev3A_183 = tpu.iota {dimensions = array<i32: 0>} : vector<16xi32>
    %rev3A_184 = arith.subi %rev3A_182, %rev3A_183 : vector<16xi32>
    %rev3A_185 = tpu.dynamic_gather %masked_cumsum3A_180[%rev3A_184] in [0] : vector<16xi32>, vector<16xi32> -> vector<16xi32>
    %ge3A_186 = vector.broadcast %sub3A_121 : i32 to vector<16xi32>
    %ge3A_187 = arith.cmpi sge, %rev3A_185, %ge3A_186 : vector<16xi32>
    %all_reduce_population_count3A_188 = tpu.all_reduce %ge3A_187 {dim = 0 : i64, kind = #tpu.reduction_kind<sum>} : vector<16xi1> -> vector<16xi32>
    %reduce_max3A_189 = arith.constant true
    %reduce_max3A_190 = vector.broadcast %reduce_max3A_189 : i1 to vector<16xi1>
    %reduce_max3A_191 = arith.constant -2147483648 : i32
    %reduce_max3A_192 = vector.broadcast %reduce_max3A_191 : i32 to vector<16xi32>
    %reduce_max3A_193 = arith.xori %all_reduce_population_count3A_188, %reduce_max3A_192 : vector<16xi32>
    %reduce_max3A_194 = tpu.scan <max>, %reduce_max3A_193 masked %reduce_max3A_190 : vector<16xi32>, vector<16xi1> -> vector<16xi32>
    %reduce_max3A_195 = arith.xori %reduce_max3A_194, %reduce_max3A_192 : vector<16xi32>
    %reduce_max3A_196 = vector.extract %reduce_max3A_195[15] : i32 from vector<16xi32>
    %sub3A_197 = arith.constant 1 : i32
    %sub3A_198 = arith.subi %reduce_max3A_196, %sub3A_197 : i32
    %add3A_199 = arith.constant 1 : i32
    %add3A_200 = arith.addi %sub3A_198, %add3A_199 : i32
    %iota3A_201 = tpu.iota {dimensions = array<i32: 0>} : vector<16xi32>
    %eq3A_202 = vector.broadcast %add3A_200 : i32 to vector<16xi32>
    %eq3A_203 = arith.cmpi eq, %iota3A_201, %eq3A_202 : vector<16xi32>
    %jit3A_204 = arith.constant 0 : i32
    %broadcast_in_dim3A_205 = vector.broadcast %jit3A_204 : i32 to vector<16xi32>
    %select_n3A_206 = arith.select %eq3A_203, %rev3A_185, %broadcast_in_dim3A_205 : vector<16xi1>, vector<16xi32>
    %reduce_sum3A_207 = arith.constant true
    %reduce_sum3A_208 = vector.broadcast %reduce_sum3A_207 : i1 to vector<16xi1>
    %reduce_sum3A_209 = tpu.scan <sum>, %select_n3A_206 masked %reduce_sum3A_208 : vector<16xi32>, vector<16xi1> -> vector<16xi32>
    %reduce_sum3A_210 = vector.extract %reduce_sum3A_209[15] : i32 from vector<16xi32>
    %mul3A_211 = arith.constant 16 : i32
    %mul3A_212 = vector.broadcast %mul3A_211 : i32 to vector<16xi32>
    %mul3A_213 = arith.muli %iota3A_164, %mul3A_212 : vector<16xi32>
    %add3A_214 = vector.broadcast %sub3A_198 : i32 to vector<16xi32>
    %add3A_215 = arith.addi %mul3A_213, %add3A_214 : vector<16xi32>
    %gather3A = tpu.vector_load_idx %arg6[%add3A_215] : memref<4112xi32, #tpu.memory_space<vmem>>[vector<16xi32>], vector<16xi32>,
    %rev3A_216 = arith.constant 15 : i32
    %rev3A_217 = vector.broadcast %rev3A_216 : i32 to vector<16xi32>
    %rev3A_218 = tpu.iota {dimensions = array<i32: 0>} : vector<16xi32>
    %rev3A_219 = arith.subi %rev3A_217, %rev3A_218 : vector<16xi32>
    %rev3A_220 = tpu.dynamic_gather %gather3A[%rev3A_219] in [0] : vector<16xi32>, vector<16xi32> -> vector<16xi32>
    %broadcast_in_dim3A_221 = arith.constant true
    %broadcast_in_dim3A_222 = vector.broadcast %broadcast_in_dim3A_221 : i1 to vector<16xi1>
    %masked_cumsum3A_223 = tpu.scan <sum>, %rev3A_220 masked %broadcast_in_dim3A_222 : vector<16xi32>, vector<16xi1> -> vector<16xi32>
    %rev3A_224 = arith.constant 15 : i32
    %rev3A_225 = vector.broadcast %rev3A_224 : i32 to vector<16xi32>
    %rev3A_226 = tpu.iota {dimensions = array<i32: 0>} : vector<16xi32>
    %rev3A_227 = arith.subi %rev3A_225, %rev3A_226 : vector<16xi32>
    %rev3A_228 = tpu.dynamic_gather %masked_cumsum3A_223[%rev3A_227] in [0] : vector<16xi32>, vector<16xi32> -> vector<16xi32>
    %add3A_229 = vector.broadcast %reduce_sum3A_210 : i32 to vector<16xi32>
    %add3A_230 = arith.addi %add3A_229, %rev3A_228 : vector<16xi32>
    %ge3A_231 = vector.broadcast %sub3A_121 : i32 to vector<16xi32>
    %ge3A_232 = arith.cmpi sge, %add3A_230, %ge3A_231 : vector<16xi32>
    %all_reduce_population_count3A_233 = tpu.all_reduce %ge3A_232 {dim = 0 : i64, kind = #tpu.reduction_kind<sum>} : vector<16xi1> -> vector<16xi32>
    %reduce_max3A_234 = arith.constant true
    %reduce_max3A_235 = vector.broadcast %reduce_max3A_234 : i1 to vector<16xi1>
    %reduce_max3A_236 = arith.constant -2147483648 : i32
    %reduce_max3A_237 = vector.broadcast %reduce_max3A_236 : i32 to vector<16xi32>
    %reduce_max3A_238 = arith.xori %all_reduce_population_count3A_233, %reduce_max3A_237 : vector<16xi32>
    %reduce_max3A_239 = tpu.scan <max>, %reduce_max3A_238 masked %reduce_max3A_235 : vector<16xi32>, vector<16xi1> -> vector<16xi32>
    %reduce_max3A_240 = arith.xori %reduce_max3A_239, %reduce_max3A_237 : vector<16xi32>
    %reduce_max3A_241 = vector.extract %reduce_max3A_240[15] : i32 from vector<16xi32>
    %sub3A_242 = arith.constant 1 : i32
    %sub3A_243 = arith.subi %reduce_max3A_241, %sub3A_242 : i32
    %mul3A_244 = arith.constant 16 : i32
    %mul3A_245 = arith.muli %sub3A_198, %mul3A_244 : i32
    %add3A_246 = arith.addi %mul3A_245, %sub3A_243 : i32
    %add3A_247 = arith.constant 1 : i32
    %add3A_248 = arith.addi %sub3A_243, %add3A_247 : i32
    %iota3A_249 = tpu.iota {dimensions = array<i32: 0>} : vector<16xi32>
    %eq3A_250 = vector.broadcast %add3A_248 : i32 to vector<16xi32>
    %eq3A_251 = arith.cmpi eq, %iota3A_249, %eq3A_250 : vector<16xi32>
    %jit3A_252 = arith.constant 0 : i32
    %broadcast_in_dim3A_253 = vector.broadcast %jit3A_252 : i32 to vector<16xi32>
    %select_n3A_254 = arith.select %eq3A_251, %rev3A_228, %broadcast_in_dim3A_253 : vector<16xi1>, vector<16xi32>
    %reduce_sum3A_255 = arith.constant true
    %reduce_sum3A_256 = vector.broadcast %reduce_sum3A_255 : i1 to vector<16xi1>
    %reduce_sum3A_257 = tpu.scan <sum>, %select_n3A_254 masked %reduce_sum3A_256 : vector<16xi32>, vector<16xi1> -> vector<16xi32>
    %reduce_sum3A_258 = vector.extract %reduce_sum3A_257[15] : i32 from vector<16xi32>
    %add3A_259 = arith.addi %reduce_sum3A_210, %reduce_sum3A_258 : i32
    %sub3A_260 = arith.subi %sub3A_121, %add3A_259 : i32
    %shift_left3A_261 = arith.constant 8 : i32
    %shift_left3A_262 = arith.shli %sub3A_149, %shift_left3A_261 : i32
    %or3A = arith.ori %shift_left3A_262, %add3A_246 : i32
    %parallel_loop3A_263 = arith.constant 0 : i32
    %parallel_loop3A_264 = arith.constant 16 : i32
    %parallel_loop3A_265 = arith.constant 1 : i32
    scf.for %parallel_loop3A_1018 = %parallel_loop3A_263 to %parallel_loop3A_264 step %parallel_loop3A_265  : i32 {
      %parallel_loop3A_1019 = arith.constant 0 : i32
      %parallel_loop3A_1020 = vector.broadcast %parallel_loop3A_1019 : i32 to vector<16xi32>
      %parallel_loop3A_1021 = arith.constant 16 : i32
      %parallel_loop3A_1022 = arith.muli %parallel_loop3A_1018, %parallel_loop3A_1021 : i32
      %parallel_loop3A_1023 = arith.index_cast %parallel_loop3A_1022 : i32 to index
      %parallel_loop3A_1024 = tpu.vector_load %arg6[%parallel_loop3A_1023] {strides = array<i32>} : memref<4112xi32, #tpu.memory_space<vmem>>, vector<16xi32>,
      tpu.vector_store %arg6[%parallel_loop3A_1023], %parallel_loop3A_1020 {strides = array<i32>} : memref<4112xi32, #tpu.memory_space<vmem>>, vector<16xi32>,
    } {sc.loop_unroll_factor = 8 : i64, sc.parallel_access}
    %while3A_266 = arith.constant 0 : i32
    %while3A_267 = arith.constant 0 : i32
    %while3A_268 = arith.subi %shift_right_arithmetic3A_147, %while3A_266 : i32
    %while3A_269 = arith.addi %while3A_266, %while3A_268 : i32
    %while3A_270 = arith.constant 1 : i32
    %while3A_271 = arith.divsi %while3A_268, %while3A_270 : i32
    %while3A_272 = arith.muli %while3A_271, %while3A_270 : i32
    %while3A_273 = arith.addi %while3A_266, %while3A_272 : i32
    %while3A_274 = arith.constant 1 : i32
    %while3A_275 = scf.for %while3A_1018 = %while3A_266 to %while3A_273 step %while3A_274 iter_args(%while3A_1019 = %while3A_267) -> (i32)  : i32 {
      %mul3A_1020 = arith.constant 16 : i32
      %mul3A_1021 = arith.muli %while3A_1018, %mul3A_1020 : i32
      %get3A_1022 = arith.index_cast %mul3A_1021 : i32 to index
      %get3A_1023 = tpu.vector_load %arg7[%get3A_1022] {strides = array<i32>} : memref<16384xi32, #tpu.memory_space<vmem>>, vector<16xi32>,
      %mul3A_1024 = arith.constant 16 : i32
      %mul3A_1025 = arith.muli %while3A_1018, %mul3A_1024 : i32
      %add3A_1026 = vector.broadcast %mul3A_1025 : i32 to vector<16xi32>
      %add3A_1027 = arith.addi %add3A_1026, %iota3A : vector<16xi32>
      %lt3A = vector.broadcast %reduce_max3A_144 : i32 to vector<16xi32>
      %lt3A_1028 = arith.cmpi slt, %add3A_1027, %lt3A : vector<16xi32>
      %shift_right_arithmetic3A_1029 = arith.constant 16 : i32
      %shift_right_arithmetic3A_1030 = vector.broadcast %shift_right_arithmetic3A_1029 : i32 to vector<16xi32>
      %shift_right_arithmetic3A_1031 = arith.shrsi %get3A_1023, %shift_right_arithmetic3A_1030 : vector<16xi32>
      %eq3A_1032 = vector.broadcast %or3A : i32 to vector<16xi32>
      %eq3A_1033 = arith.cmpi eq, %shift_right_arithmetic3A_1031, %eq3A_1032 : vector<16xi32>
      %and3A = arith.andi %eq3A_1033, %lt3A_1028 : vector<16xi1>
      %shift_right_arithmetic3A_1034 = arith.constant 8 : i32
      %shift_right_arithmetic3A_1035 = vector.broadcast %shift_right_arithmetic3A_1034 : i32 to vector<16xi32>
      %shift_right_arithmetic3A_1036 = arith.shrsi %get3A_1023, %shift_right_arithmetic3A_1035 : vector<16xi32>
      %and3A_1037 = arith.constant 255 : i32
      %and3A_1038 = vector.broadcast %and3A_1037 : i32 to vector<16xi32>
      %and3A_1039 = arith.andi %shift_right_arithmetic3A_1036, %and3A_1038 : vector<16xi32>
      %and3A_1040 = arith.constant 15 : i32
      %and3A_1041 = vector.broadcast %and3A_1040 : i32 to vector<16xi32>
      %and3A_1042 = arith.andi %and3A_1039, %and3A_1041 : vector<16xi32>
      %shift_left3A_1043 = arith.constant 4 : i32
      %shift_left3A_1044 = vector.broadcast %shift_left3A_1043 : i32 to vector<16xi32>
      %shift_left3A_1045 = arith.shli %and3A_1042, %shift_left3A_1044 : vector<16xi32>
      %shift_right_arithmetic3A_1046 = arith.constant 4 : i32
      %shift_right_arithmetic3A_1047 = vector.broadcast %shift_right_arithmetic3A_1046 : i32 to vector<16xi32>
      %shift_right_arithmetic3A_1048 = arith.shrsi %and3A_1039, %shift_right_arithmetic3A_1047 : vector<16xi32>
      %or3A_1049 = arith.ori %shift_left3A_1045, %shift_right_arithmetic3A_1048 : vector<16xi32>
      tpu.vector_store_idx %arg6[%or3A_1049], %broadcast_in_dim3A_1 masked %and3A {add = true} : memref<4112xi32, #tpu.memory_space<vmem>>[vector<16xi32>], vector<16xi32>, vector<16xi1>
      %while3A_1050 = arith.constant 0 : i32
      scf.yield %while3A_1050 : i32
    }
    %while3A_276 = arith.constant 1 : i32
    %while3A_277 = scf.for %while3A_1018 = %while3A_273 to %while3A_269 step %while3A_276 iter_args(%while3A_1019 = %while3A_275) -> (i32)  : i32 {
      %mul3A_1020 = arith.constant 16 : i32
      %mul3A_1021 = arith.muli %while3A_1018, %mul3A_1020 : i32
      %get3A_1022 = arith.index_cast %mul3A_1021 : i32 to index
      %get3A_1023 = tpu.vector_load %arg7[%get3A_1022] {strides = array<i32>} : memref<16384xi32, #tpu.memory_space<vmem>>, vector<16xi32>,
      %mul3A_1024 = arith.constant 16 : i32
      %mul3A_1025 = arith.muli %while3A_1018, %mul3A_1024 : i32
      %add3A_1026 = vector.broadcast %mul3A_1025 : i32 to vector<16xi32>
      %add3A_1027 = arith.addi %add3A_1026, %iota3A : vector<16xi32>
      %lt3A = vector.broadcast %reduce_max3A_144 : i32 to vector<16xi32>
      %lt3A_1028 = arith.cmpi slt, %add3A_1027, %lt3A : vector<16xi32>
      %shift_right_arithmetic3A_1029 = arith.constant 16 : i32
      %shift_right_arithmetic3A_1030 = vector.broadcast %shift_right_arithmetic3A_1029 : i32 to vector<16xi32>
      %shift_right_arithmetic3A_1031 = arith.shrsi %get3A_1023, %shift_right_arithmetic3A_1030 : vector<16xi32>
      %eq3A_1032 = vector.broadcast %or3A : i32 to vector<16xi32>
      %eq3A_1033 = arith.cmpi eq, %shift_right_arithmetic3A_1031, %eq3A_1032 : vector<16xi32>
      %and3A = arith.andi %eq3A_1033, %lt3A_1028 : vector<16xi1>
      %shift_right_arithmetic3A_1034 = arith.constant 8 : i32
      %shift_right_arithmetic3A_1035 = vector.broadcast %shift_right_arithmetic3A_1034 : i32 to vector<16xi32>
      %shift_right_arithmetic3A_1036 = arith.shrsi %get3A_1023, %shift_right_arithmetic3A_1035 : vector<16xi32>
      %and3A_1037 = arith.constant 255 : i32
      %and3A_1038 = vector.broadcast %and3A_1037 : i32 to vector<16xi32>
      %and3A_1039 = arith.andi %shift_right_arithmetic3A_1036, %and3A_1038 : vector<16xi32>
      %and3A_1040 = arith.constant 15 : i32
      %and3A_1041 = vector.broadcast %and3A_1040 : i32 to vector<16xi32>
      %and3A_1042 = arith.andi %and3A_1039, %and3A_1041 : vector<16xi32>
      %shift_left3A_1043 = arith.constant 4 : i32
      %shift_left3A_1044 = vector.broadcast %shift_left3A_1043 : i32 to vector<16xi32>
      %shift_left3A_1045 = arith.shli %and3A_1042, %shift_left3A_1044 : vector<16xi32>
      %shift_right_arithmetic3A_1046 = arith.constant 4 : i32
      %shift_right_arithmetic3A_1047 = vector.broadcast %shift_right_arithmetic3A_1046 : i32 to vector<16xi32>
      %shift_right_arithmetic3A_1048 = arith.shrsi %and3A_1039, %shift_right_arithmetic3A_1047 : vector<16xi32>
      %or3A_1049 = arith.ori %shift_left3A_1045, %shift_right_arithmetic3A_1048 : vector<16xi32>
      tpu.vector_store_idx %arg6[%or3A_1049], %broadcast_in_dim3A_1 masked %and3A {add = true} : memref<4112xi32, #tpu.memory_space<vmem>>[vector<16xi32>], vector<16xi32>, vector<16xi1>
      %while3A_1050 = arith.constant 0 : i32
      scf.yield %while3A_1050 : i32
    }
    %iota3A_278 = tpu.iota {dimensions = array<i32: 0>} : vector<16xi32>
    %broadcast_in_dim3A_279 = arith.constant 0 : i32
    %broadcast_in_dim3A_280 = vector.broadcast %broadcast_in_dim3A_279 : i32 to vector<16xi32>
    %scan3A_281 = arith.constant 0 : i32
    %scan3A_282 = arith.constant 16 : i32
    %scan3A_283 = arith.addi %scan3A_281, %scan3A_282 : i32
    %scan3A_284 = arith.constant 4 : i32
    %scan3A_285 = scf.for %scan3A_1018 = %scan3A_281 to %scan3A_283 step %scan3A_284 iter_args(%scan3A_1019 = %broadcast_in_dim3A_280) -> (vector<16xi32>)  : i32 {
      %mul3A_1020 = arith.constant 16 : i32
      %mul3A_1021 = arith.muli %scan3A_1018, %mul3A_1020 : i32
      %get3A_1022 = arith.index_cast %mul3A_1021 : i32 to index
      %get3A_1023 = tpu.vector_load %arg6[%get3A_1022] {strides = array<i32>} : memref<4112xi32, #tpu.memory_space<vmem>>, vector<16xi32>,
      %add3A_1024 = arith.addi %scan3A_1019, %get3A_1023 : vector<16xi32>
      %scan3A_1025 = arith.constant 1 : i32
      %scan3A_1026 = arith.addi %scan3A_1018, %scan3A_1025 : i32
      %mul3A_1027 = arith.constant 16 : i32
      %mul3A_1028 = arith.muli %scan3A_1026, %mul3A_1027 : i32
      %get3A_1029 = arith.index_cast %mul3A_1028 : i32 to index
      %get3A_1030 = tpu.vector_load %arg6[%get3A_1029] {strides = array<i32>} : memref<4112xi32, #tpu.memory_space<vmem>>, vector<16xi32>,
      %add3A_1031 = arith.addi %add3A_1024, %get3A_1030 : vector<16xi32>
      %scan3A_1032 = arith.constant 2 : i32
      %scan3A_1033 = arith.addi %scan3A_1018, %scan3A_1032 : i32
      %mul3A_1034 = arith.constant 16 : i32
      %mul3A_1035 = arith.muli %scan3A_1033, %mul3A_1034 : i32
      %get3A_1036 = arith.index_cast %mul3A_1035 : i32 to index
      %get3A_1037 = tpu.vector_load %arg6[%get3A_1036] {strides = array<i32>} : memref<4112xi32, #tpu.memory_space<vmem>>, vector<16xi32>,
      %add3A_1038 = arith.addi %add3A_1031, %get3A_1037 : vector<16xi32>
      %scan3A_1039 = arith.constant 3 : i32
      %scan3A_1040 = arith.addi %scan3A_1018, %scan3A_1039 : i32
      %mul3A_1041 = arith.constant 16 : i32
      %mul3A_1042 = arith.muli %scan3A_1040, %mul3A_1041 : i32
      %get3A_1043 = arith.index_cast %mul3A_1042 : i32 to index
      %get3A_1044 = tpu.vector_load %arg6[%get3A_1043] {strides = array<i32>} : memref<4112xi32, #tpu.memory_space<vmem>>, vector<16xi32>,
      %add3A_1045 = arith.addi %add3A_1038, %get3A_1044 : vector<16xi32>
      scf.yield %add3A_1045 : vector<16xi32>
    }
    %scan3A_286 = arith.constant 16 : i32
    %rev3A_287 = arith.constant 15 : i32
    %rev3A_288 = vector.broadcast %rev3A_287 : i32 to vector<16xi32>
    %rev3A_289 = tpu.iota {dimensions = array<i32: 0>} : vector<16xi32>
    %rev3A_290 = arith.subi %rev3A_288, %rev3A_289 : vector<16xi32>
    %rev3A_291 = tpu.dynamic_gather %scan3A_285[%rev3A_290] in [0] : vector<16xi32>, vector<16xi32> -> vector<16xi32>
    %broadcast_in_dim3A_292 = arith.constant true
    %broadcast_in_dim3A_293 = vector.broadcast %broadcast_in_dim3A_292 : i1 to vector<16xi1>
    %masked_cumsum3A_294 = tpu.scan <sum>, %rev3A_291 masked %broadcast_in_dim3A_293 : vector<16xi32>, vector<16xi1> -> vector<16xi32>
    %rev3A_295 = arith.constant 15 : i32
    %rev3A_296 = vector.broadcast %rev3A_295 : i32 to vector<16xi32>
    %rev3A_297 = tpu.iota {dimensions = array<i32: 0>} : vector<16xi32>
    %rev3A_298 = arith.subi %rev3A_296, %rev3A_297 : vector<16xi32>
    %rev3A_299 = tpu.dynamic_gather %masked_cumsum3A_294[%rev3A_298] in [0] : vector<16xi32>, vector<16xi32> -> vector<16xi32>
    %ge3A_300 = vector.broadcast %sub3A_260 : i32 to vector<16xi32>
    %ge3A_301 = arith.cmpi sge, %rev3A_299, %ge3A_300 : vector<16xi32>
    %all_reduce_population_count3A_302 = tpu.all_reduce %ge3A_301 {dim = 0 : i64, kind = #tpu.reduction_kind<sum>} : vector<16xi1> -> vector<16xi32>
    %reduce_max3A_303 = arith.constant true
    %reduce_max3A_304 = vector.broadcast %reduce_max3A_303 : i1 to vector<16xi1>
    %reduce_max3A_305 = arith.constant -2147483648 : i32
    %reduce_max3A_306 = vector.broadcast %reduce_max3A_305 : i32 to vector<16xi32>
    %reduce_max3A_307 = arith.xori %all_reduce_population_count3A_302, %reduce_max3A_306 : vector<16xi32>
    %reduce_max3A_308 = tpu.scan <max>, %reduce_max3A_307 masked %reduce_max3A_304 : vector<16xi32>, vector<16xi1> -> vector<16xi32>
    %reduce_max3A_309 = arith.xori %reduce_max3A_308, %reduce_max3A_306 : vector<16xi32>
    %reduce_max3A_310 = vector.extract %reduce_max3A_309[15] : i32 from vector<16xi32>
    %sub3A_311 = arith.constant 1 : i32
    %sub3A_312 = arith.subi %reduce_max3A_310, %sub3A_311 : i32
    %add3A_313 = arith.constant 1 : i32
    %add3A_314 = arith.addi %sub3A_312, %add3A_313 : i32
    %iota3A_315 = tpu.iota {dimensions = array<i32: 0>} : vector<16xi32>
    %eq3A_316 = vector.broadcast %add3A_314 : i32 to vector<16xi32>
    %eq3A_317 = arith.cmpi eq, %iota3A_315, %eq3A_316 : vector<16xi32>
    %jit3A_318 = arith.constant 0 : i32
    %broadcast_in_dim3A_319 = vector.broadcast %jit3A_318 : i32 to vector<16xi32>
    %select_n3A_320 = arith.select %eq3A_317, %rev3A_299, %broadcast_in_dim3A_319 : vector<16xi1>, vector<16xi32>
    %reduce_sum3A_321 = arith.constant true
    %reduce_sum3A_322 = vector.broadcast %reduce_sum3A_321 : i1 to vector<16xi1>
    %reduce_sum3A_323 = tpu.scan <sum>, %select_n3A_320 masked %reduce_sum3A_322 : vector<16xi32>, vector<16xi1> -> vector<16xi32>
    %reduce_sum3A_324 = vector.extract %reduce_sum3A_323[15] : i32 from vector<16xi32>
    %mul3A_325 = arith.constant 16 : i32
    %mul3A_326 = vector.broadcast %mul3A_325 : i32 to vector<16xi32>
    %mul3A_327 = arith.muli %iota3A_278, %mul3A_326 : vector<16xi32>
    %add3A_328 = vector.broadcast %sub3A_312 : i32 to vector<16xi32>
    %add3A_329 = arith.addi %mul3A_327, %add3A_328 : vector<16xi32>
    %gather3A_330 = tpu.vector_load_idx %arg6[%add3A_329] : memref<4112xi32, #tpu.memory_space<vmem>>[vector<16xi32>], vector<16xi32>,
    %rev3A_331 = arith.constant 15 : i32
    %rev3A_332 = vector.broadcast %rev3A_331 : i32 to vector<16xi32>
    %rev3A_333 = tpu.iota {dimensions = array<i32: 0>} : vector<16xi32>
    %rev3A_334 = arith.subi %rev3A_332, %rev3A_333 : vector<16xi32>
    %rev3A_335 = tpu.dynamic_gather %gather3A_330[%rev3A_334] in [0] : vector<16xi32>, vector<16xi32> -> vector<16xi32>
    %broadcast_in_dim3A_336 = arith.constant true
    %broadcast_in_dim3A_337 = vector.broadcast %broadcast_in_dim3A_336 : i1 to vector<16xi1>
    %masked_cumsum3A_338 = tpu.scan <sum>, %rev3A_335 masked %broadcast_in_dim3A_337 : vector<16xi32>, vector<16xi1> -> vector<16xi32>
    %rev3A_339 = arith.constant 15 : i32
    %rev3A_340 = vector.broadcast %rev3A_339 : i32 to vector<16xi32>
    %rev3A_341 = tpu.iota {dimensions = array<i32: 0>} : vector<16xi32>
    %rev3A_342 = arith.subi %rev3A_340, %rev3A_341 : vector<16xi32>
    %rev3A_343 = tpu.dynamic_gather %masked_cumsum3A_338[%rev3A_342] in [0] : vector<16xi32>, vector<16xi32> -> vector<16xi32>
    %add3A_344 = vector.broadcast %reduce_sum3A_324 : i32 to vector<16xi32>
    %add3A_345 = arith.addi %add3A_344, %rev3A_343 : vector<16xi32>
    %ge3A_346 = vector.broadcast %sub3A_260 : i32 to vector<16xi32>
    %ge3A_347 = arith.cmpi sge, %add3A_345, %ge3A_346 : vector<16xi32>
    %all_reduce_population_count3A_348 = tpu.all_reduce %ge3A_347 {dim = 0 : i64, kind = #tpu.reduction_kind<sum>} : vector<16xi1> -> vector<16xi32>
    %reduce_max3A_349 = arith.constant true
    %reduce_max3A_350 = vector.broadcast %reduce_max3A_349 : i1 to vector<16xi1>
    %reduce_max3A_351 = arith.constant -2147483648 : i32
    %reduce_max3A_352 = vector.broadcast %reduce_max3A_351 : i32 to vector<16xi32>
    %reduce_max3A_353 = arith.xori %all_reduce_population_count3A_348, %reduce_max3A_352 : vector<16xi32>
    %reduce_max3A_354 = tpu.scan <max>, %reduce_max3A_353 masked %reduce_max3A_350 : vector<16xi32>, vector<16xi1> -> vector<16xi32>
    %reduce_max3A_355 = arith.xori %reduce_max3A_354, %reduce_max3A_352 : vector<16xi32>
    %reduce_max3A_356 = vector.extract %reduce_max3A_355[15] : i32 from vector<16xi32>
    %sub3A_357 = arith.constant 1 : i32
    %sub3A_358 = arith.subi %reduce_max3A_356, %sub3A_357 : i32
    %mul3A_359 = arith.constant 16 : i32
    %mul3A_360 = arith.muli %sub3A_312, %mul3A_359 : i32
    %add3A_361 = arith.addi %mul3A_360, %sub3A_358 : i32
    %add3A_362 = arith.constant 1 : i32
    %add3A_363 = arith.addi %sub3A_358, %add3A_362 : i32
    %iota3A_364 = tpu.iota {dimensions = array<i32: 0>} : vector<16xi32>
    %eq3A_365 = vector.broadcast %add3A_363 : i32 to vector<16xi32>
    %eq3A_366 = arith.cmpi eq, %iota3A_364, %eq3A_365 : vector<16xi32>
    %jit3A_367 = arith.constant 0 : i32
    %broadcast_in_dim3A_368 = vector.broadcast %jit3A_367 : i32 to vector<16xi32>
    %select_n3A_369 = arith.select %eq3A_366, %rev3A_343, %broadcast_in_dim3A_368 : vector<16xi1>, vector<16xi32>
    %reduce_sum3A_370 = arith.constant true
    %reduce_sum3A_371 = vector.broadcast %reduce_sum3A_370 : i1 to vector<16xi1>
    %reduce_sum3A_372 = tpu.scan <sum>, %select_n3A_369 masked %reduce_sum3A_371 : vector<16xi32>, vector<16xi1> -> vector<16xi32>
    %reduce_sum3A_373 = vector.extract %reduce_sum3A_372[15] : i32 from vector<16xi32>
    %add3A_374 = arith.addi %reduce_sum3A_324, %reduce_sum3A_373 : i32
    %sub3A_375 = arith.subi %sub3A_260, %add3A_374 : i32
    %shift_left3A_376 = arith.constant 8 : i32
    %shift_left3A_377 = arith.shli %or3A, %shift_left3A_376 : i32
    %or3A_378 = arith.ori %shift_left3A_377, %add3A_361 : i32
    %parallel_loop3A_379 = arith.constant 0 : i32
    %parallel_loop3A_380 = arith.constant 16 : i32
    %parallel_loop3A_381 = arith.constant 1 : i32
    scf.for %parallel_loop3A_1018 = %parallel_loop3A_379 to %parallel_loop3A_380 step %parallel_loop3A_381  : i32 {
      %parallel_loop3A_1019 = arith.constant 0 : i32
      %parallel_loop3A_1020 = vector.broadcast %parallel_loop3A_1019 : i32 to vector<16xi32>
      %parallel_loop3A_1021 = arith.constant 16 : i32
      %parallel_loop3A_1022 = arith.muli %parallel_loop3A_1018, %parallel_loop3A_1021 : i32
      %parallel_loop3A_1023 = arith.index_cast %parallel_loop3A_1022 : i32 to index
      %parallel_loop3A_1024 = tpu.vector_load %arg6[%parallel_loop3A_1023] {strides = array<i32>} : memref<4112xi32, #tpu.memory_space<vmem>>, vector<16xi32>,
      tpu.vector_store %arg6[%parallel_loop3A_1023], %parallel_loop3A_1020 {strides = array<i32>} : memref<4112xi32, #tpu.memory_space<vmem>>, vector<16xi32>,
    } {sc.loop_unroll_factor = 8 : i64, sc.parallel_access}
    %while3A_382 = arith.constant 0 : i32
    %while3A_383 = arith.constant 0 : i32
    %while3A_384 = arith.subi %shift_right_arithmetic3A_147, %while3A_382 : i32
    %while3A_385 = arith.addi %while3A_382, %while3A_384 : i32
    %while3A_386 = arith.constant 1 : i32
    %while3A_387 = arith.divsi %while3A_384, %while3A_386 : i32
    %while3A_388 = arith.muli %while3A_387, %while3A_386 : i32
    %while3A_389 = arith.addi %while3A_382, %while3A_388 : i32
    %while3A_390 = arith.constant 1 : i32
    %while3A_391 = scf.for %while3A_1018 = %while3A_382 to %while3A_389 step %while3A_390 iter_args(%while3A_1019 = %while3A_383) -> (i32)  : i32 {
      %mul3A_1020 = arith.constant 16 : i32
      %mul3A_1021 = arith.muli %while3A_1018, %mul3A_1020 : i32
      %get3A_1022 = arith.index_cast %mul3A_1021 : i32 to index
      %get3A_1023 = tpu.vector_load %arg7[%get3A_1022] {strides = array<i32>} : memref<16384xi32, #tpu.memory_space<vmem>>, vector<16xi32>,
      %mul3A_1024 = arith.constant 16 : i32
      %mul3A_1025 = arith.muli %while3A_1018, %mul3A_1024 : i32
      %add3A_1026 = vector.broadcast %mul3A_1025 : i32 to vector<16xi32>
      %add3A_1027 = arith.addi %add3A_1026, %iota3A : vector<16xi32>
      %lt3A = vector.broadcast %reduce_max3A_144 : i32 to vector<16xi32>
      %lt3A_1028 = arith.cmpi slt, %add3A_1027, %lt3A : vector<16xi32>
      %shift_right_arithmetic3A_1029 = arith.constant 8 : i32
      %shift_right_arithmetic3A_1030 = vector.broadcast %shift_right_arithmetic3A_1029 : i32 to vector<16xi32>
      %shift_right_arithmetic3A_1031 = arith.shrsi %get3A_1023, %shift_right_arithmetic3A_1030 : vector<16xi32>
      %eq3A_1032 = vector.broadcast %or3A_378 : i32 to vector<16xi32>
      %eq3A_1033 = arith.cmpi eq, %shift_right_arithmetic3A_1031, %eq3A_1032 : vector<16xi32>
      %and3A = arith.andi %eq3A_1033, %lt3A_1028 : vector<16xi1>
      %shift_right_arithmetic3A_1034 = arith.constant 0 : i32
      %shift_right_arithmetic3A_1035 = vector.broadcast %shift_right_arithmetic3A_1034 : i32 to vector<16xi32>
      %shift_right_arithmetic3A_1036 = arith.shrsi %get3A_1023, %shift_right_arithmetic3A_1035 : vector<16xi32>
      %and3A_1037 = arith.constant 255 : i32
      %and3A_1038 = vector.broadcast %and3A_1037 : i32 to vector<16xi32>
      %and3A_1039 = arith.andi %shift_right_arithmetic3A_1036, %and3A_1038 : vector<16xi32>
      %and3A_1040 = arith.constant 15 : i32
      %and3A_1041 = vector.broadcast %and3A_1040 : i32 to vector<16xi32>
      %and3A_1042 = arith.andi %and3A_1039, %and3A_1041 : vector<16xi32>
      %shift_left3A_1043 = arith.constant 4 : i32
      %shift_left3A_1044 = vector.broadcast %shift_left3A_1043 : i32 to vector<16xi32>
      %shift_left3A_1045 = arith.shli %and3A_1042, %shift_left3A_1044 : vector<16xi32>
      %shift_right_arithmetic3A_1046 = arith.constant 4 : i32
      %shift_right_arithmetic3A_1047 = vector.broadcast %shift_right_arithmetic3A_1046 : i32 to vector<16xi32>
      %shift_right_arithmetic3A_1048 = arith.shrsi %and3A_1039, %shift_right_arithmetic3A_1047 : vector<16xi32>
      %or3A_1049 = arith.ori %shift_left3A_1045, %shift_right_arithmetic3A_1048 : vector<16xi32>
      tpu.vector_store_idx %arg6[%or3A_1049], %broadcast_in_dim3A_1 masked %and3A {add = true} : memref<4112xi32, #tpu.memory_space<vmem>>[vector<16xi32>], vector<16xi32>, vector<16xi1>
      %while3A_1050 = arith.constant 0 : i32
      scf.yield %while3A_1050 : i32
    }
    %while3A_392 = arith.constant 1 : i32
    %while3A_393 = scf.for %while3A_1018 = %while3A_389 to %while3A_385 step %while3A_392 iter_args(%while3A_1019 = %while3A_391) -> (i32)  : i32 {
      %mul3A_1020 = arith.constant 16 : i32
      %mul3A_1021 = arith.muli %while3A_1018, %mul3A_1020 : i32
      %get3A_1022 = arith.index_cast %mul3A_1021 : i32 to index
      %get3A_1023 = tpu.vector_load %arg7[%get3A_1022] {strides = array<i32>} : memref<16384xi32, #tpu.memory_space<vmem>>, vector<16xi32>,
      %mul3A_1024 = arith.constant 16 : i32
      %mul3A_1025 = arith.muli %while3A_1018, %mul3A_1024 : i32
      %add3A_1026 = vector.broadcast %mul3A_1025 : i32 to vector<16xi32>
      %add3A_1027 = arith.addi %add3A_1026, %iota3A : vector<16xi32>
      %lt3A = vector.broadcast %reduce_max3A_144 : i32 to vector<16xi32>
      %lt3A_1028 = arith.cmpi slt, %add3A_1027, %lt3A : vector<16xi32>
      %shift_right_arithmetic3A_1029 = arith.constant 8 : i32
      %shift_right_arithmetic3A_1030 = vector.broadcast %shift_right_arithmetic3A_1029 : i32 to vector<16xi32>
      %shift_right_arithmetic3A_1031 = arith.shrsi %get3A_1023, %shift_right_arithmetic3A_1030 : vector<16xi32>
      %eq3A_1032 = vector.broadcast %or3A_378 : i32 to vector<16xi32>
      %eq3A_1033 = arith.cmpi eq, %shift_right_arithmetic3A_1031, %eq3A_1032 : vector<16xi32>
      %and3A = arith.andi %eq3A_1033, %lt3A_1028 : vector<16xi1>
      %shift_right_arithmetic3A_1034 = arith.constant 0 : i32
      %shift_right_arithmetic3A_1035 = vector.broadcast %shift_right_arithmetic3A_1034 : i32 to vector<16xi32>
      %shift_right_arithmetic3A_1036 = arith.shrsi %get3A_1023, %shift_right_arithmetic3A_1035 : vector<16xi32>
      %and3A_1037 = arith.constant 255 : i32
      %and3A_1038 = vector.broadcast %and3A_1037 : i32 to vector<16xi32>
      %and3A_1039 = arith.andi %shift_right_arithmetic3A_1036, %and3A_1038 : vector<16xi32>
      %and3A_1040 = arith.constant 15 : i32
      %and3A_1041 = vector.broadcast %and3A_1040 : i32 to vector<16xi32>
      %and3A_1042 = arith.andi %and3A_1039, %and3A_1041 : vector<16xi32>
      %shift_left3A_1043 = arith.constant 4 : i32
      %shift_left3A_1044 = vector.broadcast %shift_left3A_1043 : i32 to vector<16xi32>
      %shift_left3A_1045 = arith.shli %and3A_1042, %shift_left3A_1044 : vector<16xi32>
      %shift_right_arithmetic3A_1046 = arith.constant 4 : i32
      %shift_right_arithmetic3A_1047 = vector.broadcast %shift_right_arithmetic3A_1046 : i32 to vector<16xi32>
      %shift_right_arithmetic3A_1048 = arith.shrsi %and3A_1039, %shift_right_arithmetic3A_1047 : vector<16xi32>
      %or3A_1049 = arith.ori %shift_left3A_1045, %shift_right_arithmetic3A_1048 : vector<16xi32>
      tpu.vector_store_idx %arg6[%or3A_1049], %broadcast_in_dim3A_1 masked %and3A {add = true} : memref<4112xi32, #tpu.memory_space<vmem>>[vector<16xi32>], vector<16xi32>, vector<16xi1>
      %while3A_1050 = arith.constant 0 : i32
      scf.yield %while3A_1050 : i32
    }
    %iota3A_394 = tpu.iota {dimensions = array<i32: 0>} : vector<16xi32>
    %broadcast_in_dim3A_395 = arith.constant 0 : i32
    %broadcast_in_dim3A_396 = vector.broadcast %broadcast_in_dim3A_395 : i32 to vector<16xi32>
    %scan3A_397 = arith.constant 0 : i32
    %scan3A_398 = arith.constant 16 : i32
    %scan3A_399 = arith.addi %scan3A_397, %scan3A_398 : i32
    %scan3A_400 = arith.constant 4 : i32
    %scan3A_401 = scf.for %scan3A_1018 = %scan3A_397 to %scan3A_399 step %scan3A_400 iter_args(%scan3A_1019 = %broadcast_in_dim3A_396) -> (vector<16xi32>)  : i32 {
      %mul3A_1020 = arith.constant 16 : i32
      %mul3A_1021 = arith.muli %scan3A_1018, %mul3A_1020 : i32
      %get3A_1022 = arith.index_cast %mul3A_1021 : i32 to index
      %get3A_1023 = tpu.vector_load %arg6[%get3A_1022] {strides = array<i32>} : memref<4112xi32, #tpu.memory_space<vmem>>, vector<16xi32>,
      %add3A_1024 = arith.addi %scan3A_1019, %get3A_1023 : vector<16xi32>
      %scan3A_1025 = arith.constant 1 : i32
      %scan3A_1026 = arith.addi %scan3A_1018, %scan3A_1025 : i32
      %mul3A_1027 = arith.constant 16 : i32
      %mul3A_1028 = arith.muli %scan3A_1026, %mul3A_1027 : i32
      %get3A_1029 = arith.index_cast %mul3A_1028 : i32 to index
      %get3A_1030 = tpu.vector_load %arg6[%get3A_1029] {strides = array<i32>} : memref<4112xi32, #tpu.memory_space<vmem>>, vector<16xi32>,
      %add3A_1031 = arith.addi %add3A_1024, %get3A_1030 : vector<16xi32>
      %scan3A_1032 = arith.constant 2 : i32
      %scan3A_1033 = arith.addi %scan3A_1018, %scan3A_1032 : i32
      %mul3A_1034 = arith.constant 16 : i32
      %mul3A_1035 = arith.muli %scan3A_1033, %mul3A_1034 : i32
      %get3A_1036 = arith.index_cast %mul3A_1035 : i32 to index
      %get3A_1037 = tpu.vector_load %arg6[%get3A_1036] {strides = array<i32>} : memref<4112xi32, #tpu.memory_space<vmem>>, vector<16xi32>,
      %add3A_1038 = arith.addi %add3A_1031, %get3A_1037 : vector<16xi32>
      %scan3A_1039 = arith.constant 3 : i32
      %scan3A_1040 = arith.addi %scan3A_1018, %scan3A_1039 : i32
      %mul3A_1041 = arith.constant 16 : i32
      %mul3A_1042 = arith.muli %scan3A_1040, %mul3A_1041 : i32
      %get3A_1043 = arith.index_cast %mul3A_1042 : i32 to index
      %get3A_1044 = tpu.vector_load %arg6[%get3A_1043] {strides = array<i32>} : memref<4112xi32, #tpu.memory_space<vmem>>, vector<16xi32>,
      %add3A_1045 = arith.addi %add3A_1038, %get3A_1044 : vector<16xi32>
      scf.yield %add3A_1045 : vector<16xi32>
    }
    %scan3A_402 = arith.constant 16 : i32
    %rev3A_403 = arith.constant 15 : i32
    %rev3A_404 = vector.broadcast %rev3A_403 : i32 to vector<16xi32>
    %rev3A_405 = tpu.iota {dimensions = array<i32: 0>} : vector<16xi32>
    %rev3A_406 = arith.subi %rev3A_404, %rev3A_405 : vector<16xi32>
    %rev3A_407 = tpu.dynamic_gather %scan3A_401[%rev3A_406] in [0] : vector<16xi32>, vector<16xi32> -> vector<16xi32>
    %broadcast_in_dim3A_408 = arith.constant true
    %broadcast_in_dim3A_409 = vector.broadcast %broadcast_in_dim3A_408 : i1 to vector<16xi1>
    %masked_cumsum3A_410 = tpu.scan <sum>, %rev3A_407 masked %broadcast_in_dim3A_409 : vector<16xi32>, vector<16xi1> -> vector<16xi32>
    %rev3A_411 = arith.constant 15 : i32
    %rev3A_412 = vector.broadcast %rev3A_411 : i32 to vector<16xi32>
    %rev3A_413 = tpu.iota {dimensions = array<i32: 0>} : vector<16xi32>
    %rev3A_414 = arith.subi %rev3A_412, %rev3A_413 : vector<16xi32>
    %rev3A_415 = tpu.dynamic_gather %masked_cumsum3A_410[%rev3A_414] in [0] : vector<16xi32>, vector<16xi32> -> vector<16xi32>
    %ge3A_416 = vector.broadcast %sub3A_375 : i32 to vector<16xi32>
    %ge3A_417 = arith.cmpi sge, %rev3A_415, %ge3A_416 : vector<16xi32>
    %all_reduce_population_count3A_418 = tpu.all_reduce %ge3A_417 {dim = 0 : i64, kind = #tpu.reduction_kind<sum>} : vector<16xi1> -> vector<16xi32>
    %reduce_max3A_419 = arith.constant true
    %reduce_max3A_420 = vector.broadcast %reduce_max3A_419 : i1 to vector<16xi1>
    %reduce_max3A_421 = arith.constant -2147483648 : i32
    %reduce_max3A_422 = vector.broadcast %reduce_max3A_421 : i32 to vector<16xi32>
    %reduce_max3A_423 = arith.xori %all_reduce_population_count3A_418, %reduce_max3A_422 : vector<16xi32>
    %reduce_max3A_424 = tpu.scan <max>, %reduce_max3A_423 masked %reduce_max3A_420 : vector<16xi32>, vector<16xi1> -> vector<16xi32>
    %reduce_max3A_425 = arith.xori %reduce_max3A_424, %reduce_max3A_422 : vector<16xi32>
    %reduce_max3A_426 = vector.extract %reduce_max3A_425[15] : i32 from vector<16xi32>
    %sub3A_427 = arith.constant 1 : i32
    %sub3A_428 = arith.subi %reduce_max3A_426, %sub3A_427 : i32
    %add3A_429 = arith.constant 1 : i32
    %add3A_430 = arith.addi %sub3A_428, %add3A_429 : i32
    %iota3A_431 = tpu.iota {dimensions = array<i32: 0>} : vector<16xi32>
    %eq3A_432 = vector.broadcast %add3A_430 : i32 to vector<16xi32>
    %eq3A_433 = arith.cmpi eq, %iota3A_431, %eq3A_432 : vector<16xi32>
    %jit3A_434 = arith.constant 0 : i32
    %broadcast_in_dim3A_435 = vector.broadcast %jit3A_434 : i32 to vector<16xi32>
    %select_n3A_436 = arith.select %eq3A_433, %rev3A_415, %broadcast_in_dim3A_435 : vector<16xi1>, vector<16xi32>
    %reduce_sum3A_437 = arith.constant true
    %reduce_sum3A_438 = vector.broadcast %reduce_sum3A_437 : i1 to vector<16xi1>
    %reduce_sum3A_439 = tpu.scan <sum>, %select_n3A_436 masked %reduce_sum3A_438 : vector<16xi32>, vector<16xi1> -> vector<16xi32>
    %reduce_sum3A_440 = vector.extract %reduce_sum3A_439[15] : i32 from vector<16xi32>
    %mul3A_441 = arith.constant 16 : i32
    %mul3A_442 = vector.broadcast %mul3A_441 : i32 to vector<16xi32>
    %mul3A_443 = arith.muli %iota3A_394, %mul3A_442 : vector<16xi32>
    %add3A_444 = vector.broadcast %sub3A_428 : i32 to vector<16xi32>
    %add3A_445 = arith.addi %mul3A_443, %add3A_444 : vector<16xi32>
    %gather3A_446 = tpu.vector_load_idx %arg6[%add3A_445] : memref<4112xi32, #tpu.memory_space<vmem>>[vector<16xi32>], vector<16xi32>,
    %rev3A_447 = arith.constant 15 : i32
    %rev3A_448 = vector.broadcast %rev3A_447 : i32 to vector<16xi32>
    %rev3A_449 = tpu.iota {dimensions = array<i32: 0>} : vector<16xi32>
    %rev3A_450 = arith.subi %rev3A_448, %rev3A_449 : vector<16xi32>
    %rev3A_451 = tpu.dynamic_gather %gather3A_446[%rev3A_450] in [0] : vector<16xi32>, vector<16xi32> -> vector<16xi32>
    %broadcast_in_dim3A_452 = arith.constant true
    %broadcast_in_dim3A_453 = vector.broadcast %broadcast_in_dim3A_452 : i1 to vector<16xi1>
    %masked_cumsum3A_454 = tpu.scan <sum>, %rev3A_451 masked %broadcast_in_dim3A_453 : vector<16xi32>, vector<16xi1> -> vector<16xi32>
    %rev3A_455 = arith.constant 15 : i32
    %rev3A_456 = vector.broadcast %rev3A_455 : i32 to vector<16xi32>
    %rev3A_457 = tpu.iota {dimensions = array<i32: 0>} : vector<16xi32>
    %rev3A_458 = arith.subi %rev3A_456, %rev3A_457 : vector<16xi32>
    %rev3A_459 = tpu.dynamic_gather %masked_cumsum3A_454[%rev3A_458] in [0] : vector<16xi32>, vector<16xi32> -> vector<16xi32>
    %add3A_460 = vector.broadcast %reduce_sum3A_440 : i32 to vector<16xi32>
    %add3A_461 = arith.addi %add3A_460, %rev3A_459 : vector<16xi32>
    %ge3A_462 = vector.broadcast %sub3A_375 : i32 to vector<16xi32>
    %ge3A_463 = arith.cmpi sge, %add3A_461, %ge3A_462 : vector<16xi32>
    %all_reduce_population_count3A_464 = tpu.all_reduce %ge3A_463 {dim = 0 : i64, kind = #tpu.reduction_kind<sum>} : vector<16xi1> -> vector<16xi32>
    %reduce_max3A_465 = arith.constant true
    %reduce_max3A_466 = vector.broadcast %reduce_max3A_465 : i1 to vector<16xi1>
    %reduce_max3A_467 = arith.constant -2147483648 : i32
    %reduce_max3A_468 = vector.broadcast %reduce_max3A_467 : i32 to vector<16xi32>
    %reduce_max3A_469 = arith.xori %all_reduce_population_count3A_464, %reduce_max3A_468 : vector<16xi32>
    %reduce_max3A_470 = tpu.scan <max>, %reduce_max3A_469 masked %reduce_max3A_466 : vector<16xi32>, vector<16xi1> -> vector<16xi32>
    %reduce_max3A_471 = arith.xori %reduce_max3A_470, %reduce_max3A_468 : vector<16xi32>
    %reduce_max3A_472 = vector.extract %reduce_max3A_471[15] : i32 from vector<16xi32>
    %sub3A_473 = arith.constant 1 : i32
    %sub3A_474 = arith.subi %reduce_max3A_472, %sub3A_473 : i32
    %mul3A_475 = arith.constant 16 : i32
    %mul3A_476 = arith.muli %sub3A_428, %mul3A_475 : i32
    %add3A_477 = arith.addi %mul3A_476, %sub3A_474 : i32
    %add3A_478 = arith.constant 1 : i32
    %add3A_479 = arith.addi %sub3A_474, %add3A_478 : i32
    %iota3A_480 = tpu.iota {dimensions = array<i32: 0>} : vector<16xi32>
    %eq3A_481 = vector.broadcast %add3A_479 : i32 to vector<16xi32>
    %eq3A_482 = arith.cmpi eq, %iota3A_480, %eq3A_481 : vector<16xi32>
    %jit3A_483 = arith.constant 0 : i32
    %broadcast_in_dim3A_484 = vector.broadcast %jit3A_483 : i32 to vector<16xi32>
    %select_n3A_485 = arith.select %eq3A_482, %rev3A_459, %broadcast_in_dim3A_484 : vector<16xi1>, vector<16xi32>
    %reduce_sum3A_486 = arith.constant true
    %reduce_sum3A_487 = vector.broadcast %reduce_sum3A_486 : i1 to vector<16xi1>
    %reduce_sum3A_488 = tpu.scan <sum>, %select_n3A_485 masked %reduce_sum3A_487 : vector<16xi32>, vector<16xi1> -> vector<16xi32>
    %reduce_sum3A_489 = vector.extract %reduce_sum3A_488[15] : i32 from vector<16xi32>
    %add3A_490 = arith.addi %reduce_sum3A_440, %reduce_sum3A_489 : i32
    %sub3A_491 = arith.subi %sub3A_375, %add3A_490 : i32
    %shift_left3A_492 = arith.constant 8 : i32
    %shift_left3A_493 = arith.shli %or3A_378, %shift_left3A_492 : i32
    %or3A_494 = arith.ori %shift_left3A_493, %add3A_477 : i32
    %parallel_loop3A_495 = arith.constant 0 : i32
    %parallel_loop3A_496 = arith.constant 2048 : i32
    %parallel_loop3A_497 = arith.constant 1 : i32
    scf.for %parallel_loop3A_1018 = %parallel_loop3A_495 to %parallel_loop3A_496 step %parallel_loop3A_497  : i32 {
      %parallel_loop3A_1019 = arith.constant 16 : i32
      %parallel_loop3A_1020 = arith.muli %parallel_loop3A_1018, %parallel_loop3A_1019 : i32
      %parallel_loop3A_1021 = arith.index_cast %parallel_loop3A_1020 : i32 to index
      %parallel_loop3A_1022 = tpu.vector_load %arg4[%parallel_loop3A_1021] {strides = array<i32>} : memref<32768xi32, #tpu.memory_space<vmem>>, vector<16xi32>,
      %parallel_loop3A_1023 = arith.constant 0 : i32
      %parallel_loop3A_1024 = vector.broadcast %parallel_loop3A_1023 : i32 to vector<16xi32>
      %parallel_loop3A_1025 = arith.cmpi sge, %parallel_loop3A_1022, %parallel_loop3A_1024 : vector<16xi32>
      %parallel_loop3A_1026 = arith.constant 2147483647 : i32
      %parallel_loop3A_1027 = vector.broadcast %parallel_loop3A_1026 : i32 to vector<16xi32>
      %parallel_loop3A_1028 = arith.xori %parallel_loop3A_1022, %parallel_loop3A_1027 : vector<16xi32>
      %parallel_loop3A_1029 = arith.select %parallel_loop3A_1025, %parallel_loop3A_1022, %parallel_loop3A_1028 : vector<16xi1>, vector<16xi32>
      %parallel_loop3A_1030 = vector.broadcast %or3A_494 : i32 to vector<16xi32>
      %parallel_loop3A_1031 = arith.cmpi sge, %parallel_loop3A_1029, %parallel_loop3A_1030 : vector<16xi32>
      %parallel_loop3A_1032 = arith.select %parallel_loop3A_1031, %broadcast_in_dim3A_3, %broadcast_in_dim3A_5 : vector<16xi1>, vector<16xf32>
      %parallel_loop3A_1033 = arith.constant 16 : i32
      %parallel_loop3A_1034 = arith.muli %parallel_loop3A_1018, %parallel_loop3A_1033 : i32
      %parallel_loop3A_1035 = arith.index_cast %parallel_loop3A_1034 : i32 to index
      %parallel_loop3A_1036 = tpu.vector_load %arg5[%parallel_loop3A_1035] {strides = array<i32>} : memref<32768xf32, #tpu.memory_space<vmem>>, vector<16xf32>,
      tpu.vector_store %arg5[%parallel_loop3A_1035], %parallel_loop3A_1032 {strides = array<i32>} : memref<32768xf32, #tpu.memory_space<vmem>>, vector<16xf32>,
    } {sc.loop_unroll_factor = 8 : i64, sc.parallel_access}
    %dma_start3A_498 = arith.constant 0 : i32
    %dma_start3A_499 = tpu.memref_slice %arg3[%add3A_14, %dma_start3A_498] : memref<64x32768xf32, #tpu.memory_space<hbm>> -> memref<1x32768xf32, #tpu.memory_space<hbm>>
    %dma_start3A_500 = tpu.memref_squeeze %dma_start3A_499 : memref<1x32768xf32, #tpu.memory_space<hbm>> -> memref<32768xf32, #tpu.memory_space<hbm>>
    %dma_start3A_501 = arith.constant 0 : i32
    %dma_start3A_502 = tpu.memref_slice %arg3[%add3A_14, %dma_start3A_501] : memref<64x32768xf32, #tpu.memory_space<hbm>> -> memref<1x32768xf32, #tpu.memory_space<hbm>>
    %dma_start3A_503 = tpu.memref_squeeze %dma_start3A_502 : memref<1x32768xf32, #tpu.memory_space<hbm>> -> memref<32768xf32, #tpu.memory_space<hbm>>
    tpu.enqueue_dma source(%arg5 : memref<32768xf32, #tpu.memory_space<vmem>>) target(%dma_start3A_503 : memref<32768xf32, #tpu.memory_space<hbm>>) target_semaphore(%arg10 : memref<!tpu.dma_semaphore, #tpu.memory_space<semaphore_mem>>)
    %add3A_504 = arith.constant 1 : i32
    %add3A_505 = arith.addi %mul3A_7, %add3A_504 : i32
    %dma_wait3A_506 = arith.constant 0 : i32
    %dma_wait3A_507 = tpu.memref_slice %arg2[%add3A_21, %dma_wait3A_506] : memref<64x32768xi32, #tpu.memory_space<hbm>> -> memref<1x32768xi32, #tpu.memory_space<hbm>>
    %dma_wait3A_508 = tpu.memref_squeeze %dma_wait3A_507 : memref<1x32768xi32, #tpu.memory_space<hbm>> -> memref<32768xi32, #tpu.memory_space<hbm>>
    %dma_wait3A_509 = arith.constant 0 : i32
    %dma_wait3A_510 = tpu.memref_slice %arg2[%add3A_21, %dma_wait3A_509] : memref<64x32768xi32, #tpu.memory_space<hbm>> -> memref<1x32768xi32, #tpu.memory_space<hbm>>
    %dma_wait3A_511 = tpu.memref_squeeze %dma_wait3A_510 : memref<1x32768xi32, #tpu.memory_space<hbm>> -> memref<32768xi32, #tpu.memory_space<hbm>>
    tpu.wait_dma2 semaphore(%arg9 : memref<!tpu.dma_semaphore, #tpu.memory_space<semaphore_mem>>) src(%dma_wait3A_511 : memref<32768xi32, #tpu.memory_space<hbm>>) dst(%arg8 : memref<32768xi32, #tpu.memory_space<vmem>>)
    %parallel_loop3A_512 = arith.constant 0 : i32
    %parallel_loop3A_513 = arith.constant 256 : i32
    %parallel_loop3A_514 = arith.constant 1 : i32
    scf.for %parallel_loop3A_1018 = %parallel_loop3A_512 to %parallel_loop3A_513 step %parallel_loop3A_514  : i32 {
      %parallel_loop3A_1019 = arith.constant 0 : i32
      %parallel_loop3A_1020 = vector.broadcast %parallel_loop3A_1019 : i32 to vector<16xi32>
      %parallel_loop3A_1021 = arith.constant 16 : i32
      %parallel_loop3A_1022 = arith.muli %parallel_loop3A_1018, %parallel_loop3A_1021 : i32
      %parallel_loop3A_1023 = arith.index_cast %parallel_loop3A_1022 : i32 to index
      %parallel_loop3A_1024 = tpu.vector_load %arg6[%parallel_loop3A_1023] {strides = array<i32>} : memref<4112xi32, #tpu.memory_space<vmem>>, vector<16xi32>,
      tpu.vector_store %arg6[%parallel_loop3A_1023], %parallel_loop3A_1020 {strides = array<i32>} : memref<4112xi32, #tpu.memory_space<vmem>>, vector<16xi32>,
    } {sc.loop_unroll_factor = 8 : i64, sc.parallel_access}
    %parallel_loop3A_515 = arith.constant 0 : i32
    %parallel_loop3A_516 = arith.constant 2048 : i32
    %parallel_loop3A_517 = arith.constant 1 : i32
    scf.for %parallel_loop3A_1018 = %parallel_loop3A_515 to %parallel_loop3A_516 step %parallel_loop3A_517  : i32 {
      %parallel_loop3A_1019 = arith.constant 16 : i32
      %parallel_loop3A_1020 = arith.muli %parallel_loop3A_1018, %parallel_loop3A_1019 : i32
      %parallel_loop3A_1021 = arith.index_cast %parallel_loop3A_1020 : i32 to index
      %parallel_loop3A_1022 = tpu.vector_load %arg8[%parallel_loop3A_1021] {strides = array<i32>} : memref<32768xi32, #tpu.memory_space<vmem>>, vector<16xi32>,
      %parallel_loop3A_1023 = arith.constant 0 : i32
      %parallel_loop3A_1024 = vector.broadcast %parallel_loop3A_1023 : i32 to vector<16xi32>
      %parallel_loop3A_1025 = arith.cmpi sge, %parallel_loop3A_1022, %parallel_loop3A_1024 : vector<16xi32>
      %parallel_loop3A_1026 = arith.constant 2147483647 : i32
      %parallel_loop3A_1027 = vector.broadcast %parallel_loop3A_1026 : i32 to vector<16xi32>
      %parallel_loop3A_1028 = arith.xori %parallel_loop3A_1022, %parallel_loop3A_1027 : vector<16xi32>
      %parallel_loop3A_1029 = arith.select %parallel_loop3A_1025, %parallel_loop3A_1022, %parallel_loop3A_1028 : vector<16xi1>, vector<16xi32>
      %parallel_loop3A_1030 = arith.constant 24 : i32
      %parallel_loop3A_1031 = vector.broadcast %parallel_loop3A_1030 : i32 to vector<16xi32>
      %parallel_loop3A_1032 = arith.shrsi %parallel_loop3A_1029, %parallel_loop3A_1031 : vector<16xi32>
      %parallel_loop3A_1033 = arith.constant 128 : i32
      %parallel_loop3A_1034 = vector.broadcast %parallel_loop3A_1033 : i32 to vector<16xi32>
      %parallel_loop3A_1035 = arith.addi %parallel_loop3A_1032, %parallel_loop3A_1034 : vector<16xi32>
      %parallel_loop3A_1036 = arith.constant 16 : i32
      %parallel_loop3A_1037 = vector.broadcast %parallel_loop3A_1036 : i32 to vector<16xi32>
      %parallel_loop3A_1038 = arith.muli %parallel_loop3A_1035, %parallel_loop3A_1037 : vector<16xi32>
      %parallel_loop3A_1039 = arith.addi %parallel_loop3A_1038, %iota3A : vector<16xi32>
      tpu.vector_store_idx %arg6[%parallel_loop3A_1039], %broadcast_in_dim3A_1 {add = true} : memref<4112xi32, #tpu.memory_space<vmem>>[vector<16xi32>], vector<16xi32>,
    } {sc.loop_unroll_factor = 8 : i64, sc.parallel_access}
    %iota3A_518 = tpu.iota {dimensions = array<i32: 0>} : vector<16xi32>
    %parallel_loop3A_519 = arith.constant 0 : i32
    %parallel_loop3A_520 = arith.constant 16 : i32
    %parallel_loop3A_521 = arith.constant 1 : i32
    scf.for %parallel_loop3A_1018 = %parallel_loop3A_519 to %parallel_loop3A_520 step %parallel_loop3A_521  : i32 {
      %parallel_loop3A_1019 = arith.constant 0 : i32
      %parallel_loop3A_1020 = vector.broadcast %parallel_loop3A_1019 : i32 to vector<16xi32>
      %parallel_loop3A_1021 = arith.constant 0 : i32
      %parallel_loop3A_1022 = arith.constant 16 : i32
      %parallel_loop3A_1023 = arith.addi %parallel_loop3A_1021, %parallel_loop3A_1022 : i32
      %parallel_loop3A_1024 = arith.constant 4 : i32
      %parallel_loop3A_1025 = scf.for %scan3A_1042 = %parallel_loop3A_1021 to %parallel_loop3A_1023 step %parallel_loop3A_1024 iter_args(%scan3A_1043 = %parallel_loop3A_1020) -> (vector<16xi32>)  : i32 {
        %parallel_loop3A_1044 = arith.constant 256 : i32
        %parallel_loop3A_1045 = arith.muli %parallel_loop3A_1018, %parallel_loop3A_1044 : i32
        %parallel_loop3A_1046 = arith.constant 16 : i32
        %parallel_loop3A_1047 = arith.muli %scan3A_1042, %parallel_loop3A_1046 : i32
        %parallel_loop3A_1048 = arith.addi %parallel_loop3A_1045, %parallel_loop3A_1047 : i32
        %parallel_loop3A_1049 = arith.index_cast %parallel_loop3A_1048 : i32 to index
        %parallel_loop3A_1050 = tpu.vector_load %arg6[%parallel_loop3A_1049] {strides = array<i32>} : memref<4112xi32, #tpu.memory_space<vmem>>, vector<16xi32>,
        %parallel_loop3A_1051 = arith.addi %scan3A_1043, %parallel_loop3A_1050 : vector<16xi32>
        %parallel_loop3A_1052 = arith.constant 1 : i32
        %parallel_loop3A_1053 = arith.addi %scan3A_1042, %parallel_loop3A_1052 : i32
        %parallel_loop3A_1054 = arith.constant 256 : i32
        %parallel_loop3A_1055 = arith.muli %parallel_loop3A_1018, %parallel_loop3A_1054 : i32
        %parallel_loop3A_1056 = arith.constant 16 : i32
        %parallel_loop3A_1057 = arith.muli %parallel_loop3A_1053, %parallel_loop3A_1056 : i32
        %parallel_loop3A_1058 = arith.addi %parallel_loop3A_1055, %parallel_loop3A_1057 : i32
        %parallel_loop3A_1059 = arith.index_cast %parallel_loop3A_1058 : i32 to index
        %parallel_loop3A_1060 = tpu.vector_load %arg6[%parallel_loop3A_1059] {strides = array<i32>} : memref<4112xi32, #tpu.memory_space<vmem>>, vector<16xi32>,
        %parallel_loop3A_1061 = arith.addi %parallel_loop3A_1051, %parallel_loop3A_1060 : vector<16xi32>
        %parallel_loop3A_1062 = arith.constant 2 : i32
        %parallel_loop3A_1063 = arith.addi %scan3A_1042, %parallel_loop3A_1062 : i32
        %parallel_loop3A_1064 = arith.constant 256 : i32
        %parallel_loop3A_1065 = arith.muli %parallel_loop3A_1018, %parallel_loop3A_1064 : i32
        %parallel_loop3A_1066 = arith.constant 16 : i32
        %parallel_loop3A_1067 = arith.muli %parallel_loop3A_1063, %parallel_loop3A_1066 : i32
        %parallel_loop3A_1068 = arith.addi %parallel_loop3A_1065, %parallel_loop3A_1067 : i32
        %parallel_loop3A_1069 = arith.index_cast %parallel_loop3A_1068 : i32 to index
        %parallel_loop3A_1070 = tpu.vector_load %arg6[%parallel_loop3A_1069] {strides = array<i32>} : memref<4112xi32, #tpu.memory_space<vmem>>, vector<16xi32>,
        %parallel_loop3A_1071 = arith.addi %parallel_loop3A_1061, %parallel_loop3A_1070 : vector<16xi32>
        %parallel_loop3A_1072 = arith.constant 3 : i32
        %parallel_loop3A_1073 = arith.addi %scan3A_1042, %parallel_loop3A_1072 : i32
        %parallel_loop3A_1074 = arith.constant 256 : i32
        %parallel_loop3A_1075 = arith.muli %parallel_loop3A_1018, %parallel_loop3A_1074 : i32
        %parallel_loop3A_1076 = arith.constant 16 : i32
        %parallel_loop3A_1077 = arith.muli %parallel_loop3A_1073, %parallel_loop3A_1076 : i32
        %parallel_loop3A_1078 = arith.addi %parallel_loop3A_1075, %parallel_loop3A_1077 : i32
        %parallel_loop3A_1079 = arith.index_cast %parallel_loop3A_1078 : i32 to index
        %parallel_loop3A_1080 = tpu.vector_load %arg6[%parallel_loop3A_1079] {strides = array<i32>} : memref<4112xi32, #tpu.memory_space<vmem>>, vector<16xi32>,
        %parallel_loop3A_1081 = arith.addi %parallel_loop3A_1071, %parallel_loop3A_1080 : vector<16xi32>
        scf.yield %parallel_loop3A_1081 : vector<16xi32>
      }
      %parallel_loop3A_1026 = arith.constant 16 : i32
      %parallel_loop3A_1027 = arith.constant true
      %parallel_loop3A_1028 = vector.broadcast %parallel_loop3A_1027 : i1 to vector<16xi1>
      %parallel_loop3A_1029 = tpu.scan <sum>, %parallel_loop3A_1025 masked %parallel_loop3A_1028 : vector<16xi32>, vector<16xi1> -> vector<16xi32>
      %parallel_loop3A_1030 = vector.extract %parallel_loop3A_1029[15] : i32 from vector<16xi32>
      %parallel_loop3A_1031 = arith.constant 4096 : i32
      %parallel_loop3A_1032 = vector.broadcast %parallel_loop3A_1031 : i32 to vector<16xi32>
      %parallel_loop3A_1033 = vector.broadcast %parallel_loop3A_1018 : i32 to vector<16xi32>
      %parallel_loop3A_1034 = arith.addi %parallel_loop3A_1032, %parallel_loop3A_1033 : vector<16xi32>
      %parallel_loop3A_1035 = arith.constant 1 : i32
      %parallel_loop3A_1036 = vector.broadcast %parallel_loop3A_1035 : i32 to vector<16xi32>
      %parallel_loop3A_1037 = vector.broadcast %parallel_loop3A_1030 : i32 to vector<16xi32>
      %parallel_loop3A_1038 = arith.muli %parallel_loop3A_1036, %parallel_loop3A_1037 : vector<16xi32>
      %parallel_loop3A_1039 = arith.constant 0 : i32
      %parallel_loop3A_1040 = vector.broadcast %parallel_loop3A_1039 : i32 to vector<16xi32>
      %parallel_loop3A_1041 = arith.cmpi eq, %iota3A_518, %parallel_loop3A_1040 : vector<16xi32>
      tpu.vector_store_idx %arg6[%parallel_loop3A_1034], %parallel_loop3A_1038 masked %parallel_loop3A_1041 : memref<4112xi32, #tpu.memory_space<vmem>>[vector<16xi32>], vector<16xi32>, vector<16xi1>
    } {sc.loop_unroll_factor = 1 : i64, sc.parallel_access}
    %get3A_522 = arith.constant 4096 : index
    %get3A_523 = tpu.vector_load %arg6[%get3A_522] {strides = array<i32>} : memref<4112xi32, #tpu.memory_space<vmem>>, vector<16xi32>,
    %rev3A_524 = arith.constant 15 : i32
    %rev3A_525 = vector.broadcast %rev3A_524 : i32 to vector<16xi32>
    %rev3A_526 = tpu.iota {dimensions = array<i32: 0>} : vector<16xi32>
    %rev3A_527 = arith.subi %rev3A_525, %rev3A_526 : vector<16xi32>
    %rev3A_528 = tpu.dynamic_gather %get3A_523[%rev3A_527] in [0] : vector<16xi32>, vector<16xi32> -> vector<16xi32>
    %broadcast_in_dim3A_529 = arith.constant true
    %broadcast_in_dim3A_530 = vector.broadcast %broadcast_in_dim3A_529 : i1 to vector<16xi1>
    %masked_cumsum3A_531 = tpu.scan <sum>, %rev3A_528 masked %broadcast_in_dim3A_530 : vector<16xi32>, vector<16xi1> -> vector<16xi32>
    %rev3A_532 = arith.constant 15 : i32
    %rev3A_533 = vector.broadcast %rev3A_532 : i32 to vector<16xi32>
    %rev3A_534 = tpu.iota {dimensions = array<i32: 0>} : vector<16xi32>
    %rev3A_535 = arith.subi %rev3A_533, %rev3A_534 : vector<16xi32>
    %rev3A_536 = tpu.dynamic_gather %masked_cumsum3A_531[%rev3A_535] in [0] : vector<16xi32>, vector<16xi32> -> vector<16xi32>
    %ge3A_537 = arith.constant 256 : i32
    %ge3A_538 = vector.broadcast %ge3A_537 : i32 to vector<16xi32>
    %ge3A_539 = arith.cmpi sge, %rev3A_536, %ge3A_538 : vector<16xi32>
    %all_reduce_population_count3A_540 = tpu.all_reduce %ge3A_539 {dim = 0 : i64, kind = #tpu.reduction_kind<sum>} : vector<16xi1> -> vector<16xi32>
    %reduce_max3A_541 = arith.constant true
    %reduce_max3A_542 = vector.broadcast %reduce_max3A_541 : i1 to vector<16xi1>
    %reduce_max3A_543 = arith.constant -2147483648 : i32
    %reduce_max3A_544 = vector.broadcast %reduce_max3A_543 : i32 to vector<16xi32>
    %reduce_max3A_545 = arith.xori %all_reduce_population_count3A_540, %reduce_max3A_544 : vector<16xi32>
    %reduce_max3A_546 = tpu.scan <max>, %reduce_max3A_545 masked %reduce_max3A_542 : vector<16xi32>, vector<16xi1> -> vector<16xi32>
    %reduce_max3A_547 = arith.xori %reduce_max3A_546, %reduce_max3A_544 : vector<16xi32>
    %reduce_max3A_548 = vector.extract %reduce_max3A_547[15] : i32 from vector<16xi32>
    %sub3A_549 = arith.constant 1 : i32
    %sub3A_550 = arith.subi %reduce_max3A_548, %sub3A_549 : i32
    %add3A_551 = arith.constant 1 : i32
    %add3A_552 = arith.addi %sub3A_550, %add3A_551 : i32
    %iota3A_553 = tpu.iota {dimensions = array<i32: 0>} : vector<16xi32>
    %eq3A_554 = vector.broadcast %add3A_552 : i32 to vector<16xi32>
    %eq3A_555 = arith.cmpi eq, %iota3A_553, %eq3A_554 : vector<16xi32>
    %jit3A_556 = arith.constant 0 : i32
    %broadcast_in_dim3A_557 = vector.broadcast %jit3A_556 : i32 to vector<16xi32>
    %select_n3A_558 = arith.select %eq3A_555, %rev3A_536, %broadcast_in_dim3A_557 : vector<16xi1>, vector<16xi32>
    %reduce_sum3A_559 = arith.constant true
    %reduce_sum3A_560 = vector.broadcast %reduce_sum3A_559 : i1 to vector<16xi1>
    %reduce_sum3A_561 = tpu.scan <sum>, %select_n3A_558 masked %reduce_sum3A_560 : vector<16xi32>, vector<16xi1> -> vector<16xi32>
    %reduce_sum3A_562 = vector.extract %reduce_sum3A_561[15] : i32 from vector<16xi32>
    %scan3A_563 = arith.constant 0 : i32
    %scan3A_564 = arith.constant 0 : i32
    %scan3A_565 = arith.constant 16 : i32
    %scan3A_566 = arith.addi %scan3A_564, %scan3A_565 : i32
    %scan3A_567 = arith.constant 1 : i32
    %scan3A_568 = scf.for %scan3A_1018 = %scan3A_564 to %scan3A_566 step %scan3A_567 iter_args(%scan3A_1019 = %scan3A_563) -> (i32)  : i32 {
      %mul3A_1020 = arith.constant 16 : i32
      %mul3A_1021 = arith.muli %sub3A_550, %mul3A_1020 : i32
      %add3A_1022 = arith.addi %mul3A_1021, %scan3A_1018 : i32
      %mul3A_1023 = arith.constant 16 : i32
      %mul3A_1024 = arith.muli %add3A_1022, %mul3A_1023 : i32
      %get3A_1025 = arith.index_cast %mul3A_1024 : i32 to index
      %get3A_1026 = tpu.vector_load %arg6[%get3A_1025] {strides = array<i32>} : memref<4112xi32, #tpu.memory_space<vmem>>, vector<16xi32>,
      %reduce_sum3A_1027 = arith.constant true
      %reduce_sum3A_1028 = vector.broadcast %reduce_sum3A_1027 : i1 to vector<16xi1>
      %reduce_sum3A_1029 = tpu.scan <sum>, %get3A_1026 masked %reduce_sum3A_1028 : vector<16xi32>, vector<16xi1> -> vector<16xi32>
      %reduce_sum3A_1030 = vector.extract %reduce_sum3A_1029[15] : i32 from vector<16xi32>
      %broadcast_in_dim3A_1031 = arith.constant 4096 : i32
      %broadcast_in_dim3A_1032 = vector.broadcast %broadcast_in_dim3A_1031 : i32 to vector<16xi32>
      %add3A_1033 = vector.broadcast %scan3A_1018 : i32 to vector<16xi32>
      %add3A_1034 = arith.addi %broadcast_in_dim3A_1032, %add3A_1033 : vector<16xi32>
      %broadcast_in_dim3A_1035 = arith.constant 1 : i32
      %broadcast_in_dim3A_1036 = vector.broadcast %broadcast_in_dim3A_1035 : i32 to vector<16xi32>
      %mul3A_1037 = vector.broadcast %reduce_sum3A_1030 : i32 to vector<16xi32>
      %mul3A_1038 = arith.muli %broadcast_in_dim3A_1036, %mul3A_1037 : vector<16xi32>
      %eq3A_1039 = arith.constant 0 : i32
      %eq3A_1040 = vector.broadcast %eq3A_1039 : i32 to vector<16xi32>
      %eq3A_1041 = arith.cmpi eq, %iota3A_518, %eq3A_1040 : vector<16xi32>
      tpu.vector_store_idx %arg6[%add3A_1034], %mul3A_1038 masked %eq3A_1041 : memref<4112xi32, #tpu.memory_space<vmem>>[vector<16xi32>], vector<16xi32>, vector<16xi1>
      %scan3A_1042 = arith.constant 0 : i32
      scf.yield %scan3A_1042 : i32
    }
    %scan3A_569 = arith.constant 16 : i32
    %get3A_570 = arith.constant 4096 : index
    %get3A_571 = tpu.vector_load %arg6[%get3A_570] {strides = array<i32>} : memref<4112xi32, #tpu.memory_space<vmem>>, vector<16xi32>,
    %rev3A_572 = arith.constant 15 : i32
    %rev3A_573 = vector.broadcast %rev3A_572 : i32 to vector<16xi32>
    %rev3A_574 = tpu.iota {dimensions = array<i32: 0>} : vector<16xi32>
    %rev3A_575 = arith.subi %rev3A_573, %rev3A_574 : vector<16xi32>
    %rev3A_576 = tpu.dynamic_gather %get3A_571[%rev3A_575] in [0] : vector<16xi32>, vector<16xi32> -> vector<16xi32>
    %broadcast_in_dim3A_577 = arith.constant true
    %broadcast_in_dim3A_578 = vector.broadcast %broadcast_in_dim3A_577 : i1 to vector<16xi1>
    %masked_cumsum3A_579 = tpu.scan <sum>, %rev3A_576 masked %broadcast_in_dim3A_578 : vector<16xi32>, vector<16xi1> -> vector<16xi32>
    %rev3A_580 = arith.constant 15 : i32
    %rev3A_581 = vector.broadcast %rev3A_580 : i32 to vector<16xi32>
    %rev3A_582 = tpu.iota {dimensions = array<i32: 0>} : vector<16xi32>
    %rev3A_583 = arith.subi %rev3A_581, %rev3A_582 : vector<16xi32>
    %rev3A_584 = tpu.dynamic_gather %masked_cumsum3A_579[%rev3A_583] in [0] : vector<16xi32>, vector<16xi32> -> vector<16xi32>
    %add3A_585 = vector.broadcast %reduce_sum3A_562 : i32 to vector<16xi32>
    %add3A_586 = arith.addi %add3A_585, %rev3A_584 : vector<16xi32>
    %ge3A_587 = arith.constant 256 : i32
    %ge3A_588 = vector.broadcast %ge3A_587 : i32 to vector<16xi32>
    %ge3A_589 = arith.cmpi sge, %add3A_586, %ge3A_588 : vector<16xi32>
    %all_reduce_population_count3A_590 = tpu.all_reduce %ge3A_589 {dim = 0 : i64, kind = #tpu.reduction_kind<sum>} : vector<16xi1> -> vector<16xi32>
    %reduce_max3A_591 = arith.constant true
    %reduce_max3A_592 = vector.broadcast %reduce_max3A_591 : i1 to vector<16xi1>
    %reduce_max3A_593 = arith.constant -2147483648 : i32
    %reduce_max3A_594 = vector.broadcast %reduce_max3A_593 : i32 to vector<16xi32>
    %reduce_max3A_595 = arith.xori %all_reduce_population_count3A_590, %reduce_max3A_594 : vector<16xi32>
    %reduce_max3A_596 = tpu.scan <max>, %reduce_max3A_595 masked %reduce_max3A_592 : vector<16xi32>, vector<16xi1> -> vector<16xi32>
    %reduce_max3A_597 = arith.xori %reduce_max3A_596, %reduce_max3A_594 : vector<16xi32>
    %reduce_max3A_598 = vector.extract %reduce_max3A_597[15] : i32 from vector<16xi32>
    %sub3A_599 = arith.constant 1 : i32
    %sub3A_600 = arith.subi %reduce_max3A_598, %sub3A_599 : i32
    %mul3A_601 = arith.constant 16 : i32
    %mul3A_602 = arith.muli %sub3A_550, %mul3A_601 : i32
    %add3A_603 = arith.addi %mul3A_602, %sub3A_600 : i32
    %add3A_604 = arith.constant 1 : i32
    %add3A_605 = arith.addi %sub3A_600, %add3A_604 : i32
    %iota3A_606 = tpu.iota {dimensions = array<i32: 0>} : vector<16xi32>
    %eq3A_607 = vector.broadcast %add3A_605 : i32 to vector<16xi32>
    %eq3A_608 = arith.cmpi eq, %iota3A_606, %eq3A_607 : vector<16xi32>
    %jit3A_609 = arith.constant 0 : i32
    %broadcast_in_dim3A_610 = vector.broadcast %jit3A_609 : i32 to vector<16xi32>
    %select_n3A_611 = arith.select %eq3A_608, %rev3A_584, %broadcast_in_dim3A_610 : vector<16xi1>, vector<16xi32>
    %reduce_sum3A_612 = arith.constant true
    %reduce_sum3A_613 = vector.broadcast %reduce_sum3A_612 : i1 to vector<16xi1>
    %reduce_sum3A_614 = tpu.scan <sum>, %select_n3A_611 masked %reduce_sum3A_613 : vector<16xi32>, vector<16xi1> -> vector<16xi32>
    %reduce_sum3A_615 = vector.extract %reduce_sum3A_614[15] : i32 from vector<16xi32>
    %add3A_616 = arith.addi %reduce_sum3A_562, %reduce_sum3A_615 : i32
    %sub3A_617 = arith.constant 256 : i32
    %sub3A_618 = arith.subi %sub3A_617, %add3A_616 : i32
    %sub3A_619 = arith.constant 128 : i32
    %sub3A_620 = arith.subi %add3A_603, %sub3A_619 : i32
    %shift_left3A_621 = arith.constant 24 : i32
    %shift_left3A_622 = arith.shli %sub3A_620, %shift_left3A_621 : i32
    %ge3A_623 = arith.constant 255 : i32
    %ge3A_624 = arith.cmpi sge, %add3A_603, %ge3A_623 : i32
    %add3A_625 = arith.constant 16777215 : i32
    %add3A_626 = arith.addi %shift_left3A_622, %add3A_625 : i32
    %jit3A_627 = arith.constant 2147483647 : i32
    %select_n3A_628 = arith.select %ge3A_624, %jit3A_627, %add3A_626 : i32
    %broadcast_in_dim3A_629 = arith.constant 0 : i32
    %broadcast_in_dim3A_630 = vector.broadcast %broadcast_in_dim3A_629 : i32 to vector<16xi32>
    %parallel_loop3A_631 = arith.constant 0 : i32
    %parallel_loop3A_632 = arith.constant 2048 : i32
    %parallel_loop3A_633 = arith.constant 1 : i32
    %parallel_loop3A_634 = scf.for %parallel_loop3A_1018 = %parallel_loop3A_631 to %parallel_loop3A_632 step %parallel_loop3A_633 iter_args(%parallel_loop3A_1019 = %broadcast_in_dim3A_630) -> (vector<16xi32>)  : i32 {
      %parallel_loop3A_1020 = arith.constant 16 : i32
      %parallel_loop3A_1021 = arith.muli %parallel_loop3A_1018, %parallel_loop3A_1020 : i32
      %parallel_loop3A_1022 = arith.index_cast %parallel_loop3A_1021 : i32 to index
      %parallel_loop3A_1023 = tpu.vector_load %arg8[%parallel_loop3A_1022] {strides = array<i32>} : memref<32768xi32, #tpu.memory_space<vmem>>, vector<16xi32>,
      %parallel_loop3A_1024 = arith.constant 0 : i32
      %parallel_loop3A_1025 = vector.broadcast %parallel_loop3A_1024 : i32 to vector<16xi32>
      %parallel_loop3A_1026 = arith.cmpi sge, %parallel_loop3A_1023, %parallel_loop3A_1025 : vector<16xi32>
      %parallel_loop3A_1027 = arith.constant 2147483647 : i32
      %parallel_loop3A_1028 = vector.broadcast %parallel_loop3A_1027 : i32 to vector<16xi32>
      %parallel_loop3A_1029 = arith.xori %parallel_loop3A_1023, %parallel_loop3A_1028 : vector<16xi32>
      %parallel_loop3A_1030 = arith.select %parallel_loop3A_1026, %parallel_loop3A_1023, %parallel_loop3A_1029 : vector<16xi1>, vector<16xi32>
      %parallel_loop3A_1031 = vector.broadcast %shift_left3A_622 : i32 to vector<16xi32>
      %parallel_loop3A_1032 = arith.cmpi sge, %parallel_loop3A_1030, %parallel_loop3A_1031 : vector<16xi32>
      %parallel_loop3A_1033 = vector.broadcast %select_n3A_628 : i32 to vector<16xi32>
      %parallel_loop3A_1034 = arith.cmpi sle, %parallel_loop3A_1030, %parallel_loop3A_1033 : vector<16xi32>
      %parallel_loop3A_1035 = arith.andi %parallel_loop3A_1032, %parallel_loop3A_1034 : vector<16xi1>
      %parallel_loop3A_1036 = arith.extui %parallel_loop3A_1035 : vector<16xi1> to vector<16xi32>
      %parallel_loop3A_1037 = arith.constant true
      %parallel_loop3A_1038 = vector.broadcast %parallel_loop3A_1037 : i1 to vector<16xi1>
      %parallel_loop3A_1039 = tpu.scan <sum>, %parallel_loop3A_1036 masked %parallel_loop3A_1038 : vector<16xi32>, vector<16xi1> -> vector<16xi32>
      %parallel_loop3A_1040 = arith.addi %parallel_loop3A_1019, %parallel_loop3A_1039 : vector<16xi32>
      %parallel_loop3A_1041 = arith.constant 1 : i32
      %parallel_loop3A_1042 = vector.broadcast %parallel_loop3A_1041 : i32 to vector<16xi32>
      %parallel_loop3A_1043 = arith.subi %parallel_loop3A_1040, %parallel_loop3A_1042 : vector<16xi32>
      %parallel_loop3A_1044 = arith.constant 16384 : i32
      %parallel_loop3A_1045 = vector.broadcast %parallel_loop3A_1044 : i32 to vector<16xi32>
      %parallel_loop3A_1046 = arith.cmpi slt, %parallel_loop3A_1043, %parallel_loop3A_1045 : vector<16xi32>
      %parallel_loop3A_1047 = arith.andi %parallel_loop3A_1035, %parallel_loop3A_1046 : vector<16xi1>
      tpu.vector_store_idx %arg7[%parallel_loop3A_1043], %parallel_loop3A_1030 masked %parallel_loop3A_1047 : memref<16384xi32, #tpu.memory_space<vmem>>[vector<16xi32>], vector<16xi32>, vector<16xi1>
      %parallel_loop3A_1048 = tpu.all_reduce %parallel_loop3A_1047 {dim = 0 : i64, kind = #tpu.reduction_kind<sum>} : vector<16xi1> -> vector<16xi32>
      %parallel_loop3A_1049 = arith.addi %parallel_loop3A_1019, %parallel_loop3A_1048 : vector<16xi32>
      scf.yield %parallel_loop3A_1049 : vector<16xi32>
    } {sc.loop_unroll_factor = 8 : i64, sc.parallel_access}
    %reduce_max3A_635 = arith.constant true
    %reduce_max3A_636 = vector.broadcast %reduce_max3A_635 : i1 to vector<16xi1>
    %reduce_max3A_637 = arith.constant -2147483648 : i32
    %reduce_max3A_638 = vector.broadcast %reduce_max3A_637 : i32 to vector<16xi32>
    %reduce_max3A_639 = arith.xori %parallel_loop3A_634, %reduce_max3A_638 : vector<16xi32>
    %reduce_max3A_640 = tpu.scan <max>, %reduce_max3A_639 masked %reduce_max3A_636 : vector<16xi32>, vector<16xi1> -> vector<16xi32>
    %reduce_max3A_641 = arith.xori %reduce_max3A_640, %reduce_max3A_638 : vector<16xi32>
    %reduce_max3A_642 = vector.extract %reduce_max3A_641[15] : i32 from vector<16xi32>
    %add3A_643 = arith.constant 15 : i32
    %add3A_644 = arith.addi %reduce_max3A_642, %add3A_643 : i32
    %shift_right_arithmetic3A_645 = arith.constant 4 : i32
    %shift_right_arithmetic3A_646 = arith.shrsi %add3A_644, %shift_right_arithmetic3A_645 : i32
    %sub3A_647 = arith.constant 128 : i32
    %sub3A_648 = arith.subi %add3A_603, %sub3A_647 : i32
    %parallel_loop3A_649 = arith.constant 0 : i32
    %parallel_loop3A_650 = arith.constant 16 : i32
    %parallel_loop3A_651 = arith.constant 1 : i32
    scf.for %parallel_loop3A_1018 = %parallel_loop3A_649 to %parallel_loop3A_650 step %parallel_loop3A_651  : i32 {
      %parallel_loop3A_1019 = arith.constant 0 : i32
      %parallel_loop3A_1020 = vector.broadcast %parallel_loop3A_1019 : i32 to vector<16xi32>
      %parallel_loop3A_1021 = arith.constant 16 : i32
      %parallel_loop3A_1022 = arith.muli %parallel_loop3A_1018, %parallel_loop3A_1021 : i32
      %parallel_loop3A_1023 = arith.index_cast %parallel_loop3A_1022 : i32 to index
      %parallel_loop3A_1024 = tpu.vector_load %arg6[%parallel_loop3A_1023] {strides = array<i32>} : memref<4112xi32, #tpu.memory_space<vmem>>, vector<16xi32>,
      tpu.vector_store %arg6[%parallel_loop3A_1023], %parallel_loop3A_1020 {strides = array<i32>} : memref<4112xi32, #tpu.memory_space<vmem>>, vector<16xi32>,
    } {sc.loop_unroll_factor = 8 : i64, sc.parallel_access}
    %while3A_652 = arith.constant 0 : i32
    %while3A_653 = arith.constant 0 : i32
    %while3A_654 = arith.subi %shift_right_arithmetic3A_646, %while3A_652 : i32
    %while3A_655 = arith.addi %while3A_652, %while3A_654 : i32
    %while3A_656 = arith.constant 1 : i32
    %while3A_657 = arith.divsi %while3A_654, %while3A_656 : i32
    %while3A_658 = arith.muli %while3A_657, %while3A_656 : i32
    %while3A_659 = arith.addi %while3A_652, %while3A_658 : i32
    %while3A_660 = arith.constant 1 : i32
    %while3A_661 = scf.for %while3A_1018 = %while3A_652 to %while3A_659 step %while3A_660 iter_args(%while3A_1019 = %while3A_653) -> (i32)  : i32 {
      %mul3A_1020 = arith.constant 16 : i32
      %mul3A_1021 = arith.muli %while3A_1018, %mul3A_1020 : i32
      %get3A_1022 = arith.index_cast %mul3A_1021 : i32 to index
      %get3A_1023 = tpu.vector_load %arg7[%get3A_1022] {strides = array<i32>} : memref<16384xi32, #tpu.memory_space<vmem>>, vector<16xi32>,
      %mul3A_1024 = arith.constant 16 : i32
      %mul3A_1025 = arith.muli %while3A_1018, %mul3A_1024 : i32
      %add3A_1026 = vector.broadcast %mul3A_1025 : i32 to vector<16xi32>
      %add3A_1027 = arith.addi %add3A_1026, %iota3A : vector<16xi32>
      %lt3A = vector.broadcast %reduce_max3A_642 : i32 to vector<16xi32>
      %lt3A_1028 = arith.cmpi slt, %add3A_1027, %lt3A : vector<16xi32>
      %shift_right_arithmetic3A_1029 = arith.constant 24 : i32
      %shift_right_arithmetic3A_1030 = vector.broadcast %shift_right_arithmetic3A_1029 : i32 to vector<16xi32>
      %shift_right_arithmetic3A_1031 = arith.shrsi %get3A_1023, %shift_right_arithmetic3A_1030 : vector<16xi32>
      %eq3A_1032 = vector.broadcast %sub3A_648 : i32 to vector<16xi32>
      %eq3A_1033 = arith.cmpi eq, %shift_right_arithmetic3A_1031, %eq3A_1032 : vector<16xi32>
      %and3A = arith.andi %eq3A_1033, %lt3A_1028 : vector<16xi1>
      %shift_right_arithmetic3A_1034 = arith.constant 16 : i32
      %shift_right_arithmetic3A_1035 = vector.broadcast %shift_right_arithmetic3A_1034 : i32 to vector<16xi32>
      %shift_right_arithmetic3A_1036 = arith.shrsi %get3A_1023, %shift_right_arithmetic3A_1035 : vector<16xi32>
      %and3A_1037 = arith.constant 255 : i32
      %and3A_1038 = vector.broadcast %and3A_1037 : i32 to vector<16xi32>
      %and3A_1039 = arith.andi %shift_right_arithmetic3A_1036, %and3A_1038 : vector<16xi32>
      %and3A_1040 = arith.constant 15 : i32
      %and3A_1041 = vector.broadcast %and3A_1040 : i32 to vector<16xi32>
      %and3A_1042 = arith.andi %and3A_1039, %and3A_1041 : vector<16xi32>
      %shift_left3A_1043 = arith.constant 4 : i32
      %shift_left3A_1044 = vector.broadcast %shift_left3A_1043 : i32 to vector<16xi32>
      %shift_left3A_1045 = arith.shli %and3A_1042, %shift_left3A_1044 : vector<16xi32>
      %shift_right_arithmetic3A_1046 = arith.constant 4 : i32
      %shift_right_arithmetic3A_1047 = vector.broadcast %shift_right_arithmetic3A_1046 : i32 to vector<16xi32>
      %shift_right_arithmetic3A_1048 = arith.shrsi %and3A_1039, %shift_right_arithmetic3A_1047 : vector<16xi32>
      %or3A_1049 = arith.ori %shift_left3A_1045, %shift_right_arithmetic3A_1048 : vector<16xi32>
      tpu.vector_store_idx %arg6[%or3A_1049], %broadcast_in_dim3A_1 masked %and3A {add = true} : memref<4112xi32, #tpu.memory_space<vmem>>[vector<16xi32>], vector<16xi32>, vector<16xi1>
      %while3A_1050 = arith.constant 0 : i32
      scf.yield %while3A_1050 : i32
    }
    %while3A_662 = arith.constant 1 : i32
    %while3A_663 = scf.for %while3A_1018 = %while3A_659 to %while3A_655 step %while3A_662 iter_args(%while3A_1019 = %while3A_661) -> (i32)  : i32 {
      %mul3A_1020 = arith.constant 16 : i32
      %mul3A_1021 = arith.muli %while3A_1018, %mul3A_1020 : i32
      %get3A_1022 = arith.index_cast %mul3A_1021 : i32 to index
      %get3A_1023 = tpu.vector_load %arg7[%get3A_1022] {strides = array<i32>} : memref<16384xi32, #tpu.memory_space<vmem>>, vector<16xi32>,
      %mul3A_1024 = arith.constant 16 : i32
      %mul3A_1025 = arith.muli %while3A_1018, %mul3A_1024 : i32
      %add3A_1026 = vector.broadcast %mul3A_1025 : i32 to vector<16xi32>
      %add3A_1027 = arith.addi %add3A_1026, %iota3A : vector<16xi32>
      %lt3A = vector.broadcast %reduce_max3A_642 : i32 to vector<16xi32>
      %lt3A_1028 = arith.cmpi slt, %add3A_1027, %lt3A : vector<16xi32>
      %shift_right_arithmetic3A_1029 = arith.constant 24 : i32
      %shift_right_arithmetic3A_1030 = vector.broadcast %shift_right_arithmetic3A_1029 : i32 to vector<16xi32>
      %shift_right_arithmetic3A_1031 = arith.shrsi %get3A_1023, %shift_right_arithmetic3A_1030 : vector<16xi32>
      %eq3A_1032 = vector.broadcast %sub3A_648 : i32 to vector<16xi32>
      %eq3A_1033 = arith.cmpi eq, %shift_right_arithmetic3A_1031, %eq3A_1032 : vector<16xi32>
      %and3A = arith.andi %eq3A_1033, %lt3A_1028 : vector<16xi1>
      %shift_right_arithmetic3A_1034 = arith.constant 16 : i32
      %shift_right_arithmetic3A_1035 = vector.broadcast %shift_right_arithmetic3A_1034 : i32 to vector<16xi32>
      %shift_right_arithmetic3A_1036 = arith.shrsi %get3A_1023, %shift_right_arithmetic3A_1035 : vector<16xi32>
      %and3A_1037 = arith.constant 255 : i32
      %and3A_1038 = vector.broadcast %and3A_1037 : i32 to vector<16xi32>
      %and3A_1039 = arith.andi %shift_right_arithmetic3A_1036, %and3A_1038 : vector<16xi32>
      %and3A_1040 = arith.constant 15 : i32
      %and3A_1041 = vector.broadcast %and3A_1040 : i32 to vector<16xi32>
      %and3A_1042 = arith.andi %and3A_1039, %and3A_1041 : vector<16xi32>
      %shift_left3A_1043 = arith.constant 4 : i32
      %shift_left3A_1044 = vector.broadcast %shift_left3A_1043 : i32 to vector<16xi32>
      %shift_left3A_1045 = arith.shli %and3A_1042, %shift_left3A_1044 : vector<16xi32>
      %shift_right_arithmetic3A_1046 = arith.constant 4 : i32
      %shift_right_arithmetic3A_1047 = vector.broadcast %shift_right_arithmetic3A_1046 : i32 to vector<16xi32>
      %shift_right_arithmetic3A_1048 = arith.shrsi %and3A_1039, %shift_right_arithmetic3A_1047 : vector<16xi32>
      %or3A_1049 = arith.ori %shift_left3A_1045, %shift_right_arithmetic3A_1048 : vector<16xi32>
      tpu.vector_store_idx %arg6[%or3A_1049], %broadcast_in_dim3A_1 masked %and3A {add = true} : memref<4112xi32, #tpu.memory_space<vmem>>[vector<16xi32>], vector<16xi32>, vector<16xi1>
      %while3A_1050 = arith.constant 0 : i32
      scf.yield %while3A_1050 : i32
    }
    %iota3A_664 = tpu.iota {dimensions = array<i32: 0>} : vector<16xi32>
    %broadcast_in_dim3A_665 = arith.constant 0 : i32
    %broadcast_in_dim3A_666 = vector.broadcast %broadcast_in_dim3A_665 : i32 to vector<16xi32>
    %scan3A_667 = arith.constant 0 : i32
    %scan3A_668 = arith.constant 16 : i32
    %scan3A_669 = arith.addi %scan3A_667, %scan3A_668 : i32
    %scan3A_670 = arith.constant 4 : i32
    %scan3A_671 = scf.for %scan3A_1018 = %scan3A_667 to %scan3A_669 step %scan3A_670 iter_args(%scan3A_1019 = %broadcast_in_dim3A_666) -> (vector<16xi32>)  : i32 {
      %mul3A_1020 = arith.constant 16 : i32
      %mul3A_1021 = arith.muli %scan3A_1018, %mul3A_1020 : i32
      %get3A_1022 = arith.index_cast %mul3A_1021 : i32 to index
      %get3A_1023 = tpu.vector_load %arg6[%get3A_1022] {strides = array<i32>} : memref<4112xi32, #tpu.memory_space<vmem>>, vector<16xi32>,
      %add3A_1024 = arith.addi %scan3A_1019, %get3A_1023 : vector<16xi32>
      %scan3A_1025 = arith.constant 1 : i32
      %scan3A_1026 = arith.addi %scan3A_1018, %scan3A_1025 : i32
      %mul3A_1027 = arith.constant 16 : i32
      %mul3A_1028 = arith.muli %scan3A_1026, %mul3A_1027 : i32
      %get3A_1029 = arith.index_cast %mul3A_1028 : i32 to index
      %get3A_1030 = tpu.vector_load %arg6[%get3A_1029] {strides = array<i32>} : memref<4112xi32, #tpu.memory_space<vmem>>, vector<16xi32>,
      %add3A_1031 = arith.addi %add3A_1024, %get3A_1030 : vector<16xi32>
      %scan3A_1032 = arith.constant 2 : i32
      %scan3A_1033 = arith.addi %scan3A_1018, %scan3A_1032 : i32
      %mul3A_1034 = arith.constant 16 : i32
      %mul3A_1035 = arith.muli %scan3A_1033, %mul3A_1034 : i32
      %get3A_1036 = arith.index_cast %mul3A_1035 : i32 to index
      %get3A_1037 = tpu.vector_load %arg6[%get3A_1036] {strides = array<i32>} : memref<4112xi32, #tpu.memory_space<vmem>>, vector<16xi32>,
      %add3A_1038 = arith.addi %add3A_1031, %get3A_1037 : vector<16xi32>
      %scan3A_1039 = arith.constant 3 : i32
      %scan3A_1040 = arith.addi %scan3A_1018, %scan3A_1039 : i32
      %mul3A_1041 = arith.constant 16 : i32
      %mul3A_1042 = arith.muli %scan3A_1040, %mul3A_1041 : i32
      %get3A_1043 = arith.index_cast %mul3A_1042 : i32 to index
      %get3A_1044 = tpu.vector_load %arg6[%get3A_1043] {strides = array<i32>} : memref<4112xi32, #tpu.memory_space<vmem>>, vector<16xi32>,
      %add3A_1045 = arith.addi %add3A_1038, %get3A_1044 : vector<16xi32>
      scf.yield %add3A_1045 : vector<16xi32>
    }
    %scan3A_672 = arith.constant 16 : i32
    %rev3A_673 = arith.constant 15 : i32
    %rev3A_674 = vector.broadcast %rev3A_673 : i32 to vector<16xi32>
    %rev3A_675 = tpu.iota {dimensions = array<i32: 0>} : vector<16xi32>
    %rev3A_676 = arith.subi %rev3A_674, %rev3A_675 : vector<16xi32>
    %rev3A_677 = tpu.dynamic_gather %scan3A_671[%rev3A_676] in [0] : vector<16xi32>, vector<16xi32> -> vector<16xi32>
    %broadcast_in_dim3A_678 = arith.constant true
    %broadcast_in_dim3A_679 = vector.broadcast %broadcast_in_dim3A_678 : i1 to vector<16xi1>
    %masked_cumsum3A_680 = tpu.scan <sum>, %rev3A_677 masked %broadcast_in_dim3A_679 : vector<16xi32>, vector<16xi1> -> vector<16xi32>
    %rev3A_681 = arith.constant 15 : i32
    %rev3A_682 = vector.broadcast %rev3A_681 : i32 to vector<16xi32>
    %rev3A_683 = tpu.iota {dimensions = array<i32: 0>} : vector<16xi32>
    %rev3A_684 = arith.subi %rev3A_682, %rev3A_683 : vector<16xi32>
    %rev3A_685 = tpu.dynamic_gather %masked_cumsum3A_680[%rev3A_684] in [0] : vector<16xi32>, vector<16xi32> -> vector<16xi32>
    %ge3A_686 = vector.broadcast %sub3A_618 : i32 to vector<16xi32>
    %ge3A_687 = arith.cmpi sge, %rev3A_685, %ge3A_686 : vector<16xi32>
    %all_reduce_population_count3A_688 = tpu.all_reduce %ge3A_687 {dim = 0 : i64, kind = #tpu.reduction_kind<sum>} : vector<16xi1> -> vector<16xi32>
    %reduce_max3A_689 = arith.constant true
    %reduce_max3A_690 = vector.broadcast %reduce_max3A_689 : i1 to vector<16xi1>
    %reduce_max3A_691 = arith.constant -2147483648 : i32
    %reduce_max3A_692 = vector.broadcast %reduce_max3A_691 : i32 to vector<16xi32>
    %reduce_max3A_693 = arith.xori %all_reduce_population_count3A_688, %reduce_max3A_692 : vector<16xi32>
    %reduce_max3A_694 = tpu.scan <max>, %reduce_max3A_693 masked %reduce_max3A_690 : vector<16xi32>, vector<16xi1> -> vector<16xi32>
    %reduce_max3A_695 = arith.xori %reduce_max3A_694, %reduce_max3A_692 : vector<16xi32>
    %reduce_max3A_696 = vector.extract %reduce_max3A_695[15] : i32 from vector<16xi32>
    %sub3A_697 = arith.constant 1 : i32
    %sub3A_698 = arith.subi %reduce_max3A_696, %sub3A_697 : i32
    %add3A_699 = arith.constant 1 : i32
    %add3A_700 = arith.addi %sub3A_698, %add3A_699 : i32
    %iota3A_701 = tpu.iota {dimensions = array<i32: 0>} : vector<16xi32>
    %eq3A_702 = vector.broadcast %add3A_700 : i32 to vector<16xi32>
    %eq3A_703 = arith.cmpi eq, %iota3A_701, %eq3A_702 : vector<16xi32>
    %jit3A_704 = arith.constant 0 : i32
    %broadcast_in_dim3A_705 = vector.broadcast %jit3A_704 : i32 to vector<16xi32>
    %select_n3A_706 = arith.select %eq3A_703, %rev3A_685, %broadcast_in_dim3A_705 : vector<16xi1>, vector<16xi32>
    %reduce_sum3A_707 = arith.constant true
    %reduce_sum3A_708 = vector.broadcast %reduce_sum3A_707 : i1 to vector<16xi1>
    %reduce_sum3A_709 = tpu.scan <sum>, %select_n3A_706 masked %reduce_sum3A_708 : vector<16xi32>, vector<16xi1> -> vector<16xi32>
    %reduce_sum3A_710 = vector.extract %reduce_sum3A_709[15] : i32 from vector<16xi32>
    %mul3A_711 = arith.constant 16 : i32
    %mul3A_712 = vector.broadcast %mul3A_711 : i32 to vector<16xi32>
    %mul3A_713 = arith.muli %iota3A_664, %mul3A_712 : vector<16xi32>
    %add3A_714 = vector.broadcast %sub3A_698 : i32 to vector<16xi32>
    %add3A_715 = arith.addi %mul3A_713, %add3A_714 : vector<16xi32>
    %gather3A_716 = tpu.vector_load_idx %arg6[%add3A_715] : memref<4112xi32, #tpu.memory_space<vmem>>[vector<16xi32>], vector<16xi32>,
    %rev3A_717 = arith.constant 15 : i32
    %rev3A_718 = vector.broadcast %rev3A_717 : i32 to vector<16xi32>
    %rev3A_719 = tpu.iota {dimensions = array<i32: 0>} : vector<16xi32>
    %rev3A_720 = arith.subi %rev3A_718, %rev3A_719 : vector<16xi32>
    %rev3A_721 = tpu.dynamic_gather %gather3A_716[%rev3A_720] in [0] : vector<16xi32>, vector<16xi32> -> vector<16xi32>
    %broadcast_in_dim3A_722 = arith.constant true
    %broadcast_in_dim3A_723 = vector.broadcast %broadcast_in_dim3A_722 : i1 to vector<16xi1>
    %masked_cumsum3A_724 = tpu.scan <sum>, %rev3A_721 masked %broadcast_in_dim3A_723 : vector<16xi32>, vector<16xi1> -> vector<16xi32>
    %rev3A_725 = arith.constant 15 : i32
    %rev3A_726 = vector.broadcast %rev3A_725 : i32 to vector<16xi32>
    %rev3A_727 = tpu.iota {dimensions = array<i32: 0>} : vector<16xi32>
    %rev3A_728 = arith.subi %rev3A_726, %rev3A_727 : vector<16xi32>
    %rev3A_729 = tpu.dynamic_gather %masked_cumsum3A_724[%rev3A_728] in [0] : vector<16xi32>, vector<16xi32> -> vector<16xi32>
    %add3A_730 = vector.broadcast %reduce_sum3A_710 : i32 to vector<16xi32>
    %add3A_731 = arith.addi %add3A_730, %rev3A_729 : vector<16xi32>
    %ge3A_732 = vector.broadcast %sub3A_618 : i32 to vector<16xi32>
    %ge3A_733 = arith.cmpi sge, %add3A_731, %ge3A_732 : vector<16xi32>
    %all_reduce_population_count3A_734 = tpu.all_reduce %ge3A_733 {dim = 0 : i64, kind = #tpu.reduction_kind<sum>} : vector<16xi1> -> vector<16xi32>
    %reduce_max3A_735 = arith.constant true
    %reduce_max3A_736 = vector.broadcast %reduce_max3A_735 : i1 to vector<16xi1>
    %reduce_max3A_737 = arith.constant -2147483648 : i32
    %reduce_max3A_738 = vector.broadcast %reduce_max3A_737 : i32 to vector<16xi32>
    %reduce_max3A_739 = arith.xori %all_reduce_population_count3A_734, %reduce_max3A_738 : vector<16xi32>
    %reduce_max3A_740 = tpu.scan <max>, %reduce_max3A_739 masked %reduce_max3A_736 : vector<16xi32>, vector<16xi1> -> vector<16xi32>
    %reduce_max3A_741 = arith.xori %reduce_max3A_740, %reduce_max3A_738 : vector<16xi32>
    %reduce_max3A_742 = vector.extract %reduce_max3A_741[15] : i32 from vector<16xi32>
    %sub3A_743 = arith.constant 1 : i32
    %sub3A_744 = arith.subi %reduce_max3A_742, %sub3A_743 : i32
    %mul3A_745 = arith.constant 16 : i32
    %mul3A_746 = arith.muli %sub3A_698, %mul3A_745 : i32
    %add3A_747 = arith.addi %mul3A_746, %sub3A_744 : i32
    %add3A_748 = arith.constant 1 : i32
    %add3A_749 = arith.addi %sub3A_744, %add3A_748 : i32
    %iota3A_750 = tpu.iota {dimensions = array<i32: 0>} : vector<16xi32>
    %eq3A_751 = vector.broadcast %add3A_749 : i32 to vector<16xi32>
    %eq3A_752 = arith.cmpi eq, %iota3A_750, %eq3A_751 : vector<16xi32>
    %jit3A_753 = arith.constant 0 : i32
    %broadcast_in_dim3A_754 = vector.broadcast %jit3A_753 : i32 to vector<16xi32>
    %select_n3A_755 = arith.select %eq3A_752, %rev3A_729, %broadcast_in_dim3A_754 : vector<16xi1>, vector<16xi32>
    %reduce_sum3A_756 = arith.constant true
    %reduce_sum3A_757 = vector.broadcast %reduce_sum3A_756 : i1 to vector<16xi1>
    %reduce_sum3A_758 = tpu.scan <sum>, %select_n3A_755 masked %reduce_sum3A_757 : vector<16xi32>, vector<16xi1> -> vector<16xi32>
    %reduce_sum3A_759 = vector.extract %reduce_sum3A_758[15] : i32 from vector<16xi32>
    %add3A_760 = arith.addi %reduce_sum3A_710, %reduce_sum3A_759 : i32
    %sub3A_761 = arith.subi %sub3A_618, %add3A_760 : i32
    %shift_left3A_762 = arith.constant 8 : i32
    %shift_left3A_763 = arith.shli %sub3A_648, %shift_left3A_762 : i32
    %or3A_764 = arith.ori %shift_left3A_763, %add3A_747 : i32
    %parallel_loop3A_765 = arith.constant 0 : i32
    %parallel_loop3A_766 = arith.constant 16 : i32
    %parallel_loop3A_767 = arith.constant 1 : i32
    scf.for %parallel_loop3A_1018 = %parallel_loop3A_765 to %parallel_loop3A_766 step %parallel_loop3A_767  : i32 {
      %parallel_loop3A_1019 = arith.constant 0 : i32
      %parallel_loop3A_1020 = vector.broadcast %parallel_loop3A_1019 : i32 to vector<16xi32>
      %parallel_loop3A_1021 = arith.constant 16 : i32
      %parallel_loop3A_1022 = arith.muli %parallel_loop3A_1018, %parallel_loop3A_1021 : i32
      %parallel_loop3A_1023 = arith.index_cast %parallel_loop3A_1022 : i32 to index
      %parallel_loop3A_1024 = tpu.vector_load %arg6[%parallel_loop3A_1023] {strides = array<i32>} : memref<4112xi32, #tpu.memory_space<vmem>>, vector<16xi32>,
      tpu.vector_store %arg6[%parallel_loop3A_1023], %parallel_loop3A_1020 {strides = array<i32>} : memref<4112xi32, #tpu.memory_space<vmem>>, vector<16xi32>,
    } {sc.loop_unroll_factor = 8 : i64, sc.parallel_access}
    %while3A_768 = arith.constant 0 : i32
    %while3A_769 = arith.constant 0 : i32
    %while3A_770 = arith.subi %shift_right_arithmetic3A_646, %while3A_768 : i32
    %while3A_771 = arith.addi %while3A_768, %while3A_770 : i32
    %while3A_772 = arith.constant 1 : i32
    %while3A_773 = arith.divsi %while3A_770, %while3A_772 : i32
    %while3A_774 = arith.muli %while3A_773, %while3A_772 : i32
    %while3A_775 = arith.addi %while3A_768, %while3A_774 : i32
    %while3A_776 = arith.constant 1 : i32
    %while3A_777 = scf.for %while3A_1018 = %while3A_768 to %while3A_775 step %while3A_776 iter_args(%while3A_1019 = %while3A_769) -> (i32)  : i32 {
      %mul3A_1020 = arith.constant 16 : i32
      %mul3A_1021 = arith.muli %while3A_1018, %mul3A_1020 : i32
      %get3A_1022 = arith.index_cast %mul3A_1021 : i32 to index
      %get3A_1023 = tpu.vector_load %arg7[%get3A_1022] {strides = array<i32>} : memref<16384xi32, #tpu.memory_space<vmem>>, vector<16xi32>,
      %mul3A_1024 = arith.constant 16 : i32
      %mul3A_1025 = arith.muli %while3A_1018, %mul3A_1024 : i32
      %add3A_1026 = vector.broadcast %mul3A_1025 : i32 to vector<16xi32>
      %add3A_1027 = arith.addi %add3A_1026, %iota3A : vector<16xi32>
      %lt3A = vector.broadcast %reduce_max3A_642 : i32 to vector<16xi32>
      %lt3A_1028 = arith.cmpi slt, %add3A_1027, %lt3A : vector<16xi32>
      %shift_right_arithmetic3A_1029 = arith.constant 16 : i32
      %shift_right_arithmetic3A_1030 = vector.broadcast %shift_right_arithmetic3A_1029 : i32 to vector<16xi32>
      %shift_right_arithmetic3A_1031 = arith.shrsi %get3A_1023, %shift_right_arithmetic3A_1030 : vector<16xi32>
      %eq3A_1032 = vector.broadcast %or3A_764 : i32 to vector<16xi32>
      %eq3A_1033 = arith.cmpi eq, %shift_right_arithmetic3A_1031, %eq3A_1032 : vector<16xi32>
      %and3A = arith.andi %eq3A_1033, %lt3A_1028 : vector<16xi1>
      %shift_right_arithmetic3A_1034 = arith.constant 8 : i32
      %shift_right_arithmetic3A_1035 = vector.broadcast %shift_right_arithmetic3A_1034 : i32 to vector<16xi32>
      %shift_right_arithmetic3A_1036 = arith.shrsi %get3A_1023, %shift_right_arithmetic3A_1035 : vector<16xi32>
      %and3A_1037 = arith.constant 255 : i32
      %and3A_1038 = vector.broadcast %and3A_1037 : i32 to vector<16xi32>
      %and3A_1039 = arith.andi %shift_right_arithmetic3A_1036, %and3A_1038 : vector<16xi32>
      %and3A_1040 = arith.constant 15 : i32
      %and3A_1041 = vector.broadcast %and3A_1040 : i32 to vector<16xi32>
      %and3A_1042 = arith.andi %and3A_1039, %and3A_1041 : vector<16xi32>
      %shift_left3A_1043 = arith.constant 4 : i32
      %shift_left3A_1044 = vector.broadcast %shift_left3A_1043 : i32 to vector<16xi32>
      %shift_left3A_1045 = arith.shli %and3A_1042, %shift_left3A_1044 : vector<16xi32>
      %shift_right_arithmetic3A_1046 = arith.constant 4 : i32
      %shift_right_arithmetic3A_1047 = vector.broadcast %shift_right_arithmetic3A_1046 : i32 to vector<16xi32>
      %shift_right_arithmetic3A_1048 = arith.shrsi %and3A_1039, %shift_right_arithmetic3A_1047 : vector<16xi32>
      %or3A_1049 = arith.ori %shift_left3A_1045, %shift_right_arithmetic3A_1048 : vector<16xi32>
      tpu.vector_store_idx %arg6[%or3A_1049], %broadcast_in_dim3A_1 masked %and3A {add = true} : memref<4112xi32, #tpu.memory_space<vmem>>[vector<16xi32>], vector<16xi32>, vector<16xi1>
      %while3A_1050 = arith.constant 0 : i32
      scf.yield %while3A_1050 : i32
    }
    %while3A_778 = arith.constant 1 : i32
    %while3A_779 = scf.for %while3A_1018 = %while3A_775 to %while3A_771 step %while3A_778 iter_args(%while3A_1019 = %while3A_777) -> (i32)  : i32 {
      %mul3A_1020 = arith.constant 16 : i32
      %mul3A_1021 = arith.muli %while3A_1018, %mul3A_1020 : i32
      %get3A_1022 = arith.index_cast %mul3A_1021 : i32 to index
      %get3A_1023 = tpu.vector_load %arg7[%get3A_1022] {strides = array<i32>} : memref<16384xi32, #tpu.memory_space<vmem>>, vector<16xi32>,
      %mul3A_1024 = arith.constant 16 : i32
      %mul3A_1025 = arith.muli %while3A_1018, %mul3A_1024 : i32
      %add3A_1026 = vector.broadcast %mul3A_1025 : i32 to vector<16xi32>
      %add3A_1027 = arith.addi %add3A_1026, %iota3A : vector<16xi32>
      %lt3A = vector.broadcast %reduce_max3A_642 : i32 to vector<16xi32>
      %lt3A_1028 = arith.cmpi slt, %add3A_1027, %lt3A : vector<16xi32>
      %shift_right_arithmetic3A_1029 = arith.constant 16 : i32
      %shift_right_arithmetic3A_1030 = vector.broadcast %shift_right_arithmetic3A_1029 : i32 to vector<16xi32>
      %shift_right_arithmetic3A_1031 = arith.shrsi %get3A_1023, %shift_right_arithmetic3A_1030 : vector<16xi32>
      %eq3A_1032 = vector.broadcast %or3A_764 : i32 to vector<16xi32>
      %eq3A_1033 = arith.cmpi eq, %shift_right_arithmetic3A_1031, %eq3A_1032 : vector<16xi32>
      %and3A = arith.andi %eq3A_1033, %lt3A_1028 : vector<16xi1>
      %shift_right_arithmetic3A_1034 = arith.constant 8 : i32
      %shift_right_arithmetic3A_1035 = vector.broadcast %shift_right_arithmetic3A_1034 : i32 to vector<16xi32>
      %shift_right_arithmetic3A_1036 = arith.shrsi %get3A_1023, %shift_right_arithmetic3A_1035 : vector<16xi32>
      %and3A_1037 = arith.constant 255 : i32
      %and3A_1038 = vector.broadcast %and3A_1037 : i32 to vector<16xi32>
      %and3A_1039 = arith.andi %shift_right_arithmetic3A_1036, %and3A_1038 : vector<16xi32>
      %and3A_1040 = arith.constant 15 : i32
      %and3A_1041 = vector.broadcast %and3A_1040 : i32 to vector<16xi32>
      %and3A_1042 = arith.andi %and3A_1039, %and3A_1041 : vector<16xi32>
      %shift_left3A_1043 = arith.constant 4 : i32
      %shift_left3A_1044 = vector.broadcast %shift_left3A_1043 : i32 to vector<16xi32>
      %shift_left3A_1045 = arith.shli %and3A_1042, %shift_left3A_1044 : vector<16xi32>
      %shift_right_arithmetic3A_1046 = arith.constant 4 : i32
      %shift_right_arithmetic3A_1047 = vector.broadcast %shift_right_arithmetic3A_1046 : i32 to vector<16xi32>
      %shift_right_arithmetic3A_1048 = arith.shrsi %and3A_1039, %shift_right_arithmetic3A_1047 : vector<16xi32>
      %or3A_1049 = arith.ori %shift_left3A_1045, %shift_right_arithmetic3A_1048 : vector<16xi32>
      tpu.vector_store_idx %arg6[%or3A_1049], %broadcast_in_dim3A_1 masked %and3A {add = true} : memref<4112xi32, #tpu.memory_space<vmem>>[vector<16xi32>], vector<16xi32>, vector<16xi1>
      %while3A_1050 = arith.constant 0 : i32
      scf.yield %while3A_1050 : i32
    }
    %iota3A_780 = tpu.iota {dimensions = array<i32: 0>} : vector<16xi32>
    %broadcast_in_dim3A_781 = arith.constant 0 : i32
    %broadcast_in_dim3A_782 = vector.broadcast %broadcast_in_dim3A_781 : i32 to vector<16xi32>
    %scan3A_783 = arith.constant 0 : i32
    %scan3A_784 = arith.constant 16 : i32
    %scan3A_785 = arith.addi %scan3A_783, %scan3A_784 : i32
    %scan3A_786 = arith.constant 4 : i32
    %scan3A_787 = scf.for %scan3A_1018 = %scan3A_783 to %scan3A_785 step %scan3A_786 iter_args(%scan3A_1019 = %broadcast_in_dim3A_782) -> (vector<16xi32>)  : i32 {
      %mul3A_1020 = arith.constant 16 : i32
      %mul3A_1021 = arith.muli %scan3A_1018, %mul3A_1020 : i32
      %get3A_1022 = arith.index_cast %mul3A_1021 : i32 to index
      %get3A_1023 = tpu.vector_load %arg6[%get3A_1022] {strides = array<i32>} : memref<4112xi32, #tpu.memory_space<vmem>>, vector<16xi32>,
      %add3A_1024 = arith.addi %scan3A_1019, %get3A_1023 : vector<16xi32>
      %scan3A_1025 = arith.constant 1 : i32
      %scan3A_1026 = arith.addi %scan3A_1018, %scan3A_1025 : i32
      %mul3A_1027 = arith.constant 16 : i32
      %mul3A_1028 = arith.muli %scan3A_1026, %mul3A_1027 : i32
      %get3A_1029 = arith.index_cast %mul3A_1028 : i32 to index
      %get3A_1030 = tpu.vector_load %arg6[%get3A_1029] {strides = array<i32>} : memref<4112xi32, #tpu.memory_space<vmem>>, vector<16xi32>,
      %add3A_1031 = arith.addi %add3A_1024, %get3A_1030 : vector<16xi32>
      %scan3A_1032 = arith.constant 2 : i32
      %scan3A_1033 = arith.addi %scan3A_1018, %scan3A_1032 : i32
      %mul3A_1034 = arith.constant 16 : i32
      %mul3A_1035 = arith.muli %scan3A_1033, %mul3A_1034 : i32
      %get3A_1036 = arith.index_cast %mul3A_1035 : i32 to index
      %get3A_1037 = tpu.vector_load %arg6[%get3A_1036] {strides = array<i32>} : memref<4112xi32, #tpu.memory_space<vmem>>, vector<16xi32>,
      %add3A_1038 = arith.addi %add3A_1031, %get3A_1037 : vector<16xi32>
      %scan3A_1039 = arith.constant 3 : i32
      %scan3A_1040 = arith.addi %scan3A_1018, %scan3A_1039 : i32
      %mul3A_1041 = arith.constant 16 : i32
      %mul3A_1042 = arith.muli %scan3A_1040, %mul3A_1041 : i32
      %get3A_1043 = arith.index_cast %mul3A_1042 : i32 to index
      %get3A_1044 = tpu.vector_load %arg6[%get3A_1043] {strides = array<i32>} : memref<4112xi32, #tpu.memory_space<vmem>>, vector<16xi32>,
      %add3A_1045 = arith.addi %add3A_1038, %get3A_1044 : vector<16xi32>
      scf.yield %add3A_1045 : vector<16xi32>
    }
    %scan3A_788 = arith.constant 16 : i32
    %rev3A_789 = arith.constant 15 : i32
    %rev3A_790 = vector.broadcast %rev3A_789 : i32 to vector<16xi32>
    %rev3A_791 = tpu.iota {dimensions = array<i32: 0>} : vector<16xi32>
    %rev3A_792 = arith.subi %rev3A_790, %rev3A_791 : vector<16xi32>
    %rev3A_793 = tpu.dynamic_gather %scan3A_787[%rev3A_792] in [0] : vector<16xi32>, vector<16xi32> -> vector<16xi32>
    %broadcast_in_dim3A_794 = arith.constant true
    %broadcast_in_dim3A_795 = vector.broadcast %broadcast_in_dim3A_794 : i1 to vector<16xi1>
    %masked_cumsum3A_796 = tpu.scan <sum>, %rev3A_793 masked %broadcast_in_dim3A_795 : vector<16xi32>, vector<16xi1> -> vector<16xi32>
    %rev3A_797 = arith.constant 15 : i32
    %rev3A_798 = vector.broadcast %rev3A_797 : i32 to vector<16xi32>
    %rev3A_799 = tpu.iota {dimensions = array<i32: 0>} : vector<16xi32>
    %rev3A_800 = arith.subi %rev3A_798, %rev3A_799 : vector<16xi32>
    %rev3A_801 = tpu.dynamic_gather %masked_cumsum3A_796[%rev3A_800] in [0] : vector<16xi32>, vector<16xi32> -> vector<16xi32>
    %ge3A_802 = vector.broadcast %sub3A_761 : i32 to vector<16xi32>
    %ge3A_803 = arith.cmpi sge, %rev3A_801, %ge3A_802 : vector<16xi32>
    %all_reduce_population_count3A_804 = tpu.all_reduce %ge3A_803 {dim = 0 : i64, kind = #tpu.reduction_kind<sum>} : vector<16xi1> -> vector<16xi32>
    %reduce_max3A_805 = arith.constant true
    %reduce_max3A_806 = vector.broadcast %reduce_max3A_805 : i1 to vector<16xi1>
    %reduce_max3A_807 = arith.constant -2147483648 : i32
    %reduce_max3A_808 = vector.broadcast %reduce_max3A_807 : i32 to vector<16xi32>
    %reduce_max3A_809 = arith.xori %all_reduce_population_count3A_804, %reduce_max3A_808 : vector<16xi32>
    %reduce_max3A_810 = tpu.scan <max>, %reduce_max3A_809 masked %reduce_max3A_806 : vector<16xi32>, vector<16xi1> -> vector<16xi32>
    %reduce_max3A_811 = arith.xori %reduce_max3A_810, %reduce_max3A_808 : vector<16xi32>
    %reduce_max3A_812 = vector.extract %reduce_max3A_811[15] : i32 from vector<16xi32>
    %sub3A_813 = arith.constant 1 : i32
    %sub3A_814 = arith.subi %reduce_max3A_812, %sub3A_813 : i32
    %add3A_815 = arith.constant 1 : i32
    %add3A_816 = arith.addi %sub3A_814, %add3A_815 : i32
    %iota3A_817 = tpu.iota {dimensions = array<i32: 0>} : vector<16xi32>
    %eq3A_818 = vector.broadcast %add3A_816 : i32 to vector<16xi32>
    %eq3A_819 = arith.cmpi eq, %iota3A_817, %eq3A_818 : vector<16xi32>
    %jit3A_820 = arith.constant 0 : i32
    %broadcast_in_dim3A_821 = vector.broadcast %jit3A_820 : i32 to vector<16xi32>
    %select_n3A_822 = arith.select %eq3A_819, %rev3A_801, %broadcast_in_dim3A_821 : vector<16xi1>, vector<16xi32>
    %reduce_sum3A_823 = arith.constant true
    %reduce_sum3A_824 = vector.broadcast %reduce_sum3A_823 : i1 to vector<16xi1>
    %reduce_sum3A_825 = tpu.scan <sum>, %select_n3A_822 masked %reduce_sum3A_824 : vector<16xi32>, vector<16xi1> -> vector<16xi32>
    %reduce_sum3A_826 = vector.extract %reduce_sum3A_825[15] : i32 from vector<16xi32>
    %mul3A_827 = arith.constant 16 : i32
    %mul3A_828 = vector.broadcast %mul3A_827 : i32 to vector<16xi32>
    %mul3A_829 = arith.muli %iota3A_780, %mul3A_828 : vector<16xi32>
    %add3A_830 = vector.broadcast %sub3A_814 : i32 to vector<16xi32>
    %add3A_831 = arith.addi %mul3A_829, %add3A_830 : vector<16xi32>
    %gather3A_832 = tpu.vector_load_idx %arg6[%add3A_831] : memref<4112xi32, #tpu.memory_space<vmem>>[vector<16xi32>], vector<16xi32>,
    %rev3A_833 = arith.constant 15 : i32
    %rev3A_834 = vector.broadcast %rev3A_833 : i32 to vector<16xi32>
    %rev3A_835 = tpu.iota {dimensions = array<i32: 0>} : vector<16xi32>
    %rev3A_836 = arith.subi %rev3A_834, %rev3A_835 : vector<16xi32>
    %rev3A_837 = tpu.dynamic_gather %gather3A_832[%rev3A_836] in [0] : vector<16xi32>, vector<16xi32> -> vector<16xi32>
    %broadcast_in_dim3A_838 = arith.constant true
    %broadcast_in_dim3A_839 = vector.broadcast %broadcast_in_dim3A_838 : i1 to vector<16xi1>
    %masked_cumsum3A_840 = tpu.scan <sum>, %rev3A_837 masked %broadcast_in_dim3A_839 : vector<16xi32>, vector<16xi1> -> vector<16xi32>
    %rev3A_841 = arith.constant 15 : i32
    %rev3A_842 = vector.broadcast %rev3A_841 : i32 to vector<16xi32>
    %rev3A_843 = tpu.iota {dimensions = array<i32: 0>} : vector<16xi32>
    %rev3A_844 = arith.subi %rev3A_842, %rev3A_843 : vector<16xi32>
    %rev3A_845 = tpu.dynamic_gather %masked_cumsum3A_840[%rev3A_844] in [0] : vector<16xi32>, vector<16xi32> -> vector<16xi32>
    %add3A_846 = vector.broadcast %reduce_sum3A_826 : i32 to vector<16xi32>
    %add3A_847 = arith.addi %add3A_846, %rev3A_845 : vector<16xi32>
    %ge3A_848 = vector.broadcast %sub3A_761 : i32 to vector<16xi32>
    %ge3A_849 = arith.cmpi sge, %add3A_847, %ge3A_848 : vector<16xi32>
    %all_reduce_population_count3A_850 = tpu.all_reduce %ge3A_849 {dim = 0 : i64, kind = #tpu.reduction_kind<sum>} : vector<16xi1> -> vector<16xi32>
    %reduce_max3A_851 = arith.constant true
    %reduce_max3A_852 = vector.broadcast %reduce_max3A_851 : i1 to vector<16xi1>
    %reduce_max3A_853 = arith.constant -2147483648 : i32
    %reduce_max3A_854 = vector.broadcast %reduce_max3A_853 : i32 to vector<16xi32>
    %reduce_max3A_855 = arith.xori %all_reduce_population_count3A_850, %reduce_max3A_854 : vector<16xi32>
    %reduce_max3A_856 = tpu.scan <max>, %reduce_max3A_855 masked %reduce_max3A_852 : vector<16xi32>, vector<16xi1> -> vector<16xi32>
    %reduce_max3A_857 = arith.xori %reduce_max3A_856, %reduce_max3A_854 : vector<16xi32>
    %reduce_max3A_858 = vector.extract %reduce_max3A_857[15] : i32 from vector<16xi32>
    %sub3A_859 = arith.constant 1 : i32
    %sub3A_860 = arith.subi %reduce_max3A_858, %sub3A_859 : i32
    %mul3A_861 = arith.constant 16 : i32
    %mul3A_862 = arith.muli %sub3A_814, %mul3A_861 : i32
    %add3A_863 = arith.addi %mul3A_862, %sub3A_860 : i32
    %add3A_864 = arith.constant 1 : i32
    %add3A_865 = arith.addi %sub3A_860, %add3A_864 : i32
    %iota3A_866 = tpu.iota {dimensions = array<i32: 0>} : vector<16xi32>
    %eq3A_867 = vector.broadcast %add3A_865 : i32 to vector<16xi32>
    %eq3A_868 = arith.cmpi eq, %iota3A_866, %eq3A_867 : vector<16xi32>
    %jit3A_869 = arith.constant 0 : i32
    %broadcast_in_dim3A_870 = vector.broadcast %jit3A_869 : i32 to vector<16xi32>
    %select_n3A_871 = arith.select %eq3A_868, %rev3A_845, %broadcast_in_dim3A_870 : vector<16xi1>, vector<16xi32>
    %reduce_sum3A_872 = arith.constant true
    %reduce_sum3A_873 = vector.broadcast %reduce_sum3A_872 : i1 to vector<16xi1>
    %reduce_sum3A_874 = tpu.scan <sum>, %select_n3A_871 masked %reduce_sum3A_873 : vector<16xi32>, vector<16xi1> -> vector<16xi32>
    %reduce_sum3A_875 = vector.extract %reduce_sum3A_874[15] : i32 from vector<16xi32>
    %add3A_876 = arith.addi %reduce_sum3A_826, %reduce_sum3A_875 : i32
    %sub3A_877 = arith.subi %sub3A_761, %add3A_876 : i32
    %shift_left3A_878 = arith.constant 8 : i32
    %shift_left3A_879 = arith.shli %or3A_764, %shift_left3A_878 : i32
    %or3A_880 = arith.ori %shift_left3A_879, %add3A_863 : i32
    %parallel_loop3A_881 = arith.constant 0 : i32
    %parallel_loop3A_882 = arith.constant 16 : i32
    %parallel_loop3A_883 = arith.constant 1 : i32
    scf.for %parallel_loop3A_1018 = %parallel_loop3A_881 to %parallel_loop3A_882 step %parallel_loop3A_883  : i32 {
      %parallel_loop3A_1019 = arith.constant 0 : i32
      %parallel_loop3A_1020 = vector.broadcast %parallel_loop3A_1019 : i32 to vector<16xi32>
      %parallel_loop3A_1021 = arith.constant 16 : i32
      %parallel_loop3A_1022 = arith.muli %parallel_loop3A_1018, %parallel_loop3A_1021 : i32
      %parallel_loop3A_1023 = arith.index_cast %parallel_loop3A_1022 : i32 to index
      %parallel_loop3A_1024 = tpu.vector_load %arg6[%parallel_loop3A_1023] {strides = array<i32>} : memref<4112xi32, #tpu.memory_space<vmem>>, vector<16xi32>,
      tpu.vector_store %arg6[%parallel_loop3A_1023], %parallel_loop3A_1020 {strides = array<i32>} : memref<4112xi32, #tpu.memory_space<vmem>>, vector<16xi32>,
    } {sc.loop_unroll_factor = 8 : i64, sc.parallel_access}
    %while3A_884 = arith.constant 0 : i32
    %while3A_885 = arith.constant 0 : i32
    %while3A_886 = arith.subi %shift_right_arithmetic3A_646, %while3A_884 : i32
    %while3A_887 = arith.addi %while3A_884, %while3A_886 : i32
    %while3A_888 = arith.constant 1 : i32
    %while3A_889 = arith.divsi %while3A_886, %while3A_888 : i32
    %while3A_890 = arith.muli %while3A_889, %while3A_888 : i32
    %while3A_891 = arith.addi %while3A_884, %while3A_890 : i32
    %while3A_892 = arith.constant 1 : i32
    %while3A_893 = scf.for %while3A_1018 = %while3A_884 to %while3A_891 step %while3A_892 iter_args(%while3A_1019 = %while3A_885) -> (i32)  : i32 {
      %mul3A_1020 = arith.constant 16 : i32
      %mul3A_1021 = arith.muli %while3A_1018, %mul3A_1020 : i32
      %get3A_1022 = arith.index_cast %mul3A_1021 : i32 to index
      %get3A_1023 = tpu.vector_load %arg7[%get3A_1022] {strides = array<i32>} : memref<16384xi32, #tpu.memory_space<vmem>>, vector<16xi32>,
      %mul3A_1024 = arith.constant 16 : i32
      %mul3A_1025 = arith.muli %while3A_1018, %mul3A_1024 : i32
      %add3A_1026 = vector.broadcast %mul3A_1025 : i32 to vector<16xi32>
      %add3A_1027 = arith.addi %add3A_1026, %iota3A : vector<16xi32>
      %lt3A = vector.broadcast %reduce_max3A_642 : i32 to vector<16xi32>
      %lt3A_1028 = arith.cmpi slt, %add3A_1027, %lt3A : vector<16xi32>
      %shift_right_arithmetic3A_1029 = arith.constant 8 : i32
      %shift_right_arithmetic3A_1030 = vector.broadcast %shift_right_arithmetic3A_1029 : i32 to vector<16xi32>
      %shift_right_arithmetic3A_1031 = arith.shrsi %get3A_1023, %shift_right_arithmetic3A_1030 : vector<16xi32>
      %eq3A_1032 = vector.broadcast %or3A_880 : i32 to vector<16xi32>
      %eq3A_1033 = arith.cmpi eq, %shift_right_arithmetic3A_1031, %eq3A_1032 : vector<16xi32>
      %and3A = arith.andi %eq3A_1033, %lt3A_1028 : vector<16xi1>
      %shift_right_arithmetic3A_1034 = arith.constant 0 : i32
      %shift_right_arithmetic3A_1035 = vector.broadcast %shift_right_arithmetic3A_1034 : i32 to vector<16xi32>
      %shift_right_arithmetic3A_1036 = arith.shrsi %get3A_1023, %shift_right_arithmetic3A_1035 : vector<16xi32>
      %and3A_1037 = arith.constant 255 : i32
      %and3A_1038 = vector.broadcast %and3A_1037 : i32 to vector<16xi32>
      %and3A_1039 = arith.andi %shift_right_arithmetic3A_1036, %and3A_1038 : vector<16xi32>
      %and3A_1040 = arith.constant 15 : i32
      %and3A_1041 = vector.broadcast %and3A_1040 : i32 to vector<16xi32>
      %and3A_1042 = arith.andi %and3A_1039, %and3A_1041 : vector<16xi32>
      %shift_left3A_1043 = arith.constant 4 : i32
      %shift_left3A_1044 = vector.broadcast %shift_left3A_1043 : i32 to vector<16xi32>
      %shift_left3A_1045 = arith.shli %and3A_1042, %shift_left3A_1044 : vector<16xi32>
      %shift_right_arithmetic3A_1046 = arith.constant 4 : i32
      %shift_right_arithmetic3A_1047 = vector.broadcast %shift_right_arithmetic3A_1046 : i32 to vector<16xi32>
      %shift_right_arithmetic3A_1048 = arith.shrsi %and3A_1039, %shift_right_arithmetic3A_1047 : vector<16xi32>
      %or3A_1049 = arith.ori %shift_left3A_1045, %shift_right_arithmetic3A_1048 : vector<16xi32>
      tpu.vector_store_idx %arg6[%or3A_1049], %broadcast_in_dim3A_1 masked %and3A {add = true} : memref<4112xi32, #tpu.memory_space<vmem>>[vector<16xi32>], vector<16xi32>, vector<16xi1>
      %while3A_1050 = arith.constant 0 : i32
      scf.yield %while3A_1050 : i32
    }
    %while3A_894 = arith.constant 1 : i32
    %while3A_895 = scf.for %while3A_1018 = %while3A_891 to %while3A_887 step %while3A_894 iter_args(%while3A_1019 = %while3A_893) -> (i32)  : i32 {
      %mul3A_1020 = arith.constant 16 : i32
      %mul3A_1021 = arith.muli %while3A_1018, %mul3A_1020 : i32
      %get3A_1022 = arith.index_cast %mul3A_1021 : i32 to index
      %get3A_1023 = tpu.vector_load %arg7[%get3A_1022] {strides = array<i32>} : memref<16384xi32, #tpu.memory_space<vmem>>, vector<16xi32>,
      %mul3A_1024 = arith.constant 16 : i32
      %mul3A_1025 = arith.muli %while3A_1018, %mul3A_1024 : i32
      %add3A_1026 = vector.broadcast %mul3A_1025 : i32 to vector<16xi32>
      %add3A_1027 = arith.addi %add3A_1026, %iota3A : vector<16xi32>
      %lt3A = vector.broadcast %reduce_max3A_642 : i32 to vector<16xi32>
      %lt3A_1028 = arith.cmpi slt, %add3A_1027, %lt3A : vector<16xi32>
      %shift_right_arithmetic3A_1029 = arith.constant 8 : i32
      %shift_right_arithmetic3A_1030 = vector.broadcast %shift_right_arithmetic3A_1029 : i32 to vector<16xi32>
      %shift_right_arithmetic3A_1031 = arith.shrsi %get3A_1023, %shift_right_arithmetic3A_1030 : vector<16xi32>
      %eq3A_1032 = vector.broadcast %or3A_880 : i32 to vector<16xi32>
      %eq3A_1033 = arith.cmpi eq, %shift_right_arithmetic3A_1031, %eq3A_1032 : vector<16xi32>
      %and3A = arith.andi %eq3A_1033, %lt3A_1028 : vector<16xi1>
      %shift_right_arithmetic3A_1034 = arith.constant 0 : i32
      %shift_right_arithmetic3A_1035 = vector.broadcast %shift_right_arithmetic3A_1034 : i32 to vector<16xi32>
      %shift_right_arithmetic3A_1036 = arith.shrsi %get3A_1023, %shift_right_arithmetic3A_1035 : vector<16xi32>
      %and3A_1037 = arith.constant 255 : i32
      %and3A_1038 = vector.broadcast %and3A_1037 : i32 to vector<16xi32>
      %and3A_1039 = arith.andi %shift_right_arithmetic3A_1036, %and3A_1038 : vector<16xi32>
      %and3A_1040 = arith.constant 15 : i32
      %and3A_1041 = vector.broadcast %and3A_1040 : i32 to vector<16xi32>
      %and3A_1042 = arith.andi %and3A_1039, %and3A_1041 : vector<16xi32>
      %shift_left3A_1043 = arith.constant 4 : i32
      %shift_left3A_1044 = vector.broadcast %shift_left3A_1043 : i32 to vector<16xi32>
      %shift_left3A_1045 = arith.shli %and3A_1042, %shift_left3A_1044 : vector<16xi32>
      %shift_right_arithmetic3A_1046 = arith.constant 4 : i32
      %shift_right_arithmetic3A_1047 = vector.broadcast %shift_right_arithmetic3A_1046 : i32 to vector<16xi32>
      %shift_right_arithmetic3A_1048 = arith.shrsi %and3A_1039, %shift_right_arithmetic3A_1047 : vector<16xi32>
      %or3A_1049 = arith.ori %shift_left3A_1045, %shift_right_arithmetic3A_1048 : vector<16xi32>
      tpu.vector_store_idx %arg6[%or3A_1049], %broadcast_in_dim3A_1 masked %and3A {add = true} : memref<4112xi32, #tpu.memory_space<vmem>>[vector<16xi32>], vector<16xi32>, vector<16xi1>
      %while3A_1050 = arith.constant 0 : i32
      scf.yield %while3A_1050 : i32
    }
    %iota3A_896 = tpu.iota {dimensions = array<i32: 0>} : vector<16xi32>
    %broadcast_in_dim3A_897 = arith.constant 0 : i32
    %broadcast_in_dim3A_898 = vector.broadcast %broadcast_in_dim3A_897 : i32 to vector<16xi32>
    %scan3A_899 = arith.constant 0 : i32
    %scan3A_900 = arith.constant 16 : i32
    %scan3A_901 = arith.addi %scan3A_899, %scan3A_900 : i32
    %scan3A_902 = arith.constant 4 : i32
    %scan3A_903 = scf.for %scan3A_1018 = %scan3A_899 to %scan3A_901 step %scan3A_902 iter_args(%scan3A_1019 = %broadcast_in_dim3A_898) -> (vector<16xi32>)  : i32 {
      %mul3A_1020 = arith.constant 16 : i32
      %mul3A_1021 = arith.muli %scan3A_1018, %mul3A_1020 : i32
      %get3A_1022 = arith.index_cast %mul3A_1021 : i32 to index
      %get3A_1023 = tpu.vector_load %arg6[%get3A_1022] {strides = array<i32>} : memref<4112xi32, #tpu.memory_space<vmem>>, vector<16xi32>,
      %add3A_1024 = arith.addi %scan3A_1019, %get3A_1023 : vector<16xi32>
      %scan3A_1025 = arith.constant 1 : i32
      %scan3A_1026 = arith.addi %scan3A_1018, %scan3A_1025 : i32
      %mul3A_1027 = arith.constant 16 : i32
      %mul3A_1028 = arith.muli %scan3A_1026, %mul3A_1027 : i32
      %get3A_1029 = arith.index_cast %mul3A_1028 : i32 to index
      %get3A_1030 = tpu.vector_load %arg6[%get3A_1029] {strides = array<i32>} : memref<4112xi32, #tpu.memory_space<vmem>>, vector<16xi32>,
      %add3A_1031 = arith.addi %add3A_1024, %get3A_1030 : vector<16xi32>
      %scan3A_1032 = arith.constant 2 : i32
      %scan3A_1033 = arith.addi %scan3A_1018, %scan3A_1032 : i32
      %mul3A_1034 = arith.constant 16 : i32
      %mul3A_1035 = arith.muli %scan3A_1033, %mul3A_1034 : i32
      %get3A_1036 = arith.index_cast %mul3A_1035 : i32 to index
      %get3A_1037 = tpu.vector_load %arg6[%get3A_1036] {strides = array<i32>} : memref<4112xi32, #tpu.memory_space<vmem>>, vector<16xi32>,
      %add3A_1038 = arith.addi %add3A_1031, %get3A_1037 : vector<16xi32>
      %scan3A_1039 = arith.constant 3 : i32
      %scan3A_1040 = arith.addi %scan3A_1018, %scan3A_1039 : i32
      %mul3A_1041 = arith.constant 16 : i32
      %mul3A_1042 = arith.muli %scan3A_1040, %mul3A_1041 : i32
      %get3A_1043 = arith.index_cast %mul3A_1042 : i32 to index
      %get3A_1044 = tpu.vector_load %arg6[%get3A_1043] {strides = array<i32>} : memref<4112xi32, #tpu.memory_space<vmem>>, vector<16xi32>,
      %add3A_1045 = arith.addi %add3A_1038, %get3A_1044 : vector<16xi32>
      scf.yield %add3A_1045 : vector<16xi32>
    }
    %scan3A_904 = arith.constant 16 : i32
    %rev3A_905 = arith.constant 15 : i32
    %rev3A_906 = vector.broadcast %rev3A_905 : i32 to vector<16xi32>
    %rev3A_907 = tpu.iota {dimensions = array<i32: 0>} : vector<16xi32>
    %rev3A_908 = arith.subi %rev3A_906, %rev3A_907 : vector<16xi32>
    %rev3A_909 = tpu.dynamic_gather %scan3A_903[%rev3A_908] in [0] : vector<16xi32>, vector<16xi32> -> vector<16xi32>
    %broadcast_in_dim3A_910 = arith.constant true
    %broadcast_in_dim3A_911 = vector.broadcast %broadcast_in_dim3A_910 : i1 to vector<16xi1>
    %masked_cumsum3A_912 = tpu.scan <sum>, %rev3A_909 masked %broadcast_in_dim3A_911 : vector<16xi32>, vector<16xi1> -> vector<16xi32>
    %rev3A_913 = arith.constant 15 : i32
    %rev3A_914 = vector.broadcast %rev3A_913 : i32 to vector<16xi32>
    %rev3A_915 = tpu.iota {dimensions = array<i32: 0>} : vector<16xi32>
    %rev3A_916 = arith.subi %rev3A_914, %rev3A_915 : vector<16xi32>
    %rev3A_917 = tpu.dynamic_gather %masked_cumsum3A_912[%rev3A_916] in [0] : vector<16xi32>, vector<16xi32> -> vector<16xi32>
    %ge3A_918 = vector.broadcast %sub3A_877 : i32 to vector<16xi32>
    %ge3A_919 = arith.cmpi sge, %rev3A_917, %ge3A_918 : vector<16xi32>
    %all_reduce_population_count3A_920 = tpu.all_reduce %ge3A_919 {dim = 0 : i64, kind = #tpu.reduction_kind<sum>} : vector<16xi1> -> vector<16xi32>
    %reduce_max3A_921 = arith.constant true
    %reduce_max3A_922 = vector.broadcast %reduce_max3A_921 : i1 to vector<16xi1>
    %reduce_max3A_923 = arith.constant -2147483648 : i32
    %reduce_max3A_924 = vector.broadcast %reduce_max3A_923 : i32 to vector<16xi32>
    %reduce_max3A_925 = arith.xori %all_reduce_population_count3A_920, %reduce_max3A_924 : vector<16xi32>
    %reduce_max3A_926 = tpu.scan <max>, %reduce_max3A_925 masked %reduce_max3A_922 : vector<16xi32>, vector<16xi1> -> vector<16xi32>
    %reduce_max3A_927 = arith.xori %reduce_max3A_926, %reduce_max3A_924 : vector<16xi32>
    %reduce_max3A_928 = vector.extract %reduce_max3A_927[15] : i32 from vector<16xi32>
    %sub3A_929 = arith.constant 1 : i32
    %sub3A_930 = arith.subi %reduce_max3A_928, %sub3A_929 : i32
    %add3A_931 = arith.constant 1 : i32
    %add3A_932 = arith.addi %sub3A_930, %add3A_931 : i32
    %iota3A_933 = tpu.iota {dimensions = array<i32: 0>} : vector<16xi32>
    %eq3A_934 = vector.broadcast %add3A_932 : i32 to vector<16xi32>
    %eq3A_935 = arith.cmpi eq, %iota3A_933, %eq3A_934 : vector<16xi32>
    %jit3A_936 = arith.constant 0 : i32
    %broadcast_in_dim3A_937 = vector.broadcast %jit3A_936 : i32 to vector<16xi32>
    %select_n3A_938 = arith.select %eq3A_935, %rev3A_917, %broadcast_in_dim3A_937 : vector<16xi1>, vector<16xi32>
    %reduce_sum3A_939 = arith.constant true
    %reduce_sum3A_940 = vector.broadcast %reduce_sum3A_939 : i1 to vector<16xi1>
    %reduce_sum3A_941 = tpu.scan <sum>, %select_n3A_938 masked %reduce_sum3A_940 : vector<16xi32>, vector<16xi1> -> vector<16xi32>
    %reduce_sum3A_942 = vector.extract %reduce_sum3A_941[15] : i32 from vector<16xi32>
    %mul3A_943 = arith.constant 16 : i32
    %mul3A_944 = vector.broadcast %mul3A_943 : i32 to vector<16xi32>
    %mul3A_945 = arith.muli %iota3A_896, %mul3A_944 : vector<16xi32>
    %add3A_946 = vector.broadcast %sub3A_930 : i32 to vector<16xi32>
    %add3A_947 = arith.addi %mul3A_945, %add3A_946 : vector<16xi32>
    %gather3A_948 = tpu.vector_load_idx %arg6[%add3A_947] : memref<4112xi32, #tpu.memory_space<vmem>>[vector<16xi32>], vector<16xi32>,
    %rev3A_949 = arith.constant 15 : i32
    %rev3A_950 = vector.broadcast %rev3A_949 : i32 to vector<16xi32>
    %rev3A_951 = tpu.iota {dimensions = array<i32: 0>} : vector<16xi32>
    %rev3A_952 = arith.subi %rev3A_950, %rev3A_951 : vector<16xi32>
    %rev3A_953 = tpu.dynamic_gather %gather3A_948[%rev3A_952] in [0] : vector<16xi32>, vector<16xi32> -> vector<16xi32>
    %broadcast_in_dim3A_954 = arith.constant true
    %broadcast_in_dim3A_955 = vector.broadcast %broadcast_in_dim3A_954 : i1 to vector<16xi1>
    %masked_cumsum3A_956 = tpu.scan <sum>, %rev3A_953 masked %broadcast_in_dim3A_955 : vector<16xi32>, vector<16xi1> -> vector<16xi32>
    %rev3A_957 = arith.constant 15 : i32
    %rev3A_958 = vector.broadcast %rev3A_957 : i32 to vector<16xi32>
    %rev3A_959 = tpu.iota {dimensions = array<i32: 0>} : vector<16xi32>
    %rev3A_960 = arith.subi %rev3A_958, %rev3A_959 : vector<16xi32>
    %rev3A_961 = tpu.dynamic_gather %masked_cumsum3A_956[%rev3A_960] in [0] : vector<16xi32>, vector<16xi32> -> vector<16xi32>
    %add3A_962 = vector.broadcast %reduce_sum3A_942 : i32 to vector<16xi32>
    %add3A_963 = arith.addi %add3A_962, %rev3A_961 : vector<16xi32>
    %ge3A_964 = vector.broadcast %sub3A_877 : i32 to vector<16xi32>
    %ge3A_965 = arith.cmpi sge, %add3A_963, %ge3A_964 : vector<16xi32>
    %all_reduce_population_count3A_966 = tpu.all_reduce %ge3A_965 {dim = 0 : i64, kind = #tpu.reduction_kind<sum>} : vector<16xi1> -> vector<16xi32>
    %reduce_max3A_967 = arith.constant true
    %reduce_max3A_968 = vector.broadcast %reduce_max3A_967 : i1 to vector<16xi1>
    %reduce_max3A_969 = arith.constant -2147483648 : i32
    %reduce_max3A_970 = vector.broadcast %reduce_max3A_969 : i32 to vector<16xi32>
    %reduce_max3A_971 = arith.xori %all_reduce_population_count3A_966, %reduce_max3A_970 : vector<16xi32>
    %reduce_max3A_972 = tpu.scan <max>, %reduce_max3A_971 masked %reduce_max3A_968 : vector<16xi32>, vector<16xi1> -> vector<16xi32>
    %reduce_max3A_973 = arith.xori %reduce_max3A_972, %reduce_max3A_970 : vector<16xi32>
    %reduce_max3A_974 = vector.extract %reduce_max3A_973[15] : i32 from vector<16xi32>
    %sub3A_975 = arith.constant 1 : i32
    %sub3A_976 = arith.subi %reduce_max3A_974, %sub3A_975 : i32
    %mul3A_977 = arith.constant 16 : i32
    %mul3A_978 = arith.muli %sub3A_930, %mul3A_977 : i32
    %add3A_979 = arith.addi %mul3A_978, %sub3A_976 : i32
    %add3A_980 = arith.constant 1 : i32
    %add3A_981 = arith.addi %sub3A_976, %add3A_980 : i32
    %iota3A_982 = tpu.iota {dimensions = array<i32: 0>} : vector<16xi32>
    %eq3A_983 = vector.broadcast %add3A_981 : i32 to vector<16xi32>
    %eq3A_984 = arith.cmpi eq, %iota3A_982, %eq3A_983 : vector<16xi32>
    %jit3A_985 = arith.constant 0 : i32
    %broadcast_in_dim3A_986 = vector.broadcast %jit3A_985 : i32 to vector<16xi32>
    %select_n3A_987 = arith.select %eq3A_984, %rev3A_961, %broadcast_in_dim3A_986 : vector<16xi1>, vector<16xi32>
    %reduce_sum3A_988 = arith.constant true
    %reduce_sum3A_989 = vector.broadcast %reduce_sum3A_988 : i1 to vector<16xi1>
    %reduce_sum3A_990 = tpu.scan <sum>, %select_n3A_987 masked %reduce_sum3A_989 : vector<16xi32>, vector<16xi1> -> vector<16xi32>
    %reduce_sum3A_991 = vector.extract %reduce_sum3A_990[15] : i32 from vector<16xi32>
    %add3A_992 = arith.addi %reduce_sum3A_942, %reduce_sum3A_991 : i32
    %sub3A_993 = arith.subi %sub3A_877, %add3A_992 : i32
    %shift_left3A_994 = arith.constant 8 : i32
    %shift_left3A_995 = arith.shli %or3A_880, %shift_left3A_994 : i32
    %or3A_996 = arith.ori %shift_left3A_995, %add3A_979 : i32
    %dma_wait3A_997 = arith.constant 0 : i32
    %dma_wait3A_998 = tpu.memref_slice %arg3[%add3A_14, %dma_wait3A_997] : memref<64x32768xf32, #tpu.memory_space<hbm>> -> memref<1x32768xf32, #tpu.memory_space<hbm>>
    %dma_wait3A_999 = tpu.memref_squeeze %dma_wait3A_998 : memref<1x32768xf32, #tpu.memory_space<hbm>> -> memref<32768xf32, #tpu.memory_space<hbm>>
    %dma_wait3A_1000 = arith.constant 0 : i32
    %dma_wait3A_1001 = tpu.memref_slice %arg3[%add3A_14, %dma_wait3A_1000] : memref<64x32768xf32, #tpu.memory_space<hbm>> -> memref<1x32768xf32, #tpu.memory_space<hbm>>
    %dma_wait3A_1002 = tpu.memref_squeeze %dma_wait3A_1001 : memref<1x32768xf32, #tpu.memory_space<hbm>> -> memref<32768xf32, #tpu.memory_space<hbm>>
    tpu.wait_dma2 semaphore(%arg10 : memref<!tpu.dma_semaphore, #tpu.memory_space<semaphore_mem>>) src(%arg5 : memref<32768xf32, #tpu.memory_space<vmem>>) dst(%dma_wait3A_1002 : memref<32768xf32, #tpu.memory_space<hbm>>)
    %parallel_loop3A_1003 = arith.constant 0 : i32
    %parallel_loop3A_1004 = arith.constant 2048 : i32
    %parallel_loop3A_1005 = arith.constant 1 : i32
    scf.for %parallel_loop3A_1018 = %parallel_loop3A_1003 to %parallel_loop3A_1004 step %parallel_loop3A_1005  : i32 {
      %parallel_loop3A_1019 = arith.constant 16 : i32
      %parallel_loop3A_1020 = arith.muli %parallel_loop3A_1018, %parallel_loop3A_1019 : i32
      %parallel_loop3A_1021 = arith.index_cast %parallel_loop3A_1020 : i32 to index
      %parallel_loop3A_1022 = tpu.vector_load %arg8[%parallel_loop3A_1021] {strides = array<i32>} : memref<32768xi32, #tpu.memory_space<vmem>>, vector<16xi32>,
      %parallel_loop3A_1023 = arith.constant 0 : i32
      %parallel_loop3A_1024 = vector.broadcast %parallel_loop3A_1023 : i32 to vector<16xi32>
      %parallel_loop3A_1025 = arith.cmpi sge, %parallel_loop3A_1022, %parallel_loop3A_1024 : vector<16xi32>
      %parallel_loop3A_1026 = arith.constant 2147483647 : i32
      %parallel_loop3A_1027 = vector.broadcast %parallel_loop3A_1026 : i32 to vector<16xi32>
      %parallel_loop3A_1028 = arith.xori %parallel_loop3A_1022, %parallel_loop3A_1027 : vector<16xi32>
      %parallel_loop3A_1029 = arith.select %parallel_loop3A_1025, %parallel_loop3A_1022, %parallel_loop3A_1028 : vector<16xi1>, vector<16xi32>
      %parallel_loop3A_1030 = vector.broadcast %or3A_996 : i32 to vector<16xi32>
      %parallel_loop3A_1031 = arith.cmpi sge, %parallel_loop3A_1029, %parallel_loop3A_1030 : vector<16xi32>
      %parallel_loop3A_1032 = arith.select %parallel_loop3A_1031, %broadcast_in_dim3A_3, %broadcast_in_dim3A_5 : vector<16xi1>, vector<16xf32>
      %parallel_loop3A_1033 = arith.constant 16 : i32
      %parallel_loop3A_1034 = arith.muli %parallel_loop3A_1018, %parallel_loop3A_1033 : i32
      %parallel_loop3A_1035 = arith.index_cast %parallel_loop3A_1034 : i32 to index
      %parallel_loop3A_1036 = tpu.vector_load %arg5[%parallel_loop3A_1035] {strides = array<i32>} : memref<32768xf32, #tpu.memory_space<vmem>>, vector<16xf32>,
      tpu.vector_store %arg5[%parallel_loop3A_1035], %parallel_loop3A_1032 {strides = array<i32>} : memref<32768xf32, #tpu.memory_space<vmem>>, vector<16xf32>,
    } {sc.loop_unroll_factor = 8 : i64, sc.parallel_access}
    %dma_start3A_1006 = arith.constant 0 : i32
    %dma_start3A_1007 = tpu.memref_slice %arg3[%add3A_505, %dma_start3A_1006] : memref<64x32768xf32, #tpu.memory_space<hbm>> -> memref<1x32768xf32, #tpu.memory_space<hbm>>
    %dma_start3A_1008 = tpu.memref_squeeze %dma_start3A_1007 : memref<1x32768xf32, #tpu.memory_space<hbm>> -> memref<32768xf32, #tpu.memory_space<hbm>>
    %dma_start3A_1009 = arith.constant 0 : i32
    %dma_start3A_1010 = tpu.memref_slice %arg3[%add3A_505, %dma_start3A_1009] : memref<64x32768xf32, #tpu.memory_space<hbm>> -> memref<1x32768xf32, #tpu.memory_space<hbm>>
    %dma_start3A_1011 = tpu.memref_squeeze %dma_start3A_1010 : memref<1x32768xf32, #tpu.memory_space<hbm>> -> memref<32768xf32, #tpu.memory_space<hbm>>
    tpu.enqueue_dma source(%arg5 : memref<32768xf32, #tpu.memory_space<vmem>>) target(%dma_start3A_1011 : memref<32768xf32, #tpu.memory_space<hbm>>) target_semaphore(%arg10 : memref<!tpu.dma_semaphore, #tpu.memory_space<semaphore_mem>>)
    %dma_wait3A_1012 = arith.constant 0 : i32
    %dma_wait3A_1013 = tpu.memref_slice %arg3[%add3A_505, %dma_wait3A_1012] : memref<64x32768xf32, #tpu.memory_space<hbm>> -> memref<1x32768xf32, #tpu.memory_space<hbm>>
    %dma_wait3A_1014 = tpu.memref_squeeze %dma_wait3A_1013 : memref<1x32768xf32, #tpu.memory_space<hbm>> -> memref<32768xf32, #tpu.memory_space<hbm>>
    %dma_wait3A_1015 = arith.constant 0 : i32
    %dma_wait3A_1016 = tpu.memref_slice %arg3[%add3A_505, %dma_wait3A_1015] : memref<64x32768xf32, #tpu.memory_space<hbm>> -> memref<1x32768xf32, #tpu.memory_space<hbm>>
    %dma_wait3A_1017 = tpu.memref_squeeze %dma_wait3A_1016 : memref<1x32768xf32, #tpu.memory_space<hbm>> -> memref<32768xf32, #tpu.memory_space<hbm>>
    tpu.wait_dma2 semaphore(%arg10 : memref<!tpu.dma_semaphore, #tpu.memory_space<semaphore_mem>>) src(%arg5 : memref<32768xf32, #tpu.memory_space<vmem>>) dst(%dma_wait3A_1017 : memref<32768xf32, #tpu.memory_space<hbm>>)
    return
  }
}

module attributes {stable_mosaic.version = 14 : i64} {
  func.func @_tc_mask_kernel(%arg0: i32, %arg1: memref<16x32768xf32, #tpu.memory_space<vmem>>, %arg2: memref<16x32768xf32, #tpu.memory_space<vmem>>) attributes {dimension_semantics = [#tpu.dimension_semantics<arbitrary>], iteration_bounds = array<i64: 4>, scalar_prefetch = 0 : i64, scratch_operands = 0 : i64, tpu.core_type = #tpu.core_type<tc>, window_params = [{transform_indices = @transform_0, window_bounds = array<i64: 16, 32768>}, {transform_indices = @transform_1, window_bounds = array<i64: 16, 32768>}]} {
    %get3A = arith.constant 0 : index
    %get3A_0 = arith.constant 0 : index
    %get3A_1 = vector.load %arg1[%get3A, %get3A_0] : memref<16x32768xf32, #tpu.memory_space<vmem>>, vector<16x32768xf32>
    %bitcast_convert_type3A = tpu.bitcast %get3A_1 : vector<16x32768xf32> -> vector<16x32768xi32>
    %ge3A = arith.constant -2147483648 : i32
    %ge3A_2 = vector.broadcast %ge3A : i32 to vector<16x32768xi32>
    %ge3A_3 = arith.cmpi uge, %bitcast_convert_type3A, %ge3A_2 : vector<16x32768xi32>
    %not3A = arith.constant dense<-1> : vector<16x32768xi32>
    %not3A_4 = arith.xori %bitcast_convert_type3A, %not3A : vector<16x32768xi32>
    %or3A = arith.constant -2147483648 : i32
    %or3A_5 = vector.broadcast %or3A : i32 to vector<16x32768xi32>
    %or3A_6 = arith.ori %bitcast_convert_type3A, %or3A_5 : vector<16x32768xi32>
    %select_n3A = arith.select %ge3A_3, %not3A_4, %or3A_6 : vector<16x32768xi1>, vector<16x32768xi32>
    %broadcast_in_dim3A = arith.constant 0 : i32
    %broadcast_in_dim3A_7 = vector.broadcast %broadcast_in_dim3A : i32 to vector<16x1xi32>
    %or3A_8 = arith.constant -2147483648 : i32
    %or3A_9 = vector.broadcast %or3A_8 : i32 to vector<16x1xi32>
    %or3A_10 = arith.ori %broadcast_in_dim3A_7, %or3A_9 : vector<16x1xi32>
    %ge3A_11 = vector.broadcast %or3A_10 : vector<16x1xi32> to vector<16x32768xi32>
    %ge3A_12 = arith.cmpi uge, %select_n3A, %ge3A_11 : vector<16x32768xi32>
    %convert_element_type3A = arith.extui %ge3A_12 : vector<16x32768xi1> to vector<16x32768xi32>
    %reduce_sum3A = arith.constant dense<0> : vector<16xi32>
    %reduce_sum3A_13 = vector.multi_reduction <add>, %convert_element_type3A, %reduce_sum3A [1] : vector<16x32768xi32> to vector<16xi32>
    %broadcast_in_dim3A_14 = vector.shape_cast %reduce_sum3A_13 : vector<16xi32> to vector<16x1xi32>
    %ge3A_15 = arith.constant 256 : i32
    %ge3A_16 = vector.broadcast %ge3A_15 : i32 to vector<16x1xi32>
    %ge3A_17 = arith.cmpi sge, %broadcast_in_dim3A_14, %ge3A_16 : vector<16x1xi32>
    %select_n3A_18 = arith.select %ge3A_17, %or3A_10, %broadcast_in_dim3A_7 : vector<16x1xi1>, vector<16x1xi32>
    %or3A_19 = arith.constant 1073741824 : i32
    %or3A_20 = vector.broadcast %or3A_19 : i32 to vector<16x1xi32>
    %or3A_21 = arith.ori %select_n3A_18, %or3A_20 : vector<16x1xi32>
    %ge3A_22 = vector.broadcast %or3A_21 : vector<16x1xi32> to vector<16x32768xi32>
    %ge3A_23 = arith.cmpi uge, %select_n3A, %ge3A_22 : vector<16x32768xi32>
    %convert_element_type3A_24 = arith.extui %ge3A_23 : vector<16x32768xi1> to vector<16x32768xi32>
    %reduce_sum3A_25 = arith.constant dense<0> : vector<16xi32>
    %reduce_sum3A_26 = vector.multi_reduction <add>, %convert_element_type3A_24, %reduce_sum3A_25 [1] : vector<16x32768xi32> to vector<16xi32>
    %broadcast_in_dim3A_27 = vector.shape_cast %reduce_sum3A_26 : vector<16xi32> to vector<16x1xi32>
    %ge3A_28 = arith.constant 256 : i32
    %ge3A_29 = vector.broadcast %ge3A_28 : i32 to vector<16x1xi32>
    %ge3A_30 = arith.cmpi sge, %broadcast_in_dim3A_27, %ge3A_29 : vector<16x1xi32>
    %select_n3A_31 = arith.select %ge3A_30, %or3A_21, %select_n3A_18 : vector<16x1xi1>, vector<16x1xi32>
    %or3A_32 = arith.constant 536870912 : i32
    %or3A_33 = vector.broadcast %or3A_32 : i32 to vector<16x1xi32>
    %or3A_34 = arith.ori %select_n3A_31, %or3A_33 : vector<16x1xi32>
    %ge3A_35 = vector.broadcast %or3A_34 : vector<16x1xi32> to vector<16x32768xi32>
    %ge3A_36 = arith.cmpi uge, %select_n3A, %ge3A_35 : vector<16x32768xi32>
    %convert_element_type3A_37 = arith.extui %ge3A_36 : vector<16x32768xi1> to vector<16x32768xi32>
    %reduce_sum3A_38 = arith.constant dense<0> : vector<16xi32>
    %reduce_sum3A_39 = vector.multi_reduction <add>, %convert_element_type3A_37, %reduce_sum3A_38 [1] : vector<16x32768xi32> to vector<16xi32>
    %broadcast_in_dim3A_40 = vector.shape_cast %reduce_sum3A_39 : vector<16xi32> to vector<16x1xi32>
    %ge3A_41 = arith.constant 256 : i32
    %ge3A_42 = vector.broadcast %ge3A_41 : i32 to vector<16x1xi32>
    %ge3A_43 = arith.cmpi sge, %broadcast_in_dim3A_40, %ge3A_42 : vector<16x1xi32>
    %select_n3A_44 = arith.select %ge3A_43, %or3A_34, %select_n3A_31 : vector<16x1xi1>, vector<16x1xi32>
    %or3A_45 = arith.constant 268435456 : i32
    %or3A_46 = vector.broadcast %or3A_45 : i32 to vector<16x1xi32>
    %or3A_47 = arith.ori %select_n3A_44, %or3A_46 : vector<16x1xi32>
    %ge3A_48 = vector.broadcast %or3A_47 : vector<16x1xi32> to vector<16x32768xi32>
    %ge3A_49 = arith.cmpi uge, %select_n3A, %ge3A_48 : vector<16x32768xi32>
    %convert_element_type3A_50 = arith.extui %ge3A_49 : vector<16x32768xi1> to vector<16x32768xi32>
    %reduce_sum3A_51 = arith.constant dense<0> : vector<16xi32>
    %reduce_sum3A_52 = vector.multi_reduction <add>, %convert_element_type3A_50, %reduce_sum3A_51 [1] : vector<16x32768xi32> to vector<16xi32>
    %broadcast_in_dim3A_53 = vector.shape_cast %reduce_sum3A_52 : vector<16xi32> to vector<16x1xi32>
    %ge3A_54 = arith.constant 256 : i32
    %ge3A_55 = vector.broadcast %ge3A_54 : i32 to vector<16x1xi32>
    %ge3A_56 = arith.cmpi sge, %broadcast_in_dim3A_53, %ge3A_55 : vector<16x1xi32>
    %select_n3A_57 = arith.select %ge3A_56, %or3A_47, %select_n3A_44 : vector<16x1xi1>, vector<16x1xi32>
    %or3A_58 = arith.constant 134217728 : i32
    %or3A_59 = vector.broadcast %or3A_58 : i32 to vector<16x1xi32>
    %or3A_60 = arith.ori %select_n3A_57, %or3A_59 : vector<16x1xi32>
    %ge3A_61 = vector.broadcast %or3A_60 : vector<16x1xi32> to vector<16x32768xi32>
    %ge3A_62 = arith.cmpi uge, %select_n3A, %ge3A_61 : vector<16x32768xi32>
    %convert_element_type3A_63 = arith.extui %ge3A_62 : vector<16x32768xi1> to vector<16x32768xi32>
    %reduce_sum3A_64 = arith.constant dense<0> : vector<16xi32>
    %reduce_sum3A_65 = vector.multi_reduction <add>, %convert_element_type3A_63, %reduce_sum3A_64 [1] : vector<16x32768xi32> to vector<16xi32>
    %broadcast_in_dim3A_66 = vector.shape_cast %reduce_sum3A_65 : vector<16xi32> to vector<16x1xi32>
    %ge3A_67 = arith.constant 256 : i32
    %ge3A_68 = vector.broadcast %ge3A_67 : i32 to vector<16x1xi32>
    %ge3A_69 = arith.cmpi sge, %broadcast_in_dim3A_66, %ge3A_68 : vector<16x1xi32>
    %select_n3A_70 = arith.select %ge3A_69, %or3A_60, %select_n3A_57 : vector<16x1xi1>, vector<16x1xi32>
    %or3A_71 = arith.constant 67108864 : i32
    %or3A_72 = vector.broadcast %or3A_71 : i32 to vector<16x1xi32>
    %or3A_73 = arith.ori %select_n3A_70, %or3A_72 : vector<16x1xi32>
    %ge3A_74 = vector.broadcast %or3A_73 : vector<16x1xi32> to vector<16x32768xi32>
    %ge3A_75 = arith.cmpi uge, %select_n3A, %ge3A_74 : vector<16x32768xi32>
    %convert_element_type3A_76 = arith.extui %ge3A_75 : vector<16x32768xi1> to vector<16x32768xi32>
    %reduce_sum3A_77 = arith.constant dense<0> : vector<16xi32>
    %reduce_sum3A_78 = vector.multi_reduction <add>, %convert_element_type3A_76, %reduce_sum3A_77 [1] : vector<16x32768xi32> to vector<16xi32>
    %broadcast_in_dim3A_79 = vector.shape_cast %reduce_sum3A_78 : vector<16xi32> to vector<16x1xi32>
    %ge3A_80 = arith.constant 256 : i32
    %ge3A_81 = vector.broadcast %ge3A_80 : i32 to vector<16x1xi32>
    %ge3A_82 = arith.cmpi sge, %broadcast_in_dim3A_79, %ge3A_81 : vector<16x1xi32>
    %select_n3A_83 = arith.select %ge3A_82, %or3A_73, %select_n3A_70 : vector<16x1xi1>, vector<16x1xi32>
    %or3A_84 = arith.constant 33554432 : i32
    %or3A_85 = vector.broadcast %or3A_84 : i32 to vector<16x1xi32>
    %or3A_86 = arith.ori %select_n3A_83, %or3A_85 : vector<16x1xi32>
    %ge3A_87 = vector.broadcast %or3A_86 : vector<16x1xi32> to vector<16x32768xi32>
    %ge3A_88 = arith.cmpi uge, %select_n3A, %ge3A_87 : vector<16x32768xi32>
    %convert_element_type3A_89 = arith.extui %ge3A_88 : vector<16x32768xi1> to vector<16x32768xi32>
    %reduce_sum3A_90 = arith.constant dense<0> : vector<16xi32>
    %reduce_sum3A_91 = vector.multi_reduction <add>, %convert_element_type3A_89, %reduce_sum3A_90 [1] : vector<16x32768xi32> to vector<16xi32>
    %broadcast_in_dim3A_92 = vector.shape_cast %reduce_sum3A_91 : vector<16xi32> to vector<16x1xi32>
    %ge3A_93 = arith.constant 256 : i32
    %ge3A_94 = vector.broadcast %ge3A_93 : i32 to vector<16x1xi32>
    %ge3A_95 = arith.cmpi sge, %broadcast_in_dim3A_92, %ge3A_94 : vector<16x1xi32>
    %select_n3A_96 = arith.select %ge3A_95, %or3A_86, %select_n3A_83 : vector<16x1xi1>, vector<16x1xi32>
    %or3A_97 = arith.constant 16777216 : i32
    %or3A_98 = vector.broadcast %or3A_97 : i32 to vector<16x1xi32>
    %or3A_99 = arith.ori %select_n3A_96, %or3A_98 : vector<16x1xi32>
    %ge3A_100 = vector.broadcast %or3A_99 : vector<16x1xi32> to vector<16x32768xi32>
    %ge3A_101 = arith.cmpi uge, %select_n3A, %ge3A_100 : vector<16x32768xi32>
    %convert_element_type3A_102 = arith.extui %ge3A_101 : vector<16x32768xi1> to vector<16x32768xi32>
    %reduce_sum3A_103 = arith.constant dense<0> : vector<16xi32>
    %reduce_sum3A_104 = vector.multi_reduction <add>, %convert_element_type3A_102, %reduce_sum3A_103 [1] : vector<16x32768xi32> to vector<16xi32>
    %broadcast_in_dim3A_105 = vector.shape_cast %reduce_sum3A_104 : vector<16xi32> to vector<16x1xi32>
    %ge3A_106 = arith.constant 256 : i32
    %ge3A_107 = vector.broadcast %ge3A_106 : i32 to vector<16x1xi32>
    %ge3A_108 = arith.cmpi sge, %broadcast_in_dim3A_105, %ge3A_107 : vector<16x1xi32>
    %select_n3A_109 = arith.select %ge3A_108, %or3A_99, %select_n3A_96 : vector<16x1xi1>, vector<16x1xi32>
    %or3A_110 = arith.constant 8388608 : i32
    %or3A_111 = vector.broadcast %or3A_110 : i32 to vector<16x1xi32>
    %or3A_112 = arith.ori %select_n3A_109, %or3A_111 : vector<16x1xi32>
    %ge3A_113 = vector.broadcast %or3A_112 : vector<16x1xi32> to vector<16x32768xi32>
    %ge3A_114 = arith.cmpi uge, %select_n3A, %ge3A_113 : vector<16x32768xi32>
    %convert_element_type3A_115 = arith.extui %ge3A_114 : vector<16x32768xi1> to vector<16x32768xi32>
    %reduce_sum3A_116 = arith.constant dense<0> : vector<16xi32>
    %reduce_sum3A_117 = vector.multi_reduction <add>, %convert_element_type3A_115, %reduce_sum3A_116 [1] : vector<16x32768xi32> to vector<16xi32>
    %broadcast_in_dim3A_118 = vector.shape_cast %reduce_sum3A_117 : vector<16xi32> to vector<16x1xi32>
    %ge3A_119 = arith.constant 256 : i32
    %ge3A_120 = vector.broadcast %ge3A_119 : i32 to vector<16x1xi32>
    %ge3A_121 = arith.cmpi sge, %broadcast_in_dim3A_118, %ge3A_120 : vector<16x1xi32>
    %select_n3A_122 = arith.select %ge3A_121, %or3A_112, %select_n3A_109 : vector<16x1xi1>, vector<16x1xi32>
    %or3A_123 = arith.constant 4194304 : i32
    %or3A_124 = vector.broadcast %or3A_123 : i32 to vector<16x1xi32>
    %or3A_125 = arith.ori %select_n3A_122, %or3A_124 : vector<16x1xi32>
    %ge3A_126 = vector.broadcast %or3A_125 : vector<16x1xi32> to vector<16x32768xi32>
    %ge3A_127 = arith.cmpi uge, %select_n3A, %ge3A_126 : vector<16x32768xi32>
    %convert_element_type3A_128 = arith.extui %ge3A_127 : vector<16x32768xi1> to vector<16x32768xi32>
    %reduce_sum3A_129 = arith.constant dense<0> : vector<16xi32>
    %reduce_sum3A_130 = vector.multi_reduction <add>, %convert_element_type3A_128, %reduce_sum3A_129 [1] : vector<16x32768xi32> to vector<16xi32>
    %broadcast_in_dim3A_131 = vector.shape_cast %reduce_sum3A_130 : vector<16xi32> to vector<16x1xi32>
    %ge3A_132 = arith.constant 256 : i32
    %ge3A_133 = vector.broadcast %ge3A_132 : i32 to vector<16x1xi32>
    %ge3A_134 = arith.cmpi sge, %broadcast_in_dim3A_131, %ge3A_133 : vector<16x1xi32>
    %select_n3A_135 = arith.select %ge3A_134, %or3A_125, %select_n3A_122 : vector<16x1xi1>, vector<16x1xi32>
    %or3A_136 = arith.constant 2097152 : i32
    %or3A_137 = vector.broadcast %or3A_136 : i32 to vector<16x1xi32>
    %or3A_138 = arith.ori %select_n3A_135, %or3A_137 : vector<16x1xi32>
    %ge3A_139 = vector.broadcast %or3A_138 : vector<16x1xi32> to vector<16x32768xi32>
    %ge3A_140 = arith.cmpi uge, %select_n3A, %ge3A_139 : vector<16x32768xi32>
    %convert_element_type3A_141 = arith.extui %ge3A_140 : vector<16x32768xi1> to vector<16x32768xi32>
    %reduce_sum3A_142 = arith.constant dense<0> : vector<16xi32>
    %reduce_sum3A_143 = vector.multi_reduction <add>, %convert_element_type3A_141, %reduce_sum3A_142 [1] : vector<16x32768xi32> to vector<16xi32>
    %broadcast_in_dim3A_144 = vector.shape_cast %reduce_sum3A_143 : vector<16xi32> to vector<16x1xi32>
    %ge3A_145 = arith.constant 256 : i32
    %ge3A_146 = vector.broadcast %ge3A_145 : i32 to vector<16x1xi32>
    %ge3A_147 = arith.cmpi sge, %broadcast_in_dim3A_144, %ge3A_146 : vector<16x1xi32>
    %select_n3A_148 = arith.select %ge3A_147, %or3A_138, %select_n3A_135 : vector<16x1xi1>, vector<16x1xi32>
    %or3A_149 = arith.constant 1048576 : i32
    %or3A_150 = vector.broadcast %or3A_149 : i32 to vector<16x1xi32>
    %or3A_151 = arith.ori %select_n3A_148, %or3A_150 : vector<16x1xi32>
    %ge3A_152 = vector.broadcast %or3A_151 : vector<16x1xi32> to vector<16x32768xi32>
    %ge3A_153 = arith.cmpi uge, %select_n3A, %ge3A_152 : vector<16x32768xi32>
    %convert_element_type3A_154 = arith.extui %ge3A_153 : vector<16x32768xi1> to vector<16x32768xi32>
    %reduce_sum3A_155 = arith.constant dense<0> : vector<16xi32>
    %reduce_sum3A_156 = vector.multi_reduction <add>, %convert_element_type3A_154, %reduce_sum3A_155 [1] : vector<16x32768xi32> to vector<16xi32>
    %broadcast_in_dim3A_157 = vector.shape_cast %reduce_sum3A_156 : vector<16xi32> to vector<16x1xi32>
    %ge3A_158 = arith.constant 256 : i32
    %ge3A_159 = vector.broadcast %ge3A_158 : i32 to vector<16x1xi32>
    %ge3A_160 = arith.cmpi sge, %broadcast_in_dim3A_157, %ge3A_159 : vector<16x1xi32>
    %select_n3A_161 = arith.select %ge3A_160, %or3A_151, %select_n3A_148 : vector<16x1xi1>, vector<16x1xi32>
    %or3A_162 = arith.constant 524288 : i32
    %or3A_163 = vector.broadcast %or3A_162 : i32 to vector<16x1xi32>
    %or3A_164 = arith.ori %select_n3A_161, %or3A_163 : vector<16x1xi32>
    %ge3A_165 = vector.broadcast %or3A_164 : vector<16x1xi32> to vector<16x32768xi32>
    %ge3A_166 = arith.cmpi uge, %select_n3A, %ge3A_165 : vector<16x32768xi32>
    %convert_element_type3A_167 = arith.extui %ge3A_166 : vector<16x32768xi1> to vector<16x32768xi32>
    %reduce_sum3A_168 = arith.constant dense<0> : vector<16xi32>
    %reduce_sum3A_169 = vector.multi_reduction <add>, %convert_element_type3A_167, %reduce_sum3A_168 [1] : vector<16x32768xi32> to vector<16xi32>
    %broadcast_in_dim3A_170 = vector.shape_cast %reduce_sum3A_169 : vector<16xi32> to vector<16x1xi32>
    %ge3A_171 = arith.constant 256 : i32
    %ge3A_172 = vector.broadcast %ge3A_171 : i32 to vector<16x1xi32>
    %ge3A_173 = arith.cmpi sge, %broadcast_in_dim3A_170, %ge3A_172 : vector<16x1xi32>
    %select_n3A_174 = arith.select %ge3A_173, %or3A_164, %select_n3A_161 : vector<16x1xi1>, vector<16x1xi32>
    %or3A_175 = arith.constant 262144 : i32
    %or3A_176 = vector.broadcast %or3A_175 : i32 to vector<16x1xi32>
    %or3A_177 = arith.ori %select_n3A_174, %or3A_176 : vector<16x1xi32>
    %ge3A_178 = vector.broadcast %or3A_177 : vector<16x1xi32> to vector<16x32768xi32>
    %ge3A_179 = arith.cmpi uge, %select_n3A, %ge3A_178 : vector<16x32768xi32>
    %convert_element_type3A_180 = arith.extui %ge3A_179 : vector<16x32768xi1> to vector<16x32768xi32>
    %reduce_sum3A_181 = arith.constant dense<0> : vector<16xi32>
    %reduce_sum3A_182 = vector.multi_reduction <add>, %convert_element_type3A_180, %reduce_sum3A_181 [1] : vector<16x32768xi32> to vector<16xi32>
    %broadcast_in_dim3A_183 = vector.shape_cast %reduce_sum3A_182 : vector<16xi32> to vector<16x1xi32>
    %ge3A_184 = arith.constant 256 : i32
    %ge3A_185 = vector.broadcast %ge3A_184 : i32 to vector<16x1xi32>
    %ge3A_186 = arith.cmpi sge, %broadcast_in_dim3A_183, %ge3A_185 : vector<16x1xi32>
    %select_n3A_187 = arith.select %ge3A_186, %or3A_177, %select_n3A_174 : vector<16x1xi1>, vector<16x1xi32>
    %or3A_188 = arith.constant 131072 : i32
    %or3A_189 = vector.broadcast %or3A_188 : i32 to vector<16x1xi32>
    %or3A_190 = arith.ori %select_n3A_187, %or3A_189 : vector<16x1xi32>
    %ge3A_191 = vector.broadcast %or3A_190 : vector<16x1xi32> to vector<16x32768xi32>
    %ge3A_192 = arith.cmpi uge, %select_n3A, %ge3A_191 : vector<16x32768xi32>
    %convert_element_type3A_193 = arith.extui %ge3A_192 : vector<16x32768xi1> to vector<16x32768xi32>
    %reduce_sum3A_194 = arith.constant dense<0> : vector<16xi32>
    %reduce_sum3A_195 = vector.multi_reduction <add>, %convert_element_type3A_193, %reduce_sum3A_194 [1] : vector<16x32768xi32> to vector<16xi32>
    %broadcast_in_dim3A_196 = vector.shape_cast %reduce_sum3A_195 : vector<16xi32> to vector<16x1xi32>
    %ge3A_197 = arith.constant 256 : i32
    %ge3A_198 = vector.broadcast %ge3A_197 : i32 to vector<16x1xi32>
    %ge3A_199 = arith.cmpi sge, %broadcast_in_dim3A_196, %ge3A_198 : vector<16x1xi32>
    %select_n3A_200 = arith.select %ge3A_199, %or3A_190, %select_n3A_187 : vector<16x1xi1>, vector<16x1xi32>
    %or3A_201 = arith.constant 65536 : i32
    %or3A_202 = vector.broadcast %or3A_201 : i32 to vector<16x1xi32>
    %or3A_203 = arith.ori %select_n3A_200, %or3A_202 : vector<16x1xi32>
    %ge3A_204 = vector.broadcast %or3A_203 : vector<16x1xi32> to vector<16x32768xi32>
    %ge3A_205 = arith.cmpi uge, %select_n3A, %ge3A_204 : vector<16x32768xi32>
    %convert_element_type3A_206 = arith.extui %ge3A_205 : vector<16x32768xi1> to vector<16x32768xi32>
    %reduce_sum3A_207 = arith.constant dense<0> : vector<16xi32>
    %reduce_sum3A_208 = vector.multi_reduction <add>, %convert_element_type3A_206, %reduce_sum3A_207 [1] : vector<16x32768xi32> to vector<16xi32>
    %broadcast_in_dim3A_209 = vector.shape_cast %reduce_sum3A_208 : vector<16xi32> to vector<16x1xi32>
    %ge3A_210 = arith.constant 256 : i32
    %ge3A_211 = vector.broadcast %ge3A_210 : i32 to vector<16x1xi32>
    %ge3A_212 = arith.cmpi sge, %broadcast_in_dim3A_209, %ge3A_211 : vector<16x1xi32>
    %select_n3A_213 = arith.select %ge3A_212, %or3A_203, %select_n3A_200 : vector<16x1xi1>, vector<16x1xi32>
    %or3A_214 = arith.constant 32768 : i32
    %or3A_215 = vector.broadcast %or3A_214 : i32 to vector<16x1xi32>
    %or3A_216 = arith.ori %select_n3A_213, %or3A_215 : vector<16x1xi32>
    %ge3A_217 = vector.broadcast %or3A_216 : vector<16x1xi32> to vector<16x32768xi32>
    %ge3A_218 = arith.cmpi uge, %select_n3A, %ge3A_217 : vector<16x32768xi32>
    %convert_element_type3A_219 = arith.extui %ge3A_218 : vector<16x32768xi1> to vector<16x32768xi32>
    %reduce_sum3A_220 = arith.constant dense<0> : vector<16xi32>
    %reduce_sum3A_221 = vector.multi_reduction <add>, %convert_element_type3A_219, %reduce_sum3A_220 [1] : vector<16x32768xi32> to vector<16xi32>
    %broadcast_in_dim3A_222 = vector.shape_cast %reduce_sum3A_221 : vector<16xi32> to vector<16x1xi32>
    %ge3A_223 = arith.constant 256 : i32
    %ge3A_224 = vector.broadcast %ge3A_223 : i32 to vector<16x1xi32>
    %ge3A_225 = arith.cmpi sge, %broadcast_in_dim3A_222, %ge3A_224 : vector<16x1xi32>
    %select_n3A_226 = arith.select %ge3A_225, %or3A_216, %select_n3A_213 : vector<16x1xi1>, vector<16x1xi32>
    %or3A_227 = arith.constant 16384 : i32
    %or3A_228 = vector.broadcast %or3A_227 : i32 to vector<16x1xi32>
    %or3A_229 = arith.ori %select_n3A_226, %or3A_228 : vector<16x1xi32>
    %ge3A_230 = vector.broadcast %or3A_229 : vector<16x1xi32> to vector<16x32768xi32>
    %ge3A_231 = arith.cmpi uge, %select_n3A, %ge3A_230 : vector<16x32768xi32>
    %convert_element_type3A_232 = arith.extui %ge3A_231 : vector<16x32768xi1> to vector<16x32768xi32>
    %reduce_sum3A_233 = arith.constant dense<0> : vector<16xi32>
    %reduce_sum3A_234 = vector.multi_reduction <add>, %convert_element_type3A_232, %reduce_sum3A_233 [1] : vector<16x32768xi32> to vector<16xi32>
    %broadcast_in_dim3A_235 = vector.shape_cast %reduce_sum3A_234 : vector<16xi32> to vector<16x1xi32>
    %ge3A_236 = arith.constant 256 : i32
    %ge3A_237 = vector.broadcast %ge3A_236 : i32 to vector<16x1xi32>
    %ge3A_238 = arith.cmpi sge, %broadcast_in_dim3A_235, %ge3A_237 : vector<16x1xi32>
    %select_n3A_239 = arith.select %ge3A_238, %or3A_229, %select_n3A_226 : vector<16x1xi1>, vector<16x1xi32>
    %or3A_240 = arith.constant 8192 : i32
    %or3A_241 = vector.broadcast %or3A_240 : i32 to vector<16x1xi32>
    %or3A_242 = arith.ori %select_n3A_239, %or3A_241 : vector<16x1xi32>
    %ge3A_243 = vector.broadcast %or3A_242 : vector<16x1xi32> to vector<16x32768xi32>
    %ge3A_244 = arith.cmpi uge, %select_n3A, %ge3A_243 : vector<16x32768xi32>
    %convert_element_type3A_245 = arith.extui %ge3A_244 : vector<16x32768xi1> to vector<16x32768xi32>
    %reduce_sum3A_246 = arith.constant dense<0> : vector<16xi32>
    %reduce_sum3A_247 = vector.multi_reduction <add>, %convert_element_type3A_245, %reduce_sum3A_246 [1] : vector<16x32768xi32> to vector<16xi32>
    %broadcast_in_dim3A_248 = vector.shape_cast %reduce_sum3A_247 : vector<16xi32> to vector<16x1xi32>
    %ge3A_249 = arith.constant 256 : i32
    %ge3A_250 = vector.broadcast %ge3A_249 : i32 to vector<16x1xi32>
    %ge3A_251 = arith.cmpi sge, %broadcast_in_dim3A_248, %ge3A_250 : vector<16x1xi32>
    %select_n3A_252 = arith.select %ge3A_251, %or3A_242, %select_n3A_239 : vector<16x1xi1>, vector<16x1xi32>
    %or3A_253 = arith.constant 4096 : i32
    %or3A_254 = vector.broadcast %or3A_253 : i32 to vector<16x1xi32>
    %or3A_255 = arith.ori %select_n3A_252, %or3A_254 : vector<16x1xi32>
    %ge3A_256 = vector.broadcast %or3A_255 : vector<16x1xi32> to vector<16x32768xi32>
    %ge3A_257 = arith.cmpi uge, %select_n3A, %ge3A_256 : vector<16x32768xi32>
    %convert_element_type3A_258 = arith.extui %ge3A_257 : vector<16x32768xi1> to vector<16x32768xi32>
    %reduce_sum3A_259 = arith.constant dense<0> : vector<16xi32>
    %reduce_sum3A_260 = vector.multi_reduction <add>, %convert_element_type3A_258, %reduce_sum3A_259 [1] : vector<16x32768xi32> to vector<16xi32>
    %broadcast_in_dim3A_261 = vector.shape_cast %reduce_sum3A_260 : vector<16xi32> to vector<16x1xi32>
    %ge3A_262 = arith.constant 256 : i32
    %ge3A_263 = vector.broadcast %ge3A_262 : i32 to vector<16x1xi32>
    %ge3A_264 = arith.cmpi sge, %broadcast_in_dim3A_261, %ge3A_263 : vector<16x1xi32>
    %select_n3A_265 = arith.select %ge3A_264, %or3A_255, %select_n3A_252 : vector<16x1xi1>, vector<16x1xi32>
    %or3A_266 = arith.constant 2048 : i32
    %or3A_267 = vector.broadcast %or3A_266 : i32 to vector<16x1xi32>
    %or3A_268 = arith.ori %select_n3A_265, %or3A_267 : vector<16x1xi32>
    %ge3A_269 = vector.broadcast %or3A_268 : vector<16x1xi32> to vector<16x32768xi32>
    %ge3A_270 = arith.cmpi uge, %select_n3A, %ge3A_269 : vector<16x32768xi32>
    %convert_element_type3A_271 = arith.extui %ge3A_270 : vector<16x32768xi1> to vector<16x32768xi32>
    %reduce_sum3A_272 = arith.constant dense<0> : vector<16xi32>
    %reduce_sum3A_273 = vector.multi_reduction <add>, %convert_element_type3A_271, %reduce_sum3A_272 [1] : vector<16x32768xi32> to vector<16xi32>
    %broadcast_in_dim3A_274 = vector.shape_cast %reduce_sum3A_273 : vector<16xi32> to vector<16x1xi32>
    %ge3A_275 = arith.constant 256 : i32
    %ge3A_276 = vector.broadcast %ge3A_275 : i32 to vector<16x1xi32>
    %ge3A_277 = arith.cmpi sge, %broadcast_in_dim3A_274, %ge3A_276 : vector<16x1xi32>
    %select_n3A_278 = arith.select %ge3A_277, %or3A_268, %select_n3A_265 : vector<16x1xi1>, vector<16x1xi32>
    %or3A_279 = arith.constant 1024 : i32
    %or3A_280 = vector.broadcast %or3A_279 : i32 to vector<16x1xi32>
    %or3A_281 = arith.ori %select_n3A_278, %or3A_280 : vector<16x1xi32>
    %ge3A_282 = vector.broadcast %or3A_281 : vector<16x1xi32> to vector<16x32768xi32>
    %ge3A_283 = arith.cmpi uge, %select_n3A, %ge3A_282 : vector<16x32768xi32>
    %convert_element_type3A_284 = arith.extui %ge3A_283 : vector<16x32768xi1> to vector<16x32768xi32>
    %reduce_sum3A_285 = arith.constant dense<0> : vector<16xi32>
    %reduce_sum3A_286 = vector.multi_reduction <add>, %convert_element_type3A_284, %reduce_sum3A_285 [1] : vector<16x32768xi32> to vector<16xi32>
    %broadcast_in_dim3A_287 = vector.shape_cast %reduce_sum3A_286 : vector<16xi32> to vector<16x1xi32>
    %ge3A_288 = arith.constant 256 : i32
    %ge3A_289 = vector.broadcast %ge3A_288 : i32 to vector<16x1xi32>
    %ge3A_290 = arith.cmpi sge, %broadcast_in_dim3A_287, %ge3A_289 : vector<16x1xi32>
    %select_n3A_291 = arith.select %ge3A_290, %or3A_281, %select_n3A_278 : vector<16x1xi1>, vector<16x1xi32>
    %or3A_292 = arith.constant 512 : i32
    %or3A_293 = vector.broadcast %or3A_292 : i32 to vector<16x1xi32>
    %or3A_294 = arith.ori %select_n3A_291, %or3A_293 : vector<16x1xi32>
    %ge3A_295 = vector.broadcast %or3A_294 : vector<16x1xi32> to vector<16x32768xi32>
    %ge3A_296 = arith.cmpi uge, %select_n3A, %ge3A_295 : vector<16x32768xi32>
    %convert_element_type3A_297 = arith.extui %ge3A_296 : vector<16x32768xi1> to vector<16x32768xi32>
    %reduce_sum3A_298 = arith.constant dense<0> : vector<16xi32>
    %reduce_sum3A_299 = vector.multi_reduction <add>, %convert_element_type3A_297, %reduce_sum3A_298 [1] : vector<16x32768xi32> to vector<16xi32>
    %broadcast_in_dim3A_300 = vector.shape_cast %reduce_sum3A_299 : vector<16xi32> to vector<16x1xi32>
    %ge3A_301 = arith.constant 256 : i32
    %ge3A_302 = vector.broadcast %ge3A_301 : i32 to vector<16x1xi32>
    %ge3A_303 = arith.cmpi sge, %broadcast_in_dim3A_300, %ge3A_302 : vector<16x1xi32>
    %select_n3A_304 = arith.select %ge3A_303, %or3A_294, %select_n3A_291 : vector<16x1xi1>, vector<16x1xi32>
    %or3A_305 = arith.constant 256 : i32
    %or3A_306 = vector.broadcast %or3A_305 : i32 to vector<16x1xi32>
    %or3A_307 = arith.ori %select_n3A_304, %or3A_306 : vector<16x1xi32>
    %ge3A_308 = vector.broadcast %or3A_307 : vector<16x1xi32> to vector<16x32768xi32>
    %ge3A_309 = arith.cmpi uge, %select_n3A, %ge3A_308 : vector<16x32768xi32>
    %convert_element_type3A_310 = arith.extui %ge3A_309 : vector<16x32768xi1> to vector<16x32768xi32>
    %reduce_sum3A_311 = arith.constant dense<0> : vector<16xi32>
    %reduce_sum3A_312 = vector.multi_reduction <add>, %convert_element_type3A_310, %reduce_sum3A_311 [1] : vector<16x32768xi32> to vector<16xi32>
    %broadcast_in_dim3A_313 = vector.shape_cast %reduce_sum3A_312 : vector<16xi32> to vector<16x1xi32>
    %ge3A_314 = arith.constant 256 : i32
    %ge3A_315 = vector.broadcast %ge3A_314 : i32 to vector<16x1xi32>
    %ge3A_316 = arith.cmpi sge, %broadcast_in_dim3A_313, %ge3A_315 : vector<16x1xi32>
    %select_n3A_317 = arith.select %ge3A_316, %or3A_307, %select_n3A_304 : vector<16x1xi1>, vector<16x1xi32>
    %or3A_318 = arith.constant 128 : i32
    %or3A_319 = vector.broadcast %or3A_318 : i32 to vector<16x1xi32>
    %or3A_320 = arith.ori %select_n3A_317, %or3A_319 : vector<16x1xi32>
    %ge3A_321 = vector.broadcast %or3A_320 : vector<16x1xi32> to vector<16x32768xi32>
    %ge3A_322 = arith.cmpi uge, %select_n3A, %ge3A_321 : vector<16x32768xi32>
    %convert_element_type3A_323 = arith.extui %ge3A_322 : vector<16x32768xi1> to vector<16x32768xi32>
    %reduce_sum3A_324 = arith.constant dense<0> : vector<16xi32>
    %reduce_sum3A_325 = vector.multi_reduction <add>, %convert_element_type3A_323, %reduce_sum3A_324 [1] : vector<16x32768xi32> to vector<16xi32>
    %broadcast_in_dim3A_326 = vector.shape_cast %reduce_sum3A_325 : vector<16xi32> to vector<16x1xi32>
    %ge3A_327 = arith.constant 256 : i32
    %ge3A_328 = vector.broadcast %ge3A_327 : i32 to vector<16x1xi32>
    %ge3A_329 = arith.cmpi sge, %broadcast_in_dim3A_326, %ge3A_328 : vector<16x1xi32>
    %select_n3A_330 = arith.select %ge3A_329, %or3A_320, %select_n3A_317 : vector<16x1xi1>, vector<16x1xi32>
    %or3A_331 = arith.constant 64 : i32
    %or3A_332 = vector.broadcast %or3A_331 : i32 to vector<16x1xi32>
    %or3A_333 = arith.ori %select_n3A_330, %or3A_332 : vector<16x1xi32>
    %ge3A_334 = vector.broadcast %or3A_333 : vector<16x1xi32> to vector<16x32768xi32>
    %ge3A_335 = arith.cmpi uge, %select_n3A, %ge3A_334 : vector<16x32768xi32>
    %convert_element_type3A_336 = arith.extui %ge3A_335 : vector<16x32768xi1> to vector<16x32768xi32>
    %reduce_sum3A_337 = arith.constant dense<0> : vector<16xi32>
    %reduce_sum3A_338 = vector.multi_reduction <add>, %convert_element_type3A_336, %reduce_sum3A_337 [1] : vector<16x32768xi32> to vector<16xi32>
    %broadcast_in_dim3A_339 = vector.shape_cast %reduce_sum3A_338 : vector<16xi32> to vector<16x1xi32>
    %ge3A_340 = arith.constant 256 : i32
    %ge3A_341 = vector.broadcast %ge3A_340 : i32 to vector<16x1xi32>
    %ge3A_342 = arith.cmpi sge, %broadcast_in_dim3A_339, %ge3A_341 : vector<16x1xi32>
    %select_n3A_343 = arith.select %ge3A_342, %or3A_333, %select_n3A_330 : vector<16x1xi1>, vector<16x1xi32>
    %or3A_344 = arith.constant 32 : i32
    %or3A_345 = vector.broadcast %or3A_344 : i32 to vector<16x1xi32>
    %or3A_346 = arith.ori %select_n3A_343, %or3A_345 : vector<16x1xi32>
    %ge3A_347 = vector.broadcast %or3A_346 : vector<16x1xi32> to vector<16x32768xi32>
    %ge3A_348 = arith.cmpi uge, %select_n3A, %ge3A_347 : vector<16x32768xi32>
    %convert_element_type3A_349 = arith.extui %ge3A_348 : vector<16x32768xi1> to vector<16x32768xi32>
    %reduce_sum3A_350 = arith.constant dense<0> : vector<16xi32>
    %reduce_sum3A_351 = vector.multi_reduction <add>, %convert_element_type3A_349, %reduce_sum3A_350 [1] : vector<16x32768xi32> to vector<16xi32>
    %broadcast_in_dim3A_352 = vector.shape_cast %reduce_sum3A_351 : vector<16xi32> to vector<16x1xi32>
    %ge3A_353 = arith.constant 256 : i32
    %ge3A_354 = vector.broadcast %ge3A_353 : i32 to vector<16x1xi32>
    %ge3A_355 = arith.cmpi sge, %broadcast_in_dim3A_352, %ge3A_354 : vector<16x1xi32>
    %select_n3A_356 = arith.select %ge3A_355, %or3A_346, %select_n3A_343 : vector<16x1xi1>, vector<16x1xi32>
    %or3A_357 = arith.constant 16 : i32
    %or3A_358 = vector.broadcast %or3A_357 : i32 to vector<16x1xi32>
    %or3A_359 = arith.ori %select_n3A_356, %or3A_358 : vector<16x1xi32>
    %ge3A_360 = vector.broadcast %or3A_359 : vector<16x1xi32> to vector<16x32768xi32>
    %ge3A_361 = arith.cmpi uge, %select_n3A, %ge3A_360 : vector<16x32768xi32>
    %convert_element_type3A_362 = arith.extui %ge3A_361 : vector<16x32768xi1> to vector<16x32768xi32>
    %reduce_sum3A_363 = arith.constant dense<0> : vector<16xi32>
    %reduce_sum3A_364 = vector.multi_reduction <add>, %convert_element_type3A_362, %reduce_sum3A_363 [1] : vector<16x32768xi32> to vector<16xi32>
    %broadcast_in_dim3A_365 = vector.shape_cast %reduce_sum3A_364 : vector<16xi32> to vector<16x1xi32>
    %ge3A_366 = arith.constant 256 : i32
    %ge3A_367 = vector.broadcast %ge3A_366 : i32 to vector<16x1xi32>
    %ge3A_368 = arith.cmpi sge, %broadcast_in_dim3A_365, %ge3A_367 : vector<16x1xi32>
    %select_n3A_369 = arith.select %ge3A_368, %or3A_359, %select_n3A_356 : vector<16x1xi1>, vector<16x1xi32>
    %or3A_370 = arith.constant 8 : i32
    %or3A_371 = vector.broadcast %or3A_370 : i32 to vector<16x1xi32>
    %or3A_372 = arith.ori %select_n3A_369, %or3A_371 : vector<16x1xi32>
    %ge3A_373 = vector.broadcast %or3A_372 : vector<16x1xi32> to vector<16x32768xi32>
    %ge3A_374 = arith.cmpi uge, %select_n3A, %ge3A_373 : vector<16x32768xi32>
    %convert_element_type3A_375 = arith.extui %ge3A_374 : vector<16x32768xi1> to vector<16x32768xi32>
    %reduce_sum3A_376 = arith.constant dense<0> : vector<16xi32>
    %reduce_sum3A_377 = vector.multi_reduction <add>, %convert_element_type3A_375, %reduce_sum3A_376 [1] : vector<16x32768xi32> to vector<16xi32>
    %broadcast_in_dim3A_378 = vector.shape_cast %reduce_sum3A_377 : vector<16xi32> to vector<16x1xi32>
    %ge3A_379 = arith.constant 256 : i32
    %ge3A_380 = vector.broadcast %ge3A_379 : i32 to vector<16x1xi32>
    %ge3A_381 = arith.cmpi sge, %broadcast_in_dim3A_378, %ge3A_380 : vector<16x1xi32>
    %select_n3A_382 = arith.select %ge3A_381, %or3A_372, %select_n3A_369 : vector<16x1xi1>, vector<16x1xi32>
    %or3A_383 = arith.constant 4 : i32
    %or3A_384 = vector.broadcast %or3A_383 : i32 to vector<16x1xi32>
    %or3A_385 = arith.ori %select_n3A_382, %or3A_384 : vector<16x1xi32>
    %ge3A_386 = vector.broadcast %or3A_385 : vector<16x1xi32> to vector<16x32768xi32>
    %ge3A_387 = arith.cmpi uge, %select_n3A, %ge3A_386 : vector<16x32768xi32>
    %convert_element_type3A_388 = arith.extui %ge3A_387 : vector<16x32768xi1> to vector<16x32768xi32>
    %reduce_sum3A_389 = arith.constant dense<0> : vector<16xi32>
    %reduce_sum3A_390 = vector.multi_reduction <add>, %convert_element_type3A_388, %reduce_sum3A_389 [1] : vector<16x32768xi32> to vector<16xi32>
    %broadcast_in_dim3A_391 = vector.shape_cast %reduce_sum3A_390 : vector<16xi32> to vector<16x1xi32>
    %ge3A_392 = arith.constant 256 : i32
    %ge3A_393 = vector.broadcast %ge3A_392 : i32 to vector<16x1xi32>
    %ge3A_394 = arith.cmpi sge, %broadcast_in_dim3A_391, %ge3A_393 : vector<16x1xi32>
    %select_n3A_395 = arith.select %ge3A_394, %or3A_385, %select_n3A_382 : vector<16x1xi1>, vector<16x1xi32>
    %or3A_396 = arith.constant 2 : i32
    %or3A_397 = vector.broadcast %or3A_396 : i32 to vector<16x1xi32>
    %or3A_398 = arith.ori %select_n3A_395, %or3A_397 : vector<16x1xi32>
    %ge3A_399 = vector.broadcast %or3A_398 : vector<16x1xi32> to vector<16x32768xi32>
    %ge3A_400 = arith.cmpi uge, %select_n3A, %ge3A_399 : vector<16x32768xi32>
    %convert_element_type3A_401 = arith.extui %ge3A_400 : vector<16x32768xi1> to vector<16x32768xi32>
    %reduce_sum3A_402 = arith.constant dense<0> : vector<16xi32>
    %reduce_sum3A_403 = vector.multi_reduction <add>, %convert_element_type3A_401, %reduce_sum3A_402 [1] : vector<16x32768xi32> to vector<16xi32>
    %broadcast_in_dim3A_404 = vector.shape_cast %reduce_sum3A_403 : vector<16xi32> to vector<16x1xi32>
    %ge3A_405 = arith.constant 256 : i32
    %ge3A_406 = vector.broadcast %ge3A_405 : i32 to vector<16x1xi32>
    %ge3A_407 = arith.cmpi sge, %broadcast_in_dim3A_404, %ge3A_406 : vector<16x1xi32>
    %select_n3A_408 = arith.select %ge3A_407, %or3A_398, %select_n3A_395 : vector<16x1xi1>, vector<16x1xi32>
    %or3A_409 = arith.constant 1 : i32
    %or3A_410 = vector.broadcast %or3A_409 : i32 to vector<16x1xi32>
    %or3A_411 = arith.ori %select_n3A_408, %or3A_410 : vector<16x1xi32>
    %ge3A_412 = vector.broadcast %or3A_411 : vector<16x1xi32> to vector<16x32768xi32>
    %ge3A_413 = arith.cmpi uge, %select_n3A, %ge3A_412 : vector<16x32768xi32>
    %convert_element_type3A_414 = arith.extui %ge3A_413 : vector<16x32768xi1> to vector<16x32768xi32>
    %reduce_sum3A_415 = arith.constant dense<0> : vector<16xi32>
    %reduce_sum3A_416 = vector.multi_reduction <add>, %convert_element_type3A_414, %reduce_sum3A_415 [1] : vector<16x32768xi32> to vector<16xi32>
    %broadcast_in_dim3A_417 = vector.shape_cast %reduce_sum3A_416 : vector<16xi32> to vector<16x1xi32>
    %ge3A_418 = arith.constant 256 : i32
    %ge3A_419 = vector.broadcast %ge3A_418 : i32 to vector<16x1xi32>
    %ge3A_420 = arith.cmpi sge, %broadcast_in_dim3A_417, %ge3A_419 : vector<16x1xi32>
    %select_n3A_421 = arith.select %ge3A_420, %or3A_411, %select_n3A_408 : vector<16x1xi1>, vector<16x1xi32>
    %ge3A_422 = vector.broadcast %select_n3A_421 : vector<16x1xi32> to vector<16x32768xi32>
    %ge3A_423 = arith.cmpi uge, %select_n3A, %ge3A_422 : vector<16x32768xi32>
    %convert_element_type3A_424 = arith.extui %ge3A_423 : vector<16x32768xi1> to vector<16x32768xi32>
    %convert_element_type3A_425 = arith.sitofp %convert_element_type3A_424 : vector<16x32768xi32> to vector<16x32768xf32>
    %swap3A = arith.constant 0 : index
    %swap3A_426 = arith.constant 0 : index
    %swap3A_427 = vector.load %arg2[%swap3A, %swap3A_426] : memref<16x32768xf32, #tpu.memory_space<vmem>>, vector<16x32768xf32>
    tpu.vector_store %arg2[%swap3A, %swap3A_426], %convert_element_type3A_425 {strides = array<i32>} : memref<16x32768xf32, #tpu.memory_space<vmem>>, vector<16x32768xf32>,
    return
  }
  func.func @transform_0(%arg0: i32) -> (i32, i32) {
    %c0_i32 = arith.constant 0 : i32
    %c0_i32_0 = arith.constant 0 : i32
    return %arg0, %c0_i32 : i32, i32
  }
  func.func @transform_1(%arg0: i32) -> (i32, i32) {
    %c0_i32 = arith.constant 0 : i32
    %c0_i32_0 = arith.constant 0 : i32
    return %arg0, %c0_i32 : i32, i32
  }
}

</mosaic_0001>

<sc_bundles>
// kernel: kernel.4.cloned.1.call-start
scs
__scs_entry_jumppad:
0x0: {  	(pc) =	sbr.rel $0x88, $3  }
0x1: {  	(tag) =	ssettag $0x0;
	lr =	simm.s32 $0x1  }
0x2: {  	[smem:$0x3FA0] =	sst lr;
	_ =	strace $0xD0000000  }
0x3: {  	_ = 	snop  }
0x4: {  	_ = 	snop  }
0x5: {  	_ = 	snop  }
0x6: {  	_ = 	snop  }
0x7: {  	_ = 	snop  }
__scs_overlays_trampoline_lowered:
0x8: {  	[smem:$0x3FAF] =	sst s0  }
0x9: {  	[smem:$0x3FB0] =	sst s1  }
0xa: {  	[smem:$0x3FB1] =	sst s2  }
0xb: {  	[smem:$0x3FB2] =	sst s3  }
0xc: {  	[smem:$0x3FB3] =	sst s4  }
0xd: {  	[smem:$0x3FB4] =	sst s5  }
0xe: {  	[smem:$0x3FB5] =	sst s6  }
0xf: {  	[smem:$0x3FB6] =	sst s7  }
0x10: {  	[smem:$0x3FB7] =	sst s8  }
0x11: {  	[smem:$0x3FB8] =	sst s9;
	s0 =	simm.s32 @!p0 $0x0  }
0x12: {  	s1 =	sld [smem:$0x3F9E];
	s0 =	simm.s32 @p0 $0x1  }
0x13: {  	[smem:$0x3FB9] =	sst s0;
	s0 =	simm.s32 @!p1 $0x0  }
0x14: {  	s2 =	sld [smem:$0x3F9D];
	s0 =	simm.s32 @p1 $0x1  }
0x15: {  	[smem:$0x3FBA] =	sst s0;
	s0 =	simm.s32 @!p2 $0x0  }
0x16: {  	s3 =	sld [smem:$0x3FDB];
	s0 =	simm.s32 @p2 $0x1  }
0x17: {  	s4 =	simm.s32 $0x1BF5;
	[smem:$0x3FBC] =	sst s0  }
0x18: {  	s0 =	sld [smem:$0x3F9F];
	_ =	swait.ge [sflag:s4], $0x0  }
0x19: {  	s7 =	sld [smem:$0x3FA0]  }
0x1a: {  	s8 =	sadd.s32 $0xFFFFE003, lr  }
0x1b: {  	s9 =	sadd.s32 $0xFFFFFEF7, lr;
	s5 =	simm.s32 $0xFFFFFFFF;
	p2 =	slt.u32 s8, $0xFFFFF086  }
0x1c: {  	p1 =	slt.u32 s9, $0xF7A;
	s5 =	simm.s32 @!p2 $0x0  }
0x1d: {  	s5 =	simm.s32 @p1 $0x1;
	p0 =	seq.s32 s7, s2  }
0x1e: {  	s7 =	smul.u32 @!p0 $0xF7A, s2;
	p2 =	seq.s32 @!p0 s5, $0x0  }
0x1f: {  	s9 =	smul.u32 $0xF7A, s1;
	s8 =	simm.s32 @!p0 $0x1BF5;
	p2 =	por !p2, p0  }
0x20: {  	[sflag:s8] =	ssyncset.s32 @!p0 $0xFFFFF086;
	s6 =	sadd.s32 @!p0 s3, s7;
	s7 =	simm.s32 @!p0 $0x108  }
0x21: {  	s3 =	sadd.s32 s3, s9;
	s6 =	sadd.s32 @!p0 $0x88, s6;
	s7 =	simm.s32 @p2 $0x1082  }
0x22: {  	[simem:s7], [sflag:s8] =	dma.local @!p0 [hbm:s6], $0xF7A  }
0x23: {  	s9 =	sor.u32 $0xD0000000, s2;
	s6 =	simm.s32 $0x108;
	_ =	swait.ge @!p0 [sflag:s8], $0x0  }
0x24: {  	s3 =	sadd.s32 $0x88, s3;
	s6 =	simm.s32 @!p1 $0x1082;
	[sflag:s4] =	ssyncset.s32 $0xFFFFF086  }
0x25: {  	[simem:s6], [sflag:s4] =	dma.local [hbm:s3], $0xF7A  }
0x26: {  	[smem:$0x3FA0] =	sst s1;
	(tag) =	ssettag s2;
	_ =	strace s9  }
0x27: {  	s1 =	sld [smem:$0x3FB0]  }
0x28: {  	s2 =	sld [smem:$0x3FB1]  }
0x29: {  	s4 =	sld [smem:$0x3FB3]  }
0x2a: {  	p0 =	seq.s32 s5, $0x0;
	s5 =	sld [smem:$0x3FB4]  }
0x2b: {  	s6 =	sld [smem:$0x3FB5]  }
0x2c: {  	s7 =	sld [smem:$0x3FB6]  }
0x2d: {  	s3 =	simm.s32 $0x108;
	s8 =	sld [smem:$0x3FB7]  }
0x2e: {  	s3 =	simm.s32 @!p0 $0x1082;
	s9 =	sld [smem:$0x3FB8]  }
0x2f: {  	lr =	sadd.s32 s0, s3;
	s0 =	sld [smem:$0x3FAF]  }
0x30: {  	s3 =	sld [smem:$0x3FB2]  }
0x31: {  	[smem:$0x3FBB] =	sst s10  }
0x32: {  	s10 =	sld [smem:$0x3FB9];
	_ =	sdelay $0x3  }
0x33: {  	p0 =	seq.s32 s10, $0x1;
	s10 =	sld [smem:$0x3FBB];
	_ =	sdelay $0x3  }
0x34: {  	[smem:$0x3FBB] =	sst s10  }
0x35: {  	s10 =	sld [smem:$0x3FBA];
	_ =	sdelay $0x3  }
0x36: {  	p1 =	seq.s32 s10, $0x1;
	s10 =	sld [smem:$0x3FBB];
	_ =	sdelay $0x3  }
0x37: {  	[smem:$0x3FBB] =	sst s10  }
0x38: {  	s10 =	sld [smem:$0x3FBC]  }
0x39: {  	_ = 	snop;
	(pc) =	sbr.ind lr, $3  }
0x3a: {  	_ = 	snop  }
0x3b: {  	_ = 	snop  }
0x3c: {  	p2 =	seq.s32 s10, $0x1;
	s10 =	sld [smem:$0x3FBB]  }
0x3d: {  	_ =	shalt  }
0x3e: {  	_ =	shalt  }
0x3f: {  	_ =	shalt  }
0x40: {  	_ =	shalt  }
0x41: {  	_ =	shalt  }
0x42: {  	_ =	shalt  }
0x43: {  	_ =	shalt  }
0x44: {  	_ =	shalt  }
0x45: {  	_ =	shalt  }
0x46: {  	_ =	shalt  }
0x47: {  	_ =	shalt  }
0x48: {  	_ =	shalt  }
0x49: {  	_ =	shalt  }
0x4a: {  	_ =	shalt  }
0x4b: {  	_ =	shalt  }
0x4c: {  	_ =	shalt  }
0x4d: {  	_ =	shalt  }
0x4e: {  	_ =	shalt  }
0x4f: {  	_ =	shalt  }
0x50: {  	_ =	shalt  }
0x51: {  	_ =	shalt  }
0x52: {  	_ =	shalt  }
0x53: {  	_ =	shalt  }
0x54: {  	_ =	shalt  }
0x55: {  	_ =	shalt  }
0x56: {  	_ =	shalt  }
0x57: {  	_ =	shalt  }
0x58: {  	_ =	shalt  }
0x59: {  	_ =	shalt  }
0x5a: {  	_ =	shalt  }
0x5b: {  	_ =	shalt  }
0x5c: {  	_ =	shalt  }
0x5d: {  	_ =	shalt  }
0x5e: {  	_ =	shalt  }
0x5f: {  	_ =	shalt  }
0x60: {  	_ =	shalt  }
0x61: {  	_ =	shalt  }
0x62: {  	_ =	shalt  }
0x63: {  	_ =	shalt  }
0x64: {  	_ =	shalt  }
0x65: {  	_ =	shalt  }
0x66: {  	_ =	shalt  }
0x67: {  	_ =	shalt  }
0x68: {  	_ =	shalt  }
0x69: {  	_ =	shalt  }
0x6a: {  	_ =	shalt  }
0x6b: {  	_ =	shalt  }
0x6c: {  	_ =	shalt  }
0x6d: {  	_ =	shalt  }
0x6e: {  	_ =	shalt  }
0x6f: {  	_ =	shalt  }
0x70: {  	_ =	shalt  }
0x71: {  	_ =	shalt  }
0x72: {  	_ =	shalt  }
0x73: {  	_ =	shalt  }
0x74: {  	_ =	shalt  }
0x75: {  	_ =	shalt  }
0x76: {  	_ =	shalt  }
0x77: {  	_ =	shalt  }
0x78: {  	_ =	shalt  }
0x79: {  	_ =	shalt  }
0x7a: {  	_ =	shalt  }
0x7b: {  	_ =	shalt  }
0x7c: {  	_ =	shalt  }
0x7d: {  	_ =	shalt  }
0x7e: {  	_ =	shalt  }
0x7f: {  	_ =	shalt  }
0x80: {  	_ =	shalt  }
0x81: {  	_ =	shalt  }
0x82: {  	_ =	shalt  }
0x83: {  	_ =	shalt  }
0x84: {  	_ =	shalt  }
0x85: {  	_ =	shalt  }
0x86: {  	_ =	shalt  }
0x87: {  	_ =	shalt  }
.Lfunc_end0:
.L_simem_size_0:
called_computation_lowered:
.L_overlay_start_0:
0x88: {  	s2 =	sld [smem:$0x3FD9]  }
0x89: {  	s3 =	sld [smem:$0x3FFE];
	_ =	sdelay $0x1  }
0x8a: {  	s1 =	srdreg.scid  }
0x8b: {  	s0 =	sand.u32 $0x1, s1  }
0x8c: {  	s17 =	sshll.u32 s0, $0xA;
	s2 =	sadd.s32 s3, s2  }
0x8d: {  	s2 =	sadd.s32 s2, s17  }
0x8e: {  	[smem:$0x3FC7] =	sst s2  }
0x8f: {  	_ = 	snop  }
0x90: {  	s2 =	sld [smem:$0x3FD0];
	(tm) =	ssettm $0x1  }
0x91: {  	s18 =	sld [smem:$0x3FFB];
	_ =	sdelay $0x3  }
0x92: {  	_ =	strace s18  }
0x93: {  	s3 =	sld [smem:$0x3FFC];
	_ =	sdelay $0x3  }
0x94: {  	_ =	strace s3  }
0x95: {  	s3 =	sld [smem:$0x3FFD];
	_ =	sdelay $0x3  }
0x96: {  	_ =	strace s3  }
0x97: {  	_ =	strace $0x8FFFFFFF  }
0x98: {  	s19 =	sld [smem:$0x3FDB];
	_ =	sdelay $0x1  }
0x99: {  	s4 =	simm.s32 $_scs_section_size  }
0x9a: {  	s5 =	simm.s32 $_size__tile_overlayer_lowered;
	s6 =	simm.s32 $_tile_overlayer_lowered  }
0x9b: {  	s22 =	simm.s32 $0x1BFF;
	s21 =	sshll.u32 s6, $0x1;
	s3 =	sadd.s32 s4, s19  }
0x9c: {  	s7 =	simm.s32 $0x0;
	s20 =	sshll.u32 s5, $0x1;
	s5 =	sadd.s32 s21, s3  }
0x9d: {  	[timem:s7], [sflag:s22] =	dma.local [hbm:s5], s20  }
0x9e: {  	_ =	swait.ge [sflag:s22], s20  }
0x9f: {  	s4 =	ssub.s32 $0x0, s20;
	[sflag:s22] =	ssyncset.done $0x0  }
0xa0: {  	[sflag:s22] =	ssyncadd.s32 s4;
	_ =	sdelay $0x1  }
0xa1: {  	s23 =	simm.s32 $0x1B8B  }
0xa2: {  	_ =	swait.ge [sflag:s23], $0x1  }
0xa3: {  	[sflag:s23] =	ssyncset.done $0x0  }
0xa4: {  	s25 =	simm.s32 $0x1B8E;
	s24 =	sld [smem:$0x3FFE];
	[sflag:s23] =	ssyncadd.s32 $0xFFFFFFFF  }
0xa5: {  	s26 =	simm.s32 $execute0_lowered;
	[smem:$0x3FD2] =	sst s25  }
0xa6: {  	s5 =	sshll.u32 s26, $0x1;
	_ =	strace $0x80000046;
	[dreg:$0x1] =	wrdreg $0xFFFFFFFF  }
0xa7: {  	s28 =	simm.s32 $_size_execute0_lowered;
	s3 =	sadd.s32 s3, s5;
	[dreg:$0x0] =	wrdreg $0x0  }
0xa8: {  	s5 =	sshll.u32 s28, $0x1;
	[dreg:$0x2] =	wrdreg s3  }
0xa9: {  	[dreg:$0x3] =	wrdreg s5  }
0xaa: {  	[dreg:$0x4] =	wrdreg $0xC0  }
0xab: {  	_ =	task [dreg:s7], $0x5FFFF  }
0xac: {  	[dreg:$0x1] =	wrdreg $0xFFFFFFFF  }
0xad: {  	[dreg:$0x0] =	wrdreg $0x60  }
0xae: {  	[dreg:$0x2] =	wrdreg s2  }
0xaf: {  	[dreg:$0x3] =	wrdreg s24  }
0xb0: {  	[dreg:$0x4] =	wrdreg $0x9  }
0xb1: {  	_ =	task.clear_ibuf [dreg:s7], $0x5FFFF;
	_ =	strace $0x90000046  }
0xb2: {  	s29 =	simm.s32 $0x9;
	_ =	strace $0x80000048  }
0xb3: {  	_ =	swait.ge [sflag:s29], $0x1  }
0xb4: {  	[sflag:s29] =	ssyncadd.s32 $0xFFFFFFFF  }
0xb5: {  	_ =	strace $0x90000048  }
0xb6: {  	_ =	sfence  }
0xb7: {  	s30 =	sld [smem:$0x0];
	_ =	sdelay $0x2  }
0xb8: {  	s31 =	sshll.u32 s1, $0xD;
	s1 =	sshrl.u32 s1, $0x2  }
0xb9: {  	s3 =	sand.u32 $0x4000, s31;
	s1 =	sadd.s32 s1, s30  }
0xba: {  	s0 =	sor.u32 s3, s0;
	s1 =	sshll.u32 s1, $0x11  }
0xbb: {  	s0 =	sor.u32 s1, s0  }
0xbc: {  	s0 =	sadd.s32 $0x8F2B, s0  }
0xbd: {  	[sflag:s0] =	ssyncadd.remote.s32 $0x1  }
0xbe: {  	_ =	sfence.sel $0xFFFF  }
0xbf: {  	[dreg:$0x0] =	wrdreg $0xFFFFFFFF;
	(pc) =	sbr.abs _section_cstart, $3  }
0xc0: {  	[dreg:$0x1] =	wrdreg $0xFFFFFFFF  }
0xc1: {  	_ =	task.clear_ibuf [dreg:s7], $0x2FFFF;
	_ =	strace $0x9FFFFFFF  }
0xc2: {  	(tm) =	ssettm $0x7FFFFFFF  }
0xc3: {  	_ =	shalt  }
tec
execute0_lowered:
.L_overlay_start_1:
0x0: {  	(tag) =	ssettag $0x1  }
0x1: {  	s4 =	rddreg [dreg:$0x0]  }
0x2: {  	s3 =	rddreg [dreg:$0x1]  }
0x3: {  	s0 =	rddreg [dreg:$0x2]  }
0x4: {  	s5 =	srdreg.scid;
	s1 =	stileid.u32  }
0x5: {  	s2 =	simm.s32 $0x0;
	s10 =	simm.s32 $0x1;
	s11 =	simm.s32 $0x15080  }
0x6: {  	s12 =	simm.s32 $0x10000;
	s13 =	simm.s32 $0x11080;
	s14 =	simm.s32 $0x8000  }
0x7: {  	s15 =	simm.s32 $0x2;
	s16 =	simm.s32 $0x0;
	s5 =	sand.u32 $0x1, s5  }
0x8: {  	s6 =	sshll.u32 s1, $0x6;
	s8 =	sshll.u32 s1, $0xE;
	[smem:$0x7FF] =	sst s2  }
0x9: {  	s30 =	sadd.s32 $0x400, s3;
	s7 =	sshll.u32 s5, $0x5;
	s6 =	sand.u32 $0x40, s6  }
0xa: {  	s8 =	sand.u32 $0x38000, s8;
	s5 =	ssub.s32 $0x2, s5;
	s6 =	sor.u32 s7, s6  }
0xb: {  	v0 =	vlaneseq.u32;
	_ =	strace $0x80000047;
	s31 =	sshrl.u32 s5, $0x1;
	s6 =	sor.u32 s8, s6  }
0xc: {  	v4 =	vmul.u32 $0xFFFFFFFF, v0;
	s9 =	ssub.s32 s5, s31;
	s8 =	sor.u32 $0x10, s6;
	s3 =	sadd.s32 s4, s6  }
0xd: {  	v1 =	vimm.s32 $0x0;
	v3 =	vimm.s32 $0x1;
	s5 =	sadd.s32 s30, s6;
	s7 =	smax.u32 s9, $0x1;
	s9 =	simm.s32 $0x400  }
0xe: {  	v5 =	vimm.f32 $1.000000000e+00;
	v2 =	vor.u32 $0x800, v0;
	v4 =	vadd.s32 $0xF, v4;
	s4 =	sadd.s32 s4, s8;
	s6 =	sadd.s32 s30, s8;
	s8 =	simm.s32 $0x80  }
.LBB2_1:
0xf: {  	[tilespmem:s2], [sflag:$0x1] =	stream.strided.gather [hbm4b:s3+s8], $0x8000, s9, s8, $0x38;
	[tilespmem:$0x1D080] =	vst v63  }
0x10: {  	_ =	swait.ge [sflag:s10], $0x8000  }
0x11: {  	[sflag:s10] =	ssyncset.done $0x0  }
0x12: {  	s17 =	simm.s32 $0x10040;
	[sflag:s10] =	ssyncadd.s32 $0xFFFF8000  }
0x13: {  	[tilespmem:s11], [sflag:$0x1] =	stream.strided.gather [hbm4b:s4+s8], $0x8000, s9, s8, $0x38;
	[tilespmem:$0x1D080] =	vst v63  }
0x14: {  	[tilespmem:s17+$0xFFFFFFC0] =	vst v1  }
0x15: {  	[tilespmem:s17+$0x30] =	vst v1  }
0x16: {  	[tilespmem:s17+$0x20] =	vst v1  }
0x17: {  	[tilespmem:s17+$0x10] =	vst v1  }
0x18: {  	[tilespmem:s17+$0x0] =	vst v1  }
0x19: {  	[tilespmem:s17+$0xFFFFFFF0] =	vst v1  }
0x1a: {  	s19 =	simm.s32 $0x0;
	[tilespmem:s17+$0xFFFFFFE0] =	vst v1  }
.LBB2_2:
0x1b: {  	s19 =	sadd.s32 $0x8, s19;
	[tilespmem:s17+$0xFFFFFFD0] =	vst v1;
	s17 =	sadd.s32 $0x80, s17;
	s18 =	simm.s32 $0x40  }
0x1c: {  	[tilespmem:s17+$0xFFFFFFC0] =	vst v1;
	p0 =	slt.u32 s19, $0xF8  }
0x1d: {  	[tilespmem:s17+$0x30] =	vst v1  }
.Ltmp0:
0x1e: {  	[tilespmem:s17+$0x20] =	vst v1;
	(pc) =	sbr.rel @p0 .LBB2_2-.Ltmp0, $4  }
0x1f: {  	[tilespmem:s17+$0x10] =	vst v1  }
0x20: {  	[tilespmem:s17+$0x0] =	vst v1  }
0x21: {  	[tilespmem:s17+$0xFFFFFFF0] =	vst v1  }
0x22: {  	[tilespmem:s17+$0xFFFFFFE0] =	vst v1  }
0x23: {  	[tilespmem:s17+$0xFFFFFFD0] =	vst v1  }
0x24: {  	v9 =	vld [tilespmem:s18+$0x30]  }
0x25: {  	v8 =	vld [tilespmem:s18+$0xFFFFFFD0]  }
0x26: {  	v23 =	vld [tilespmem:s18+$0xFFFFFFE0]  }
0x27: {  	v6 =	vld [tilespmem:s18+$0x0]  }
0x28: {  	v25 =	vld [tilespmem:s18+$0xFFFFFFC0];
	_ =	sdelay $0x1  }
0x29: {  	v24 =	vld [tilespmem:s18+$0xFFFFFFF0];
	v10 =	vshra.s32 v9, $0x14  }
0x2a: {  	vm0 =	vlt.s32 v8, $0x0;
	v11 =	vshra.s32 v8, $0x14;
	v12 =	vshra.s32 v23, $0x14  }
0x2b: {  	v7 =	vld [tilespmem:s18+$0x10];
	vm1 =	vlt.s32 v9, $0x0;
	v14 =	vshra.s32 v6, $0x14;
	v10 =	vand.u32 $0xFFFFFFF0, v10  }
0x2c: {  	v8 =	vld [tilespmem:s18+$0x20];
	v16 =	vshra.s32 v25, $0x14;
	vm3 =	vlt.s32 v25, $0x0;
	v13 =	vxor.u32 $0x7F0, v10  }
0x2d: {  	vm2 =	vlt.s32 v23, $0x0;
	v9 =	vand.u32 $0xFFFFFFF0, v11;
	v13 =	vsel vm1, v13, v10  }
0x2e: {  	v11 =	vshra.s32 v24, $0x14;
	v21 =	vand.u32 $0xFFFFFFF0, v16;
	v26 =	vadd.s32 v2, v13  }
0x2f: {  	v15 =	vxor.u32 $0x7F0, v9;
	v22 =	vxor.u32 $0x7F0, v21;
	v10 =	vand.u32 $0xFFFFFFF0, v12  }
0x30: {  	v12 =	vand.u32 $0xFFFFFFF0, v11;
	v11 =	vand.u32 $0xFFFFFFF0, v14;
	vm1 =	vlt.s32 v24, $0x0  }
0x31: {  	v13 =	vshra.s32 v7, $0x14;
	v17 =	vxor.u32 $0x7F0, v10;
	v14 =	vshra.s32 v8, $0x14  }
0x32: {  	v19 =	vxor.u32 $0x7F0, v12;
	v13 =	vand.u32 $0xFFFFFFF0, v13;
	v14 =	vand.u32 $0xFFFFFFF0, v14  }
0x33: {  	s19 =	simm.s32 $0x0;
	s20 =	simm.s32 $0xC0;
	s18 =	simm.s32 $0x10080;
	v18 =	vxor.u32 $0x7F0, v11;
	v20 =	vxor.u32 $0x7F0, v13;
	v16 =	vxor.u32 $0x7F0, v14;
	[tilespmem:v26+s12+$0x0] =	vst.idx.add.s32.msk $0xffff, v3  }
.LBB2_4:
0x34: {  	v23 =	vld [tilespmem:s20+$0x30];
	s19 =	sadd.s32 $0x8, s19;
	vm4 =	vlt.s32 v6, $0x0;
	vm5 =	vlt.s32 v7, $0x0;
	vm6 =	vlt.s32 v8, $0x0  }
0x35: {  	v6 =	vsel vm3, v22, v21;
	v7 =	vsel vm0, v15, v9;
	v9 =	vsel vm2, v17, v10;
	v8 =	vld [tilespmem:s20+$0xFFFFFFD0];
	p0 =	slt.u32 s19, $0x7F8  }
0x36: {  	v10 =	vsel vm1, v19, v12;
	v11 =	vsel vm4, v18, v11;
	v12 =	vsel vm5, v20, v13;
	v24 =	vld [tilespmem:s20+$0xFFFFFFE0]  }
0x37: {  	v13 =	vadd.s32 v2, v6;
	v15 =	vadd.s32 v2, v7;
	v14 =	vsel vm6, v16, v14;
	v25 =	vld [tilespmem:s20+$0xFFFFFFF0]  }
0x38: {  	v16 =	vadd.s32 v2, v9;
	v17 =	vadd.s32 v2, v10;
	v18 =	vadd.s32 v2, v11;
	v6 =	vld [tilespmem:s20+$0x0]  }
0x39: {  	v20 =	vadd.s32 v2, v12;
	v26 =	vadd.s32 v2, v14;
	v7 =	vld [tilespmem:s20+$0x10];
	v9 =	vshra.s32 v23, $0x14  }
0x3a: {  	vm0 =	vlt.s32 v8, $0x0;
	v10 =	vshra.s32 v8, $0x14;
	v8 =	vld [tilespmem:s20+$0x20];
	v11 =	vand.u32 $0xFFFFFFF0, v9  }
0x3b: {  	vm1 =	vlt.s32 v23, $0x0;
	v27 =	vld [tilespmem:s20+$0xFFFFFFC0];
	v12 =	vshra.s32 v24, $0x14;
	v14 =	vxor.u32 $0x7F0, v11  }
0x3c: {  	v9 =	vand.u32 $0xFFFFFFF0, v10;
	v19 =	vshra.s32 v25, $0x14;
	v11 =	vsel vm1, v14, v11;
	[tilespmem:v13+s12+$0x0] =	vst.idx.add.s32.msk $0xffff, v3  }
0x3d: {  	v10 =	vand.u32 $0xFFFFFFF0, v12;
	v13 =	vshra.s32 v6, $0x14;
	v23 =	vadd.s32 v2, v11;
	[tilespmem:v15+s12+$0x0] =	vst.idx.add.s32.msk $0xffff, v3  }
0x3e: {  	v12 =	vand.u32 $0xFFFFFFF0, v19;
	v11 =	vand.u32 $0xFFFFFFF0, v13;
	v13 =	vshra.s32 v7, $0x14;
	[tilespmem:v16+s12+$0x0] =	vst.idx.add.s32.msk $0xffff, v3  }
.Ltmp1:
0x3f: {  	v15 =	vxor.u32 $0x7F0, v9;
	v13 =	vand.u32 $0xFFFFFFF0, v13;
	v14 =	vshra.s32 v8, $0x14;
	[tilespmem:v17+s12+$0x0] =	vst.idx.add.s32.msk $0xffff, v3;
	(pc) =	sbr.rel @p0 .LBB2_4-.Ltmp1, $4  }
0x40: {  	v17 =	vxor.u32 $0x7F0, v10;
	v16 =	vshra.s32 v27, $0x14;
	v14 =	vand.u32 $0xFFFFFFF0, v14;
	[tilespmem:v18+s12+$0x0] =	vst.idx.add.s32.msk $0xffff, v3  }
0x41: {  	v19 =	vxor.u32 $0x7F0, v12;
	v18 =	vxor.u32 $0x7F0, v11;
	v21 =	vand.u32 $0xFFFFFFF0, v16;
	[tilespmem:v20+s12+$0x0] =	vst.idx.add.s32.msk $0xffff, v3  }
0x42: {  	s17 =	simm.s32 $0x0;
	v20 =	vxor.u32 $0x7F0, v13;
	v16 =	vxor.u32 $0x7F0, v14;
	v22 =	vxor.u32 $0x7F0, v21;
	[tilespmem:v23+s12+$0x0] =	vst.idx.add.s32.msk $0xffff, v3  }
0x43: {  	vm2 =	vlt.s32 v24, $0x0;
	s20 =	sadd.s32 $0x80, s20;
	vm1 =	vlt.s32 v25, $0x0;
	vm3 =	vlt.s32 v27, $0x0;
	[tilespmem:v26+s12+$0x0] =	vst.idx.add.s32.msk $0xffff, v3  }
0x44: {  	v21 =	vsel vm3, v22, v21  }
0x45: {  	v9 =	vsel vm0, v15, v9;
	v61 =	vadd.s32 v2, v21  }
0x46: {  	v10 =	vsel vm2, v17, v10;
	v9 =	vadd.s32 v2, v9  }
0x47: {  	vm13 =	vlt.s32 v6, $0x0;
	v6 =	vsel vm1, v19, v12;
	v10 =	vadd.s32 v2, v10  }
0x48: {  	vm14 =	vlt.s32 v7, $0x0;
	v7 =	vsel vm13, v18, v11;
	v6 =	vadd.s32 v2, v6  }
0x49: {  	vm15 =	vlt.s32 v8, $0x0;
	v8 =	vsel vm14, v20, v13;
	v7 =	vadd.s32 v2, v7  }
0x4a: {  	v11 =	vsel vm15, v16, v14;
	v8 =	vadd.s32 v2, v8;
	[tilespmem:v61+s12+$0x0] =	vst.idx.add.s32.msk $0xffff, v3  }
0x4b: {  	v11 =	vadd.s32 v2, v11;
	[tilespmem:v9+s12+$0x0] =	vst.idx.add.s32.msk $0xffff, v3  }
0x4c: {  	[tilespmem:v10+s12+$0x0] =	vst.idx.add.s32.msk $0xffff, v3  }
0x4d: {  	[tilespmem:v6+s12+$0x0] =	vst.idx.add.s32.msk $0xffff, v3  }
0x4e: {  	[tilespmem:v7+s12+$0x0] =	vst.idx.add.s32.msk $0xffff, v3  }
0x4f: {  	[tilespmem:v8+s12+$0x0] =	vst.idx.add.s32.msk $0xffff, v3  }
0x50: {  	[tilespmem:v11+s12+$0x0] =	vst.idx.add.s32.msk $0xffff, v3  }
0x51: {  	v6 =	vld [tilespmem:s18+$0xFFFFFF80]  }
0x52: {  	v7 =	vld [tilespmem:s18+$0xFFFFFF90]  }
0x53: {  	v8 =	vld [tilespmem:s18+$0xFFFFFFA0]  }
0x54: {  	v9 =	vld [tilespmem:s18+$0xFFFFFFB0]  }
0x55: {  	v10 =	vld [tilespmem:s18+$0xFFFFFFC0]  }
0x56: {  	v11 =	vld [tilespmem:s18+$0xFFFFFFD0]  }
0x57: {  	v6 =	vadd.s32 v7, v6;
	v7 =	vld [tilespmem:s18+$0xFFFFFFE0]  }
0x58: {  	v6 =	vadd.s32 v8, v6;
	v8 =	vld [tilespmem:s18+$0xFFFFFFF0]  }
0x59: {  	v6 =	vadd.s32 v9, v6;
	v9 =	vld [tilespmem:s18+$0x0]  }
0x5a: {  	v6 =	vadd.s32 v6, v10;
	v10 =	vld [tilespmem:s18+$0x10]  }
0x5b: {  	v6 =	vadd.s32 v11, v6;
	v11 =	vld [tilespmem:s18+$0x20]  }
0x5c: {  	v62 =	vld [tilespmem:s18+$0x30];
	v6 =	vadd.s32 v7, v6  }
0x5d: {  	v63 =	vld [tilespmem:s18+$0x40];
	v6 =	vadd.s32 v8, v6  }
0x5e: {  	v7 =	vadd.s32 v6, v9;
	v6 =	vld [tilespmem:s18+$0x50]  }
0x5f: {  	v8 =	vadd.s32 v10, v7;
	v7 =	vld [tilespmem:s18+$0x60]  }
0x60: {  	s19 =	simm.s32 $0x10180;
	v9 =	vadd.s32 v11, v8;
	v8 =	vld [tilespmem:s18+$0x70]  }
0x61: {  	v10 =	vld [tilespmem:s19+$0xFFFFFF80];
	v9 =	vadd.s32 v62, v9  }
0x62: {  	s20 =	simm.s32 $0x2;
	s18 =	simm.s32 $0x1;
	v11 =	vld [tilespmem:s19+$0xFFFFFF90];
	v9 =	vadd.s32 v9, v63  }
.LBB2_6:
0x63: {  	p0 =	sne.s32 s20, $0xF;
	v12 =	vld [tilespmem:s19+$0xFFFFFFA0];
	v6 =	vadd.s32 v6, v9  }
0x64: {  	v9 =	vld [tilespmem:s19+$0xFFFFFFB0];
	v6 =	vadd.s32 v7, v6  }
0x65: {  	v7 =	vld [tilespmem:s19+$0xFFFFFFC0];
	v6 =	vadd.s32 v8, v6  }
0x66: {  	v8 =	vld [tilespmem:s19+$0xFFFFFFD0];
	(xrf0) =	vadd.scan.msk.s32 $0xffff, v6  }
0x67: {  	v6 =	vadd.s32 v11, v10;
	v10 =	vld [tilespmem:s19+$0xFFFFFFE0];
	v11 =	vmov s17;
	s17 =	smov.u32 s18;
	s18 =	smov.u32 s20  }
0x68: {  	v6 =	vadd.s32 v12, v6;
	v12 =	vld [tilespmem:s19+$0xFFFFFFF0];
	v11 =	vadd.s32 $0x1000, v11  }
0x69: {  	v6 =	vadd.s32 v9, v6;
	v9 =	vld [tilespmem:s19+$0x0];
	v11 =	vbroadcast v11, $0x0  }
0x6a: {  	v6 =	vadd.s32 v6, v7;
	v7 =	vld [tilespmem:s19+$0x10]  }
0x6b: {  	v6 =	vadd.s32 v8, v6;
	v8 =	vld [tilespmem:s19+$0x20]  }
0x6c: {  	v6 =	vadd.s32 v10, v6;
	v13 =	vld [tilespmem:s19+$0x30];
	v10, _, _ =	vpop (xrf0)  }
0x6d: {  	v6 =	vadd.s32 v12, v6;
	v12 =	vld [tilespmem:s19+$0x40];
	v10 =	vbroadcast v10, $0xF  }
.Ltmp2:
0x6e: {  	v9 =	vadd.s32 v6, v9;
	v6 =	vld [tilespmem:s19+$0x50];
	(pc) =	sbr.rel @p0 .LBB2_6-.Ltmp2, $4  }
0x6f: {  	v9 =	vadd.s32 v7, v9;
	v7 =	vld [tilespmem:s19+$0x60];
	[tilespmem:v11+s12+$0x0] =	vst.idx.msk $0x1, v10  }
0x70: {  	v9 =	vadd.s32 v8, v9;
	v8 =	vld [tilespmem:s19+$0x70];
	s19 =	sadd.s32 $0x100, s19  }
0x71: {  	v10 =	vld [tilespmem:s19+$0xFFFFFF80];
	v9 =	vadd.s32 v13, v9  }
0x72: {  	s20 =	sadd.s32 $0x1, s20;
	v11 =	vld [tilespmem:s19+$0xFFFFFF90];
	v9 =	vadd.s32 v9, v12  }
0x73: {  	v12 =	vld [tilespmem:s19+$0xFFFFFFA0]  }
0x74: {  	v13 =	vld [tilespmem:s19+$0xFFFFFFB0]  }
0x75: {  	v14 =	vld [tilespmem:s19+$0xFFFFFFC0]  }
0x76: {  	v15 =	vld [tilespmem:s19+$0xFFFFFFD0]  }
0x77: {  	v10 =	vadd.s32 v11, v10;
	v11 =	vld [tilespmem:s19+$0xFFFFFFE0]  }
0x78: {  	v56 =	vld [tilespmem:s19+$0xFFFFFFF0];
	v10 =	vadd.s32 v12, v10  }
0x79: {  	v57 =	vld [tilespmem:s19+$0x0];
	v10 =	vadd.s32 v13, v10  }
0x7a: {  	v58 =	vld [tilespmem:s19+$0x10];
	v10 =	vadd.s32 v10, v14  }
0x7b: {  	v59 =	vld [tilespmem:s19+$0x20];
	v10 =	vadd.s32 v15, v10  }
0x7c: {  	v10 =	vadd.s32 v11, v10;
	v11 =	vld [tilespmem:s19+$0x30]  }
0x7d: {  	v60 =	vld [tilespmem:s19+$0x40];
	v10 =	vadd.s32 v56, v10  }
0x7e: {  	v61 =	vld [tilespmem:s19+$0x50];
	v10 =	vadd.s32 v10, v57  }
0x7f: {  	v62 =	vld [tilespmem:s19+$0x60];
	v10 =	vadd.s32 v58, v10  }
0x80: {  	v63 =	vld [tilespmem:s19+$0x70];
	v10 =	vadd.s32 v59, v10  }
0x81: {  	v10 =	vadd.s32 v11, v10  }
0x82: {  	v6 =	vadd.s32 v6, v9;
	v9 =	vadd.s32 v10, v60  }
0x83: {  	v6 =	vadd.s32 v7, v6;
	v7 =	vadd.s32 v61, v9  }
0x84: {  	v6 =	vadd.s32 v8, v6;
	v7 =	vadd.s32 v62, v7  }
0x85: {  	(xrf0) =	vadd.scan.msk.s32 $0xffff, v6;
	v6 =	vadd.s32 v63, v7  }
0x86: {  	v7 =	vmov s17;
	(xrf0) =	vadd.scan.msk.s32 $0xffff, v6  }
0x87: {  	v6 =	vadd.s32 $0x1000, v7;
	v7 =	vmov s18  }
0x88: {  	v6 =	vbroadcast v6, $0x0;
	v7 =	vadd.s32 $0x1000, v7  }
0x89: {  	v7 =	vbroadcast v7, $0x0;
	_ =	sdelay $0x1  }
0x8a: {  	v8, _, _ =	vpop (xrf0)  }
0x8b: {  	v8 =	vbroadcast v8, $0xF;
	v9, _, _ =	vpop (xrf0)  }
0x8c: {  	v9 =	vbroadcast v9, $0xF  }
0x8d: {  	[tilespmem:v6+s12+$0x0] =	vst.idx.msk $0x1, v8  }
0x8e: {  	[tilespmem:v7+s12+$0x0] =	vst.idx.msk $0x1, v9  }
0x8f: {  	v6 =	vld [tilespmem:$0x11000];
	_ =	sdelay $0x4  }
0x90: {  	v6 =	vperm.xlane v6, v4;
	_ =	sdelay $0x1  }
0x91: {  	(xrf0) =	vadd.scan.msk.s32 $0xffff, v6;
	_ =	sdelay $0x5  }
0x92: {  	v6, _, _ =	vpop (xrf0)  }
0x93: {  	v6 =	vperm.xlane v6, v4;
	_ =	sdelay $0x1  }
0x94: {  	vm0 =	vgt.s32 v6, $0xFF  }
0x95: {  	v7 =	vmpcnt.ones.xlane vm0;
	_ =	sdelay $0x1  }
0x96: {  	v7 =	vxor.u32 $0x80000000, v7  }
0x97: {  	(xrf0) =	vmax.scan.msk.u32 $0xffff, v7;
	_ =	sdelay $0x5  }
0x98: {  	v7, _, _ =	vpop (xrf0)  }
0x99: {  	(v2sf) =	vpush v7, $0xF;
	_ =	sdelay $0xe  }
0x9a: {  	s18 =	spop (v2sf)  }
0x9b: {  	s17 =	sadd.s32 $0x7FFFFFFF, s18  }
0x9c: {  	s31 =	sshll.u32 s17, $0xA  }
0x9d: {  	s20 =	simm.s32 $0x0;
	s19 =	sshra.s32 s31, $0x2  }
0x9e: {  	s21 =	sand.u32 $0x80, s20;
	s19 =	sadd.s32 $0x10000, s19  }
0x9f: {  	s22 =	sand.u32 $0x70, s20;
	s21 =	sadd.s32 s21, s19  }
0xa0: {  	s21 =	sadd.s32 s22, s21  }
0xa1: {  	v7 =	vld [tilespmem:s21+$0x0];
	_ =	sdelay $0x4  }
0xa2: {  	(xrf0) =	vadd.scan.msk.s32 $0xffff, v7  }
0xa3: {  	v7 =	vmov s20  }
0xa4: {  	v7 =	vadd.s32 $0x1000, v7  }
0xa5: {  	v7 =	vbroadcast v7, $0x0;
	_ =	sdelay $0x2  }
0xa6: {  	s21 =	simm.s32 $0x10;
	v8, _, _ =	vpop (xrf0)  }
0xa7: {  	s22 =	simm.s32 $0x2;
	s23 =	sand.u32 $0x80, s21;
	s20 =	simm.s32 $0x1;
	v8 =	vbroadcast v8, $0xF  }
.LBB2_8:
0xa8: {  	p0 =	sne.s32 s22, $0xF;
	s24 =	sand.u32 $0x70, s21;
	s23 =	sadd.s32 s23, s19  }
0xa9: {  	s23 =	sadd.s32 s24, s23;
	[tilespmem:v7+s12+$0x0] =	vst.idx.msk $0x1, v8  }
0xaa: {  	v7 =	vld [tilespmem:s23+$0x0];
	_ =	sdelay $0x4  }
0xab: {  	(xrf0) =	vadd.scan.msk.s32 $0xffff, v7  }
0xac: {  	v7 =	vmov s20;
	s20 =	smov.u32 s22  }
0xad: {  	v7 =	vadd.s32 $0x1000, v7  }
.Ltmp3:
0xae: {  	v7 =	vbroadcast v7, $0x0;
	(pc) =	sbr.rel @p0 .LBB2_8-.Ltmp3, $3  }
0xaf: {  	_ =	sdelay $0x1  }
0xb0: {  	s21 =	sadd.s32 $0x10, s21;
	v8, _, _ =	vpop (xrf0)  }
0xb1: {  	s23 =	sand.u32 $0x80, s21;
	s22 =	sadd.s32 $0x1, s22;
	v8 =	vbroadcast v8, $0xF  }
0xb2: {  	_ =	sdelay $0x2  }
0xb3: {  	s21 =	sand.u32 $0x70, s21;
	s19 =	sadd.s32 s23, s19  }
0xb4: {  	s19 =	sadd.s32 s21, s19;
	[tilespmem:v7+s12+$0x0] =	vst.idx.msk $0x1, v8  }
0xb5: {  	v7 =	vld [tilespmem:s19+$0x0];
	_ =	sdelay $0x4  }
0xb6: {  	(xrf0) =	vadd.scan.msk.s32 $0xffff, v7  }
0xb7: {  	v7 =	vmov s20  }
0xb8: {  	v7 =	vadd.s32 $0x1000, v7  }
0xb9: {  	v7 =	vbroadcast v7, $0x0;
	_ =	sdelay $0x2  }
0xba: {  	v8, _, _ =	vpop (xrf0)  }
0xbb: {  	v8 =	vbroadcast v8, $0xF;
	_ =	sdelay $0x1  }
0xbc: {  	[tilespmem:v7+s12+$0x0] =	vst.idx.msk $0x1, v8  }
0xbd: {  	v7 =	vld [tilespmem:$0x11000];
	_ =	sdelay $0x1  }
0xbe: {  	s18 =	sxor.u32 $0x80000000, s18  }
0xbf: {  	v8 =	vmov s18  }
0xc0: {  	vm0 =	veq.s32 v8, v0  }
0xc1: {  	v6 =	vnsel vm0, $0x0, v6;
	v7 =	vperm.xlane v7, v4  }
0xc2: {  	(xrf0) =	vadd.scan.msk.s32 $0xffff, v6  }
0xc3: {  	(xrf0) =	vadd.scan.msk.s32 $0xffff, v7;
	_ =	sdelay $0x4  }
0xc4: {  	v6, _, _ =	vpop (xrf0)  }
0xc5: {  	v7, _, _ =	vpop (xrf0)  }
0xc6: {  	v8 =	vbroadcast v6, $0xF;
	v7 =	vperm.xlane v7, v4;
	_ =	sdelay $0x1  }
0xc7: {  	v8 =	vadd.s32 v8, v7  }
0xc8: {  	vm0 =	vgt.s32 v8, $0xFF  }
0xc9: {  	v8 =	vmpcnt.ones.xlane vm0;
	_ =	sdelay $0x1  }
0xca: {  	v8 =	vxor.u32 $0x80000000, v8  }
0xcb: {  	(xrf0) =	vmax.scan.msk.u32 $0xffff, v8;
	_ =	sdelay $0x5  }
0xcc: {  	v8, _, _ =	vpop (xrf0)  }
0xcd: {  	(v2sf) =	vpush v8, $0xF;
	_ =	sdelay $0xd  }
0xce: {  	s19 =	simm.s32 $0x40  }
0xcf: {  	s17 =	sshll.u32 s17, $0x4;
	v10 =	vld [tilespmem:s19+$0xFFFFFFC0];
	s18 =	spop (v2sf)  }
0xd0: {  	s30 =	sadd.s32 s18, s17  }
0xd1: {  	s17 =	sadd.s32 $0x7FFFFF7F, s30  }
0xd2: {  	s20 =	sadd.s32 $0x7FFFFFFF, s30;
	s31 =	sshll.u32 s17, $0x18  }
0xd3: {  	p0 =	sgt.s32 s20, $0xFE;
	s20 =	sor.u32 $0xFFFFFF, s31  }
0xd4: {  	v11 =	vxor.u32 $0x7FFFFFFF, v10;
	vm0 =	vlt.s32 v10, $0x0;
	s20 =	simm.s32 @p0 $0x7FFFFFFF  }
0xd5: {  	v14 =	vsel vm0, v11, v10;
	v9 =	vmov s31;
	v8 =	vmov s20  }
0xd6: {  	v10 =	vld [tilespmem:s19+$0xFFFFFFD0];
	vm0 =	vge.s32 v14, v9;
	vm1 =	vle.s32 v14, v8  }
0xd7: {  	vm0 =	vmand vm0, vm1  }
0xd8: {  	v11 =	vsel vm0, $0x1, v1  }
0xd9: {  	(xrf0) =	vadd.scan.msk.s32 $0xffff, v11;
	_ =	sdelay $0x1  }
0xda: {  	vm1 =	vlt.s32 v10, $0x0;
	v11 =	vxor.u32 $0x7FFFFFFF, v10  }
0xdb: {  	v15 =	vsel vm1, v11, v10  }
0xdc: {  	v10 =	vld [tilespmem:s19+$0xFFFFFFE0];
	vm1 =	vge.s32 v15, v9;
	vm2 =	vle.s32 v15, v8  }
0xdd: {  	vm2 =	vmand vm1, vm2  }
0xde: {  	v11 =	vimm.s32 $0x0;
	v12 =	vsel vm2, $0x1, v1;
	v13, _, _ =	vpop (xrf0)  }
0xdf: {  	(xrf0) =	vadd.scan.msk.s32 $0xffff, v12;
	v13 =	vadd.s32 v13, v11  }
0xe0: {  	v16 =	vadd.s32 $0xFFFFFFFF, v13  }
0xe1: {  	v12 =	vxor.u32 $0x7FFFFFFF, v10;
	vm3 =	vlt.s32 v10, $0x0;
	vm1 =	vlt.s32 v16, $0x4000  }
0xe2: {  	v17 =	vsel vm3, v12, v10;
	vm1 =	vmand vm0, vm1  }
0xe3: {  	v12 =	vld [tilespmem:s19+$0xFFFFFFF0];
	vm3 =	vle.s32 v17, v8;
	vm0 =	vge.s32 v17, v9;
	v10 =	vmpcnt.ones.xlane vm1  }
0xe4: {  	vm0 =	vmand vm0, vm3  }
0xe5: {  	v13, _, _ =	vpop (xrf0);
	v10 =	vadd.s32 v11, v10;
	v11 =	vsel vm0, $0x1, v1  }
0xe6: {  	v13 =	vadd.s32 v13, v10;
	(xrf0) =	vadd.scan.msk.s32 $0xffff, v11  }
0xe7: {  	v18 =	vadd.s32 $0xFFFFFFFF, v13  }
0xe8: {  	vm4 =	vlt.s32 v12, $0x0;
	v11 =	vxor.u32 $0x7FFFFFFF, v12;
	vm3 =	vlt.s32 v18, $0x4000  }
0xe9: {  	v19 =	vsel vm4, v11, v12;
	vm3 =	vmand vm2, vm3  }
0xea: {  	vm4 =	vle.s32 v19, v8;
	vm2 =	vge.s32 v19, v9;
	v11 =	vmpcnt.ones.xlane vm3  }
0xeb: {  	v12 =	vld [tilespmem:s19+$0x0];
	vm2 =	vmand vm2, vm4  }
0xec: {  	v11 =	vadd.s32 v10, v11;
	v10 =	vsel vm2, $0x1, v1;
	v13, _, _ =	vpop (xrf0)  }
0xed: {  	v13 =	vadd.s32 v13, v11;
	(xrf0) =	vadd.scan.msk.s32 $0xffff, v10  }
0xee: {  	v20 =	vadd.s32 $0xFFFFFFFF, v13  }
0xef: {  	vm13 =	vlt.s32 v20, $0x4000  }
0xf0: {  	vm5 =	vlt.s32 v12, $0x0;
	v10 =	vxor.u32 $0x7FFFFFFF, v12;
	vm4 =	vmand vm0, vm13  }
0xf1: {  	v10 =	vsel vm5, v10, v12;
	v12 =	vmpcnt.ones.xlane vm4  }
0xf2: {  	v13 =	vld [tilespmem:s19+$0x10]  }
0xf3: {  	vm5 =	vle.s32 v10, v8;
	vm0 =	vge.s32 v10, v9;
	v12 =	vadd.s32 v11, v12;
	v21, _, _ =	vpop (xrf0)  }
0xf4: {  	vm5 =	vmand vm0, vm5;
	v21 =	vadd.s32 v21, v12  }
0xf5: {  	v11 =	vsel vm5, $0x1, v1;
	v21 =	vadd.s32 $0xFFFFFFFF, v21  }
0xf6: {  	(xrf0) =	vadd.scan.msk.s32 $0xffff, v11;
	vm0 =	vlt.s32 v21, $0x4000  }
0xf7: {  	vm6 =	vlt.s32 v13, $0x0;
	v11 =	vxor.u32 $0x7FFFFFFF, v13;
	vm7 =	vmand vm2, vm0  }
0xf8: {  	v11 =	vsel vm6, v11, v13;
	v13 =	vmpcnt.ones.xlane vm7;
	_ =	sdelay $0x1  }
0xf9: {  	v22 =	vld [tilespmem:s19+$0x20];
	vm0 =	vge.s32 v11, v9;
	vm2 =	vle.s32 v11, v8  }
0xfa: {  	vm0 =	vmand vm0, vm2  }
0xfb: {  	v23 =	vadd.s32 v12, v13;
	v12 =	vsel vm0, $0x1, v1;
	v13, _, _ =	vpop (xrf0)  }
0xfc: {  	(xrf0) =	vadd.scan.msk.s32 $0xffff, v12;
	v13 =	vadd.s32 v13, v23  }
0xfd: {  	v13 =	vadd.s32 $0xFFFFFFFF, v13  }
0xfe: {  	vm14 =	vlt.s32 v22, $0x0;
	v12 =	vxor.u32 $0x7FFFFFFF, v22;
	vm2 =	vlt.s32 v13, $0x4000  }
0xff: {  	[tilespmem:v16+s13+$0x0] =	vst.idx.msk vm1, v14;
	v12 =	vsel vm14, v12, v22;
	vm2 =	vmand vm5, vm2  }
0x100: {  	[tilespmem:v18+s13+$0x0] =	vst.idx.msk vm3, v15;
	v15 =	vld [tilespmem:s19+$0x30];
	vm1 =	vge.s32 v12, v9;
	vm15 =	vle.s32 v12, v8;
	v14 =	vmpcnt.ones.xlane vm2  }
0x101: {  	vm1 =	vmand vm1, vm15  }
0x102: {  	[tilespmem:v20+s13+$0x0] =	vst.idx.msk vm4, v17;
	v17 =	vsel vm1, $0x1, v1;
	v16, _, _ =	vpop (xrf0);
	v14 =	vadd.s32 v23, v14  }
0x103: {  	s20 =	simm.s32 $0x0;
	[tilespmem:v21+s13+$0x0] =	vst.idx.msk vm7, v19;
	(xrf0) =	vadd.scan.msk.s32 $0xffff, v17;
	v16 =	vadd.s32 v16, v14  }
.LBB2_10:
0x104: {  	s20 =	sadd.s32 $0x8, s20;
	v16 =	vadd.s32 $0xFFFFFFFF, v16  }
0x105: {  	p0 =	slt.u32 s20, $0x7F8;
	[tilespmem:v13+s13+$0x0] =	vst.idx.msk vm2, v10;
	vm2 =	vlt.s32 v16, $0x4000;
	v10 =	vxor.u32 $0x7FFFFFFF, v15;
	vm3 =	vlt.s32 v15, $0x0  }
0x106: {  	s19 =	sadd.s32 $0x80, s19;
	vm0 =	vmand vm0, vm2;
	v10 =	vsel vm3, v10, v15  }
0x107: {  	v13 =	vld [tilespmem:s19+$0xFFFFFFC0];
	v15 =	vmpcnt.ones.xlane vm0;
	vm2 =	vge.s32 v10, v9;
	vm3 =	vle.s32 v10, v8  }
0x108: {  	vm2 =	vmand vm2, vm3  }
0x109: {  	v14 =	vadd.s32 v14, v15;
	v15 =	vsel vm2, $0x1, v1;
	v17, _, _ =	vpop (xrf0)  }
0x10a: {  	v17 =	vadd.s32 v17, v14;
	(xrf0) =	vadd.scan.msk.s32 $0xffff, v15  }
0x10b: {  	v15 =	vadd.s32 $0xFFFFFFFF, v17  }
0x10c: {  	v17 =	vxor.u32 $0x7FFFFFFF, v13;
	vm3 =	vlt.s32 v13, $0x0;
	[tilespmem:v16+s13+$0x0] =	vst.idx.msk vm0, v11;
	vm0 =	vlt.s32 v15, $0x4000  }
0x10d: {  	v11 =	vsel vm3, v17, v13;
	vm1 =	vmand vm1, vm0  }
0x10e: {  	vm0 =	vge.s32 v11, v9;
	vm3 =	vle.s32 v11, v8;
	v13 =	vld [tilespmem:s19+$0xFFFFFFD0];
	v18 =	vmpcnt.ones.xlane vm1  }
0x10f: {  	vm0 =	vmand vm0, vm3  }
0x110: {  	v17 =	vsel vm0, $0x1, v1;
	v14 =	vadd.s32 v14, v18;
	v16, _, _ =	vpop (xrf0)  }
0x111: {  	(xrf0) =	vadd.scan.msk.s32 $0xffff, v17;
	v16 =	vadd.s32 v16, v14  }
0x112: {  	v16 =	vadd.s32 $0xFFFFFFFF, v16  }
0x113: {  	v17 =	vxor.u32 $0x7FFFFFFF, v13;
	vm3 =	vlt.s32 v13, $0x0;
	[tilespmem:v15+s13+$0x0] =	vst.idx.msk vm1, v12;
	vm1 =	vlt.s32 v16, $0x4000  }
0x114: {  	v12 =	vsel vm3, v17, v13;
	vm2 =	vmand vm2, vm1  }
0x115: {  	vm1 =	vge.s32 v12, v9;
	vm3 =	vle.s32 v12, v8;
	v13 =	vld [tilespmem:s19+$0xFFFFFFE0];
	v15 =	vmpcnt.ones.xlane vm2  }
0x116: {  	vm1 =	vmand vm1, vm3  }
0x117: {  	p1 =	por $0x1, $0x1;
	v17 =	vsel vm1, $0x1, v1;
	v18, _, _ =	vpop (xrf0);
	v14 =	vadd.s32 v14, v15  }
0x118: {  	v15 =	vadd.s32 v18, v14;
	(xrf0) =	vadd.scan.msk.s32 $0xffff, v17  }
0x119: {  	v15 =	vadd.s32 $0xFFFFFFFF, v15  }
0x11a: {  	vm3 =	vlt.s32 v15, $0x4000;
	v17 =	vxor.u32 $0x7FFFFFFF, v13;
	vm4 =	vlt.s32 v13, $0x0;
	[tilespmem:v16+s13+$0x0] =	vst.idx.msk vm2, v10  }
0x11b: {  	vm2 =	vmand vm0, vm3;
	v13 =	vsel vm4, v17, v13  }
0x11c: {  	v10 =	vmpcnt.ones.xlane vm2;
	vm0 =	vge.s32 v13, v9;
	vm3 =	vle.s32 v13, v8;
	v16 =	vld [tilespmem:s19+$0xFFFFFFF0]  }
0x11d: {  	vm0 =	vmand vm0, vm3  }
0x11e: {  	v10 =	vadd.s32 v14, v10;
	v14 =	vsel vm0, $0x1, v1;
	v17, _, _ =	vpop (xrf0)  }
0x11f: {  	v17 =	vadd.s32 v17, v10;
	(xrf0) =	vadd.scan.msk.s32 $0xffff, v14  }
0x120: {  	v14 =	vadd.s32 $0xFFFFFFFF, v17  }
0x121: {  	[tilespmem:v15+s13+$0x0] =	vst.idx.msk vm2, v11;
	vm2 =	vlt.s32 v14, $0x4000;
	v11 =	vxor.u32 $0x7FFFFFFF, v16;
	vm3 =	vlt.s32 v16, $0x0  }
0x122: {  	vm2 =	vmand vm1, vm2;
	v15 =	vsel vm3, v11, v16  }
0x123: {  	v11 =	vmpcnt.ones.xlane vm2;
	vm1 =	vge.s32 v15, v9;
	vm3 =	vle.s32 v15, v8;
	v16 =	vld [tilespmem:s19+$0x0]  }
0x124: {  	vm1 =	vmand vm1, vm3  }
0x125: {  	v11 =	vadd.s32 v10, v11;
	v10 =	vsel vm1, $0x1, v1;
	v17, _, _ =	vpop (xrf0)  }
0x126: {  	v17 =	vadd.s32 v17, v11;
	(xrf0) =	vadd.scan.msk.s32 $0xffff, v10  }
0x127: {  	v17 =	vadd.s32 $0xFFFFFFFF, v17  }
0x128: {  	[tilespmem:v14+s13+$0x0] =	vst.idx.msk vm2, v12;
	vm2 =	vlt.s32 v17, $0x4000;
	v10 =	vxor.u32 $0x7FFFFFFF, v16;
	vm3 =	vlt.s32 v16, $0x0  }
0x129: {  	vm0 =	vmand vm0, vm2;
	v10 =	vsel vm3, v10, v16  }
0x12a: {  	v12 =	vmpcnt.ones.xlane vm0;
	vm2 =	vge.s32 v10, v9;
	vm3 =	vle.s32 v10, v8;
	v14 =	vld [tilespmem:s19+$0x10]  }
0x12b: {  	vm2 =	vmand vm2, vm3  }
0x12c: {  	v12 =	vadd.s32 v11, v12;
	v11 =	vsel vm2, $0x1, v1;
	v16, _, _ =	vpop (xrf0)  }
0x12d: {  	v16 =	vadd.s32 v16, v12;
	(xrf0) =	vadd.scan.msk.s32 $0xffff, v11  }
0x12e: {  	v16 =	vadd.s32 $0xFFFFFFFF, v16  }
0x12f: {  	[tilespmem:v17+s13+$0x0] =	vst.idx.msk vm0, v13;
	vm0 =	vlt.s32 v16, $0x4000;
	v11 =	vxor.u32 $0x7FFFFFFF, v14;
	vm3 =	vlt.s32 v14, $0x0  }
0x130: {  	vm1 =	vmand vm1, vm0;
	v11 =	vsel vm3, v11, v14  }
0x131: {  	v18 =	vmpcnt.ones.xlane vm1;
	vm0 =	vge.s32 v11, v9;
	vm3 =	vle.s32 v11, v8;
	v14 =	vld [tilespmem:s19+$0x20]  }
0x132: {  	vm0 =	vmand vm0, vm3  }
0x133: {  	v17 =	vadd.s32 v12, v18;
	v12 =	vsel vm0, $0x1, v1;
	v13, _, _ =	vpop (xrf0)  }
0x134: {  	v13 =	vadd.s32 v13, v17;
	(xrf0) =	vadd.scan.msk.s32 $0xffff, v12  }
0x135: {  	v13 =	vadd.s32 $0xFFFFFFFF, v13  }
0x136: {  	[tilespmem:v16+s13+$0x0] =	vst.idx.msk vm1, v15;
	vm1 =	vlt.s32 v13, $0x4000;
	v12 =	vxor.u32 $0x7FFFFFFF, v14;
	vm3 =	vlt.s32 v14, $0x0  }
.Ltmp4:
0x137: {  	vm2 =	vmand vm2, vm1;
	v12 =	vsel vm3, v12, v14;
	(pc) =	sbr.rel @p0 .LBB2_10-.Ltmp4, $4  }
0x138: {  	v14 =	vmpcnt.ones.xlane vm2;
	vm1 =	vge.s32 v12, v9;
	vm3 =	vle.s32 v12, v8;
	v15 =	vld [tilespmem:s19+$0x30]  }
0x139: {  	vm1 =	vmand vm1, vm3  }
0x13a: {  	v14 =	vadd.s32 v17, v14;
	v17 =	vsel vm1, $0x1, v1;
	v16, _, _ =	vpop (xrf0)  }
0x13b: {  	v16 =	vadd.s32 v16, v14;
	(xrf0) =	vadd.scan.msk.s32 $0xffff, v17  }
0x13c: {  	v16 =	vadd.s32 $0xFFFFFFFF, v16  }
0x13d: {  	vm3 =	vlt.s32 v16, $0x4000;
	v17 =	vxor.u32 $0x7FFFFFFF, v15;
	vm4 =	vlt.s32 v15, $0x0  }
0x13e: {  	v15 =	vsel vm4, v17, v15;
	vm0 =	vmand vm0, vm3  }
0x13f: {  	vm13 =	vge.s32 v15, v9;
	v9 =	vmpcnt.ones.xlane vm0;
	vm4 =	vle.s32 v15, v8  }
0x140: {  	vm3 =	vmand vm13, vm4  }
0x141: {  	v8 =	vadd.s32 v14, v9;
	v9 =	vsel vm3, $0x1, v1;
	v61, _, _ =	vpop (xrf0)  }
0x142: {  	v14 =	vadd.s32 v61, v8;
	(xrf0) =	vadd.scan.msk.s32 $0xffff, v9  }
0x143: {  	v9 =	vadd.s32 $0xFFFFFFFF, v14  }
0x144: {  	vm14 =	vlt.s32 v9, $0x4000  }
0x145: {  	vm1 =	vmand vm1, vm14  }
0x146: {  	v62 =	vmpcnt.ones.xlane vm1;
	_ =	sdelay $0x1  }
0x147: {  	v8 =	vadd.s32 v8, v62;
	v63, _, _ =	vpop (xrf0)  }
0x148: {  	v14 =	vadd.s32 v63, v8  }
0x149: {  	v14 =	vadd.s32 $0xFFFFFFFF, v14  }
0x14a: {  	vm15 =	vlt.s32 v14, $0x4000  }
0x14b: {  	vm3 =	vmand vm3, vm15;
	_ =	sdelay $0x2  }
0x14c: {  	[tilespmem:v13+s13+$0x0] =	vst.idx.msk vm2, v10  }
0x14d: {  	[tilespmem:v16+s13+$0x0] =	vst.idx.msk vm0, v11;
	v10 =	vmpcnt.ones.xlane vm3  }
0x14e: {  	[tilespmem:v9+s13+$0x0] =	vst.idx.msk vm1, v12  }
0x14f: {  	s19 =	simm.s32 $0x0;
	v8 =	vadd.s32 v8, v10;
	[tilespmem:v14+s13+$0x0] =	vst.idx.msk vm3, v15  }
.LBB2_12:
0x150: {  	s19 =	sshra.s32 s19, $0x2  }
0x151: {  	[tilespmem:s19+$0x10000] =	vst v1  }
0x152: {  	[tilespmem:s19+$0x10010] =	vst v1  }
0x153: {  	p0 =	por p1, p1;
	[tilespmem:s19+$0x10020] =	vst v1  }
.Ltmp5:
0x154: {  	[tilespmem:s19+$0x10030] =	vst v1;
	(pc) =	sbr.rel @p0 .LBB2_12-.Ltmp5, $4  }
0x155: {  	[tilespmem:s19+$0x10040] =	vst v1  }
0x156: {  	[tilespmem:s19+$0x10050] =	vst v1  }
0x157: {  	[tilespmem:s19+$0x10060] =	vst v1  }
0x158: {  	p1 =	por $0x0, $0x0;
	[tilespmem:s19+$0x10070] =	vst v1;
	s19 =	simm.s32 $0x200  }
0x159: {  	s18 =	sxor.u32 $0x80000000, s18  }
0x15a: {  	v9 =	vmov s18  }
0x15b: {  	vm0 =	veq.s32 v9, v0  }
0x15c: {  	v7 =	vnsel vm0, $0x0, v7  }
0x15d: {  	(xrf0) =	vadd.scan.msk.s32 $0xffff, v7;
	v7 =	vxor.u32 $0x80000000, v8  }
0x15e: {  	(xrf0) =	vmax.scan.msk.u32 $0xffff, v7;
	_ =	sdelay $0x4  }
0x15f: {  	(v2sf) =	vpush v6, $0xF;
	v7, _, _ =	vpop (xrf0)  }
0x160: {  	(v2sf) =	vpush v7, $0xF;
	v6, _, _ =	vpop (xrf0)  }
0x161: {  	(v2sf) =	vpush v6, $0xF;
	_ =	sdelay $0xc  }
0x162: {  	s19 =	spop (v2sf)  }
0x163: {  	s20 =	spop (v2sf)  }
0x164: {  	s21 =	spop (v2sf)  }
0x165: {  	s31 =	sadd.s32 $0x8000000F, s21  }
0x166: {  	s18 =	sshra.s32 s31, $0x4  }
0x167: {  	p0 =	slt.s32 s18, $0x1  }
.Ltmp6:
0x168: {  	_ = 	snop;
	(pc) =	sbr.rel @p0 .LBB2_20-.Ltmp6, $3  }
0x169: {  	_ =	sdelay $0x1  }
0x16a: {  	s21 =	sxor.u32 $0x80000000, s21  }
0x16b: {  	v7 =	vmov s21  }
0x16c: {  	p2 =	seq.s32 s18, $0x1  }
.Ltmp7:
0x16d: {  	_ = 	snop;
	(pc) =	sbr.rel @p2 .LBB2_15-.Ltmp7, $3  }
0x16e: {  	_ =	sdelay $0x1  }
0x16f: {  	s22 =	simm.s32 $0x11080  }
0x170: {  	v6 =	vmov s17;
	s21 =	simm.s32 $0x0;
	p1 =	por $0x0, $0x0;
	v8 =	vld [tilespmem:s22+$0x0];
	s22 =	sadd.s32 $0xFFFFFFFF, s18  }
0x171: {  	_ =	sdelay $0x2  }
0x172: {  	v9 =	vor.u32 s21, v0  }
0x173: {  	vm0 =	vlt.s32 v9, v7;
	v9 =	vshra.s32 v8, $0x18  }
0x174: {  	vm1 =	veq.s32 v9, v6;
	v9 =	vshrl.u32 v8, $0xC;
	v8 =	vshrl.u32 v8, $0x14  }
0x175: {  	vm0 =	vmand vm0, vm1;
	v8 =	vand.u32 $0xF, v8;
	v9 =	vand.u32 $0xF0, v9  }
0x176: {  	v8 =	vor.u32 v8, v9  }
0x177: {  	p2 =	seq.s32 s22, $0x1  }
.Ltmp8:
0x178: {  	_ = 	snop;
	(pc) =	sbr.rel @p2 .LBB2_17-.Ltmp8, $3  }
0x179: {  	_ =	sdelay $0x1  }
0x17a: {  	s23 =	simm.s32 $0x11090;
	[tilespmem:v8+s12+$0x0] =	vst.idx.add.s32.msk vm0, v3  }
0x17b: {  	s24 =	sadd.s32 $0xFFFFFFFF, s22;
	p1 =	por $0x1, $0x1;
	s22 =	simm.s32 $0x0;
	v8 =	vld [tilespmem:s23+$0x0]  }
.LBB2_18:
0x17c: {  	p2 =	seq.s32 s24, $0x1;
	_ =	sdelay $0x1  }
0x17d: {  	s22 =	sadd.s32 $0x10, s22  }
0x17e: {  	v9 =	vor.u32 s22, v0  }
0x17f: {  	vm0 =	vlt.s32 v9, v7;
	v9 =	vshra.s32 v8, $0x18  }
0x180: {  	vm1 =	veq.s32 v9, v6;
	v9 =	vshrl.u32 v8, $0xC;
	v8 =	vshrl.u32 v8, $0x14  }
0x181: {  	vm0 =	vmand vm0, vm1;
	v8 =	vand.u32 $0xF, v8;
	v9 =	vand.u32 $0xF0, v9  }
0x182: {  	v8 =	vor.u32 v8, v9;
	_ =	sdelay $0x1  }
.Ltmp9:
0x183: {  	(pc) =	sbr.rel @!p2 .LBB2_18-.Ltmp9, $3  }
0x184: {  	_ =	sdelay $0x1  }
0x185: {  	s23 =	sadd.s32 $0x10, s23;
	[tilespmem:v8+s12+$0x0] =	vst.idx.add.s32.msk vm0, v3  }
0x186: {  	s24 =	sadd.s32 $0xFFFFFFFF, s24;
	v8 =	vld [tilespmem:s23+$0x0]  }
.LBB2_19:
0x187: {  	_ = 	snop  }
0x188: {  	s22 =	sadd.s32 @p1 $0x10, s22  }
0x189: {  	s21 =	smov.u32 @p1 s22  }
0x18a: {  	v9 =	vor.u32 s21, v0  }
0x18b: {  	vm0 =	vlt.s32 v9, v7;
	v63 =	vshra.s32 v8, $0x18  }
0x18c: {  	vm1 =	veq.s32 v63, v6;
	v6 =	vshrl.u32 v8, $0xC;
	v8 =	vshrl.u32 v8, $0x14  }
0x18d: {  	vm0 =	vmand vm0, vm1;
	v8 =	vand.u32 $0xF, v8;
	v6 =	vand.u32 $0xF0, v6  }
0x18e: {  	v6 =	vor.u32 v8, v6;
	_ =	sdelay $0x4  }
0x18f: {  	[tilespmem:v6+s12+$0x0] =	vst.idx.add.s32.msk vm0, v3  }
.LBB2_20:
0x190: {  	v6 =	vld [tilespmem:$0x10000]  }
0x191: {  	v8 =	vld [tilespmem:$0x10010]  }
0x192: {  	v9 =	vld [tilespmem:$0x10020]  }
0x193: {  	v10 =	vld [tilespmem:$0x10030]  }
0x194: {  	v11 =	vld [tilespmem:$0x10040]  }
0x195: {  	v12 =	vld [tilespmem:$0x10050]  }
0x196: {  	v6 =	vadd.s32 v8, v6;
	v8 =	vld [tilespmem:$0x10060]  }
0x197: {  	v6 =	vadd.s32 v9, v6;
	v9 =	vld [tilespmem:$0x10070]  }
0x198: {  	v6 =	vadd.s32 v10, v6;
	v10 =	vld [tilespmem:$0x10080]  }
0x199: {  	v6 =	vadd.s32 v6, v11;
	v11 =	vld [tilespmem:$0x10090]  }
0x19a: {  	v62 =	vld [tilespmem:$0x100A0];
	v6 =	vadd.s32 v12, v6  }
0x19b: {  	v6 =	vadd.s32 v8, v6;
	v8 =	vld [tilespmem:$0x100B0]  }
0x19c: {  	v6 =	vadd.s32 v9, v6;
	v9 =	vld [tilespmem:$0x100C0]  }
0x19d: {  	v6 =	vadd.s32 v6, v10;
	v10 =	vld [tilespmem:$0x100D0]  }
0x19e: {  	v6 =	vadd.s32 v11, v6;
	v11 =	vld [tilespmem:$0x100E0]  }
0x19f: {  	v63 =	vld [tilespmem:$0x100F0];
	v6 =	vadd.s32 v62, v6  }
0x1a0: {  	v6 =	vadd.s32 v8, v6  }
0x1a1: {  	v6 =	vadd.s32 v6, v9  }
0x1a2: {  	v6 =	vadd.s32 v10, v6  }
0x1a3: {  	v6 =	vadd.s32 v11, v6  }
0x1a4: {  	v6 =	vadd.s32 v63, v6  }
0x1a5: {  	v6 =	vperm.xlane v6, v4;
	_ =	sdelay $0x1  }
0x1a6: {  	(xrf0) =	vadd.scan.msk.s32 $0xffff, v6;
	_ =	sdelay $0x5  }
0x1a7: {  	v6, _, _ =	vpop (xrf0)  }
0x1a8: {  	s19 =	sadd.s32 s20, s19;
	v8 =	vperm.xlane v6, v4  }
0x1a9: {  	s19 =	ssub.s32 $0x100, s19  }
0x1aa: {  	vm0 =	vge.s32 v8, s19  }
0x1ab: {  	v6 =	vmpcnt.ones.xlane vm0;
	_ =	sdelay $0x1  }
0x1ac: {  	v6 =	vxor.u32 $0x80000000, v6  }
0x1ad: {  	(xrf0) =	vmax.scan.msk.u32 $0xffff, v6;
	_ =	sdelay $0x5  }
0x1ae: {  	v6, _, _ =	vpop (xrf0)  }
0x1af: {  	(v2sf) =	vpush v6, $0xF;
	_ =	sdelay $0xe  }
0x1b0: {  	v6 =	vmul.u32 $0x10, v0;
	s21 =	spop (v2sf)  }
0x1b1: {  	s20 =	sadd.s32 $0x7FFFFFFF, s21  }
0x1b2: {  	v9 =	vadd.s32 s20, v6;
	_ =	sdelay $0x4  }
0x1b3: {  	v9 =	vld.idx.msk [tilespmem:v9+s12+$0x0], $0xffff;
	_ =	sdelay $0x1  }
0x1b4: {  	s21 =	sxor.u32 $0x80000000, s21  }
0x1b5: {  	v10 =	vmov s21  }
0x1b6: {  	vm14 =	veq.s32 v10, v0  }
0x1b7: {  	v8 =	vnsel vm14, $0x0, v8;
	v9 =	vperm.xlane v9, v4  }
0x1b8: {  	(xrf0) =	vadd.scan.msk.s32 $0xffff, v8  }
0x1b9: {  	(xrf0) =	vadd.scan.msk.s32 $0xffff, v9;
	_ =	sdelay $0x4  }
0x1ba: {  	v9, _, _ =	vpop (xrf0)  }
0x1bb: {  	v8, _, _ =	vpop (xrf0)  }
0x1bc: {  	v10 =	vbroadcast v9, $0xF;
	v8 =	vperm.xlane v8, v4;
	_ =	sdelay $0x1  }
0x1bd: {  	v10 =	vadd.s32 v8, v10  }
0x1be: {  	vm15 =	vge.s32 v10, s19  }
0x1bf: {  	p1 =	por $0x1, $0x1;
	s21 =	simm.s32 $0x0;
	v10 =	vmpcnt.ones.xlane vm15  }
.LBB2_21:
0x1c0: {  	s21 =	sshra.s32 s21, $0x2  }
0x1c1: {  	[tilespmem:s21+$0x10000] =	vst v1  }
0x1c2: {  	[tilespmem:s21+$0x10010] =	vst v1  }
0x1c3: {  	p2 =	por p1, p1;
	[tilespmem:s21+$0x10020] =	vst v1  }
.Ltmp10:
0x1c4: {  	[tilespmem:s21+$0x10030] =	vst v1;
	(pc) =	sbr.rel @p2 .LBB2_21-.Ltmp10, $4  }
0x1c5: {  	[tilespmem:s21+$0x10040] =	vst v1  }
0x1c6: {  	[tilespmem:s21+$0x10050] =	vst v1  }
0x1c7: {  	[tilespmem:s21+$0x10060] =	vst v1  }
0x1c8: {  	p1 =	por $0x0, $0x0;
	[tilespmem:s21+$0x10070] =	vst v1;
	s21 =	simm.s32 $0x200  }
0x1c9: {  	v10 =	vxor.u32 $0x80000000, v10  }
0x1ca: {  	(xrf0) =	vmax.scan.msk.u32 $0xffff, v10;
	_ =	sdelay $0x5  }
0x1cb: {  	(v2sf) =	vpush v9, $0xF;
	v62, _, _ =	vpop (xrf0)  }
0x1cc: {  	(v2sf) =	vpush v62, $0xF;
	_ =	sdelay $0xd  }
0x1cd: {  	s21 =	spop (v2sf)  }
0x1ce: {  	s22 =	spop (v2sf)  }
0x1cf: {  	s23 =	sxor.u32 $0x80000000, s22  }
0x1d0: {  	v63 =	vmov s23  }
0x1d1: {  	vm0 =	veq.s32 v63, v0  }
0x1d2: {  	v8 =	vnsel vm0, $0x0, v8  }
0x1d3: {  	(xrf0) =	vadd.scan.msk.s32 $0xffff, v8;
	_ =	sdelay $0x5  }
0x1d4: {  	v8, _, _ =	vpop (xrf0)  }
0x1d5: {  	(v2sf) =	vpush v8, $0xF;
	_ =	sdelay $0xa  }
.Ltmp11:
0x1d6: {  	_ = 	snop;
	(pc) =	sbr.rel @p0 .LBB2_29-.Ltmp11, $4  }
0x1d7: {  	s20 =	sshll.u32 s20, $0x4  }
0x1d8: {  	s20 =	sadd.s32 s22, s20  }
0x1d9: {  	s31 =	sshll.u32 s17, $0x8;
	s20 =	sadd.s32 $0x7FFFFFFF, s20  }
0x1da: {  	s20 =	sor.u32 s31, s20;
	s17 =	spop (v2sf)  }
0x1db: {  	p2 =	seq.s32 s18, $0x1  }
.Ltmp12:
0x1dc: {  	_ = 	snop;
	(pc) =	sbr.rel @p2 .LBB2_24-.Ltmp12, $3  }
0x1dd: {  	_ =	sdelay $0x1  }
0x1de: {  	s23 =	simm.s32 $0x11080  }
0x1df: {  	v8 =	vmov s20;
	s22 =	simm.s32 $0x0;
	p1 =	por $0x0, $0x0;
	v9 =	vld [tilespmem:s23+$0x0];
	s23 =	sadd.s32 $0xFFFFFFFF, s18  }
0x1e0: {  	_ =	sdelay $0x2  }
0x1e1: {  	v10 =	vor.u32 s22, v0  }
0x1e2: {  	vm0 =	vlt.s32 v10, v7;
	v10 =	vshra.s32 v9, $0x10  }
0x1e3: {  	vm1 =	veq.s32 v10, v8;
	v10 =	vshrl.u32 v9, $0x4;
	v9 =	vshrl.u32 v9, $0xC  }
0x1e4: {  	vm0 =	vmand vm0, vm1;
	v9 =	vand.u32 $0xF, v9;
	v10 =	vand.u32 $0xF0, v10  }
0x1e5: {  	v9 =	vor.u32 v9, v10  }
0x1e6: {  	p2 =	seq.s32 s23, $0x1  }
.Ltmp13:
0x1e7: {  	_ = 	snop;
	(pc) =	sbr.rel @p2 .LBB2_26-.Ltmp13, $3  }
0x1e8: {  	_ =	sdelay $0x1  }
0x1e9: {  	s24 =	simm.s32 $0x11090;
	[tilespmem:v9+s12+$0x0] =	vst.idx.add.s32.msk vm0, v3  }
0x1ea: {  	s25 =	sadd.s32 $0xFFFFFFFF, s23;
	p1 =	por $0x1, $0x1;
	s23 =	simm.s32 $0x0;
	v9 =	vld [tilespmem:s24+$0x0]  }
.LBB2_27:
0x1eb: {  	p2 =	seq.s32 s25, $0x1;
	_ =	sdelay $0x1  }
0x1ec: {  	s23 =	sadd.s32 $0x10, s23  }
0x1ed: {  	v10 =	vor.u32 s23, v0  }
0x1ee: {  	vm0 =	vlt.s32 v10, v7;
	v10 =	vshra.s32 v9, $0x10  }
0x1ef: {  	vm1 =	veq.s32 v10, v8;
	v10 =	vshrl.u32 v9, $0x4;
	v9 =	vshrl.u32 v9, $0xC  }
0x1f0: {  	vm0 =	vmand vm0, vm1;
	v9 =	vand.u32 $0xF, v9;
	v10 =	vand.u32 $0xF0, v10  }
0x1f1: {  	v9 =	vor.u32 v9, v10;
	_ =	sdelay $0x1  }
.Ltmp14:
0x1f2: {  	(pc) =	sbr.rel @!p2 .LBB2_27-.Ltmp14, $3  }
0x1f3: {  	_ =	sdelay $0x1  }
0x1f4: {  	s24 =	sadd.s32 $0x10, s24;
	[tilespmem:v9+s12+$0x0] =	vst.idx.add.s32.msk vm0, v3  }
0x1f5: {  	s25 =	sadd.s32 $0xFFFFFFFF, s25;
	v9 =	vld [tilespmem:s24+$0x0]  }
.LBB2_28:
0x1f6: {  	_ = 	snop  }
0x1f7: {  	s23 =	sadd.s32 @p1 $0x10, s23  }
0x1f8: {  	s22 =	smov.u32 @p1 s23  }
0x1f9: {  	v10 =	vor.u32 s22, v0  }
0x1fa: {  	vm0 =	vlt.s32 v10, v7;
	v62 =	vshra.s32 v9, $0x10  }
0x1fb: {  	v63 =	vshrl.u32 v9, $0xC;
	vm1 =	veq.s32 v62, v8;
	v8 =	vshrl.u32 v9, $0x4  }
0x1fc: {  	v9 =	vand.u32 $0xF, v63;
	vm0 =	vmand vm0, vm1;
	v8 =	vand.u32 $0xF0, v8  }
0x1fd: {  	v8 =	vor.u32 v9, v8;
	_ =	sdelay $0x4  }
0x1fe: {  	[tilespmem:v8+s12+$0x0] =	vst.idx.add.s32.msk vm0, v3  }
.LBB2_29:
0x1ff: {  	v8 =	vld [tilespmem:$0x10000]  }
0x200: {  	v9 =	vld [tilespmem:$0x10010]  }
0x201: {  	v10 =	vld [tilespmem:$0x10020]  }
0x202: {  	v11 =	vld [tilespmem:$0x10030]  }
0x203: {  	v12 =	vld [tilespmem:$0x10040]  }
0x204: {  	v13 =	vld [tilespmem:$0x10050]  }
0x205: {  	v8 =	vadd.s32 v9, v8;
	v9 =	vld [tilespmem:$0x10060]  }
0x206: {  	v8 =	vadd.s32 v10, v8;
	v10 =	vld [tilespmem:$0x10070]  }
0x207: {  	v8 =	vadd.s32 v11, v8;
	v11 =	vld [tilespmem:$0x10080]  }
0x208: {  	v60 =	vld [tilespmem:$0x10090];
	v8 =	vadd.s32 v8, v12  }
0x209: {  	v61 =	vld [tilespmem:$0x100A0];
	v8 =	vadd.s32 v13, v8  }
0x20a: {  	v8 =	vadd.s32 v9, v8;
	v9 =	vld [tilespmem:$0x100B0]  }
0x20b: {  	v8 =	vadd.s32 v10, v8;
	v10 =	vld [tilespmem:$0x100C0]  }
0x20c: {  	v8 =	vadd.s32 v8, v11;
	v11 =	vld [tilespmem:$0x100D0]  }
0x20d: {  	v62 =	vld [tilespmem:$0x100E0];
	v8 =	vadd.s32 v60, v8  }
0x20e: {  	v63 =	vld [tilespmem:$0x100F0];
	v8 =	vadd.s32 v61, v8  }
0x20f: {  	v8 =	vadd.s32 v9, v8  }
0x210: {  	v8 =	vadd.s32 v8, v10  }
0x211: {  	v8 =	vadd.s32 v11, v8  }
0x212: {  	v8 =	vadd.s32 v62, v8  }
0x213: {  	v8 =	vadd.s32 v63, v8  }
0x214: {  	v8 =	vperm.xlane v8, v4;
	_ =	sdelay $0x1  }
0x215: {  	(xrf0) =	vadd.scan.msk.s32 $0xffff, v8;
	_ =	sdelay $0x5  }
0x216: {  	v8, _, _ =	vpop (xrf0)  }
0x217: {  	s17 =	sadd.s32 s17, s21;
	v8 =	vperm.xlane v8, v4  }
0x218: {  	s17 =	ssub.s32 s19, s17  }
0x219: {  	vm0 =	vge.s32 v8, s17  }
0x21a: {  	v9 =	vmpcnt.ones.xlane vm0;
	_ =	sdelay $0x1  }
0x21b: {  	v9 =	vxor.u32 $0x80000000, v9  }
0x21c: {  	(xrf0) =	vmax.scan.msk.u32 $0xffff, v9;
	_ =	sdelay $0x5  }
0x21d: {  	v9, _, _ =	vpop (xrf0)  }
0x21e: {  	(v2sf) =	vpush v9, $0xF;
	_ =	sdelay $0xe  }
0x21f: {  	s31 =	spop (v2sf)  }
0x220: {  	s19 =	sadd.s32 $0x7FFFFFFF, s31  }
0x221: {  	v9 =	vadd.s32 s19, v6;
	_ =	sdelay $0x4  }
0x222: {  	v9 =	vld.idx.msk [tilespmem:v9+s12+$0x0], $0xffff;
	_ =	sdelay $0x1  }
0x223: {  	s21 =	sxor.u32 $0x80000000, s31  }
0x224: {  	v10 =	vmov s21  }
0x225: {  	vm14 =	veq.s32 v10, v0  }
0x226: {  	v8 =	vnsel vm14, $0x0, v8;
	v9 =	vperm.xlane v9, v4  }
0x227: {  	(xrf0) =	vadd.scan.msk.s32 $0xffff, v8  }
0x228: {  	(xrf0) =	vadd.scan.msk.s32 $0xffff, v9;
	_ =	sdelay $0x4  }
0x229: {  	v9, _, _ =	vpop (xrf0)  }
0x22a: {  	v8, _, _ =	vpop (xrf0)  }
0x22b: {  	v10 =	vbroadcast v9, $0xF;
	v8 =	vperm.xlane v8, v4;
	_ =	sdelay $0x1  }
0x22c: {  	v10 =	vadd.s32 v8, v10  }
0x22d: {  	vm15 =	vge.s32 v10, s17  }
0x22e: {  	p1 =	por $0x1, $0x1;
	s21 =	simm.s32 $0x0;
	v10 =	vmpcnt.ones.xlane vm15  }
.LBB2_30:
0x22f: {  	s21 =	sshra.s32 s21, $0x2  }
0x230: {  	[tilespmem:s21+$0x10000] =	vst v1  }
0x231: {  	[tilespmem:s21+$0x10010] =	vst v1  }
0x232: {  	p2 =	por p1, p1;
	[tilespmem:s21+$0x10020] =	vst v1  }
.Ltmp15:
0x233: {  	[tilespmem:s21+$0x10030] =	vst v1;
	(pc) =	sbr.rel @p2 .LBB2_30-.Ltmp15, $4  }
0x234: {  	[tilespmem:s21+$0x10040] =	vst v1  }
0x235: {  	[tilespmem:s21+$0x10050] =	vst v1  }
0x236: {  	[tilespmem:s21+$0x10060] =	vst v1  }
0x237: {  	p1 =	por $0x0, $0x0;
	[tilespmem:s21+$0x10070] =	vst v1;
	s21 =	simm.s32 $0x200  }
0x238: {  	v10 =	vxor.u32 $0x80000000, v10  }
0x239: {  	(xrf0) =	vmax.scan.msk.u32 $0xffff, v10;
	_ =	sdelay $0x5  }
0x23a: {  	(v2sf) =	vpush v9, $0xF;
	v62, _, _ =	vpop (xrf0)  }
0x23b: {  	(v2sf) =	vpush v62, $0xF;
	_ =	sdelay $0xd  }
0x23c: {  	s21 =	spop (v2sf)  }
0x23d: {  	s22 =	spop (v2sf)  }
0x23e: {  	s23 =	sxor.u32 $0x80000000, s22  }
0x23f: {  	v63 =	vmov s23  }
0x240: {  	vm0 =	veq.s32 v63, v0  }
0x241: {  	v8 =	vnsel vm0, $0x0, v8  }
0x242: {  	(xrf0) =	vadd.scan.msk.s32 $0xffff, v8;
	_ =	sdelay $0x5  }
0x243: {  	v8, _, _ =	vpop (xrf0)  }
0x244: {  	(v2sf) =	vpush v8, $0xF;
	_ =	sdelay $0xa  }
.Ltmp16:
0x245: {  	_ = 	snop;
	(pc) =	sbr.rel @p0 .LBB2_38-.Ltmp16, $4  }
0x246: {  	s19 =	sshll.u32 s19, $0x4  }
0x247: {  	s19 =	sadd.s32 s22, s19  }
0x248: {  	s31 =	sshll.u32 s20, $0x8;
	s19 =	sadd.s32 $0x7FFFFFFF, s19  }
0x249: {  	s19 =	sor.u32 s31, s19;
	s20 =	spop (v2sf)  }
0x24a: {  	p1 =	seq.s32 s18, $0x1  }
.Ltmp17:
0x24b: {  	_ = 	snop;
	(pc) =	sbr.rel @p1 .LBB2_33-.Ltmp17, $3  }
0x24c: {  	_ =	sdelay $0x1  }
0x24d: {  	s23 =	simm.s32 $0x11080  }
0x24e: {  	v8 =	vmov s19;
	s22 =	simm.s32 $0x0;
	s18 =	sadd.s32 $0xFFFFFFFF, s18;
	p0 =	por $0x0, $0x0;
	v9 =	vld [tilespmem:s23+$0x0]  }
0x24f: {  	_ =	sdelay $0x2  }
0x250: {  	v10 =	vor.u32 s22, v0  }
0x251: {  	vm0 =	vlt.s32 v10, v7;
	v10 =	vshra.s32 v9, $0x8  }
0x252: {  	vm1 =	veq.s32 v10, v8;
	v10 =	vshll.u32 v9, $0x4;
	v9 =	vshrl.u32 v9, $0x4  }
0x253: {  	vm0 =	vmand vm0, vm1;
	v9 =	vand.u32 $0xF, v9;
	v10 =	vand.u32 $0xF0, v10  }
0x254: {  	v9 =	vor.u32 v9, v10  }
0x255: {  	p1 =	seq.s32 s18, $0x1  }
.Ltmp18:
0x256: {  	_ = 	snop;
	(pc) =	sbr.rel @p1 .LBB2_35-.Ltmp18, $3  }
0x257: {  	_ =	sdelay $0x1  }
0x258: {  	s23 =	simm.s32 $0x11090;
	[tilespmem:v9+s12+$0x0] =	vst.idx.add.s32.msk vm0, v3  }
0x259: {  	s24 =	sadd.s32 $0xFFFFFFFF, s18;
	p0 =	por $0x1, $0x1;
	s18 =	simm.s32 $0x0;
	v9 =	vld [tilespmem:s23+$0x0]  }
.LBB2_36:
0x25a: {  	p1 =	seq.s32 s24, $0x1;
	_ =	sdelay $0x1  }
0x25b: {  	s18 =	sadd.s32 $0x10, s18  }
0x25c: {  	v10 =	vor.u32 s18, v0  }
0x25d: {  	vm0 =	vlt.s32 v10, v7;
	v10 =	vshra.s32 v9, $0x8  }
0x25e: {  	vm1 =	veq.s32 v10, v8;
	v10 =	vshll.u32 v9, $0x4;
	v9 =	vshrl.u32 v9, $0x4  }
0x25f: {  	vm0 =	vmand vm0, vm1;
	v9 =	vand.u32 $0xF, v9;
	v10 =	vand.u32 $0xF0, v10  }
0x260: {  	v9 =	vor.u32 v9, v10;
	_ =	sdelay $0x1  }
.Ltmp19:
0x261: {  	(pc) =	sbr.rel @!p1 .LBB2_36-.Ltmp19, $3  }
0x262: {  	_ =	sdelay $0x1  }
0x263: {  	s23 =	sadd.s32 $0x10, s23;
	[tilespmem:v9+s12+$0x0] =	vst.idx.add.s32.msk vm0, v3  }
0x264: {  	s24 =	sadd.s32 $0xFFFFFFFF, s24;
	v9 =	vld [tilespmem:s23+$0x0]  }
.LBB2_37:
0x265: {  	_ = 	snop  }
0x266: {  	s18 =	sadd.s32 @p0 $0x10, s18  }
0x267: {  	s22 =	smov.u32 @p0 s18  }
0x268: {  	v10 =	vor.u32 s22, v0  }
0x269: {  	vm0 =	vlt.s32 v10, v7;
	v7 =	vshra.s32 v9, $0x8  }
0x26a: {  	vm1 =	veq.s32 v7, v8;
	v7 =	vshll.u32 v9, $0x4;
	v8 =	vshrl.u32 v9, $0x4  }
0x26b: {  	vm0 =	vmand vm0, vm1;
	v8 =	vand.u32 $0xF, v8;
	v7 =	vand.u32 $0xF0, v7  }
0x26c: {  	v7 =	vor.u32 v8, v7;
	_ =	sdelay $0x4  }
0x26d: {  	[tilespmem:v7+s12+$0x0] =	vst.idx.add.s32.msk vm0, v3  }
.LBB2_38:
0x26e: {  	v7 =	vld [tilespmem:$0x10000]  }
0x26f: {  	v8 =	vld [tilespmem:$0x10010]  }
0x270: {  	v9 =	vld [tilespmem:$0x10020]  }
0x271: {  	v10 =	vld [tilespmem:$0x10030]  }
0x272: {  	v11 =	vld [tilespmem:$0x10040]  }
0x273: {  	v12 =	vld [tilespmem:$0x10050]  }
0x274: {  	v7 =	vadd.s32 v8, v7;
	v8 =	vld [tilespmem:$0x10060]  }
0x275: {  	v7 =	vadd.s32 v9, v7;
	v9 =	vld [tilespmem:$0x10070]  }
0x276: {  	v7 =	vadd.s32 v10, v7;
	v10 =	vld [tilespmem:$0x10080]  }
0x277: {  	v7 =	vadd.s32 v7, v11;
	v11 =	vld [tilespmem:$0x10090]  }
0x278: {  	v7 =	vadd.s32 v12, v7;
	v12 =	vld [tilespmem:$0x100A0]  }
0x279: {  	v7 =	vadd.s32 v8, v7;
	v8 =	vld [tilespmem:$0x100B0]  }
0x27a: {  	v7 =	vadd.s32 v9, v7;
	v9 =	vld [tilespmem:$0x100C0]  }
0x27b: {  	v7 =	vadd.s32 v7, v10;
	v10 =	vld [tilespmem:$0x100D0]  }
0x27c: {  	v7 =	vadd.s32 v11, v7;
	v11 =	vld [tilespmem:$0x100E0]  }
0x27d: {  	v7 =	vadd.s32 v12, v7;
	v12 =	vld [tilespmem:$0x100F0]  }
0x27e: {  	v7 =	vadd.s32 v8, v7  }
0x27f: {  	v7 =	vadd.s32 v7, v9  }
0x280: {  	v7 =	vadd.s32 v10, v7  }
0x281: {  	v7 =	vadd.s32 v11, v7  }
0x282: {  	v7 =	vadd.s32 v12, v7  }
0x283: {  	v7 =	vperm.xlane v7, v4;
	_ =	sdelay $0x1  }
0x284: {  	(xrf0) =	vadd.scan.msk.s32 $0xffff, v7;
	_ =	sdelay $0x5  }
0x285: {  	v7, _, _ =	vpop (xrf0)  }
0x286: {  	s18 =	sadd.s32 s20, s21;
	v7 =	vperm.xlane v7, v4  }
0x287: {  	s17 =	ssub.s32 s17, s18  }
0x288: {  	vm0 =	vge.s32 v7, s17  }
0x289: {  	v8 =	vmpcnt.ones.xlane vm0;
	_ =	sdelay $0x1  }
0x28a: {  	v8 =	vxor.u32 $0x80000000, v8  }
0x28b: {  	(xrf0) =	vmax.scan.msk.u32 $0xffff, v8;
	_ =	sdelay $0x5  }
0x28c: {  	v8, _, _ =	vpop (xrf0)  }
0x28d: {  	(v2sf) =	vpush v8, $0xF;
	_ =	sdelay $0xe  }
0x28e: {  	s25 =	spop (v2sf)  }
0x28f: {  	s26 =	sadd.s32 $0x7FFFFFFF, s25  }
0x290: {  	v8 =	vadd.s32 s26, v6;
	_ =	sdelay $0x4  }
0x291: {  	v8 =	vld.idx.msk [tilespmem:v8+s12+$0x0], $0xffff;
	_ =	sdelay $0x1  }
0x292: {  	s18 =	sxor.u32 $0x80000000, s25  }
0x293: {  	v9 =	vmov s18  }
0x294: {  	vm8 =	veq.s32 v9, v0  }
0x295: {  	v7 =	vnsel vm8, $0x0, v7;
	v8 =	vperm.xlane v8, v4  }
0x296: {  	(xrf0) =	vadd.scan.msk.s32 $0xffff, v7  }
0x297: {  	(xrf0) =	vadd.scan.msk.s32 $0xffff, v8;
	_ =	sdelay $0x4  }
0x298: {  	v7, _, _ =	vpop (xrf0)  }
0x299: {  	v8, _, _ =	vpop (xrf0)  }
0x29a: {  	v7 =	vbroadcast v7, $0xF;
	v8 =	vperm.xlane v8, v4;
	_ =	sdelay $0x1  }
0x29b: {  	v7 =	vadd.s32 v8, v7  }
0x29c: {  	vm9 =	vge.s32 v7, s17  }
0x29d: {  	v7 =	vmpcnt.ones.xlane vm9;
	_ =	sdelay $0x1  }
0x29e: {  	v7 =	vxor.u32 $0x80000000, v7  }
0x29f: {  	(xrf0) =	vmax.scan.msk.u32 $0xffff, v7;
	_ =	sdelay $0x5  }
0x2a0: {  	v7, _, _ =	vpop (xrf0)  }
0x2a1: {  	(v2sf) =	vpush v7, $0xF;
	_ =	sdelay $0x5  }
0x2a2: {  	s31 =	simm.s32 $0x40  }
0x2a3: {  	v13 =	vld [tilespmem:s31+$0x10]  }
0x2a4: {  	v8 =	vld [tilespmem:s31+$0x30]  }
0x2a5: {  	v16 =	vld [tilespmem:s31+$0x20]  }
0x2a6: {  	v10 =	vld [tilespmem:s31+$0xFFFFFFE0]  }
0x2a7: {  	v11 =	vld [tilespmem:s31+$0xFFFFFFF0]  }
0x2a8: {  	v12 =	vld [tilespmem:s31+$0x0]  }
0x2a9: {  	v9 =	vld [tilespmem:s31+$0xFFFFFFD0];
	v14 =	vxor.u32 $0x7FFFFFFF, v8;
	vm10 =	vlt.s32 v8, $0x0  }
0x2aa: {  	v8 =	vsel vm10, v14, v8;
	v14 =	vld [tilespmem:s31+$0xFFFFFFC0]  }
0x2ab: {  	s29 =	sshll.u32 s26, $0x4;
	s28 =	spop (v2sf)  }
0x2ac: {  	v63 =	vxor.u32 $0x7FFFFFFF, v13;
	vm13 =	vlt.s32 v13, $0x0;
	vm14 =	vlt.s32 v16, $0x0;
	s17 =	sadd.s32 s28, s29  }
0x2ad: {  	s30 =	sshll.u32 s19, $0x8;
	v17 =	vxor.u32 $0x7FFFFFFF, v10;
	vm11 =	vlt.s32 v10, $0x0;
	v18 =	vxor.u32 $0x7FFFFFFF, v11;
	s17 =	sadd.s32 $0x7FFFFFFF, s17  }
0x2ae: {  	vm3 =	vlt.s32 v11, $0x0;
	vm12 =	vlt.s32 v12, $0x0;
	v15 =	vxor.u32 $0x7FFFFFFF, v9;
	s17 =	sor.u32 s30, s17  }
0x2af: {  	vm1 =	vlt.s32 v9, $0x0;
	vm15 =	vlt.s32 v14, $0x0;
	v7 =	vmov s17  }
0x2b0: {  	vm2 =	vlt.s32 v8, v7;
	v8 =	vsel vm1, v15, v9;
	v15 =	vxor.u32 $0x7FFFFFFF, v12  }
0x2b1: {  	v9 =	vsel vm11, v17, v10;
	v10 =	vsel vm3, v18, v11;
	v11 =	vxor.u32 $0x7FFFFFFF, v16  }
0x2b2: {  	s17 =	simm.s32 $0x8040;
	v19 =	vsel vm2, $0x0, v5;
	v12 =	vsel vm12, v15, v12;
	v15 =	vxor.u32 $0x7FFFFFFF, v14  }
0x2b3: {  	s19 =	simm.s32 $0x0;
	s20 =	simm.s32 $0xC0;
	v13 =	vsel vm13, v63, v13;
	s18 =	simm.s32 $0x8040;
	v11 =	vsel vm14, v11, v16;
	[tilespmem:s17+$0x30] =	vst v19;
	v14 =	vsel vm15, v15, v14  }
.LBB2_39:
0x2b4: {  	v15 =	vld [tilespmem:s20+$0x30];
	s19 =	sadd.s32 $0x8, s19;
	vm0 =	vlt.s32 v14, v7;
	vm1 =	vlt.s32 v8, v7;
	vm2 =	vlt.s32 v9, v7  }
0x2b5: {  	vm3 =	vlt.s32 v10, v7;
	vm4 =	vlt.s32 v12, v7;
	vm5 =	vlt.s32 v13, v7;
	v8 =	vld [tilespmem:s20+$0xFFFFFFD0];
	p0 =	slt.u32 s19, $0x7F8  }
0x2b6: {  	v10 =	vsel vm0, $0x0, v5;
	v12 =	vsel vm1, $0x0, v5;
	vm0 =	vlt.s32 v11, v7;
	v9 =	vld [tilespmem:s20+$0xFFFFFFE0]  }
0x2b7: {  	v13 =	vsel vm3, $0x0, v5;
	v14 =	vsel vm4, $0x0, v5;
	v11 =	vld [tilespmem:s20+$0xFFFFFFF0];
	[tilespmem:s17+$0xFFFFFFC0] =	vst v10;
	v10 =	vsel vm2, $0x0, v5  }
0x2b8: {  	v17 =	vsel vm0, $0x0, v5;
	v16 =	vld [tilespmem:s20+$0x0];
	[tilespmem:s17+$0xFFFFFFD0] =	vst v12;
	v12 =	vsel vm5, $0x0, v5  }
0x2b9: {  	v18 =	vld [tilespmem:s20+$0x10];
	v19 =	vxor.u32 $0x7FFFFFFF, v15;
	vm0 =	vlt.s32 v15, $0x0;
	[tilespmem:s17+$0xFFFFFFE0] =	vst v10  }
0x2ba: {  	v10 =	vxor.u32 $0x7FFFFFFF, v8;
	vm1 =	vlt.s32 v8, $0x0;
	v20 =	vld [tilespmem:s20+$0x20];
	v15 =	vsel vm0, v19, v15;
	[tilespmem:s17+$0xFFFFFFF0] =	vst v13  }
0x2bb: {  	v13 =	vld [tilespmem:s20+$0xFFFFFFC0];
	v19 =	vxor.u32 $0x7FFFFFFF, v9;
	vm0 =	vlt.s32 v9, $0x0;
	vm2 =	vlt.s32 v15, v7;
	[tilespmem:s17+$0x0] =	vst v14  }
0x2bc: {  	s17 =	sadd.s32 $0x80, s17;
	v14 =	vxor.u32 $0x7FFFFFFF, v11;
	vm3 =	vlt.s32 v11, $0x0;
	v15 =	vsel vm2, $0x0, v5;
	[tilespmem:s18+$0x10] =	vst v12  }
.Ltmp20:
0x2bd: {  	v8 =	vsel vm1, v10, v8;
	v12 =	vxor.u32 $0x7FFFFFFF, v16;
	vm1 =	vlt.s32 v16, $0x0;
	[tilespmem:s17+$0x30] =	vst v15;
	(pc) =	sbr.rel @p0 .LBB2_39-.Ltmp20, $4  }
0x2be: {  	v9 =	vsel vm0, v19, v9;
	v15 =	vxor.u32 $0x7FFFFFFF, v18;
	vm0 =	vlt.s32 v18, $0x0;
	[tilespmem:s18+$0x20] =	vst v17;
	s18 =	smov.u32 s17  }
0x2bf: {  	v10 =	vsel vm3, v14, v11;
	v11 =	vxor.u32 $0x7FFFFFFF, v20;
	vm2 =	vlt.s32 v20, $0x0  }
0x2c0: {  	v12 =	vsel vm1, v12, v16;
	v14 =	vxor.u32 $0x7FFFFFFF, v13;
	vm3 =	vlt.s32 v13, $0x0  }
0x2c1: {  	s20 =	sadd.s32 $0x80, s20;
	v11 =	vsel vm2, v11, v20;
	v14 =	vsel vm3, v14, v13;
	v13 =	vsel vm0, v15, v18  }
0x2c2: {  	vm0 =	vlt.s32 v14, v7  }
0x2c3: {  	vm1 =	vlt.s32 v8, v7;
	v8 =	vsel vm0, $0x0, v5  }
0x2c4: {  	vm12 =	vlt.s32 v10, v7;
	v62 =	vsel vm1, $0x0, v5;
	[tilespmem:s17+$0xFFFFFFC0] =	vst v8  }
0x2c5: {  	vm11 =	vlt.s32 v9, v7;
	vm14 =	vlt.s32 v13, v7;
	v63 =	vsel vm12, $0x0, v5;
	[tilespmem:s17+$0xFFFFFFD0] =	vst v62  }
0x2c6: {  	vm13 =	vlt.s32 v12, v7;
	vm15 =	vlt.s32 v11, v7;
	v7 =	vsel vm14, $0x0, v5;
	[tilespmem:s17+$0xFFFFFFF0] =	vst v63  }
0x2c7: {  	v8 =	vsel vm11, $0x0, v5;
	[tilespmem:s18+$0x10] =	vst v7  }
0x2c8: {  	[tilespmem:s17+$0xFFFFFFE0] =	vst v8;
	v8 =	vsel vm13, $0x0, v5  }
0x2c9: {  	[tilespmem:s17+$0x0] =	vst v8;
	v8 =	vsel vm15, $0x0, v5  }
0x2ca: {  	[tilespmem:s18+$0x20] =	vst v8  }
0x2cb: {  	[hbm4b:s5+s8] =	stream.strided.scatter [tilespmem:s14], [sflag:$0x2], $0x8000, s9, s8, $0x38;
	[tilespmem:$0x1D080] =	vst v63  }
0x2cc: {  	_ =	swait.ge [sflag:s10], $0x8000  }
0x2cd: {  	[sflag:s10] =	ssyncset.done $0x0  }
0x2ce: {  	s17 =	simm.s32 $0x10040;
	[sflag:s10] =	ssyncadd.s32 $0xFFFF8000  }
0x2cf: {  	[tilespmem:s17+$0xFFFFFFC0] =	vst v1  }
0x2d0: {  	[tilespmem:s17+$0x30] =	vst v1  }
0x2d1: {  	[tilespmem:s17+$0x20] =	vst v1  }
0x2d2: {  	[tilespmem:s17+$0x10] =	vst v1  }
0x2d3: {  	[tilespmem:s17+$0x0] =	vst v1  }
0x2d4: {  	[tilespmem:s17+$0xFFFFFFF0] =	vst v1  }
0x2d5: {  	s19 =	simm.s32 $0x0;
	[tilespmem:s17+$0xFFFFFFE0] =	vst v1  }
.LBB2_41:
0x2d6: {  	s19 =	sadd.s32 $0x8, s19;
	[tilespmem:s17+$0xFFFFFFD0] =	vst v1;
	s17 =	sadd.s32 $0x80, s17;
	s18 =	simm.s32 $0x150C0  }
0x2d7: {  	[tilespmem:s17+$0xFFFFFFC0] =	vst v1;
	p0 =	slt.u32 s19, $0xF8  }
0x2d8: {  	[tilespmem:s17+$0x30] =	vst v1  }
.Ltmp21:
0x2d9: {  	[tilespmem:s17+$0x20] =	vst v1;
	(pc) =	sbr.rel @p0 .LBB2_41-.Ltmp21, $4  }
0x2da: {  	[tilespmem:s17+$0x10] =	vst v1  }
0x2db: {  	[tilespmem:s17+$0x0] =	vst v1  }
0x2dc: {  	[tilespmem:s17+$0xFFFFFFF0] =	vst v1  }
0x2dd: {  	[tilespmem:s17+$0xFFFFFFE0] =	vst v1  }
0x2de: {  	[tilespmem:s17+$0xFFFFFFD0] =	vst v1  }
0x2df: {  	v10 =	vld [tilespmem:s18+$0x30]  }
0x2e0: {  	v9 =	vld [tilespmem:s18+$0xFFFFFFD0]  }
0x2e1: {  	v24 =	vld [tilespmem:s18+$0xFFFFFFE0]  }
0x2e2: {  	v7 =	vld [tilespmem:s18+$0x0]  }
0x2e3: {  	v26 =	vld [tilespmem:s18+$0xFFFFFFC0];
	_ =	sdelay $0x1  }
0x2e4: {  	v25 =	vld [tilespmem:s18+$0xFFFFFFF0];
	v11 =	vshra.s32 v10, $0x14  }
0x2e5: {  	vm0 =	vlt.s32 v9, $0x0;
	v12 =	vshra.s32 v9, $0x14;
	v13 =	vshra.s32 v24, $0x14  }
0x2e6: {  	v8 =	vld [tilespmem:s18+$0x10];
	vm1 =	vlt.s32 v10, $0x0;
	v15 =	vshra.s32 v7, $0x14;
	v11 =	vand.u32 $0xFFFFFFF0, v11  }
0x2e7: {  	v9 =	vld [tilespmem:s18+$0x20];
	v17 =	vshra.s32 v26, $0x14;
	vm3 =	vlt.s32 v26, $0x0;
	v14 =	vxor.u32 $0x7F0, v11  }
0x2e8: {  	vm2 =	vlt.s32 v24, $0x0;
	v10 =	vand.u32 $0xFFFFFFF0, v12;
	v14 =	vsel vm1, v14, v11  }
0x2e9: {  	v12 =	vshra.s32 v25, $0x14;
	v22 =	vand.u32 $0xFFFFFFF0, v17;
	v27 =	vadd.s32 v2, v14  }
0x2ea: {  	v16 =	vxor.u32 $0x7F0, v10;
	v23 =	vxor.u32 $0x7F0, v22;
	v11 =	vand.u32 $0xFFFFFFF0, v13  }
0x2eb: {  	v13 =	vand.u32 $0xFFFFFFF0, v12;
	v12 =	vand.u32 $0xFFFFFFF0, v15;
	vm1 =	vlt.s32 v25, $0x0  }
0x2ec: {  	v14 =	vshra.s32 v8, $0x14;
	v18 =	vxor.u32 $0x7F0, v11;
	v15 =	vshra.s32 v9, $0x14  }
0x2ed: {  	v20 =	vxor.u32 $0x7F0, v13;
	v14 =	vand.u32 $0xFFFFFFF0, v14;
	v15 =	vand.u32 $0xFFFFFFF0, v15  }
0x2ee: {  	s19 =	simm.s32 $0x15140;
	s18 =	simm.s32 $0x0;
	v19 =	vxor.u32 $0x7F0, v12;
	v21 =	vxor.u32 $0x7F0, v14;
	v17 =	vxor.u32 $0x7F0, v15;
	[tilespmem:v27+s12+$0x0] =	vst.idx.add.s32.msk $0xffff, v3  }
.LBB2_43:
0x2ef: {  	v24 =	vld [tilespmem:s19+$0x30];
	s18 =	sadd.s32 $0x8, s18;
	vm4 =	vlt.s32 v7, $0x0;
	vm5 =	vlt.s32 v8, $0x0;
	vm6 =	vlt.s32 v9, $0x0  }
0x2f0: {  	v7 =	vsel vm3, v23, v22;
	v8 =	vsel vm0, v16, v10;
	v10 =	vsel vm2, v18, v11;
	v9 =	vld [tilespmem:s19+$0xFFFFFFD0];
	p0 =	slt.u32 s18, $0x7F8  }
0x2f1: {  	v11 =	vsel vm1, v20, v13;
	v12 =	vsel vm4, v19, v12;
	v13 =	vsel vm5, v21, v14;
	v25 =	vld [tilespmem:s19+$0xFFFFFFE0]  }
0x2f2: {  	v14 =	vadd.s32 v2, v7;
	v16 =	vadd.s32 v2, v8;
	v15 =	vsel vm6, v17, v15;
	v26 =	vld [tilespmem:s19+$0xFFFFFFF0]  }
0x2f3: {  	v17 =	vadd.s32 v2, v10;
	v18 =	vadd.s32 v2, v11;
	v19 =	vadd.s32 v2, v12;
	v7 =	vld [tilespmem:s19+$0x0]  }
0x2f4: {  	v21 =	vadd.s32 v2, v13;
	v27 =	vadd.s32 v2, v15;
	v8 =	vld [tilespmem:s19+$0x10];
	v10 =	vshra.s32 v24, $0x14  }
0x2f5: {  	vm0 =	vlt.s32 v9, $0x0;
	v11 =	vshra.s32 v9, $0x14;
	v9 =	vld [tilespmem:s19+$0x20];
	v12 =	vand.u32 $0xFFFFFFF0, v10  }
0x2f6: {  	vm1 =	vlt.s32 v24, $0x0;
	v28 =	vld [tilespmem:s19+$0xFFFFFFC0];
	v13 =	vshra.s32 v25, $0x14;
	v15 =	vxor.u32 $0x7F0, v12  }
0x2f7: {  	v10 =	vand.u32 $0xFFFFFFF0, v11;
	v20 =	vshra.s32 v26, $0x14;
	v12 =	vsel vm1, v15, v12;
	[tilespmem:v14+s12+$0x0] =	vst.idx.add.s32.msk $0xffff, v3  }
0x2f8: {  	v11 =	vand.u32 $0xFFFFFFF0, v13;
	v14 =	vshra.s32 v7, $0x14;
	v24 =	vadd.s32 v2, v12;
	[tilespmem:v16+s12+$0x0] =	vst.idx.add.s32.msk $0xffff, v3  }
0x2f9: {  	v13 =	vand.u32 $0xFFFFFFF0, v20;
	v12 =	vand.u32 $0xFFFFFFF0, v14;
	v14 =	vshra.s32 v8, $0x14;
	[tilespmem:v17+s12+$0x0] =	vst.idx.add.s32.msk $0xffff, v3  }
.Ltmp22:
0x2fa: {  	v16 =	vxor.u32 $0x7F0, v10;
	v14 =	vand.u32 $0xFFFFFFF0, v14;
	v15 =	vshra.s32 v9, $0x14;
	[tilespmem:v18+s12+$0x0] =	vst.idx.add.s32.msk $0xffff, v3;
	(pc) =	sbr.rel @p0 .LBB2_43-.Ltmp22, $4  }
0x2fb: {  	v18 =	vxor.u32 $0x7F0, v11;
	v17 =	vshra.s32 v28, $0x14;
	v15 =	vand.u32 $0xFFFFFFF0, v15;
	[tilespmem:v19+s12+$0x0] =	vst.idx.add.s32.msk $0xffff, v3  }
0x2fc: {  	v20 =	vxor.u32 $0x7F0, v13;
	v19 =	vxor.u32 $0x7F0, v12;
	v22 =	vand.u32 $0xFFFFFFF0, v17;
	[tilespmem:v21+s12+$0x0] =	vst.idx.add.s32.msk $0xffff, v3  }
0x2fd: {  	s17 =	simm.s32 $0x0;
	s20 =	simm.s32 $0x10080;
	v21 =	vxor.u32 $0x7F0, v14;
	v17 =	vxor.u32 $0x7F0, v15;
	v23 =	vxor.u32 $0x7F0, v22;
	[tilespmem:v24+s12+$0x0] =	vst.idx.add.s32.msk $0xffff, v3  }
0x2fe: {  	vm2 =	vlt.s32 v25, $0x0;
	s19 =	sadd.s32 $0x80, s19;
	vm1 =	vlt.s32 v26, $0x0;
	vm3 =	vlt.s32 v28, $0x0;
	[tilespmem:v27+s12+$0x0] =	vst.idx.add.s32.msk $0xffff, v3  }
0x2ff: {  	v22 =	vsel vm3, v23, v22  }
0x300: {  	v10 =	vsel vm0, v16, v10;
	v63 =	vadd.s32 v2, v22  }
0x301: {  	v11 =	vsel vm2, v18, v11;
	v10 =	vadd.s32 v2, v10  }
0x302: {  	vm13 =	vlt.s32 v7, $0x0;
	v7 =	vsel vm1, v20, v13;
	v11 =	vadd.s32 v2, v11  }
0x303: {  	vm14 =	vlt.s32 v8, $0x0;
	v8 =	vsel vm13, v19, v12;
	v7 =	vadd.s32 v2, v7  }
0x304: {  	vm15 =	vlt.s32 v9, $0x0;
	v9 =	vsel vm14, v21, v14;
	v8 =	vadd.s32 v2, v8  }
0x305: {  	v12 =	vsel vm15, v17, v15;
	v9 =	vadd.s32 v2, v9;
	[tilespmem:v63+s12+$0x0] =	vst.idx.add.s32.msk $0xffff, v3  }
0x306: {  	v12 =	vadd.s32 v2, v12;
	[tilespmem:v10+s12+$0x0] =	vst.idx.add.s32.msk $0xffff, v3  }
0x307: {  	[tilespmem:v11+s12+$0x0] =	vst.idx.add.s32.msk $0xffff, v3  }
0x308: {  	[tilespmem:v7+s12+$0x0] =	vst.idx.add.s32.msk $0xffff, v3  }
0x309: {  	[tilespmem:v8+s12+$0x0] =	vst.idx.add.s32.msk $0xffff, v3  }
0x30a: {  	[tilespmem:v9+s12+$0x0] =	vst.idx.add.s32.msk $0xffff, v3  }
0x30b: {  	[tilespmem:v12+s12+$0x0] =	vst.idx.add.s32.msk $0xffff, v3  }
0x30c: {  	v7 =	vld [tilespmem:s20+$0xFFFFFF80]  }
0x30d: {  	v8 =	vld [tilespmem:s20+$0xFFFFFF90]  }
0x30e: {  	v9 =	vld [tilespmem:s20+$0xFFFFFFA0]  }
0x30f: {  	v10 =	vld [tilespmem:s20+$0xFFFFFFB0]  }
0x310: {  	v11 =	vld [tilespmem:s20+$0xFFFFFFC0]  }
0x311: {  	v12 =	vld [tilespmem:s20+$0xFFFFFFD0]  }
0x312: {  	v7 =	vadd.s32 v8, v7;
	v8 =	vld [tilespmem:s20+$0xFFFFFFE0]  }
0x313: {  	v7 =	vadd.s32 v9, v7;
	v9 =	vld [tilespmem:s20+$0xFFFFFFF0]  }
0x314: {  	v7 =	vadd.s32 v10, v7;
	v10 =	vld [tilespmem:s20+$0x0]  }
0x315: {  	v7 =	vadd.s32 v7, v11;
	v11 =	vld [tilespmem:s20+$0x10]  }
0x316: {  	v7 =	vadd.s32 v12, v7;
	v12 =	vld [tilespmem:s20+$0x20]  }
0x317: {  	v13 =	vld [tilespmem:s20+$0x30];
	v7 =	vadd.s32 v8, v7  }
0x318: {  	v14 =	vld [tilespmem:s20+$0x40];
	v7 =	vadd.s32 v9, v7  }
0x319: {  	v8 =	vadd.s32 v7, v10;
	v7 =	vld [tilespmem:s20+$0x50]  }
0x31a: {  	v9 =	vadd.s32 v11, v8;
	v8 =	vld [tilespmem:s20+$0x60]  }
0x31b: {  	s19 =	simm.s32 $0x10180;
	v10 =	vadd.s32 v12, v9;
	v9 =	vld [tilespmem:s20+$0x70]  }
0x31c: {  	v11 =	vld [tilespmem:s19+$0xFFFFFF80];
	v10 =	vadd.s32 v13, v10  }
0x31d: {  	s18 =	simm.s32 $0x1;
	v12 =	vld [tilespmem:s19+$0xFFFFFF90];
	s20 =	simm.s32 $0x2;
	v10 =	vadd.s32 v10, v14  }
.LBB2_45:
0x31e: {  	p0 =	sne.s32 s20, $0xF;
	v13 =	vld [tilespmem:s19+$0xFFFFFFA0];
	v7 =	vadd.s32 v7, v10  }
0x31f: {  	v10 =	vld [tilespmem:s19+$0xFFFFFFB0];
	v7 =	vadd.s32 v8, v7  }
0x320: {  	v8 =	vld [tilespmem:s19+$0xFFFFFFC0];
	v7 =	vadd.s32 v9, v7  }
0x321: {  	v9 =	vld [tilespmem:s19+$0xFFFFFFD0];
	(xrf0) =	vadd.scan.msk.s32 $0xffff, v7  }
0x322: {  	v7 =	vadd.s32 v12, v11;
	v11 =	vld [tilespmem:s19+$0xFFFFFFE0];
	v12 =	vmov s17;
	s17 =	smov.u32 s18;
	s18 =	smov.u32 s20  }
0x323: {  	v7 =	vadd.s32 v13, v7;
	v13 =	vld [tilespmem:s19+$0xFFFFFFF0];
	v12 =	vadd.s32 $0x1000, v12  }
0x324: {  	v7 =	vadd.s32 v10, v7;
	v10 =	vld [tilespmem:s19+$0x0];
	v12 =	vbroadcast v12, $0x0  }
0x325: {  	v7 =	vadd.s32 v7, v8;
	v8 =	vld [tilespmem:s19+$0x10]  }
0x326: {  	v7 =	vadd.s32 v9, v7;
	v9 =	vld [tilespmem:s19+$0x20]  }
0x327: {  	v7 =	vadd.s32 v11, v7;
	v14 =	vld [tilespmem:s19+$0x30];
	v11, _, _ =	vpop (xrf0)  }
0x328: {  	v7 =	vadd.s32 v13, v7;
	v13 =	vld [tilespmem:s19+$0x40];
	v11 =	vbroadcast v11, $0xF  }
.Ltmp23:
0x329: {  	v10 =	vadd.s32 v7, v10;
	v7 =	vld [tilespmem:s19+$0x50];
	(pc) =	sbr.rel @p0 .LBB2_45-.Ltmp23, $4  }
0x32a: {  	v10 =	vadd.s32 v8, v10;
	v8 =	vld [tilespmem:s19+$0x60];
	[tilespmem:v12+s12+$0x0] =	vst.idx.msk $0x1, v11  }
0x32b: {  	v10 =	vadd.s32 v9, v10;
	v9 =	vld [tilespmem:s19+$0x70];
	s19 =	sadd.s32 $0x100, s19  }
0x32c: {  	v11 =	vld [tilespmem:s19+$0xFFFFFF80];
	v10 =	vadd.s32 v14, v10  }
0x32d: {  	s20 =	sadd.s32 $0x1, s20;
	v12 =	vld [tilespmem:s19+$0xFFFFFF90];
	v10 =	vadd.s32 v10, v13  }
0x32e: {  	v13 =	vld [tilespmem:s19+$0xFFFFFFA0]  }
0x32f: {  	v14 =	vld [tilespmem:s19+$0xFFFFFFB0]  }
0x330: {  	v15 =	vld [tilespmem:s19+$0xFFFFFFC0]  }
0x331: {  	v16 =	vld [tilespmem:s19+$0xFFFFFFD0]  }
0x332: {  	v54 =	vld [tilespmem:s19+$0xFFFFFFE0];
	v11 =	vadd.s32 v12, v11  }
0x333: {  	v55 =	vld [tilespmem:s19+$0xFFFFFFF0];
	v11 =	vadd.s32 v13, v11  }
0x334: {  	v56 =	vld [tilespmem:s19+$0x0];
	v11 =	vadd.s32 v14, v11  }
0x335: {  	v57 =	vld [tilespmem:s19+$0x10];
	v11 =	vadd.s32 v11, v15  }
0x336: {  	v58 =	vld [tilespmem:s19+$0x20];
	v11 =	vadd.s32 v16, v11  }
0x337: {  	v59 =	vld [tilespmem:s19+$0x30];
	v11 =	vadd.s32 v54, v11  }
0x338: {  	v60 =	vld [tilespmem:s19+$0x40];
	v11 =	vadd.s32 v55, v11  }
0x339: {  	v61 =	vld [tilespmem:s19+$0x50];
	v11 =	vadd.s32 v11, v56  }
0x33a: {  	v62 =	vld [tilespmem:s19+$0x60];
	v11 =	vadd.s32 v57, v11  }
0x33b: {  	v63 =	vld [tilespmem:s19+$0x70];
	v11 =	vadd.s32 v58, v11  }
0x33c: {  	v11 =	vadd.s32 v59, v11  }
0x33d: {  	v7 =	vadd.s32 v7, v10;
	v10 =	vadd.s32 v11, v60  }
0x33e: {  	v7 =	vadd.s32 v8, v7;
	v8 =	vadd.s32 v61, v10  }
0x33f: {  	v7 =	vadd.s32 v9, v7;
	v8 =	vadd.s32 v62, v8  }
0x340: {  	(xrf0) =	vadd.scan.msk.s32 $0xffff, v7;
	v7 =	vadd.s32 v63, v8  }
0x341: {  	v8 =	vmov s17;
	(xrf0) =	vadd.scan.msk.s32 $0xffff, v7  }
0x342: {  	v7 =	vadd.s32 $0x1000, v8;
	v8 =	vmov s18  }
0x343: {  	v7 =	vbroadcast v7, $0x0;
	v8 =	vadd.s32 $0x1000, v8  }
0x344: {  	v8 =	vbroadcast v8, $0x0;
	_ =	sdelay $0x1  }
0x345: {  	v9, _, _ =	vpop (xrf0)  }
0x346: {  	v9 =	vbroadcast v9, $0xF;
	v10, _, _ =	vpop (xrf0)  }
0x347: {  	v10 =	vbroadcast v10, $0xF  }
0x348: {  	[tilespmem:v7+s12+$0x0] =	vst.idx.msk $0x1, v9  }
0x349: {  	[tilespmem:v8+s12+$0x0] =	vst.idx.msk $0x1, v10  }
0x34a: {  	v7 =	vld [tilespmem:$0x11000];
	_ =	sdelay $0x4  }
0x34b: {  	v7 =	vperm.xlane v7, v4;
	_ =	sdelay $0x1  }
0x34c: {  	(xrf0) =	vadd.scan.msk.s32 $0xffff, v7;
	_ =	sdelay $0x5  }
0x34d: {  	v7, _, _ =	vpop (xrf0)  }
0x34e: {  	v7 =	vperm.xlane v7, v4;
	_ =	sdelay $0x1  }
0x34f: {  	vm0 =	vgt.s32 v7, $0xFF  }
0x350: {  	v8 =	vmpcnt.ones.xlane vm0;
	_ =	sdelay $0x1  }
0x351: {  	v8 =	vxor.u32 $0x80000000, v8  }
0x352: {  	(xrf0) =	vmax.scan.msk.u32 $0xffff, v8;
	_ =	sdelay $0x5  }
0x353: {  	v8, _, _ =	vpop (xrf0)  }
0x354: {  	(v2sf) =	vpush v8, $0xF;
	_ =	sdelay $0xe  }
0x355: {  	s18 =	spop (v2sf)  }
0x356: {  	s17 =	sadd.s32 $0x7FFFFFFF, s18  }
0x357: {  	s31 =	sshll.u32 s17, $0xA  }
0x358: {  	s20 =	simm.s32 $0x0;
	s19 =	sshra.s32 s31, $0x2  }
0x359: {  	s21 =	sand.u32 $0x80, s20;
	s19 =	sadd.s32 $0x10000, s19  }
0x35a: {  	s22 =	sand.u32 $0x70, s20;
	s21 =	sadd.s32 s21, s19  }
0x35b: {  	s21 =	sadd.s32 s22, s21  }
0x35c: {  	v8 =	vld [tilespmem:s21+$0x0];
	_ =	sdelay $0x4  }
0x35d: {  	(xrf0) =	vadd.scan.msk.s32 $0xffff, v8  }
0x35e: {  	v8 =	vmov s20  }
0x35f: {  	v8 =	vadd.s32 $0x1000, v8  }
0x360: {  	v8 =	vbroadcast v8, $0x0;
	_ =	sdelay $0x2  }
0x361: {  	s21 =	simm.s32 $0x10;
	v9, _, _ =	vpop (xrf0)  }
0x362: {  	s22 =	simm.s32 $0x2;
	s23 =	sand.u32 $0x80, s21;
	s20 =	simm.s32 $0x1;
	v9 =	vbroadcast v9, $0xF  }
.LBB2_47:
0x363: {  	p0 =	sne.s32 s22, $0xF;
	s24 =	sand.u32 $0x70, s21;
	s23 =	sadd.s32 s23, s19  }
0x364: {  	s23 =	sadd.s32 s24, s23;
	[tilespmem:v8+s12+$0x0] =	vst.idx.msk $0x1, v9  }
0x365: {  	v8 =	vld [tilespmem:s23+$0x0];
	_ =	sdelay $0x4  }
0x366: {  	(xrf0) =	vadd.scan.msk.s32 $0xffff, v8  }
0x367: {  	v8 =	vmov s20;
	s20 =	smov.u32 s22  }
0x368: {  	v8 =	vadd.s32 $0x1000, v8  }
.Ltmp24:
0x369: {  	v8 =	vbroadcast v8, $0x0;
	(pc) =	sbr.rel @p0 .LBB2_47-.Ltmp24, $3  }
0x36a: {  	_ =	sdelay $0x1  }
0x36b: {  	s21 =	sadd.s32 $0x10, s21;
	v9, _, _ =	vpop (xrf0)  }
0x36c: {  	s23 =	sand.u32 $0x80, s21;
	s22 =	sadd.s32 $0x1, s22;
	v9 =	vbroadcast v9, $0xF  }
0x36d: {  	_ =	sdelay $0x2  }
0x36e: {  	s21 =	sand.u32 $0x70, s21;
	s19 =	sadd.s32 s23, s19  }
0x36f: {  	s19 =	sadd.s32 s21, s19;
	[tilespmem:v8+s12+$0x0] =	vst.idx.msk $0x1, v9  }
0x370: {  	v8 =	vld [tilespmem:s19+$0x0];
	_ =	sdelay $0x4  }
0x371: {  	(xrf0) =	vadd.scan.msk.s32 $0xffff, v8  }
0x372: {  	v8 =	vmov s20  }
0x373: {  	v8 =	vadd.s32 $0x1000, v8  }
0x374: {  	v8 =	vbroadcast v8, $0x0;
	_ =	sdelay $0x2  }
0x375: {  	v9, _, _ =	vpop (xrf0)  }
0x376: {  	v9 =	vbroadcast v9, $0xF;
	_ =	sdelay $0x1  }
0x377: {  	[tilespmem:v8+s12+$0x0] =	vst.idx.msk $0x1, v9  }
0x378: {  	v8 =	vld [tilespmem:$0x11000];
	_ =	sdelay $0x1  }
0x379: {  	s18 =	sxor.u32 $0x80000000, s18  }
0x37a: {  	v9 =	vmov s18  }
0x37b: {  	vm0 =	veq.s32 v9, v0  }
0x37c: {  	v7 =	vnsel vm0, $0x0, v7;
	v8 =	vperm.xlane v8, v4  }
0x37d: {  	(xrf0) =	vadd.scan.msk.s32 $0xffff, v7  }
0x37e: {  	(xrf0) =	vadd.scan.msk.s32 $0xffff, v8;
	_ =	sdelay $0x4  }
0x37f: {  	v7, _, _ =	vpop (xrf0)  }
0x380: {  	v8, _, _ =	vpop (xrf0)  }
0x381: {  	v9 =	vbroadcast v7, $0xF;
	v8 =	vperm.xlane v8, v4;
	_ =	sdelay $0x1  }
0x382: {  	v9 =	vadd.s32 v9, v8  }
0x383: {  	vm0 =	vgt.s32 v9, $0xFF  }
0x384: {  	v9 =	vmpcnt.ones.xlane vm0;
	_ =	sdelay $0x1  }
0x385: {  	v9 =	vxor.u32 $0x80000000, v9  }
0x386: {  	(xrf0) =	vmax.scan.msk.u32 $0xffff, v9;
	_ =	sdelay $0x5  }
0x387: {  	v9, _, _ =	vpop (xrf0)  }
0x388: {  	(v2sf) =	vpush v9, $0xF;
	_ =	sdelay $0xd  }
0x389: {  	s19 =	simm.s32 $0x150C0  }
0x38a: {  	s17 =	sshll.u32 s17, $0x4;
	v11 =	vld [tilespmem:s19+$0xFFFFFFC0];
	s18 =	spop (v2sf)  }
0x38b: {  	s30 =	sadd.s32 s18, s17  }
0x38c: {  	s17 =	sadd.s32 $0x7FFFFF7F, s30  }
0x38d: {  	s20 =	sadd.s32 $0x7FFFFFFF, s30;
	s31 =	sshll.u32 s17, $0x18  }
0x38e: {  	p0 =	sgt.s32 s20, $0xFE;
	s20 =	sor.u32 $0xFFFFFF, s31  }
0x38f: {  	v12 =	vxor.u32 $0x7FFFFFFF, v11;
	vm0 =	vlt.s32 v11, $0x0;
	s20 =	simm.s32 @p0 $0x7FFFFFFF  }
0x390: {  	v15 =	vsel vm0, v12, v11;
	v10 =	vmov s31;
	v9 =	vmov s20  }
0x391: {  	v11 =	vld [tilespmem:s19+$0xFFFFFFD0];
	vm0 =	vge.s32 v15, v10;
	vm1 =	vle.s32 v15, v9  }
0x392: {  	vm0 =	vmand vm0, vm1  }
0x393: {  	v12 =	vsel vm0, $0x1, v1  }
0x394: {  	(xrf0) =	vadd.scan.msk.s32 $0xffff, v12;
	_ =	sdelay $0x1  }
0x395: {  	vm1 =	vlt.s32 v11, $0x0;
	v12 =	vxor.u32 $0x7FFFFFFF, v11  }
0x396: {  	v16 =	vsel vm1, v12, v11  }
0x397: {  	v11 =	vld [tilespmem:s19+$0xFFFFFFE0];
	vm1 =	vge.s32 v16, v10;
	vm2 =	vle.s32 v16, v9  }
0x398: {  	vm2 =	vmand vm1, vm2  }
0x399: {  	v12 =	vimm.s32 $0x0;
	v13 =	vsel vm2, $0x1, v1;
	v14, _, _ =	vpop (xrf0)  }
0x39a: {  	(xrf0) =	vadd.scan.msk.s32 $0xffff, v13;
	v14 =	vadd.s32 v14, v12  }
0x39b: {  	v17 =	vadd.s32 $0xFFFFFFFF, v14  }
0x39c: {  	v13 =	vxor.u32 $0x7FFFFFFF, v11;
	vm3 =	vlt.s32 v11, $0x0;
	vm1 =	vlt.s32 v17, $0x4000  }
0x39d: {  	v18 =	vsel vm3, v13, v11;
	vm1 =	vmand vm0, vm1  }
0x39e: {  	v13 =	vld [tilespmem:s19+$0xFFFFFFF0];
	vm3 =	vle.s32 v18, v9;
	vm0 =	vge.s32 v18, v10;
	v11 =	vmpcnt.ones.xlane vm1  }
0x39f: {  	vm0 =	vmand vm0, vm3  }
0x3a0: {  	v14, _, _ =	vpop (xrf0);
	v11 =	vadd.s32 v12, v11;
	v12 =	vsel vm0, $0x1, v1  }
0x3a1: {  	v14 =	vadd.s32 v14, v11;
	(xrf0) =	vadd.scan.msk.s32 $0xffff, v12  }
0x3a2: {  	v19 =	vadd.s32 $0xFFFFFFFF, v14  }
0x3a3: {  	vm4 =	vlt.s32 v13, $0x0;
	v12 =	vxor.u32 $0x7FFFFFFF, v13;
	vm3 =	vlt.s32 v19, $0x4000  }
0x3a4: {  	v20 =	vsel vm4, v12, v13;
	vm3 =	vmand vm2, vm3  }
0x3a5: {  	vm4 =	vle.s32 v20, v9;
	vm2 =	vge.s32 v20, v10;
	v12 =	vmpcnt.ones.xlane vm3  }
0x3a6: {  	v13 =	vld [tilespmem:s19+$0x0];
	vm2 =	vmand vm2, vm4  }
0x3a7: {  	v12 =	vadd.s32 v11, v12;
	v11 =	vsel vm2, $0x1, v1;
	v14, _, _ =	vpop (xrf0)  }
0x3a8: {  	v14 =	vadd.s32 v14, v12;
	(xrf0) =	vadd.scan.msk.s32 $0xffff, v11  }
0x3a9: {  	v21 =	vadd.s32 $0xFFFFFFFF, v14  }
0x3aa: {  	vm13 =	vlt.s32 v21, $0x4000  }
0x3ab: {  	vm5 =	vlt.s32 v13, $0x0;
	v11 =	vxor.u32 $0x7FFFFFFF, v13;
	vm4 =	vmand vm0, vm13  }
0x3ac: {  	v11 =	vsel vm5, v11, v13;
	v13 =	vmpcnt.ones.xlane vm4  }
0x3ad: {  	v14 =	vld [tilespmem:s19+$0x10]  }
0x3ae: {  	vm5 =	vle.s32 v11, v9;
	vm0 =	vge.s32 v11, v10;
	v13 =	vadd.s32 v12, v13;
	v22, _, _ =	vpop (xrf0)  }
0x3af: {  	vm5 =	vmand vm0, vm5;
	v22 =	vadd.s32 v22, v13  }
0x3b0: {  	v12 =	vsel vm5, $0x1, v1;
	v22 =	vadd.s32 $0xFFFFFFFF, v22  }
0x3b1: {  	(xrf0) =	vadd.scan.msk.s32 $0xffff, v12;
	vm0 =	vlt.s32 v22, $0x4000  }
0x3b2: {  	vm6 =	vlt.s32 v14, $0x0;
	v12 =	vxor.u32 $0x7FFFFFFF, v14;
	vm7 =	vmand vm2, vm0  }
0x3b3: {  	v12 =	vsel vm6, v12, v14;
	v14 =	vmpcnt.ones.xlane vm7;
	_ =	sdelay $0x1  }
0x3b4: {  	v23 =	vld [tilespmem:s19+$0x20];
	vm0 =	vge.s32 v12, v10;
	vm2 =	vle.s32 v12, v9  }
0x3b5: {  	vm0 =	vmand vm0, vm2  }
0x3b6: {  	v24 =	vadd.s32 v13, v14;
	v13 =	vsel vm0, $0x1, v1;
	v14, _, _ =	vpop (xrf0)  }
0x3b7: {  	(xrf0) =	vadd.scan.msk.s32 $0xffff, v13;
	v14 =	vadd.s32 v14, v24  }
0x3b8: {  	v14 =	vadd.s32 $0xFFFFFFFF, v14  }
0x3b9: {  	vm14 =	vlt.s32 v23, $0x0;
	v13 =	vxor.u32 $0x7FFFFFFF, v23;
	vm2 =	vlt.s32 v14, $0x4000  }
0x3ba: {  	[tilespmem:v17+s13+$0x0] =	vst.idx.msk vm1, v15;
	v13 =	vsel vm14, v13, v23;
	vm2 =	vmand vm5, vm2  }
0x3bb: {  	[tilespmem:v19+s13+$0x0] =	vst.idx.msk vm3, v16;
	v16 =	vld [tilespmem:s19+$0x30];
	vm1 =	vge.s32 v13, v10;
	vm15 =	vle.s32 v13, v9;
	v15 =	vmpcnt.ones.xlane vm2  }
0x3bc: {  	vm1 =	vmand vm1, vm15  }
0x3bd: {  	[tilespmem:v21+s13+$0x0] =	vst.idx.msk vm4, v18;
	v18 =	vsel vm1, $0x1, v1;
	v17, _, _ =	vpop (xrf0);
	v15 =	vadd.s32 v24, v15  }
0x3be: {  	s20 =	simm.s32 $0x0;
	[tilespmem:v22+s13+$0x0] =	vst.idx.msk vm7, v20;
	(xrf0) =	vadd.scan.msk.s32 $0xffff, v18;
	v17 =	vadd.s32 v17, v15  }
.LBB2_49:
0x3bf: {  	s20 =	sadd.s32 $0x8, s20;
	v17 =	vadd.s32 $0xFFFFFFFF, v17  }
0x3c0: {  	p0 =	slt.u32 s20, $0x7F8;
	[tilespmem:v14+s13+$0x0] =	vst.idx.msk vm2, v11;
	vm2 =	vlt.s32 v17, $0x4000;
	v11 =	vxor.u32 $0x7FFFFFFF, v16;
	vm3 =	vlt.s32 v16, $0x0  }
0x3c1: {  	s19 =	sadd.s32 $0x80, s19;
	vm2 =	vmand vm0, vm2;
	v11 =	vsel vm3, v11, v16  }
0x3c2: {  	v14 =	vld [tilespmem:s19+$0xFFFFFFC0];
	v16 =	vmpcnt.ones.xlane vm2;
	vm0 =	vge.s32 v11, v10;
	vm3 =	vle.s32 v11, v9  }
0x3c3: {  	vm0 =	vmand vm0, vm3  }
0x3c4: {  	v15 =	vadd.s32 v15, v16;
	v16 =	vsel vm0, $0x1, v1;
	v18, _, _ =	vpop (xrf0)  }
0x3c5: {  	v18 =	vadd.s32 v18, v15;
	(xrf0) =	vadd.scan.msk.s32 $0xffff, v16  }
0x3c6: {  	v16 =	vadd.s32 $0xFFFFFFFF, v18  }
0x3c7: {  	v18 =	vxor.u32 $0x7FFFFFFF, v14;
	vm3 =	vlt.s32 v14, $0x0;
	[tilespmem:v17+s13+$0x0] =	vst.idx.msk vm2, v12;
	vm2 =	vlt.s32 v16, $0x4000  }
0x3c8: {  	v12 =	vsel vm3, v18, v14;
	vm2 =	vmand vm1, vm2  }
0x3c9: {  	vm1 =	vge.s32 v12, v10;
	vm3 =	vle.s32 v12, v9;
	v14 =	vld [tilespmem:s19+$0xFFFFFFD0];
	v19 =	vmpcnt.ones.xlane vm2  }
0x3ca: {  	vm1 =	vmand vm1, vm3  }
0x3cb: {  	v18 =	vsel vm1, $0x1, v1;
	v15 =	vadd.s32 v15, v19;
	v17, _, _ =	vpop (xrf0)  }
0x3cc: {  	(xrf0) =	vadd.scan.msk.s32 $0xffff, v18;
	v17 =	vadd.s32 v17, v15  }
0x3cd: {  	v17 =	vadd.s32 $0xFFFFFFFF, v17  }
0x3ce: {  	v18 =	vxor.u32 $0x7FFFFFFF, v14;
	vm3 =	vlt.s32 v14, $0x0;
	[tilespmem:v16+s13+$0x0] =	vst.idx.msk vm2, v13;
	vm2 =	vlt.s32 v17, $0x4000  }
0x3cf: {  	v13 =	vsel vm3, v18, v14;
	vm2 =	vmand vm0, vm2  }
0x3d0: {  	vm0 =	vge.s32 v13, v10;
	vm3 =	vle.s32 v13, v9;
	v14 =	vld [tilespmem:s19+$0xFFFFFFE0];
	v16 =	vmpcnt.ones.xlane vm2  }
0x3d1: {  	vm0 =	vmand vm0, vm3  }
0x3d2: {  	v18 =	vsel vm0, $0x1, v1;
	v19, _, _ =	vpop (xrf0);
	v15 =	vadd.s32 v15, v16  }
0x3d3: {  	v16 =	vadd.s32 v19, v15;
	(xrf0) =	vadd.scan.msk.s32 $0xffff, v18  }
0x3d4: {  	v16 =	vadd.s32 $0xFFFFFFFF, v16  }
0x3d5: {  	vm3 =	vlt.s32 v16, $0x4000;
	v18 =	vxor.u32 $0x7FFFFFFF, v14;
	vm4 =	vlt.s32 v14, $0x0;
	[tilespmem:v17+s13+$0x0] =	vst.idx.msk vm2, v11  }
0x3d6: {  	vm2 =	vmand vm1, vm3;
	v14 =	vsel vm4, v18, v14  }
0x3d7: {  	v11 =	vmpcnt.ones.xlane vm2;
	vm1 =	vge.s32 v14, v10;
	vm3 =	vle.s32 v14, v9;
	v17 =	vld [tilespmem:s19+$0xFFFFFFF0]  }
0x3d8: {  	vm1 =	vmand vm1, vm3  }
0x3d9: {  	v11 =	vadd.s32 v15, v11;
	v15 =	vsel vm1, $0x1, v1;
	v18, _, _ =	vpop (xrf0)  }
0x3da: {  	v18 =	vadd.s32 v18, v11;
	(xrf0) =	vadd.scan.msk.s32 $0xffff, v15  }
0x3db: {  	v15 =	vadd.s32 $0xFFFFFFFF, v18  }
0x3dc: {  	[tilespmem:v16+s13+$0x0] =	vst.idx.msk vm2, v12;
	vm2 =	vlt.s32 v15, $0x4000;
	v12 =	vxor.u32 $0x7FFFFFFF, v17;
	vm3 =	vlt.s32 v17, $0x0  }
0x3dd: {  	vm2 =	vmand vm0, vm2;
	v16 =	vsel vm3, v12, v17  }
0x3de: {  	v12 =	vmpcnt.ones.xlane vm2;
	vm0 =	vge.s32 v16, v10;
	vm3 =	vle.s32 v16, v9;
	v17 =	vld [tilespmem:s19+$0x0]  }
0x3df: {  	vm0 =	vmand vm0, vm3  }
0x3e0: {  	v12 =	vadd.s32 v11, v12;
	v11 =	vsel vm0, $0x1, v1;
	v18, _, _ =	vpop (xrf0)  }
0x3e1: {  	v18 =	vadd.s32 v18, v12;
	(xrf0) =	vadd.scan.msk.s32 $0xffff, v11  }
0x3e2: {  	v18 =	vadd.s32 $0xFFFFFFFF, v18  }
0x3e3: {  	[tilespmem:v15+s13+$0x0] =	vst.idx.msk vm2, v13;
	vm2 =	vlt.s32 v18, $0x4000;
	v11 =	vxor.u32 $0x7FFFFFFF, v17;
	vm3 =	vlt.s32 v17, $0x0  }
0x3e4: {  	vm2 =	vmand vm1, vm2;
	v11 =	vsel vm3, v11, v17  }
0x3e5: {  	v13 =	vmpcnt.ones.xlane vm2;
	vm1 =	vge.s32 v11, v10;
	vm3 =	vle.s32 v11, v9;
	v15 =	vld [tilespmem:s19+$0x10]  }
0x3e6: {  	vm1 =	vmand vm1, vm3  }
0x3e7: {  	v13 =	vadd.s32 v12, v13;
	v12 =	vsel vm1, $0x1, v1;
	v17, _, _ =	vpop (xrf0)  }
0x3e8: {  	v17 =	vadd.s32 v17, v13;
	(xrf0) =	vadd.scan.msk.s32 $0xffff, v12  }
0x3e9: {  	v17 =	vadd.s32 $0xFFFFFFFF, v17  }
0x3ea: {  	[tilespmem:v18+s13+$0x0] =	vst.idx.msk vm2, v14;
	vm2 =	vlt.s32 v17, $0x4000;
	v12 =	vxor.u32 $0x7FFFFFFF, v15;
	vm3 =	vlt.s32 v15, $0x0  }
0x3eb: {  	vm2 =	vmand vm0, vm2;
	v12 =	vsel vm3, v12, v15  }
0x3ec: {  	v19 =	vmpcnt.ones.xlane vm2;
	vm0 =	vge.s32 v12, v10;
	vm3 =	vle.s32 v12, v9;
	v15 =	vld [tilespmem:s19+$0x20]  }
0x3ed: {  	vm0 =	vmand vm0, vm3  }
0x3ee: {  	v18 =	vadd.s32 v13, v19;
	v13 =	vsel vm0, $0x1, v1;
	v14, _, _ =	vpop (xrf0)  }
0x3ef: {  	v14 =	vadd.s32 v14, v18;
	(xrf0) =	vadd.scan.msk.s32 $0xffff, v13  }
0x3f0: {  	v14 =	vadd.s32 $0xFFFFFFFF, v14  }
0x3f1: {  	[tilespmem:v17+s13+$0x0] =	vst.idx.msk vm2, v16;
	vm2 =	vlt.s32 v14, $0x4000;
	v13 =	vxor.u32 $0x7FFFFFFF, v15;
	vm3 =	vlt.s32 v15, $0x0  }
.Ltmp25:
0x3f2: {  	vm2 =	vmand vm1, vm2;
	v13 =	vsel vm3, v13, v15;
	(pc) =	sbr.rel @p0 .LBB2_49-.Ltmp25, $4  }
0x3f3: {  	v15 =	vmpcnt.ones.xlane vm2;
	vm1 =	vge.s32 v13, v10;
	vm3 =	vle.s32 v13, v9;
	v16 =	vld [tilespmem:s19+$0x30]  }
0x3f4: {  	vm1 =	vmand vm1, vm3  }
0x3f5: {  	v15 =	vadd.s32 v18, v15;
	v18 =	vsel vm1, $0x1, v1;
	v17, _, _ =	vpop (xrf0)  }
0x3f6: {  	v17 =	vadd.s32 v17, v15;
	(xrf0) =	vadd.scan.msk.s32 $0xffff, v18  }
0x3f7: {  	v17 =	vadd.s32 $0xFFFFFFFF, v17  }
0x3f8: {  	vm3 =	vlt.s32 v17, $0x4000;
	v18 =	vxor.u32 $0x7FFFFFFF, v16;
	vm4 =	vlt.s32 v16, $0x0  }
0x3f9: {  	v16 =	vsel vm4, v18, v16;
	vm0 =	vmand vm0, vm3  }
0x3fa: {  	vm13 =	vge.s32 v16, v10;
	v10 =	vmpcnt.ones.xlane vm0;
	vm4 =	vle.s32 v16, v9  }
0x3fb: {  	vm3 =	vmand vm13, vm4  }
0x3fc: {  	v9 =	vadd.s32 v15, v10;
	v10 =	vsel vm3, $0x1, v1;
	v61, _, _ =	vpop (xrf0)  }
0x3fd: {  	v15 =	vadd.s32 v61, v9;
	(xrf0) =	vadd.scan.msk.s32 $0xffff, v10  }
0x3fe: {  	v10 =	vadd.s32 $0xFFFFFFFF, v15  }
0x3ff: {  	vm14 =	vlt.s32 v10, $0x4000  }
0x400: {  	vm1 =	vmand vm1, vm14  }
0x401: {  	v62 =	vmpcnt.ones.xlane vm1;
	_ =	sdelay $0x1  }
0x402: {  	v9 =	vadd.s32 v9, v62;
	v63, _, _ =	vpop (xrf0)  }
0x403: {  	v15 =	vadd.s32 v63, v9  }
0x404: {  	v15 =	vadd.s32 $0xFFFFFFFF, v15  }
0x405: {  	vm15 =	vlt.s32 v15, $0x4000  }
0x406: {  	vm3 =	vmand vm3, vm15;
	_ =	sdelay $0x2  }
0x407: {  	[tilespmem:v14+s13+$0x0] =	vst.idx.msk vm2, v11  }
0x408: {  	[tilespmem:v17+s13+$0x0] =	vst.idx.msk vm0, v12;
	v11 =	vmpcnt.ones.xlane vm3  }
0x409: {  	[tilespmem:v10+s13+$0x0] =	vst.idx.msk vm1, v13  }
0x40a: {  	s19 =	simm.s32 $0x0;
	p0 =	por $0x1, $0x1;
	v9 =	vadd.s32 v9, v11;
	[tilespmem:v15+s13+$0x0] =	vst.idx.msk vm3, v16  }
.LBB2_51:
0x40b: {  	s19 =	sshra.s32 s19, $0x2  }
0x40c: {  	[tilespmem:s19+$0x10000] =	vst v1  }
0x40d: {  	[tilespmem:s19+$0x10010] =	vst v1  }
0x40e: {  	p1 =	por p0, p0;
	[tilespmem:s19+$0x10020] =	vst v1  }
.Ltmp26:
0x40f: {  	[tilespmem:s19+$0x10030] =	vst v1;
	(pc) =	sbr.rel @p1 .LBB2_51-.Ltmp26, $4  }
0x410: {  	[tilespmem:s19+$0x10040] =	vst v1  }
0x411: {  	[tilespmem:s19+$0x10050] =	vst v1  }
0x412: {  	[tilespmem:s19+$0x10060] =	vst v1  }
0x413: {  	p0 =	por $0x0, $0x0;
	[tilespmem:s19+$0x10070] =	vst v1;
	s19 =	simm.s32 $0x200  }
0x414: {  	s18 =	sxor.u32 $0x80000000, s18  }
0x415: {  	v10 =	vmov s18  }
0x416: {  	vm0 =	veq.s32 v10, v0  }
0x417: {  	v8 =	vnsel vm0, $0x0, v8  }
0x418: {  	(xrf0) =	vadd.scan.msk.s32 $0xffff, v8;
	v8 =	vxor.u32 $0x80000000, v9  }
0x419: {  	(xrf0) =	vmax.scan.msk.u32 $0xffff, v8;
	_ =	sdelay $0x4  }
0x41a: {  	(v2sf) =	vpush v7, $0xF;
	v8, _, _ =	vpop (xrf0)  }
0x41b: {  	(v2sf) =	vpush v8, $0xF;
	v7, _, _ =	vpop (xrf0)  }
0x41c: {  	(v2sf) =	vpush v7, $0xF;
	_ =	sdelay $0xc  }
0x41d: {  	s19 =	spop (v2sf)  }
0x41e: {  	s20 =	spop (v2sf)  }
0x41f: {  	s21 =	spop (v2sf)  }
0x420: {  	s31 =	sadd.s32 $0x8000000F, s21  }
0x421: {  	s18 =	sshra.s32 s31, $0x4  }
0x422: {  	p0 =	slt.s32 s18, $0x1  }
.Ltmp27:
0x423: {  	_ = 	snop;
	(pc) =	sbr.rel @p0 .LBB2_59-.Ltmp27, $3  }
0x424: {  	_ =	sdelay $0x1  }
0x425: {  	s21 =	sxor.u32 $0x80000000, s21  }
0x426: {  	v7 =	vmov s21  }
0x427: {  	p2 =	seq.s32 s18, $0x1  }
.Ltmp28:
0x428: {  	_ = 	snop;
	(pc) =	sbr.rel @p2 .LBB2_54-.Ltmp28, $3  }
0x429: {  	_ =	sdelay $0x1  }
0x42a: {  	s22 =	simm.s32 $0x11080  }
0x42b: {  	v8 =	vmov s17;
	s21 =	simm.s32 $0x0;
	p1 =	por $0x0, $0x0;
	v9 =	vld [tilespmem:s22+$0x0];
	s22 =	sadd.s32 $0xFFFFFFFF, s18  }
0x42c: {  	_ =	sdelay $0x2  }
0x42d: {  	v10 =	vor.u32 s21, v0  }
0x42e: {  	vm0 =	vlt.s32 v10, v7;
	v10 =	vshra.s32 v9, $0x18  }
0x42f: {  	vm1 =	veq.s32 v10, v8;
	v10 =	vshrl.u32 v9, $0xC;
	v9 =	vshrl.u32 v9, $0x14  }
0x430: {  	vm0 =	vmand vm0, vm1;
	v9 =	vand.u32 $0xF, v9;
	v10 =	vand.u32 $0xF0, v10  }
0x431: {  	v9 =	vor.u32 v9, v10  }
0x432: {  	p2 =	seq.s32 s22, $0x1  }
.Ltmp29:
0x433: {  	_ = 	snop;
	(pc) =	sbr.rel @p2 .LBB2_56-.Ltmp29, $3  }
0x434: {  	_ =	sdelay $0x1  }
0x435: {  	s23 =	simm.s32 $0x11090;
	[tilespmem:v9+s12+$0x0] =	vst.idx.add.s32.msk vm0, v3  }
0x436: {  	s24 =	sadd.s32 $0xFFFFFFFF, s22;
	p1 =	por $0x1, $0x1;
	s22 =	simm.s32 $0x0;
	v9 =	vld [tilespmem:s23+$0x0]  }
.LBB2_57:
0x437: {  	p2 =	seq.s32 s24, $0x1;
	_ =	sdelay $0x1  }
0x438: {  	s22 =	sadd.s32 $0x10, s22  }
0x439: {  	v10 =	vor.u32 s22, v0  }
0x43a: {  	vm0 =	vlt.s32 v10, v7;
	v10 =	vshra.s32 v9, $0x18  }
0x43b: {  	vm1 =	veq.s32 v10, v8;
	v10 =	vshrl.u32 v9, $0xC;
	v9 =	vshrl.u32 v9, $0x14  }
0x43c: {  	vm0 =	vmand vm0, vm1;
	v9 =	vand.u32 $0xF, v9;
	v10 =	vand.u32 $0xF0, v10  }
0x43d: {  	v9 =	vor.u32 v9, v10;
	_ =	sdelay $0x1  }
.Ltmp30:
0x43e: {  	(pc) =	sbr.rel @!p2 .LBB2_57-.Ltmp30, $3  }
0x43f: {  	_ =	sdelay $0x1  }
0x440: {  	s23 =	sadd.s32 $0x10, s23;
	[tilespmem:v9+s12+$0x0] =	vst.idx.add.s32.msk vm0, v3  }
0x441: {  	s24 =	sadd.s32 $0xFFFFFFFF, s24;
	v9 =	vld [tilespmem:s23+$0x0]  }
.LBB2_58:
0x442: {  	_ = 	snop  }
0x443: {  	s22 =	sadd.s32 @p1 $0x10, s22  }
0x444: {  	s21 =	smov.u32 @p1 s22  }
0x445: {  	v10 =	vor.u32 s21, v0  }
0x446: {  	vm0 =	vlt.s32 v10, v7;
	v62 =	vshra.s32 v9, $0x18  }
0x447: {  	v63 =	vshrl.u32 v9, $0x14;
	vm1 =	veq.s32 v62, v8;
	v8 =	vshrl.u32 v9, $0xC  }
0x448: {  	v9 =	vand.u32 $0xF, v63;
	vm0 =	vmand vm0, vm1;
	v8 =	vand.u32 $0xF0, v8  }
0x449: {  	v8 =	vor.u32 v9, v8;
	_ =	sdelay $0x4  }
0x44a: {  	[tilespmem:v8+s12+$0x0] =	vst.idx.add.s32.msk vm0, v3  }
.LBB2_59:
0x44b: {  	v8 =	vld [tilespmem:$0x10000]  }
0x44c: {  	v9 =	vld [tilespmem:$0x10010]  }
0x44d: {  	v10 =	vld [tilespmem:$0x10020]  }
0x44e: {  	v11 =	vld [tilespmem:$0x10030]  }
0x44f: {  	v12 =	vld [tilespmem:$0x10040]  }
0x450: {  	v13 =	vld [tilespmem:$0x10050]  }
0x451: {  	v8 =	vadd.s32 v9, v8;
	v9 =	vld [tilespmem:$0x10060]  }
0x452: {  	v8 =	vadd.s32 v10, v8;
	v10 =	vld [tilespmem:$0x10070]  }
0x453: {  	v8 =	vadd.s32 v11, v8;
	v11 =	vld [tilespmem:$0x10080]  }
0x454: {  	v60 =	vld [tilespmem:$0x10090];
	v8 =	vadd.s32 v8, v12  }
0x455: {  	v61 =	vld [tilespmem:$0x100A0];
	v8 =	vadd.s32 v13, v8  }
0x456: {  	v8 =	vadd.s32 v9, v8;
	v9 =	vld [tilespmem:$0x100B0]  }
0x457: {  	v8 =	vadd.s32 v10, v8;
	v10 =	vld [tilespmem:$0x100C0]  }
0x458: {  	v8 =	vadd.s32 v8, v11;
	v11 =	vld [tilespmem:$0x100D0]  }
0x459: {  	v62 =	vld [tilespmem:$0x100E0];
	v8 =	vadd.s32 v60, v8  }
0x45a: {  	v63 =	vld [tilespmem:$0x100F0];
	v8 =	vadd.s32 v61, v8  }
0x45b: {  	v8 =	vadd.s32 v9, v8  }
0x45c: {  	v8 =	vadd.s32 v8, v10  }
0x45d: {  	v8 =	vadd.s32 v11, v8  }
0x45e: {  	v8 =	vadd.s32 v62, v8  }
0x45f: {  	v8 =	vadd.s32 v63, v8  }
0x460: {  	v8 =	vperm.xlane v8, v4;
	_ =	sdelay $0x1  }
0x461: {  	(xrf0) =	vadd.scan.msk.s32 $0xffff, v8;
	_ =	sdelay $0x5  }
0x462: {  	v8, _, _ =	vpop (xrf0)  }
0x463: {  	s19 =	sadd.s32 s20, s19;
	v8 =	vperm.xlane v8, v4  }
0x464: {  	s19 =	ssub.s32 $0x100, s19  }
0x465: {  	vm0 =	vge.s32 v8, s19  }
0x466: {  	v9 =	vmpcnt.ones.xlane vm0;
	_ =	sdelay $0x1  }
0x467: {  	v9 =	vxor.u32 $0x80000000, v9  }
0x468: {  	(xrf0) =	vmax.scan.msk.u32 $0xffff, v9;
	_ =	sdelay $0x5  }
0x469: {  	v9, _, _ =	vpop (xrf0)  }
0x46a: {  	(v2sf) =	vpush v9, $0xF;
	_ =	sdelay $0xe  }
0x46b: {  	s21 =	spop (v2sf)  }
0x46c: {  	s20 =	sadd.s32 $0x7FFFFFFF, s21  }
0x46d: {  	v9 =	vadd.s32 s20, v6;
	_ =	sdelay $0x4  }
0x46e: {  	v9 =	vld.idx.msk [tilespmem:v9+s12+$0x0], $0xffff;
	_ =	sdelay $0x1  }
0x46f: {  	s21 =	sxor.u32 $0x80000000, s21  }
0x470: {  	v10 =	vmov s21  }
0x471: {  	vm14 =	veq.s32 v10, v0  }
0x472: {  	v8 =	vnsel vm14, $0x0, v8;
	v9 =	vperm.xlane v9, v4  }
0x473: {  	(xrf0) =	vadd.scan.msk.s32 $0xffff, v8  }
0x474: {  	(xrf0) =	vadd.scan.msk.s32 $0xffff, v9;
	_ =	sdelay $0x4  }
0x475: {  	v9, _, _ =	vpop (xrf0)  }
0x476: {  	v8, _, _ =	vpop (xrf0)  }
0x477: {  	v10 =	vbroadcast v9, $0xF;
	v8 =	vperm.xlane v8, v4;
	_ =	sdelay $0x1  }
0x478: {  	v10 =	vadd.s32 v8, v10  }
0x479: {  	vm15 =	vge.s32 v10, s19  }
0x47a: {  	p1 =	por $0x1, $0x1;
	s21 =	simm.s32 $0x0;
	v10 =	vmpcnt.ones.xlane vm15  }
.LBB2_60:
0x47b: {  	s21 =	sshra.s32 s21, $0x2  }
0x47c: {  	[tilespmem:s21+$0x10000] =	vst v1  }
0x47d: {  	[tilespmem:s21+$0x10010] =	vst v1  }
0x47e: {  	p2 =	por p1, p1;
	[tilespmem:s21+$0x10020] =	vst v1  }
.Ltmp31:
0x47f: {  	[tilespmem:s21+$0x10030] =	vst v1;
	(pc) =	sbr.rel @p2 .LBB2_60-.Ltmp31, $4  }
0x480: {  	[tilespmem:s21+$0x10040] =	vst v1  }
0x481: {  	[tilespmem:s21+$0x10050] =	vst v1  }
0x482: {  	[tilespmem:s21+$0x10060] =	vst v1  }
0x483: {  	p1 =	por $0x0, $0x0;
	[tilespmem:s21+$0x10070] =	vst v1;
	s21 =	simm.s32 $0x200  }
0x484: {  	v10 =	vxor.u32 $0x80000000, v10  }
0x485: {  	(xrf0) =	vmax.scan.msk.u32 $0xffff, v10;
	_ =	sdelay $0x5  }
0x486: {  	(v2sf) =	vpush v9, $0xF;
	v62, _, _ =	vpop (xrf0)  }
0x487: {  	(v2sf) =	vpush v62, $0xF;
	_ =	sdelay $0xd  }
0x488: {  	s21 =	spop (v2sf)  }
0x489: {  	s22 =	spop (v2sf)  }
0x48a: {  	s23 =	sxor.u32 $0x80000000, s22  }
0x48b: {  	v63 =	vmov s23  }
0x48c: {  	vm0 =	veq.s32 v63, v0  }
0x48d: {  	v8 =	vnsel vm0, $0x0, v8  }
0x48e: {  	(xrf0) =	vadd.scan.msk.s32 $0xffff, v8;
	_ =	sdelay $0x5  }
0x48f: {  	v8, _, _ =	vpop (xrf0)  }
0x490: {  	(v2sf) =	vpush v8, $0xF;
	_ =	sdelay $0xa  }
.Ltmp32:
0x491: {  	_ = 	snop;
	(pc) =	sbr.rel @p0 .LBB2_68-.Ltmp32, $4  }
0x492: {  	s20 =	sshll.u32 s20, $0x4  }
0x493: {  	s20 =	sadd.s32 s22, s20  }
0x494: {  	s31 =	sshll.u32 s17, $0x8;
	s20 =	sadd.s32 $0x7FFFFFFF, s20  }
0x495: {  	s20 =	sor.u32 s31, s20;
	s17 =	spop (v2sf)  }
0x496: {  	p2 =	seq.s32 s18, $0x1  }
.Ltmp33:
0x497: {  	_ = 	snop;
	(pc) =	sbr.rel @p2 .LBB2_63-.Ltmp33, $3  }
0x498: {  	_ =	sdelay $0x1  }
0x499: {  	s23 =	simm.s32 $0x11080  }
0x49a: {  	v8 =	vmov s20;
	s22 =	simm.s32 $0x0;
	p1 =	por $0x0, $0x0;
	v9 =	vld [tilespmem:s23+$0x0];
	s23 =	sadd.s32 $0xFFFFFFFF, s18  }
0x49b: {  	_ =	sdelay $0x2  }
0x49c: {  	v10 =	vor.u32 s22, v0  }
0x49d: {  	vm0 =	vlt.s32 v10, v7;
	v10 =	vshra.s32 v9, $0x10  }
0x49e: {  	vm1 =	veq.s32 v10, v8;
	v10 =	vshrl.u32 v9, $0x4;
	v9 =	vshrl.u32 v9, $0xC  }
0x49f: {  	vm0 =	vmand vm0, vm1;
	v9 =	vand.u32 $0xF, v9;
	v10 =	vand.u32 $0xF0, v10  }
0x4a0: {  	v9 =	vor.u32 v9, v10  }
0x4a1: {  	p2 =	seq.s32 s23, $0x1  }
.Ltmp34:
0x4a2: {  	_ = 	snop;
	(pc) =	sbr.rel @p2 .LBB2_65-.Ltmp34, $3  }
0x4a3: {  	_ =	sdelay $0x1  }
0x4a4: {  	s24 =	simm.s32 $0x11090;
	[tilespmem:v9+s12+$0x0] =	vst.idx.add.s32.msk vm0, v3  }
0x4a5: {  	s25 =	sadd.s32 $0xFFFFFFFF, s23;
	p1 =	por $0x1, $0x1;
	s23 =	simm.s32 $0x0;
	v9 =	vld [tilespmem:s24+$0x0]  }
.LBB2_66:
0x4a6: {  	p2 =	seq.s32 s25, $0x1;
	_ =	sdelay $0x1  }
0x4a7: {  	s23 =	sadd.s32 $0x10, s23  }
0x4a8: {  	v10 =	vor.u32 s23, v0  }
0x4a9: {  	vm0 =	vlt.s32 v10, v7;
	v10 =	vshra.s32 v9, $0x10  }
0x4aa: {  	vm1 =	veq.s32 v10, v8;
	v10 =	vshrl.u32 v9, $0x4;
	v9 =	vshrl.u32 v9, $0xC  }
0x4ab: {  	vm0 =	vmand vm0, vm1;
	v9 =	vand.u32 $0xF, v9;
	v10 =	vand.u32 $0xF0, v10  }
0x4ac: {  	v9 =	vor.u32 v9, v10;
	_ =	sdelay $0x1  }
.Ltmp35:
0x4ad: {  	(pc) =	sbr.rel @!p2 .LBB2_66-.Ltmp35, $3  }
0x4ae: {  	_ =	sdelay $0x1  }
0x4af: {  	s24 =	sadd.s32 $0x10, s24;
	[tilespmem:v9+s12+$0x0] =	vst.idx.add.s32.msk vm0, v3  }
0x4b0: {  	s25 =	sadd.s32 $0xFFFFFFFF, s25;
	v9 =	vld [tilespmem:s24+$0x0]  }
.LBB2_67:
0x4b1: {  	_ = 	snop  }
0x4b2: {  	s23 =	sadd.s32 @p1 $0x10, s23  }
0x4b3: {  	s22 =	smov.u32 @p1 s23  }
0x4b4: {  	v10 =	vor.u32 s22, v0  }
0x4b5: {  	vm0 =	vlt.s32 v10, v7;
	v62 =	vshra.s32 v9, $0x10  }
0x4b6: {  	v63 =	vshrl.u32 v9, $0xC;
	vm1 =	veq.s32 v62, v8;
	v8 =	vshrl.u32 v9, $0x4  }
0x4b7: {  	v9 =	vand.u32 $0xF, v63;
	vm0 =	vmand vm0, vm1;
	v8 =	vand.u32 $0xF0, v8  }
0x4b8: {  	v8 =	vor.u32 v9, v8;
	_ =	sdelay $0x4  }
0x4b9: {  	[tilespmem:v8+s12+$0x0] =	vst.idx.add.s32.msk vm0, v3  }
.LBB2_68:
0x4ba: {  	v8 =	vld [tilespmem:$0x10000]  }
0x4bb: {  	v9 =	vld [tilespmem:$0x10010]  }
0x4bc: {  	v10 =	vld [tilespmem:$0x10020]  }
0x4bd: {  	v11 =	vld [tilespmem:$0x10030]  }
0x4be: {  	v12 =	vld [tilespmem:$0x10040]  }
0x4bf: {  	v13 =	vld [tilespmem:$0x10050]  }
0x4c0: {  	v8 =	vadd.s32 v9, v8;
	v9 =	vld [tilespmem:$0x10060]  }
0x4c1: {  	v8 =	vadd.s32 v10, v8;
	v10 =	vld [tilespmem:$0x10070]  }
0x4c2: {  	v8 =	vadd.s32 v11, v8;
	v11 =	vld [tilespmem:$0x10080]  }
0x4c3: {  	v60 =	vld [tilespmem:$0x10090];
	v8 =	vadd.s32 v8, v12  }
0x4c4: {  	v61 =	vld [tilespmem:$0x100A0];
	v8 =	vadd.s32 v13, v8  }
0x4c5: {  	v8 =	vadd.s32 v9, v8;
	v9 =	vld [tilespmem:$0x100B0]  }
0x4c6: {  	v8 =	vadd.s32 v10, v8;
	v10 =	vld [tilespmem:$0x100C0]  }
0x4c7: {  	v8 =	vadd.s32 v8, v11;
	v11 =	vld [tilespmem:$0x100D0]  }
0x4c8: {  	v62 =	vld [tilespmem:$0x100E0];
	v8 =	vadd.s32 v60, v8  }
0x4c9: {  	v63 =	vld [tilespmem:$0x100F0];
	v8 =	vadd.s32 v61, v8  }
0x4ca: {  	v8 =	vadd.s32 v9, v8  }
0x4cb: {  	v8 =	vadd.s32 v8, v10  }
0x4cc: {  	v8 =	vadd.s32 v11, v8  }
0x4cd: {  	v8 =	vadd.s32 v62, v8  }
0x4ce: {  	v8 =	vadd.s32 v63, v8  }
0x4cf: {  	v8 =	vperm.xlane v8, v4;
	_ =	sdelay $0x1  }
0x4d0: {  	(xrf0) =	vadd.scan.msk.s32 $0xffff, v8;
	_ =	sdelay $0x5  }
0x4d1: {  	v8, _, _ =	vpop (xrf0)  }
0x4d2: {  	s17 =	sadd.s32 s17, s21;
	v8 =	vperm.xlane v8, v4  }
0x4d3: {  	s17 =	ssub.s32 s19, s17  }
0x4d4: {  	vm0 =	vge.s32 v8, s17  }
0x4d5: {  	v9 =	vmpcnt.ones.xlane vm0;
	_ =	sdelay $0x1  }
0x4d6: {  	v9 =	vxor.u32 $0x80000000, v9  }
0x4d7: {  	(xrf0) =	vmax.scan.msk.u32 $0xffff, v9;
	_ =	sdelay $0x5  }
0x4d8: {  	v9, _, _ =	vpop (xrf0)  }
0x4d9: {  	(v2sf) =	vpush v9, $0xF;
	_ =	sdelay $0xe  }
0x4da: {  	s31 =	spop (v2sf)  }
0x4db: {  	s19 =	sadd.s32 $0x7FFFFFFF, s31  }
0x4dc: {  	v9 =	vadd.s32 s19, v6;
	_ =	sdelay $0x4  }
0x4dd: {  	v9 =	vld.idx.msk [tilespmem:v9+s12+$0x0], $0xffff;
	_ =	sdelay $0x1  }
0x4de: {  	s21 =	sxor.u32 $0x80000000, s31  }
0x4df: {  	v10 =	vmov s21  }
0x4e0: {  	vm14 =	veq.s32 v10, v0  }
0x4e1: {  	v8 =	vnsel vm14, $0x0, v8;
	v9 =	vperm.xlane v9, v4  }
0x4e2: {  	(xrf0) =	vadd.scan.msk.s32 $0xffff, v8  }
0x4e3: {  	(xrf0) =	vadd.scan.msk.s32 $0xffff, v9;
	_ =	sdelay $0x4  }
0x4e4: {  	v9, _, _ =	vpop (xrf0)  }
0x4e5: {  	v8, _, _ =	vpop (xrf0)  }
0x4e6: {  	v10 =	vbroadcast v9, $0xF;
	v8 =	vperm.xlane v8, v4;
	_ =	sdelay $0x1  }
0x4e7: {  	v10 =	vadd.s32 v8, v10  }
0x4e8: {  	vm15 =	vge.s32 v10, s17  }
0x4e9: {  	p1 =	por $0x1, $0x1;
	s21 =	simm.s32 $0x0;
	v10 =	vmpcnt.ones.xlane vm15  }
.LBB2_69:
0x4ea: {  	s21 =	sshra.s32 s21, $0x2  }
0x4eb: {  	[tilespmem:s21+$0x10000] =	vst v1  }
0x4ec: {  	[tilespmem:s21+$0x10010] =	vst v1  }
0x4ed: {  	p2 =	por p1, p1;
	[tilespmem:s21+$0x10020] =	vst v1  }
.Ltmp36:
0x4ee: {  	[tilespmem:s21+$0x10030] =	vst v1;
	(pc) =	sbr.rel @p2 .LBB2_69-.Ltmp36, $4  }
0x4ef: {  	[tilespmem:s21+$0x10040] =	vst v1  }
0x4f0: {  	[tilespmem:s21+$0x10050] =	vst v1  }
0x4f1: {  	[tilespmem:s21+$0x10060] =	vst v1  }
0x4f2: {  	p1 =	por $0x0, $0x0;
	[tilespmem:s21+$0x10070] =	vst v1;
	s21 =	simm.s32 $0x200  }
0x4f3: {  	v10 =	vxor.u32 $0x80000000, v10  }
0x4f4: {  	(xrf0) =	vmax.scan.msk.u32 $0xffff, v10;
	_ =	sdelay $0x5  }
0x4f5: {  	(v2sf) =	vpush v9, $0xF;
	v62, _, _ =	vpop (xrf0)  }
0x4f6: {  	(v2sf) =	vpush v62, $0xF;
	_ =	sdelay $0xd  }
0x4f7: {  	s21 =	spop (v2sf)  }
0x4f8: {  	s22 =	spop (v2sf)  }
0x4f9: {  	s23 =	sxor.u32 $0x80000000, s22  }
0x4fa: {  	v63 =	vmov s23  }
0x4fb: {  	vm0 =	veq.s32 v63, v0  }
0x4fc: {  	v8 =	vnsel vm0, $0x0, v8  }
0x4fd: {  	(xrf0) =	vadd.scan.msk.s32 $0xffff, v8;
	_ =	sdelay $0x5  }
0x4fe: {  	v8, _, _ =	vpop (xrf0)  }
0x4ff: {  	(v2sf) =	vpush v8, $0xF;
	_ =	sdelay $0xa  }
.Ltmp37:
0x500: {  	_ = 	snop;
	(pc) =	sbr.rel @p0 .LBB2_77-.Ltmp37, $4  }
0x501: {  	s19 =	sshll.u32 s19, $0x4  }
0x502: {  	s19 =	sadd.s32 s22, s19  }
0x503: {  	s31 =	sshll.u32 s20, $0x8;
	s19 =	sadd.s32 $0x7FFFFFFF, s19  }
0x504: {  	s19 =	sor.u32 s31, s19;
	s20 =	spop (v2sf)  }
0x505: {  	p1 =	seq.s32 s18, $0x1  }
.Ltmp38:
0x506: {  	_ = 	snop;
	(pc) =	sbr.rel @p1 .LBB2_72-.Ltmp38, $3  }
0x507: {  	_ =	sdelay $0x1  }
0x508: {  	s23 =	simm.s32 $0x11080  }
0x509: {  	v8 =	vmov s19;
	s22 =	simm.s32 $0x0;
	s18 =	sadd.s32 $0xFFFFFFFF, s18;
	p0 =	por $0x0, $0x0;
	v9 =	vld [tilespmem:s23+$0x0]  }
0x50a: {  	_ =	sdelay $0x2  }
0x50b: {  	v10 =	vor.u32 s22, v0  }
0x50c: {  	vm0 =	vlt.s32 v10, v7;
	v10 =	vshra.s32 v9, $0x8  }
0x50d: {  	vm1 =	veq.s32 v10, v8;
	v10 =	vshll.u32 v9, $0x4;
	v9 =	vshrl.u32 v9, $0x4  }
0x50e: {  	vm0 =	vmand vm0, vm1;
	v9 =	vand.u32 $0xF, v9;
	v10 =	vand.u32 $0xF0, v10  }
0x50f: {  	v9 =	vor.u32 v9, v10  }
0x510: {  	p1 =	seq.s32 s18, $0x1  }
.Ltmp39:
0x511: {  	_ = 	snop;
	(pc) =	sbr.rel @p1 .LBB2_74-.Ltmp39, $3  }
0x512: {  	_ =	sdelay $0x1  }
0x513: {  	s23 =	simm.s32 $0x11090;
	[tilespmem:v9+s12+$0x0] =	vst.idx.add.s32.msk vm0, v3  }
0x514: {  	s24 =	sadd.s32 $0xFFFFFFFF, s18;
	p0 =	por $0x1, $0x1;
	s18 =	simm.s32 $0x0;
	v9 =	vld [tilespmem:s23+$0x0]  }
.LBB2_75:
0x515: {  	p1 =	seq.s32 s24, $0x1;
	_ =	sdelay $0x1  }
0x516: {  	s18 =	sadd.s32 $0x10, s18  }
0x517: {  	v10 =	vor.u32 s18, v0  }
0x518: {  	vm0 =	vlt.s32 v10, v7;
	v10 =	vshra.s32 v9, $0x8  }
0x519: {  	vm1 =	veq.s32 v10, v8;
	v10 =	vshll.u32 v9, $0x4;
	v9 =	vshrl.u32 v9, $0x4  }
0x51a: {  	vm0 =	vmand vm0, vm1;
	v9 =	vand.u32 $0xF, v9;
	v10 =	vand.u32 $0xF0, v10  }
0x51b: {  	v9 =	vor.u32 v9, v10;
	_ =	sdelay $0x1  }
.Ltmp40:
0x51c: {  	(pc) =	sbr.rel @!p1 .LBB2_75-.Ltmp40, $3  }
0x51d: {  	_ =	sdelay $0x1  }
0x51e: {  	s23 =	sadd.s32 $0x10, s23;
	[tilespmem:v9+s12+$0x0] =	vst.idx.add.s32.msk vm0, v3  }
0x51f: {  	s24 =	sadd.s32 $0xFFFFFFFF, s24;
	v9 =	vld [tilespmem:s23+$0x0]  }
.LBB2_76:
0x520: {  	_ = 	snop  }
0x521: {  	s18 =	sadd.s32 @p0 $0x10, s18  }
0x522: {  	s22 =	smov.u32 @p0 s18  }
0x523: {  	v10 =	vor.u32 s22, v0  }
0x524: {  	vm0 =	vlt.s32 v10, v7;
	v7 =	vshra.s32 v9, $0x8  }
0x525: {  	vm1 =	veq.s32 v7, v8;
	v7 =	vshll.u32 v9, $0x4;
	v8 =	vshrl.u32 v9, $0x4  }
0x526: {  	vm0 =	vmand vm0, vm1;
	v8 =	vand.u32 $0xF, v8;
	v7 =	vand.u32 $0xF0, v7  }
0x527: {  	v7 =	vor.u32 v8, v7;
	_ =	sdelay $0x4  }
0x528: {  	[tilespmem:v7+s12+$0x0] =	vst.idx.add.s32.msk vm0, v3  }
.LBB2_77:
0x529: {  	v7 =	vld [tilespmem:$0x10000]  }
0x52a: {  	v8 =	vld [tilespmem:$0x10010]  }
0x52b: {  	v9 =	vld [tilespmem:$0x10020]  }
0x52c: {  	v10 =	vld [tilespmem:$0x10030]  }
0x52d: {  	v11 =	vld [tilespmem:$0x10040]  }
0x52e: {  	v12 =	vld [tilespmem:$0x10050]  }
0x52f: {  	v7 =	vadd.s32 v8, v7;
	v8 =	vld [tilespmem:$0x10060]  }
0x530: {  	v7 =	vadd.s32 v9, v7;
	v9 =	vld [tilespmem:$0x10070]  }
0x531: {  	v7 =	vadd.s32 v10, v7;
	v10 =	vld [tilespmem:$0x10080]  }
0x532: {  	v7 =	vadd.s32 v7, v11;
	v11 =	vld [tilespmem:$0x10090]  }
0x533: {  	v7 =	vadd.s32 v12, v7;
	v12 =	vld [tilespmem:$0x100A0]  }
0x534: {  	v7 =	vadd.s32 v8, v7;
	v8 =	vld [tilespmem:$0x100B0]  }
0x535: {  	v7 =	vadd.s32 v9, v7;
	v9 =	vld [tilespmem:$0x100C0]  }
0x536: {  	v7 =	vadd.s32 v7, v10;
	v10 =	vld [tilespmem:$0x100D0]  }
0x537: {  	v7 =	vadd.s32 v11, v7;
	v11 =	vld [tilespmem:$0x100E0]  }
0x538: {  	v7 =	vadd.s32 v12, v7;
	v12 =	vld [tilespmem:$0x100F0]  }
0x539: {  	v7 =	vadd.s32 v8, v7  }
0x53a: {  	v7 =	vadd.s32 v7, v9  }
0x53b: {  	v7 =	vadd.s32 v10, v7  }
0x53c: {  	v7 =	vadd.s32 v11, v7  }
0x53d: {  	v7 =	vadd.s32 v12, v7  }
0x53e: {  	v7 =	vperm.xlane v7, v4;
	_ =	sdelay $0x1  }
0x53f: {  	(xrf0) =	vadd.scan.msk.s32 $0xffff, v7;
	_ =	sdelay $0x5  }
0x540: {  	v7, _, _ =	vpop (xrf0)  }
0x541: {  	s18 =	sadd.s32 s20, s21;
	v7 =	vperm.xlane v7, v4  }
0x542: {  	s17 =	ssub.s32 s17, s18  }
0x543: {  	vm0 =	vge.s32 v7, s17  }
0x544: {  	v8 =	vmpcnt.ones.xlane vm0;
	_ =	sdelay $0x1  }
0x545: {  	v8 =	vxor.u32 $0x80000000, v8  }
0x546: {  	(xrf0) =	vmax.scan.msk.u32 $0xffff, v8;
	_ =	sdelay $0x5  }
0x547: {  	v8, _, _ =	vpop (xrf0)  }
0x548: {  	(v2sf) =	vpush v8, $0xF;
	_ =	sdelay $0xe  }
0x549: {  	s25 =	spop (v2sf)  }
0x54a: {  	s26 =	sadd.s32 $0x7FFFFFFF, s25  }
0x54b: {  	v6 =	vadd.s32 s26, v6;
	_ =	sdelay $0x4  }
0x54c: {  	v6 =	vld.idx.msk [tilespmem:v6+s12+$0x0], $0xffff;
	_ =	sdelay $0x1  }
0x54d: {  	s18 =	sxor.u32 $0x80000000, s25  }
0x54e: {  	v8 =	vmov s18  }
0x54f: {  	vm8 =	veq.s32 v8, v0  }
0x550: {  	v7 =	vnsel vm8, $0x0, v7;
	v6 =	vperm.xlane v6, v4  }
0x551: {  	(xrf0) =	vadd.scan.msk.s32 $0xffff, v7  }
0x552: {  	(xrf0) =	vadd.scan.msk.s32 $0xffff, v6;
	_ =	sdelay $0x4  }
0x553: {  	v6, _, _ =	vpop (xrf0)  }
0x554: {  	v7, _, _ =	vpop (xrf0)  }
0x555: {  	v6 =	vbroadcast v6, $0xF;
	v7 =	vperm.xlane v7, v4;
	_ =	sdelay $0x1  }
0x556: {  	v6 =	vadd.s32 v7, v6  }
0x557: {  	vm9 =	vge.s32 v6, s17  }
0x558: {  	v6 =	vmpcnt.ones.xlane vm9;
	_ =	sdelay $0x1  }
0x559: {  	v6 =	vxor.u32 $0x80000000, v6  }
0x55a: {  	(xrf0) =	vmax.scan.msk.u32 $0xffff, v6;
	_ =	sdelay $0x5  }
0x55b: {  	v6, _, _ =	vpop (xrf0)  }
0x55c: {  	(v2sf) =	vpush v6, $0xF;
	_ =	sdelay $0xe  }
0x55d: {  	s28 =	spop (v2sf)  }
0x55e: {  	_ =	swait.ge [sflag:s15], $0x8000  }
0x55f: {  	[sflag:s15] =	ssyncset.done $0x0  }
0x560: {  	s31 =	simm.s32 $0x150C0;
	[sflag:s15] =	ssyncadd.s32 $0xFFFF8000  }
0x561: {  	v7 =	vld [tilespmem:s31+$0x30]  }
0x562: {  	v8 =	vld [tilespmem:s31+$0xFFFFFFD0]  }
0x563: {  	v9 =	vld [tilespmem:s31+$0xFFFFFFE0]  }
0x564: {  	s29 =	sshll.u32 s26, $0x4;
	v10 =	vld [tilespmem:s31+$0xFFFFFFF0]  }
0x565: {  	s17 =	sadd.s32 s28, s29;
	v11 =	vld [tilespmem:s31+$0x0]  }
0x566: {  	s30 =	sshll.u32 s19, $0x8;
	s17 =	sadd.s32 $0x7FFFFFFF, s17;
	v12 =	vld [tilespmem:s31+$0x10]  }
0x567: {  	s17 =	sor.u32 s30, s17;
	v15 =	vld [tilespmem:s31+$0x20]  }
0x568: {  	v6 =	vmov s17;
	v13 =	vxor.u32 $0x7FFFFFFF, v7;
	vm10 =	vlt.s32 v7, $0x0  }
0x569: {  	v14 =	vxor.u32 $0x7FFFFFFF, v8;
	vm1 =	vlt.s32 v8, $0x0;
	v16 =	vxor.u32 $0x7FFFFFFF, v9  }
0x56a: {  	vm11 =	vlt.s32 v9, $0x0;
	v17 =	vxor.u32 $0x7FFFFFFF, v10;
	v7 =	vsel vm10, v13, v7;
	v13 =	vld [tilespmem:s31+$0xFFFFFFC0]  }
0x56b: {  	vm3 =	vlt.s32 v10, $0x0;
	vm12 =	vlt.s32 v11, $0x0;
	v63 =	vxor.u32 $0x7FFFFFFF, v12  }
0x56c: {  	vm13 =	vlt.s32 v12, $0x0;
	vm14 =	vlt.s32 v15, $0x0;
	vm2 =	vlt.s32 v7, v6  }
0x56d: {  	v7 =	vsel vm1, v14, v8;
	v14 =	vxor.u32 $0x7FFFFFFF, v11;
	v8 =	vsel vm11, v16, v9  }
0x56e: {  	v9 =	vsel vm3, v17, v10;
	v10 =	vxor.u32 $0x7FFFFFFF, v15;
	v18 =	vsel vm2, $0x0, v5  }
0x56f: {  	s17 =	simm.s32 $0x8040;
	v11 =	vsel vm12, v14, v11;
	v14 =	vxor.u32 $0x7FFFFFFF, v13;
	vm15 =	vlt.s32 v13, $0x0  }
0x570: {  	s19 =	simm.s32 $0x0;
	s20 =	simm.s32 $0x15140;
	s18 =	simm.s32 $0x8040;
	v12 =	vsel vm13, v63, v12;
	v10 =	vsel vm14, v10, v15;
	[tilespmem:s17+$0x30] =	vst v18;
	v13 =	vsel vm15, v14, v13  }
.LBB2_78:
0x571: {  	v14 =	vld [tilespmem:s20+$0x30];
	s19 =	sadd.s32 $0x8, s19;
	vm0 =	vlt.s32 v13, v6;
	vm1 =	vlt.s32 v7, v6;
	vm2 =	vlt.s32 v8, v6  }
0x572: {  	vm3 =	vlt.s32 v9, v6;
	vm4 =	vlt.s32 v11, v6;
	vm5 =	vlt.s32 v12, v6;
	v7 =	vld [tilespmem:s20+$0xFFFFFFD0];
	p0 =	slt.u32 s19, $0x7F8  }
0x573: {  	v9 =	vsel vm0, $0x0, v5;
	v11 =	vsel vm1, $0x0, v5;
	vm0 =	vlt.s32 v10, v6;
	v8 =	vld [tilespmem:s20+$0xFFFFFFE0]  }
0x574: {  	v12 =	vsel vm3, $0x0, v5;
	v13 =	vsel vm4, $0x0, v5;
	v10 =	vld [tilespmem:s20+$0xFFFFFFF0];
	[tilespmem:s17+$0xFFFFFFC0] =	vst v9;
	v9 =	vsel vm2, $0x0, v5  }
0x575: {  	v16 =	vsel vm0, $0x0, v5;
	v15 =	vld [tilespmem:s20+$0x0];
	[tilespmem:s17+$0xFFFFFFD0] =	vst v11;
	v11 =	vsel vm5, $0x0, v5  }
0x576: {  	v17 =	vld [tilespmem:s20+$0x10];
	v18 =	vxor.u32 $0x7FFFFFFF, v14;
	vm0 =	vlt.s32 v14, $0x0;
	[tilespmem:s17+$0xFFFFFFE0] =	vst v9  }
0x577: {  	v9 =	vxor.u32 $0x7FFFFFFF, v7;
	vm1 =	vlt.s32 v7, $0x0;
	v19 =	vld [tilespmem:s20+$0x20];
	v14 =	vsel vm0, v18, v14;
	[tilespmem:s17+$0xFFFFFFF0] =	vst v12  }
0x578: {  	v12 =	vld [tilespmem:s20+$0xFFFFFFC0];
	v18 =	vxor.u32 $0x7FFFFFFF, v8;
	vm0 =	vlt.s32 v8, $0x0;
	vm2 =	vlt.s32 v14, v6;
	[tilespmem:s17+$0x0] =	vst v13  }
0x579: {  	s17 =	sadd.s32 $0x80, s17;
	v13 =	vxor.u32 $0x7FFFFFFF, v10;
	vm3 =	vlt.s32 v10, $0x0;
	v14 =	vsel vm2, $0x0, v5;
	[tilespmem:s18+$0x10] =	vst v11  }
.Ltmp41:
0x57a: {  	v7 =	vsel vm1, v9, v7;
	v11 =	vxor.u32 $0x7FFFFFFF, v15;
	vm1 =	vlt.s32 v15, $0x0;
	[tilespmem:s17+$0x30] =	vst v14;
	(pc) =	sbr.rel @p0 .LBB2_78-.Ltmp41, $4  }
0x57b: {  	v8 =	vsel vm0, v18, v8;
	v14 =	vxor.u32 $0x7FFFFFFF, v17;
	vm0 =	vlt.s32 v17, $0x0;
	[tilespmem:s18+$0x20] =	vst v16;
	s18 =	smov.u32 s17  }
0x57c: {  	v9 =	vsel vm3, v13, v10;
	v10 =	vxor.u32 $0x7FFFFFFF, v19;
	vm2 =	vlt.s32 v19, $0x0  }
0x57d: {  	v11 =	vsel vm1, v11, v15;
	v13 =	vxor.u32 $0x7FFFFFFF, v12;
	vm3 =	vlt.s32 v12, $0x0  }
0x57e: {  	s20 =	sadd.s32 $0x80, s20;
	v10 =	vsel vm2, v10, v19;
	v13 =	vsel vm3, v13, v12;
	v12 =	vsel vm0, v14, v17  }
0x57f: {  	vm0 =	vlt.s32 v13, v6  }
0x580: {  	vm1 =	vlt.s32 v7, v6;
	v7 =	vsel vm0, $0x0, v5  }
0x581: {  	vm12 =	vlt.s32 v9, v6;
	v62 =	vsel vm1, $0x0, v5;
	[tilespmem:s17+$0xFFFFFFC0] =	vst v7  }
0x582: {  	vm11 =	vlt.s32 v8, v6;
	vm14 =	vlt.s32 v12, v6;
	v63 =	vsel vm12, $0x0, v5;
	[tilespmem:s17+$0xFFFFFFD0] =	vst v62  }
0x583: {  	vm13 =	vlt.s32 v11, v6;
	vm15 =	vlt.s32 v10, v6;
	v6 =	vsel vm14, $0x0, v5;
	[tilespmem:s17+$0xFFFFFFF0] =	vst v63  }
0x584: {  	v7 =	vsel vm11, $0x0, v5;
	[tilespmem:s18+$0x10] =	vst v6  }
0x585: {  	[tilespmem:s17+$0xFFFFFFE0] =	vst v7;
	v7 =	vsel vm13, $0x0, v5  }
0x586: {  	s16 =	sadd.s32 $0x1, s16;
	[tilespmem:s17+$0x0] =	vst v7;
	v7 =	vsel vm15, $0x0, v5  }
0x587: {  	p0 =	sne.s32 s16, s7;
	[tilespmem:s18+$0x20] =	vst v7  }
0x588: {  	[hbm4b:s6+s8] =	stream.strided.scatter [tilespmem:s14], [sflag:$0x2], $0x8000, s9, s8, $0x38;
	[tilespmem:$0x1D080] =	vst v63  }
.Ltmp42:
0x589: {  	_ = 	snop;
	(pc) =	sbr.rel @p0 .LBB2_1-.Ltmp42, $4  }
.Ltmp43:
0x58a: {  	_ = 	snop;
	(pc) =	sbr.rel @!p0 .LBB2_80-.Ltmp43, $4  }
0x58b: {  	_ =	swait.ge [sflag:s15], $0x8000  }
0x58c: {  	[sflag:s15] =	ssyncset.done $0x0  }
0x58d: {  	[sflag:s15] =	ssyncadd.s32 $0xFFFF8000  }
0x58e: {  	_ = 	snop  }
.LBB2_15:
.Ltmp44:
0x58f: {  	(pc) =	sbr.rel .LBB2_19-.Ltmp44, $2  }
0x590: {  	_ =	sdelay $0x2  }
0x591: {  	s22 =	simm.s32 $0x0  }
.LBB2_24:
.Ltmp45:
0x592: {  	(pc) =	sbr.rel .LBB2_28-.Ltmp45, $2  }
0x593: {  	_ =	sdelay $0x2  }
0x594: {  	s23 =	simm.s32 $0x0  }
.LBB2_33:
.Ltmp46:
0x595: {  	(pc) =	sbr.rel .LBB2_37-.Ltmp46, $2  }
0x596: {  	_ =	sdelay $0x2  }
0x597: {  	s18 =	simm.s32 $0x0  }
.LBB2_54:
.Ltmp47:
0x598: {  	(pc) =	sbr.rel .LBB2_58-.Ltmp47, $2  }
0x599: {  	_ =	sdelay $0x2  }
0x59a: {  	s22 =	simm.s32 $0x0  }
.LBB2_63:
.Ltmp48:
0x59b: {  	(pc) =	sbr.rel .LBB2_67-.Ltmp48, $2  }
0x59c: {  	_ =	sdelay $0x2  }
0x59d: {  	s23 =	simm.s32 $0x0  }
.LBB2_72:
.Ltmp49:
0x59e: {  	(pc) =	sbr.rel .LBB2_76-.Ltmp49, $2  }
0x59f: {  	_ =	sdelay $0x2  }
0x5a0: {  	s18 =	simm.s32 $0x0  }
.LBB2_17:
.Ltmp50:
0x5a1: {  	(pc) =	sbr.rel .LBB2_19-.Ltmp50, $2  }
0x5a2: {  	_ =	sdelay $0x2  }
0x5a3: {  	s22 =	simm.s32 $0x0  }
.LBB2_26:
.Ltmp51:
0x5a4: {  	(pc) =	sbr.rel .LBB2_28-.Ltmp51, $2  }
0x5a5: {  	_ =	sdelay $0x2  }
0x5a6: {  	s23 =	simm.s32 $0x0  }
.LBB2_35:
.Ltmp52:
0x5a7: {  	(pc) =	sbr.rel .LBB2_37-.Ltmp52, $2  }
0x5a8: {  	_ =	sdelay $0x2  }
0x5a9: {  	s18 =	simm.s32 $0x0  }
.LBB2_56:
.Ltmp53:
0x5aa: {  	(pc) =	sbr.rel .LBB2_58-.Ltmp53, $2  }
0x5ab: {  	_ =	sdelay $0x2  }
0x5ac: {  	s22 =	simm.s32 $0x0  }
.LBB2_65:
.Ltmp54:
0x5ad: {  	(pc) =	sbr.rel .LBB2_67-.Ltmp54, $2  }
0x5ae: {  	_ =	sdelay $0x2  }
0x5af: {  	s23 =	simm.s32 $0x0  }
.LBB2_74:
.Ltmp55:
0x5b0: {  	(pc) =	sbr.rel .LBB2_76-.Ltmp55, $2  }
0x5b1: {  	_ =	sdelay $0x2  }
0x5b2: {  	s18 =	simm.s32 $0x0  }
.LBB2_80:
0x5b3: {  	_ =	sfence.sel $0x180000  }
0x5b4: {  	[bflag:$0x0] =	sbarrier.arrive $0xFFFF  }
0x5b5: {  	p0 =	sne.s32 s1, $0x0;
	_ =	strace $0x90000047  }
0x5b6: {  	s0 =	sadd.s32 @!p0 $0x100000, s0;
	[bflag:$0x2] =	sbarrier.arrive $0xFFFF  }
0x5b7: {  	[sflag:s0] =	ssyncadd.tile.s32 @!p0 $0x1;
	_ =	shalt  }
.Lfunc_end2:
_tile_overlayer_lowered:
.L_overlay_start_2:
0x5b8: {  	(tag) =	ssettag $0x2  }
0x5b9: {  	s0 =	rddreg [dreg:$0x0];
	s2 =	stileid.u32  }
0x5ba: {  	s1 =	rddreg [dreg:$0x1];
	p0 =	sne.s32 s2, $0x0  }
0x5bb: {  	s3 =	rddreg [dreg:$0x2];
	[bflag:$0x3] =	sbarrier.arrive $0xFFFF;
	s2 =	simm.s32 @!p0 $0x1C03  }
0x5bc: {  	[timem:s3], [sflag:s2] =	dma.local @!p0 [hbm:s0], s1  }
0x5bd: {  	s0 =	simm.s32 @!p0 $0x3  }
0x5be: {  	_ =	swait.ge @!p0 [sflag:s0], s1  }
0x5bf: {  	s1 =	ssub.s32 @!p0 $0x0, s1;
	[sflag:s0] =	ssyncset.done @!p0 $0x0  }
0x5c0: {  	[sflag:s0] =	ssyncadd.s32 @!p0 s1  }
0x5c1: {  	[bflag:$0x3] =	sbarrier.arrive $0xFFFF  }
0x5c2: {  	_ =	shalt  }

</sc_bundles>
